<compile_context>
chip_gen: v7x
topology: tpu7x:2x2x1
jax: 0.10.2.dev20260603
libtpu: 0.0.44.dev20260713+nightly
codegen_flags: <defaults>
</compile_context>

<pallas_src>
import functools

import jax
import jax.numpy as jnp
from jax import lax
from jax.experimental import pallas as pl
from jax.experimental.pallas import tpu as pltpu
from jax.experimental.pallas import tpu_sc as plsc

_NUM_CORES = 2
_NUM_SUBCORES = 16
_NW = _NUM_CORES * _NUM_SUBCORES
_L = 16

_PARAMS = pltpu.CompilerParams(
    use_tc_tiling_on_sc=True,
    skip_device_barrier=True,
    needs_layout_passes=False,
)


def _iota():
    return lax.iota(jnp.int32, _L)


def _diag(q):
    return lax.bitwise_and(_iota() + q, _L - 1)


def _relayout_kernel(V, D):
    n_blocks = V // 128
    n_pairs = V // 2
    tail_pairs = (V - n_blocks * 128) // 2
    iters = -(-n_blocks // _NW)
    mesh = plsc.VectorSubcoreMesh(core_axis_name="c", subcore_axis_name="s")

    @functools.partial(
        pl.kernel,
        mesh=mesh,
        compiler_params=_PARAMS,
        out_type=jax.ShapeDtypeStruct((n_pairs, 2 * D), jnp.float32),
        scratch_types=[
            pltpu.VMEM((2 * D, 128), jnp.float32),
            pltpu.VMEM((D, 2 * D), jnp.float32),
            pltpu.VMEM((tail_pairs, 2 * D), jnp.float32),
            pltpu.SemaphoreType.DMA,
            pltpu.SemaphoreType.DMA,
        ],
    )
    def k(tabT_hbm, tail_hbm, pairs_hbm, blk_v, p_v, tail_v, sem_rd, sem_wr):
        wid = lax.axis_index("s") * _NUM_CORES + lax.axis_index("c")

        @pl.when(wid == _NW - 1)
        def _():
            pltpu.sync_copy(tail_hbm, tail_v)
            pltpu.sync_copy(tail_v, pairs_hbm.at[pl.ds(n_blocks * D, tail_pairs)])

        def start_read(bank, g):
            pltpu.async_copy(
                tabT_hbm.at[:, pl.ds(g * 128, 128)],
                blk_v.at[pl.ds(bank * D, D)],
                sem_rd,
            )

        def wait_read():
            pltpu.make_async_copy(
                tabT_hbm.at[:, pl.ds(0, 128)], blk_v.at[pl.ds(0, D)], sem_rd
            ).wait()

        def wait_write():
            pltpu.make_async_copy(
                p_v, pairs_hbm.at[pl.ds(0, D)], sem_wr
            ).wait()

        start_read(0, wid)

        @pl.loop(0, iters)
        def _(i):
            g = i * _NW + wid
            bank_off = (i % 2) * D
            nxt = g + _NW

            @pl.when(g < n_blocks)
            def _():
                wait_read()

                @pl.when(nxt < n_blocks)
                def _():
                    start_read((i + 1) % 2, nxt)

                @pl.when(i > 0)
                def _():
                    wait_write()

                @pl.loop(0, 128 // _L)
                def _(cg):
                    cg16 = cg * _L
                    cg8 = cg * 8
                    for dg in range(D // _L):
                        dgoff = dg * _L + bank_off
                        dvec = _iota() + dgoff
                        for qb in range(2):
                            rng = range(qb * 8, qb * 8 + 8)
                            vals = [
                                plsc.load_gather(blk_v, [dvec, _diag(q) + cg16])
                                for q in rng
                            ]
                            for qi, q in enumerate(rng):
                                rowv = lax.shift_right_logical(_diag(q), 1) + cg8
                                colv = (
                                    lax.bitwise_and(_diag(q), 1) * D + _iota()
                                ) + dg * _L
                                plsc.store_scatter(p_v, [rowv, colv], vals[qi])
                pltpu.async_copy(p_v, pairs_hbm.at[pl.ds(g * D, D)], sem_wr)

        wait_write()

    return k


def _gather_kernel(B, V, D):
    b_per_w = B // _NW
    chunk = 64
    n_chunks = b_per_w // chunk
    mesh = plsc.VectorSubcoreMesh(core_axis_name="c", subcore_axis_name="s")

    @functools.partial(
        pl.kernel,
        mesh=mesh,
        compiler_params=_PARAMS,
        out_type=jax.ShapeDtypeStruct((D, B), jnp.float32),
        scratch_types=[
            pltpu.VMEM((b_per_w,), jnp.int32),
            pltpu.VMEM((b_per_w,), jnp.int32),
            pltpu.VMEM((2 * chunk, 2 * D), jnp.float32),
            pltpu.VMEM((D, b_per_w), jnp.float32),
            pltpu.SemaphoreType.DMA,
        ],
    )
    def k(idx_hbm, pairs_hbm, out_hbm, idx_v, pidx_v, buf_v, outT_v, sem):
        wid = lax.axis_index("s") * _NUM_CORES + lax.axis_index("c")
        base = wid * b_per_w
        pltpu.sync_copy(idx_hbm.at[pl.ds(base, b_per_w)], idx_v)
        for q in range(b_per_w // _L):
            s = pl.ds(q * _L, _L)
            pidx_v[s] = lax.shift_right_logical(idx_v[s], 1)

        def fire(c):
            pltpu.async_copy(
                pairs_hbm.at[pidx_v.at[pl.ds(c * chunk, chunk)]],
                buf_v.at[pl.ds((c % 2) * chunk, chunk)],
                sem,
            )

        def wait_gather():
            pltpu.make_async_copy(
                pairs_hbm.at[pidx_v.at[pl.ds(0, chunk)]],
                buf_v.at[pl.ds(0, chunk)],
                sem,
            ).wait()

        fire(0)

        @pl.loop(0, n_chunks)
        def _(c):
            wait_gather()

            @pl.when(c + 1 < n_chunks)
            def _():
                fire(c + 1)

            @pl.loop(0, chunk // _L)
            def _(ig):
                halfoff = lax.bitwise_and(
                    idx_v[pl.ds(c * chunk + ig * _L, _L)], 1) * D
                lidx = _iota() + ((c % 2) * chunk + ig * _L)
                idpos = _iota() + (c * chunk + ig * _L)
                for cg in range(D // _L):
                    for qb in range(2):
                        vals = []
                        for q in range(qb * 8, qb * 8 + 8):
                            cvec = _diag(q) + cg * _L
                            vals.append(
                                plsc.load_gather(buf_v, [lidx, halfoff + cvec])
                            )
                        for qi, q in enumerate(range(qb * 8, qb * 8 + 8)):
                            cvec = _diag(q) + cg * _L
                            plsc.store_scatter(outT_v, [cvec, idpos], vals[qi])
        pltpu.sync_copy(outT_v, out_hbm.at[:, pl.ds(base, b_per_w)])

    return k


def kernel(dataset_ids, prompt_embedding):
    B = dataset_ids.shape[0]
    V, D = prompt_embedding.shape
    n_blocks = V // 128
    tabT = prompt_embedding.T
    tail = prompt_embedding[n_blocks * 128:].reshape(-1, 2 * D)
    pairs = _relayout_kernel(V, D)(tabT, tail)
    outT = _gather_kernel(B, V, D)(dataset_ids.astype(jnp.int32), pairs)
    return outT.T

# --- scband reference (transcript-rebuilt; emitter-appended) ---
"""Pipeline reference for scband-simple-system-prompt-encoder-49340584296734 (READ-ONLY COPY).

The authoritative reference and input builder live on the scoring server;
editing this copy changes nothing except your own understanding.
"""

import jax, jax.numpy as jnp
import numpy as np

PROMPT_DIM = 64
MAX_DATASET_IDS = 100000
BATCH = 16384

def setup_inputs(seed: int = 0) -> dict:
    key = jax.random.key(seed)
    k_idx, k_tab = jax.random.split(key)
    dataset_ids = jax.random.randint(k_idx, (BATCH,), 0, MAX_DATASET_IDS, dtype=jnp.int64 if jax.config.jax_enable_x64 else jnp.int32)
    # nn.init.normal_(weight, mean=0.0, std=0.1)
    prompt_embedding = jax.random.normal(k_tab, (MAX_DATASET_IDS, PROMPT_DIM), dtype=jnp.float32) * 0.1
    return {"dataset_ids": dataset_ids, "prompt_embedding": prompt_embedding}

def reference(dataset_ids, prompt_embedding):
    # Embedding lookup: (B,) -> (B, prompt_dim)
    prompt_vectors = jnp.take(prompt_embedding, dataset_ids, axis=0)
    return prompt_vectors

if __name__ == "__main__":
    import jax
    _d = setup_inputs()
    print(jax.jit(kernel)(*tuple(_d.values())))

</pallas_src>

<mosaic_0001>
#map = affine_map<(d0, d1) -> (0)>
#map1 = affine_map<(d0, d1) -> (0, 0)>
module attributes {stable_mosaic.version = 14 : i64} {
  func.func @k(%arg0: i32, %arg1: i32, %arg2: memref<16384xi32, #tpu.memory_space<hbm>>, %arg3: memref<50000x128xf32, #tpu.memory_space<hbm>>, %arg4: memref<64x16384xf32, #tpu.memory_space<hbm>>, %arg5: memref<512xi32, #tpu.memory_space<vmem>>, %arg6: memref<512xi32, #tpu.memory_space<vmem>>, %arg7: memref<128x128xf32, #tpu.memory_space<vmem>>, %arg8: memref<64x512xf32, #tpu.memory_space<vmem>>, %arg9: memref<!tpu.dma_semaphore, #tpu.memory_space<semaphore_mem>>) attributes {dimension_semantics = [#tpu.dimension_semantics<core_parallel>, #tpu.dimension_semantics<subcore_parallel>], iteration_bounds = array<i64: 2, 16>, scalar_prefetch = 0 : i64, scratch_operands = 5 : i64, tpu.core_type = #tpu.core_type<sc_vector_subcore>, window_params = [{transform_indices = #map}, {transform_indices = #map1}, {transform_indices = #map1}]} {
    %mul3A = arith.constant 2 : i32
    %mul3A_0 = arith.muli %arg1, %mul3A : i32
    %add3A = arith.addi %mul3A_0, %arg0 : i32
    %mul3A_1 = arith.constant 512 : i32
    %mul3A_2 = arith.muli %add3A, %mul3A_1 : i32
    "tpu.region"() ({
      %run_scoped3A = tpu.sem_alloc : memref<!tpu.dma_semaphore, #tpu.memory_space<semaphore_mem>>
      %dma_start3A_235 = tpu.memref_slice %arg2[%mul3A_2] : memref<16384xi32, #tpu.memory_space<hbm>> -> memref<512xi32, #tpu.memory_space<hbm>>
      %dma_start3A_236 = tpu.memref_slice %arg2[%mul3A_2] : memref<16384xi32, #tpu.memory_space<hbm>> -> memref<512xi32, #tpu.memory_space<hbm>>
      tpu.enqueue_dma source(%dma_start3A_236 : memref<512xi32, #tpu.memory_space<hbm>>) target(%arg5 : memref<512xi32, #tpu.memory_space<vmem>>) target_semaphore(%run_scoped3A : memref<!tpu.dma_semaphore, #tpu.memory_space<semaphore_mem>>)
      %dma_wait3A = tpu.memref_slice %arg2[%mul3A_2] : memref<16384xi32, #tpu.memory_space<hbm>> -> memref<512xi32, #tpu.memory_space<hbm>>
      %dma_wait3A_237 = tpu.memref_slice %arg2[%mul3A_2] : memref<16384xi32, #tpu.memory_space<hbm>> -> memref<512xi32, #tpu.memory_space<hbm>>
      tpu.wait_dma2 semaphore(%run_scoped3A : memref<!tpu.dma_semaphore, #tpu.memory_space<semaphore_mem>>) src(%dma_wait3A_237 : memref<512xi32, #tpu.memory_space<hbm>>) dst(%arg5 : memref<512xi32, #tpu.memory_space<vmem>>)
      tpu.yield
    }) : () -> ()
    %get3A = arith.constant 0 : index
    %get3A_3 = tpu.vector_load %arg5[%get3A] {strides = array<i32>} : memref<512xi32, #tpu.memory_space<vmem>>, vector<16xi32>,
    %shift_right_logical3A = arith.constant 1 : i32
    %shift_right_logical3A_4 = vector.broadcast %shift_right_logical3A : i32 to vector<16xi32>
    %shift_right_logical3A_5 = arith.shrui %get3A_3, %shift_right_logical3A_4 : vector<16xi32>
    %swap3A = arith.constant 0 : index
    %swap3A_6 = tpu.vector_load %arg6[%swap3A] {strides = array<i32>} : memref<512xi32, #tpu.memory_space<vmem>>, vector<16xi32>,
    tpu.vector_store %arg6[%swap3A], %shift_right_logical3A_5 {strides = array<i32>} : memref<512xi32, #tpu.memory_space<vmem>>, vector<16xi32>,
    %get3A_7 = arith.constant 16 : index
    %get3A_8 = tpu.vector_load %arg5[%get3A_7] {strides = array<i32>} : memref<512xi32, #tpu.memory_space<vmem>>, vector<16xi32>,
    %shift_right_logical3A_9 = arith.constant 1 : i32
    %shift_right_logical3A_10 = vector.broadcast %shift_right_logical3A_9 : i32 to vector<16xi32>
    %shift_right_logical3A_11 = arith.shrui %get3A_8, %shift_right_logical3A_10 : vector<16xi32>
    %swap3A_12 = arith.constant 16 : index
    %swap3A_13 = tpu.vector_load %arg6[%swap3A_12] {strides = array<i32>} : memref<512xi32, #tpu.memory_space<vmem>>, vector<16xi32>,
    tpu.vector_store %arg6[%swap3A_12], %shift_right_logical3A_11 {strides = array<i32>} : memref<512xi32, #tpu.memory_space<vmem>>, vector<16xi32>,
    %get3A_14 = arith.constant 32 : index
    %get3A_15 = tpu.vector_load %arg5[%get3A_14] {strides = array<i32>} : memref<512xi32, #tpu.memory_space<vmem>>, vector<16xi32>,
    %shift_right_logical3A_16 = arith.constant 1 : i32
    %shift_right_logical3A_17 = vector.broadcast %shift_right_logical3A_16 : i32 to vector<16xi32>
    %shift_right_logical3A_18 = arith.shrui %get3A_15, %shift_right_logical3A_17 : vector<16xi32>
    %swap3A_19 = arith.constant 32 : index
    %swap3A_20 = tpu.vector_load %arg6[%swap3A_19] {strides = array<i32>} : memref<512xi32, #tpu.memory_space<vmem>>, vector<16xi32>,
    tpu.vector_store %arg6[%swap3A_19], %shift_right_logical3A_18 {strides = array<i32>} : memref<512xi32, #tpu.memory_space<vmem>>, vector<16xi32>,
    %get3A_21 = arith.constant 48 : index
    %get3A_22 = tpu.vector_load %arg5[%get3A_21] {strides = array<i32>} : memref<512xi32, #tpu.memory_space<vmem>>, vector<16xi32>,
    %shift_right_logical3A_23 = arith.constant 1 : i32
    %shift_right_logical3A_24 = vector.broadcast %shift_right_logical3A_23 : i32 to vector<16xi32>
    %shift_right_logical3A_25 = arith.shrui %get3A_22, %shift_right_logical3A_24 : vector<16xi32>
    %swap3A_26 = arith.constant 48 : index
    %swap3A_27 = tpu.vector_load %arg6[%swap3A_26] {strides = array<i32>} : memref<512xi32, #tpu.memory_space<vmem>>, vector<16xi32>,
    tpu.vector_store %arg6[%swap3A_26], %shift_right_logical3A_25 {strides = array<i32>} : memref<512xi32, #tpu.memory_space<vmem>>, vector<16xi32>,
    %get3A_28 = arith.constant 64 : index
    %get3A_29 = tpu.vector_load %arg5[%get3A_28] {strides = array<i32>} : memref<512xi32, #tpu.memory_space<vmem>>, vector<16xi32>,
    %shift_right_logical3A_30 = arith.constant 1 : i32
    %shift_right_logical3A_31 = vector.broadcast %shift_right_logical3A_30 : i32 to vector<16xi32>
    %shift_right_logical3A_32 = arith.shrui %get3A_29, %shift_right_logical3A_31 : vector<16xi32>
    %swap3A_33 = arith.constant 64 : index
    %swap3A_34 = tpu.vector_load %arg6[%swap3A_33] {strides = array<i32>} : memref<512xi32, #tpu.memory_space<vmem>>, vector<16xi32>,
    tpu.vector_store %arg6[%swap3A_33], %shift_right_logical3A_32 {strides = array<i32>} : memref<512xi32, #tpu.memory_space<vmem>>, vector<16xi32>,
    %get3A_35 = arith.constant 80 : index
    %get3A_36 = tpu.vector_load %arg5[%get3A_35] {strides = array<i32>} : memref<512xi32, #tpu.memory_space<vmem>>, vector<16xi32>,
    %shift_right_logical3A_37 = arith.constant 1 : i32
    %shift_right_logical3A_38 = vector.broadcast %shift_right_logical3A_37 : i32 to vector<16xi32>
    %shift_right_logical3A_39 = arith.shrui %get3A_36, %shift_right_logical3A_38 : vector<16xi32>
    %swap3A_40 = arith.constant 80 : index
    %swap3A_41 = tpu.vector_load %arg6[%swap3A_40] {strides = array<i32>} : memref<512xi32, #tpu.memory_space<vmem>>, vector<16xi32>,
    tpu.vector_store %arg6[%swap3A_40], %shift_right_logical3A_39 {strides = array<i32>} : memref<512xi32, #tpu.memory_space<vmem>>, vector<16xi32>,
    %get3A_42 = arith.constant 96 : index
    %get3A_43 = tpu.vector_load %arg5[%get3A_42] {strides = array<i32>} : memref<512xi32, #tpu.memory_space<vmem>>, vector<16xi32>,
    %shift_right_logical3A_44 = arith.constant 1 : i32
    %shift_right_logical3A_45 = vector.broadcast %shift_right_logical3A_44 : i32 to vector<16xi32>
    %shift_right_logical3A_46 = arith.shrui %get3A_43, %shift_right_logical3A_45 : vector<16xi32>
    %swap3A_47 = arith.constant 96 : index
    %swap3A_48 = tpu.vector_load %arg6[%swap3A_47] {strides = array<i32>} : memref<512xi32, #tpu.memory_space<vmem>>, vector<16xi32>,
    tpu.vector_store %arg6[%swap3A_47], %shift_right_logical3A_46 {strides = array<i32>} : memref<512xi32, #tpu.memory_space<vmem>>, vector<16xi32>,
    %get3A_49 = arith.constant 112 : index
    %get3A_50 = tpu.vector_load %arg5[%get3A_49] {strides = array<i32>} : memref<512xi32, #tpu.memory_space<vmem>>, vector<16xi32>,
    %shift_right_logical3A_51 = arith.constant 1 : i32
    %shift_right_logical3A_52 = vector.broadcast %shift_right_logical3A_51 : i32 to vector<16xi32>
    %shift_right_logical3A_53 = arith.shrui %get3A_50, %shift_right_logical3A_52 : vector<16xi32>
    %swap3A_54 = arith.constant 112 : index
    %swap3A_55 = tpu.vector_load %arg6[%swap3A_54] {strides = array<i32>} : memref<512xi32, #tpu.memory_space<vmem>>, vector<16xi32>,
    tpu.vector_store %arg6[%swap3A_54], %shift_right_logical3A_53 {strides = array<i32>} : memref<512xi32, #tpu.memory_space<vmem>>, vector<16xi32>,
    %get3A_56 = arith.constant 128 : index
    %get3A_57 = tpu.vector_load %arg5[%get3A_56] {strides = array<i32>} : memref<512xi32, #tpu.memory_space<vmem>>, vector<16xi32>,
    %shift_right_logical3A_58 = arith.constant 1 : i32
    %shift_right_logical3A_59 = vector.broadcast %shift_right_logical3A_58 : i32 to vector<16xi32>
    %shift_right_logical3A_60 = arith.shrui %get3A_57, %shift_right_logical3A_59 : vector<16xi32>
    %swap3A_61 = arith.constant 128 : index
    %swap3A_62 = tpu.vector_load %arg6[%swap3A_61] {strides = array<i32>} : memref<512xi32, #tpu.memory_space<vmem>>, vector<16xi32>,
    tpu.vector_store %arg6[%swap3A_61], %shift_right_logical3A_60 {strides = array<i32>} : memref<512xi32, #tpu.memory_space<vmem>>, vector<16xi32>,
    %get3A_63 = arith.constant 144 : index
    %get3A_64 = tpu.vector_load %arg5[%get3A_63] {strides = array<i32>} : memref<512xi32, #tpu.memory_space<vmem>>, vector<16xi32>,
    %shift_right_logical3A_65 = arith.constant 1 : i32
    %shift_right_logical3A_66 = vector.broadcast %shift_right_logical3A_65 : i32 to vector<16xi32>
    %shift_right_logical3A_67 = arith.shrui %get3A_64, %shift_right_logical3A_66 : vector<16xi32>
    %swap3A_68 = arith.constant 144 : index
    %swap3A_69 = tpu.vector_load %arg6[%swap3A_68] {strides = array<i32>} : memref<512xi32, #tpu.memory_space<vmem>>, vector<16xi32>,
    tpu.vector_store %arg6[%swap3A_68], %shift_right_logical3A_67 {strides = array<i32>} : memref<512xi32, #tpu.memory_space<vmem>>, vector<16xi32>,
    %get3A_70 = arith.constant 160 : index
    %get3A_71 = tpu.vector_load %arg5[%get3A_70] {strides = array<i32>} : memref<512xi32, #tpu.memory_space<vmem>>, vector<16xi32>,
    %shift_right_logical3A_72 = arith.constant 1 : i32
    %shift_right_logical3A_73 = vector.broadcast %shift_right_logical3A_72 : i32 to vector<16xi32>
    %shift_right_logical3A_74 = arith.shrui %get3A_71, %shift_right_logical3A_73 : vector<16xi32>
    %swap3A_75 = arith.constant 160 : index
    %swap3A_76 = tpu.vector_load %arg6[%swap3A_75] {strides = array<i32>} : memref<512xi32, #tpu.memory_space<vmem>>, vector<16xi32>,
    tpu.vector_store %arg6[%swap3A_75], %shift_right_logical3A_74 {strides = array<i32>} : memref<512xi32, #tpu.memory_space<vmem>>, vector<16xi32>,
    %get3A_77 = arith.constant 176 : index
    %get3A_78 = tpu.vector_load %arg5[%get3A_77] {strides = array<i32>} : memref<512xi32, #tpu.memory_space<vmem>>, vector<16xi32>,
    %shift_right_logical3A_79 = arith.constant 1 : i32
    %shift_right_logical3A_80 = vector.broadcast %shift_right_logical3A_79 : i32 to vector<16xi32>
    %shift_right_logical3A_81 = arith.shrui %get3A_78, %shift_right_logical3A_80 : vector<16xi32>
    %swap3A_82 = arith.constant 176 : index
    %swap3A_83 = tpu.vector_load %arg6[%swap3A_82] {strides = array<i32>} : memref<512xi32, #tpu.memory_space<vmem>>, vector<16xi32>,
    tpu.vector_store %arg6[%swap3A_82], %shift_right_logical3A_81 {strides = array<i32>} : memref<512xi32, #tpu.memory_space<vmem>>, vector<16xi32>,
    %get3A_84 = arith.constant 192 : index
    %get3A_85 = tpu.vector_load %arg5[%get3A_84] {strides = array<i32>} : memref<512xi32, #tpu.memory_space<vmem>>, vector<16xi32>,
    %shift_right_logical3A_86 = arith.constant 1 : i32
    %shift_right_logical3A_87 = vector.broadcast %shift_right_logical3A_86 : i32 to vector<16xi32>
    %shift_right_logical3A_88 = arith.shrui %get3A_85, %shift_right_logical3A_87 : vector<16xi32>
    %swap3A_89 = arith.constant 192 : index
    %swap3A_90 = tpu.vector_load %arg6[%swap3A_89] {strides = array<i32>} : memref<512xi32, #tpu.memory_space<vmem>>, vector<16xi32>,
    tpu.vector_store %arg6[%swap3A_89], %shift_right_logical3A_88 {strides = array<i32>} : memref<512xi32, #tpu.memory_space<vmem>>, vector<16xi32>,
    %get3A_91 = arith.constant 208 : index
    %get3A_92 = tpu.vector_load %arg5[%get3A_91] {strides = array<i32>} : memref<512xi32, #tpu.memory_space<vmem>>, vector<16xi32>,
    %shift_right_logical3A_93 = arith.constant 1 : i32
    %shift_right_logical3A_94 = vector.broadcast %shift_right_logical3A_93 : i32 to vector<16xi32>
    %shift_right_logical3A_95 = arith.shrui %get3A_92, %shift_right_logical3A_94 : vector<16xi32>
    %swap3A_96 = arith.constant 208 : index
    %swap3A_97 = tpu.vector_load %arg6[%swap3A_96] {strides = array<i32>} : memref<512xi32, #tpu.memory_space<vmem>>, vector<16xi32>,
    tpu.vector_store %arg6[%swap3A_96], %shift_right_logical3A_95 {strides = array<i32>} : memref<512xi32, #tpu.memory_space<vmem>>, vector<16xi32>,
    %get3A_98 = arith.constant 224 : index
    %get3A_99 = tpu.vector_load %arg5[%get3A_98] {strides = array<i32>} : memref<512xi32, #tpu.memory_space<vmem>>, vector<16xi32>,
    %shift_right_logical3A_100 = arith.constant 1 : i32
    %shift_right_logical3A_101 = vector.broadcast %shift_right_logical3A_100 : i32 to vector<16xi32>
    %shift_right_logical3A_102 = arith.shrui %get3A_99, %shift_right_logical3A_101 : vector<16xi32>
    %swap3A_103 = arith.constant 224 : index
    %swap3A_104 = tpu.vector_load %arg6[%swap3A_103] {strides = array<i32>} : memref<512xi32, #tpu.memory_space<vmem>>, vector<16xi32>,
    tpu.vector_store %arg6[%swap3A_103], %shift_right_logical3A_102 {strides = array<i32>} : memref<512xi32, #tpu.memory_space<vmem>>, vector<16xi32>,
    %get3A_105 = arith.constant 240 : index
    %get3A_106 = tpu.vector_load %arg5[%get3A_105] {strides = array<i32>} : memref<512xi32, #tpu.memory_space<vmem>>, vector<16xi32>,
    %shift_right_logical3A_107 = arith.constant 1 : i32
    %shift_right_logical3A_108 = vector.broadcast %shift_right_logical3A_107 : i32 to vector<16xi32>
    %shift_right_logical3A_109 = arith.shrui %get3A_106, %shift_right_logical3A_108 : vector<16xi32>
    %swap3A_110 = arith.constant 240 : index
    %swap3A_111 = tpu.vector_load %arg6[%swap3A_110] {strides = array<i32>} : memref<512xi32, #tpu.memory_space<vmem>>, vector<16xi32>,
    tpu.vector_store %arg6[%swap3A_110], %shift_right_logical3A_109 {strides = array<i32>} : memref<512xi32, #tpu.memory_space<vmem>>, vector<16xi32>,
    %get3A_112 = arith.constant 256 : index
    %get3A_113 = tpu.vector_load %arg5[%get3A_112] {strides = array<i32>} : memref<512xi32, #tpu.memory_space<vmem>>, vector<16xi32>,
    %shift_right_logical3A_114 = arith.constant 1 : i32
    %shift_right_logical3A_115 = vector.broadcast %shift_right_logical3A_114 : i32 to vector<16xi32>
    %shift_right_logical3A_116 = arith.shrui %get3A_113, %shift_right_logical3A_115 : vector<16xi32>
    %swap3A_117 = arith.constant 256 : index
    %swap3A_118 = tpu.vector_load %arg6[%swap3A_117] {strides = array<i32>} : memref<512xi32, #tpu.memory_space<vmem>>, vector<16xi32>,
    tpu.vector_store %arg6[%swap3A_117], %shift_right_logical3A_116 {strides = array<i32>} : memref<512xi32, #tpu.memory_space<vmem>>, vector<16xi32>,
    %get3A_119 = arith.constant 272 : index
    %get3A_120 = tpu.vector_load %arg5[%get3A_119] {strides = array<i32>} : memref<512xi32, #tpu.memory_space<vmem>>, vector<16xi32>,
    %shift_right_logical3A_121 = arith.constant 1 : i32
    %shift_right_logical3A_122 = vector.broadcast %shift_right_logical3A_121 : i32 to vector<16xi32>
    %shift_right_logical3A_123 = arith.shrui %get3A_120, %shift_right_logical3A_122 : vector<16xi32>
    %swap3A_124 = arith.constant 272 : index
    %swap3A_125 = tpu.vector_load %arg6[%swap3A_124] {strides = array<i32>} : memref<512xi32, #tpu.memory_space<vmem>>, vector<16xi32>,
    tpu.vector_store %arg6[%swap3A_124], %shift_right_logical3A_123 {strides = array<i32>} : memref<512xi32, #tpu.memory_space<vmem>>, vector<16xi32>,
    %get3A_126 = arith.constant 288 : index
    %get3A_127 = tpu.vector_load %arg5[%get3A_126] {strides = array<i32>} : memref<512xi32, #tpu.memory_space<vmem>>, vector<16xi32>,
    %shift_right_logical3A_128 = arith.constant 1 : i32
    %shift_right_logical3A_129 = vector.broadcast %shift_right_logical3A_128 : i32 to vector<16xi32>
    %shift_right_logical3A_130 = arith.shrui %get3A_127, %shift_right_logical3A_129 : vector<16xi32>
    %swap3A_131 = arith.constant 288 : index
    %swap3A_132 = tpu.vector_load %arg6[%swap3A_131] {strides = array<i32>} : memref<512xi32, #tpu.memory_space<vmem>>, vector<16xi32>,
    tpu.vector_store %arg6[%swap3A_131], %shift_right_logical3A_130 {strides = array<i32>} : memref<512xi32, #tpu.memory_space<vmem>>, vector<16xi32>,
    %get3A_133 = arith.constant 304 : index
    %get3A_134 = tpu.vector_load %arg5[%get3A_133] {strides = array<i32>} : memref<512xi32, #tpu.memory_space<vmem>>, vector<16xi32>,
    %shift_right_logical3A_135 = arith.constant 1 : i32
    %shift_right_logical3A_136 = vector.broadcast %shift_right_logical3A_135 : i32 to vector<16xi32>
    %shift_right_logical3A_137 = arith.shrui %get3A_134, %shift_right_logical3A_136 : vector<16xi32>
    %swap3A_138 = arith.constant 304 : index
    %swap3A_139 = tpu.vector_load %arg6[%swap3A_138] {strides = array<i32>} : memref<512xi32, #tpu.memory_space<vmem>>, vector<16xi32>,
    tpu.vector_store %arg6[%swap3A_138], %shift_right_logical3A_137 {strides = array<i32>} : memref<512xi32, #tpu.memory_space<vmem>>, vector<16xi32>,
    %get3A_140 = arith.constant 320 : index
    %get3A_141 = tpu.vector_load %arg5[%get3A_140] {strides = array<i32>} : memref<512xi32, #tpu.memory_space<vmem>>, vector<16xi32>,
    %shift_right_logical3A_142 = arith.constant 1 : i32
    %shift_right_logical3A_143 = vector.broadcast %shift_right_logical3A_142 : i32 to vector<16xi32>
    %shift_right_logical3A_144 = arith.shrui %get3A_141, %shift_right_logical3A_143 : vector<16xi32>
    %swap3A_145 = arith.constant 320 : index
    %swap3A_146 = tpu.vector_load %arg6[%swap3A_145] {strides = array<i32>} : memref<512xi32, #tpu.memory_space<vmem>>, vector<16xi32>,
    tpu.vector_store %arg6[%swap3A_145], %shift_right_logical3A_144 {strides = array<i32>} : memref<512xi32, #tpu.memory_space<vmem>>, vector<16xi32>,
    %get3A_147 = arith.constant 336 : index
    %get3A_148 = tpu.vector_load %arg5[%get3A_147] {strides = array<i32>} : memref<512xi32, #tpu.memory_space<vmem>>, vector<16xi32>,
    %shift_right_logical3A_149 = arith.constant 1 : i32
    %shift_right_logical3A_150 = vector.broadcast %shift_right_logical3A_149 : i32 to vector<16xi32>
    %shift_right_logical3A_151 = arith.shrui %get3A_148, %shift_right_logical3A_150 : vector<16xi32>
    %swap3A_152 = arith.constant 336 : index
    %swap3A_153 = tpu.vector_load %arg6[%swap3A_152] {strides = array<i32>} : memref<512xi32, #tpu.memory_space<vmem>>, vector<16xi32>,
    tpu.vector_store %arg6[%swap3A_152], %shift_right_logical3A_151 {strides = array<i32>} : memref<512xi32, #tpu.memory_space<vmem>>, vector<16xi32>,
    %get3A_154 = arith.constant 352 : index
    %get3A_155 = tpu.vector_load %arg5[%get3A_154] {strides = array<i32>} : memref<512xi32, #tpu.memory_space<vmem>>, vector<16xi32>,
    %shift_right_logical3A_156 = arith.constant 1 : i32
    %shift_right_logical3A_157 = vector.broadcast %shift_right_logical3A_156 : i32 to vector<16xi32>
    %shift_right_logical3A_158 = arith.shrui %get3A_155, %shift_right_logical3A_157 : vector<16xi32>
    %swap3A_159 = arith.constant 352 : index
    %swap3A_160 = tpu.vector_load %arg6[%swap3A_159] {strides = array<i32>} : memref<512xi32, #tpu.memory_space<vmem>>, vector<16xi32>,
    tpu.vector_store %arg6[%swap3A_159], %shift_right_logical3A_158 {strides = array<i32>} : memref<512xi32, #tpu.memory_space<vmem>>, vector<16xi32>,
    %get3A_161 = arith.constant 368 : index
    %get3A_162 = tpu.vector_load %arg5[%get3A_161] {strides = array<i32>} : memref<512xi32, #tpu.memory_space<vmem>>, vector<16xi32>,
    %shift_right_logical3A_163 = arith.constant 1 : i32
    %shift_right_logical3A_164 = vector.broadcast %shift_right_logical3A_163 : i32 to vector<16xi32>
    %shift_right_logical3A_165 = arith.shrui %get3A_162, %shift_right_logical3A_164 : vector<16xi32>
    %swap3A_166 = arith.constant 368 : index
    %swap3A_167 = tpu.vector_load %arg6[%swap3A_166] {strides = array<i32>} : memref<512xi32, #tpu.memory_space<vmem>>, vector<16xi32>,
    tpu.vector_store %arg6[%swap3A_166], %shift_right_logical3A_165 {strides = array<i32>} : memref<512xi32, #tpu.memory_space<vmem>>, vector<16xi32>,
    %get3A_168 = arith.constant 384 : index
    %get3A_169 = tpu.vector_load %arg5[%get3A_168] {strides = array<i32>} : memref<512xi32, #tpu.memory_space<vmem>>, vector<16xi32>,
    %shift_right_logical3A_170 = arith.constant 1 : i32
    %shift_right_logical3A_171 = vector.broadcast %shift_right_logical3A_170 : i32 to vector<16xi32>
    %shift_right_logical3A_172 = arith.shrui %get3A_169, %shift_right_logical3A_171 : vector<16xi32>
    %swap3A_173 = arith.constant 384 : index
    %swap3A_174 = tpu.vector_load %arg6[%swap3A_173] {strides = array<i32>} : memref<512xi32, #tpu.memory_space<vmem>>, vector<16xi32>,
    tpu.vector_store %arg6[%swap3A_173], %shift_right_logical3A_172 {strides = array<i32>} : memref<512xi32, #tpu.memory_space<vmem>>, vector<16xi32>,
    %get3A_175 = arith.constant 400 : index
    %get3A_176 = tpu.vector_load %arg5[%get3A_175] {strides = array<i32>} : memref<512xi32, #tpu.memory_space<vmem>>, vector<16xi32>,
    %shift_right_logical3A_177 = arith.constant 1 : i32
    %shift_right_logical3A_178 = vector.broadcast %shift_right_logical3A_177 : i32 to vector<16xi32>
    %shift_right_logical3A_179 = arith.shrui %get3A_176, %shift_right_logical3A_178 : vector<16xi32>
    %swap3A_180 = arith.constant 400 : index
    %swap3A_181 = tpu.vector_load %arg6[%swap3A_180] {strides = array<i32>} : memref<512xi32, #tpu.memory_space<vmem>>, vector<16xi32>,
    tpu.vector_store %arg6[%swap3A_180], %shift_right_logical3A_179 {strides = array<i32>} : memref<512xi32, #tpu.memory_space<vmem>>, vector<16xi32>,
    %get3A_182 = arith.constant 416 : index
    %get3A_183 = tpu.vector_load %arg5[%get3A_182] {strides = array<i32>} : memref<512xi32, #tpu.memory_space<vmem>>, vector<16xi32>,
    %shift_right_logical3A_184 = arith.constant 1 : i32
    %shift_right_logical3A_185 = vector.broadcast %shift_right_logical3A_184 : i32 to vector<16xi32>
    %shift_right_logical3A_186 = arith.shrui %get3A_183, %shift_right_logical3A_185 : vector<16xi32>
    %swap3A_187 = arith.constant 416 : index
    %swap3A_188 = tpu.vector_load %arg6[%swap3A_187] {strides = array<i32>} : memref<512xi32, #tpu.memory_space<vmem>>, vector<16xi32>,
    tpu.vector_store %arg6[%swap3A_187], %shift_right_logical3A_186 {strides = array<i32>} : memref<512xi32, #tpu.memory_space<vmem>>, vector<16xi32>,
    %get3A_189 = arith.constant 432 : index
    %get3A_190 = tpu.vector_load %arg5[%get3A_189] {strides = array<i32>} : memref<512xi32, #tpu.memory_space<vmem>>, vector<16xi32>,
    %shift_right_logical3A_191 = arith.constant 1 : i32
    %shift_right_logical3A_192 = vector.broadcast %shift_right_logical3A_191 : i32 to vector<16xi32>
    %shift_right_logical3A_193 = arith.shrui %get3A_190, %shift_right_logical3A_192 : vector<16xi32>
    %swap3A_194 = arith.constant 432 : index
    %swap3A_195 = tpu.vector_load %arg6[%swap3A_194] {strides = array<i32>} : memref<512xi32, #tpu.memory_space<vmem>>, vector<16xi32>,
    tpu.vector_store %arg6[%swap3A_194], %shift_right_logical3A_193 {strides = array<i32>} : memref<512xi32, #tpu.memory_space<vmem>>, vector<16xi32>,
    %get3A_196 = arith.constant 448 : index
    %get3A_197 = tpu.vector_load %arg5[%get3A_196] {strides = array<i32>} : memref<512xi32, #tpu.memory_space<vmem>>, vector<16xi32>,
    %shift_right_logical3A_198 = arith.constant 1 : i32
    %shift_right_logical3A_199 = vector.broadcast %shift_right_logical3A_198 : i32 to vector<16xi32>
    %shift_right_logical3A_200 = arith.shrui %get3A_197, %shift_right_logical3A_199 : vector<16xi32>
    %swap3A_201 = arith.constant 448 : index
    %swap3A_202 = tpu.vector_load %arg6[%swap3A_201] {strides = array<i32>} : memref<512xi32, #tpu.memory_space<vmem>>, vector<16xi32>,
    tpu.vector_store %arg6[%swap3A_201], %shift_right_logical3A_200 {strides = array<i32>} : memref<512xi32, #tpu.memory_space<vmem>>, vector<16xi32>,
    %get3A_203 = arith.constant 464 : index
    %get3A_204 = tpu.vector_load %arg5[%get3A_203] {strides = array<i32>} : memref<512xi32, #tpu.memory_space<vmem>>, vector<16xi32>,
    %shift_right_logical3A_205 = arith.constant 1 : i32
    %shift_right_logical3A_206 = vector.broadcast %shift_right_logical3A_205 : i32 to vector<16xi32>
    %shift_right_logical3A_207 = arith.shrui %get3A_204, %shift_right_logical3A_206 : vector<16xi32>
    %swap3A_208 = arith.constant 464 : index
    %swap3A_209 = tpu.vector_load %arg6[%swap3A_208] {strides = array<i32>} : memref<512xi32, #tpu.memory_space<vmem>>, vector<16xi32>,
    tpu.vector_store %arg6[%swap3A_208], %shift_right_logical3A_207 {strides = array<i32>} : memref<512xi32, #tpu.memory_space<vmem>>, vector<16xi32>,
    %get3A_210 = arith.constant 480 : index
    %get3A_211 = tpu.vector_load %arg5[%get3A_210] {strides = array<i32>} : memref<512xi32, #tpu.memory_space<vmem>>, vector<16xi32>,
    %shift_right_logical3A_212 = arith.constant 1 : i32
    %shift_right_logical3A_213 = vector.broadcast %shift_right_logical3A_212 : i32 to vector<16xi32>
    %shift_right_logical3A_214 = arith.shrui %get3A_211, %shift_right_logical3A_213 : vector<16xi32>
    %swap3A_215 = arith.constant 480 : index
    %swap3A_216 = tpu.vector_load %arg6[%swap3A_215] {strides = array<i32>} : memref<512xi32, #tpu.memory_space<vmem>>, vector<16xi32>,
    tpu.vector_store %arg6[%swap3A_215], %shift_right_logical3A_214 {strides = array<i32>} : memref<512xi32, #tpu.memory_space<vmem>>, vector<16xi32>,
    %get3A_217 = arith.constant 496 : index
    %get3A_218 = tpu.vector_load %arg5[%get3A_217] {strides = array<i32>} : memref<512xi32, #tpu.memory_space<vmem>>, vector<16xi32>,
    %shift_right_logical3A_219 = arith.constant 1 : i32
    %shift_right_logical3A_220 = vector.broadcast %shift_right_logical3A_219 : i32 to vector<16xi32>
    %shift_right_logical3A_221 = arith.shrui %get3A_218, %shift_right_logical3A_220 : vector<16xi32>
    %swap3A_222 = arith.constant 496 : index
    %swap3A_223 = tpu.vector_load %arg6[%swap3A_222] {strides = array<i32>} : memref<512xi32, #tpu.memory_space<vmem>>, vector<16xi32>,
    tpu.vector_store %arg6[%swap3A_222], %shift_right_logical3A_221 {strides = array<i32>} : memref<512xi32, #tpu.memory_space<vmem>>, vector<16xi32>,
    %dma_start3A = arith.constant 0 : i32
    %dma_start3A_224 = arith.constant 0 : i32
    %dma_start3A_225 = tpu.memref_slice %arg7[%dma_start3A, %dma_start3A_224] : memref<128x128xf32, #tpu.memory_space<vmem>> -> memref<64x128xf32, #tpu.memory_space<vmem>>
    %dma_start3A_226 = arith.constant 0 : i32
    %dma_start3A_227 = tpu.memref_slice %arg6[%dma_start3A_226] : memref<512xi32, #tpu.memory_space<vmem>> -> memref<64xi32, #tpu.memory_space<vmem>>
    %dma_start3A_228 = arith.constant 0 : i32
    %dma_start3A_229 = arith.constant 0 : i32
    %dma_start3A_230 = tpu.memref_slice %arg3[%dma_start3A_228, %dma_start3A_229] : memref<50000x128xf32, #tpu.memory_space<hbm>> -> memref<50000x128xf32, #tpu.memory_space<hbm>>
    tpu.enqueue_indirect_dma source(%dma_start3A_230 : memref<50000x128xf32, #tpu.memory_space<hbm>>) target(%dma_start3A_225 : memref<64x128xf32, #tpu.memory_space<vmem>>) offsets(%dma_start3A_227 : memref<64xi32, #tpu.memory_space<vmem>>) semaphore(%arg9 : memref<!tpu.dma_semaphore, #tpu.memory_space<semaphore_mem>>)
    %scan3A = arith.constant 0 : i32
    %scan3A_231 = arith.constant 8 : i32
    %scan3A_232 = arith.addi %scan3A, %scan3A_231 : i32
    %scan3A_233 = arith.constant 1 : i32
    scf.for %scan3A_235 = %scan3A to %scan3A_232 step %scan3A_233  : i32 {
      %mul3A_236 = arith.constant 1 : i32
      %mul3A_237 = arith.muli %scan3A_235, %mul3A_236 : i32
      %add3A_238 = arith.constant 0 : i32
      %add3A_239 = arith.addi %add3A_238, %mul3A_237 : i32
      %dma_wait3A = arith.constant 0 : i32
      %dma_wait3A_240 = arith.constant 0 : i32
      %dma_wait3A_241 = tpu.memref_slice %arg7[%dma_wait3A, %dma_wait3A_240] : memref<128x128xf32, #tpu.memory_space<vmem>> -> memref<64x128xf32, #tpu.memory_space<vmem>>
      %dma_wait3A_242 = arith.constant 0 : i32
      %dma_wait3A_243 = tpu.memref_slice %arg6[%dma_wait3A_242] : memref<512xi32, #tpu.memory_space<vmem>> -> memref<64xi32, #tpu.memory_space<vmem>>
      %dma_wait3A_244 = arith.constant 0 : i32
      %dma_wait3A_245 = arith.constant 0 : i32
      %dma_wait3A_246 = tpu.memref_slice %arg3[%dma_wait3A_244, %dma_wait3A_245] : memref<50000x128xf32, #tpu.memory_space<hbm>> -> memref<50000x128xf32, #tpu.memory_space<hbm>>
      tpu.wait_indirect_dma semaphore(%arg9 : memref<!tpu.dma_semaphore, #tpu.memory_space<semaphore_mem>>) src(%dma_wait3A_246 : memref<50000x128xf32, #tpu.memory_space<hbm>>) dst(%dma_wait3A_241 : memref<64x128xf32, #tpu.memory_space<vmem>>)
      %add3A_247 = arith.constant 1 : i32
      %add3A_248 = arith.addi %add3A_239, %add3A_247 : i32
      %lt3A = arith.constant 8 : i32
      %lt3A_249 = arith.cmpi slt, %add3A_248, %lt3A : i32
      %convert_element_type3A = arith.extui %lt3A_249 : i1 to i32
      %cond3A = arith.constant 0 : i32
      %cond3A_250 = arith.cmpi ne, %convert_element_type3A, %cond3A : i32
      scf.if %cond3A_250 {
        %add3A_256 = arith.constant 1 : i32
        %add3A_257 = arith.addi %add3A_239, %add3A_256 : i32
        %mul3A_258 = arith.constant 64 : i32
        %mul3A_259 = arith.muli %add3A_257, %mul3A_258 : i32
        %jit3A = arith.constant 2 : i32
        %eq3A = arith.constant 0 : i32
        %eq3A_260 = arith.cmpi eq, %jit3A, %eq3A : i32
        %jit3A_261 = arith.constant 1 : i32
        %select_n3A = arith.select %eq3A_260, %jit3A_261, %jit3A : i32
        %rem3A = arith.remsi %add3A_257, %select_n3A : i32
        %ne3A = arith.constant 0 : i32
        %ne3A_262 = arith.cmpi ne, %rem3A, %ne3A : i32
        %lt3A_263 = arith.constant 0 : i32
        %lt3A_264 = arith.cmpi slt, %rem3A, %lt3A_263 : i32
        %lt3A_265 = arith.constant 0 : i32
        %lt3A_266 = arith.cmpi slt, %select_n3A, %lt3A_265 : i32
        %ne3A_267 = arith.xori %lt3A_264, %lt3A_266 : i1
        %and3A = arith.andi %ne3A_267, %ne3A_262 : i1
        %add3A_268 = arith.addi %rem3A, %select_n3A : i32
        %select_n3A_269 = arith.select %and3A, %add3A_268, %rem3A : i32
        %mul3A_270 = arith.constant 64 : i32
        %mul3A_271 = arith.muli %select_n3A_269, %mul3A_270 : i32
        %dma_start3A_272 = arith.constant 0 : i32
        %dma_start3A_273 = tpu.memref_slice %arg7[%mul3A_271, %dma_start3A_272] : memref<128x128xf32, #tpu.memory_space<vmem>> -> memref<64x128xf32, #tpu.memory_space<vmem>>
        %dma_start3A_274 = tpu.memref_slice %arg6[%mul3A_259] : memref<512xi32, #tpu.memory_space<vmem>> -> memref<64xi32, #tpu.memory_space<vmem>>
        %dma_start3A_275 = arith.constant 0 : i32
        %dma_start3A_276 = arith.constant 0 : i32
        %dma_start3A_277 = tpu.memref_slice %arg3[%dma_start3A_275, %dma_start3A_276] : memref<50000x128xf32, #tpu.memory_space<hbm>> -> memref<50000x128xf32, #tpu.memory_space<hbm>>
        tpu.enqueue_indirect_dma source(%dma_start3A_277 : memref<50000x128xf32, #tpu.memory_space<hbm>>) target(%dma_start3A_273 : memref<64x128xf32, #tpu.memory_space<vmem>>) offsets(%dma_start3A_274 : memref<64xi32, #tpu.memory_space<vmem>>) semaphore(%arg9 : memref<!tpu.dma_semaphore, #tpu.memory_space<semaphore_mem>>)
      } else {
      }
      %scan3A_251 = arith.constant 0 : i32
      %scan3A_252 = arith.constant 4 : i32
      %scan3A_253 = arith.addi %scan3A_251, %scan3A_252 : i32
      %scan3A_254 = arith.constant 1 : i32
      scf.for %scan3A_256 = %scan3A_251 to %scan3A_253 step %scan3A_254  : i32 {
        %mul3A_257 = arith.constant 1 : i32
        %mul3A_258 = arith.muli %scan3A_256, %mul3A_257 : i32
        %add3A_259 = arith.constant 0 : i32
        %add3A_260 = arith.addi %add3A_259, %mul3A_258 : i32
        %mul3A_261 = arith.constant 64 : i32
        %mul3A_262 = arith.muli %add3A_239, %mul3A_261 : i32
        %mul3A_263 = arith.constant 16 : i32
        %mul3A_264 = arith.muli %add3A_260, %mul3A_263 : i32
        %add3A_265 = arith.addi %mul3A_262, %mul3A_264 : i32
        %get3A_266 = arith.index_cast %add3A_265 : i32 to index
        %get3A_267 = tpu.vector_load %arg5[%get3A_266] {strides = array<i32>} : memref<512xi32, #tpu.memory_space<vmem>>, vector<16xi32>,
        %and3A = arith.constant 1 : i32
        %and3A_268 = vector.broadcast %and3A : i32 to vector<16xi32>
        %and3A_269 = arith.andi %get3A_267, %and3A_268 : vector<16xi32>
        %mul3A_270 = arith.constant 64 : i32
        %mul3A_271 = vector.broadcast %mul3A_270 : i32 to vector<16xi32>
        %mul3A_272 = arith.muli %and3A_269, %mul3A_271 : vector<16xi32>
        %iota3A = tpu.iota {dimensions = array<i32: 0>} : vector<16xi32>
        %jit3A = arith.constant 2 : i32
        %eq3A = arith.constant 0 : i32
        %eq3A_273 = arith.cmpi eq, %jit3A, %eq3A : i32
        %jit3A_274 = arith.constant 1 : i32
        %select_n3A = arith.select %eq3A_273, %jit3A_274, %jit3A : i32
        %rem3A = arith.remsi %add3A_239, %select_n3A : i32
        %ne3A = arith.constant 0 : i32
        %ne3A_275 = arith.cmpi ne, %rem3A, %ne3A : i32
        %lt3A_276 = arith.constant 0 : i32
        %lt3A_277 = arith.cmpi slt, %rem3A, %lt3A_276 : i32
        %lt3A_278 = arith.constant 0 : i32
        %lt3A_279 = arith.cmpi slt, %select_n3A, %lt3A_278 : i32
        %ne3A_280 = arith.xori %lt3A_277, %lt3A_279 : i1
        %and3A_281 = arith.andi %ne3A_280, %ne3A_275 : i1
        %add3A_282 = arith.addi %rem3A, %select_n3A : i32
        %select_n3A_283 = arith.select %and3A_281, %add3A_282, %rem3A : i32
        %mul3A_284 = arith.constant 64 : i32
        %mul3A_285 = arith.muli %select_n3A_283, %mul3A_284 : i32
        %mul3A_286 = arith.constant 16 : i32
        %mul3A_287 = arith.muli %add3A_260, %mul3A_286 : i32
        %add3A_288 = arith.addi %mul3A_285, %mul3A_287 : i32
        %add3A_289 = vector.broadcast %add3A_288 : i32 to vector<16xi32>
        %add3A_290 = arith.addi %iota3A, %add3A_289 : vector<16xi32>
        %iota3A_291 = tpu.iota {dimensions = array<i32: 0>} : vector<16xi32>
        %mul3A_292 = arith.constant 64 : i32
        %mul3A_293 = arith.muli %add3A_239, %mul3A_292 : i32
        %mul3A_294 = arith.constant 16 : i32
        %mul3A_295 = arith.muli %add3A_260, %mul3A_294 : i32
        %add3A_296 = arith.addi %mul3A_293, %mul3A_295 : i32
        %add3A_297 = vector.broadcast %add3A_296 : i32 to vector<16xi32>
        %add3A_298 = arith.addi %iota3A_291, %add3A_297 : vector<16xi32>
        %iota3A_299 = tpu.iota {dimensions = array<i32: 0>} : vector<16xi32>
        %add3A_300 = arith.constant 0 : i32
        %add3A_301 = vector.broadcast %add3A_300 : i32 to vector<16xi32>
        %add3A_302 = arith.addi %iota3A_299, %add3A_301 : vector<16xi32>
        %and3A_303 = arith.constant 15 : i32
        %and3A_304 = vector.broadcast %and3A_303 : i32 to vector<16xi32>
        %and3A_305 = arith.andi %add3A_302, %and3A_304 : vector<16xi32>
        %add3A_306 = arith.constant 0 : i32
        %add3A_307 = vector.broadcast %add3A_306 : i32 to vector<16xi32>
        %add3A_308 = arith.addi %and3A_305, %add3A_307 : vector<16xi32>
        %add3A_309 = arith.addi %mul3A_272, %add3A_308 : vector<16xi32>
        %gather3A = tpu.vector_load_idx %arg7[%add3A_290, %add3A_309] : memref<128x128xf32, #tpu.memory_space<vmem>>[vector<16xi32>, vector<16xi32>], vector<16xf32>,
        %iota3A_310 = tpu.iota {dimensions = array<i32: 0>} : vector<16xi32>
        %add3A_311 = arith.constant 1 : i32
        %add3A_312 = vector.broadcast %add3A_311 : i32 to vector<16xi32>
        %add3A_313 = arith.addi %iota3A_310, %add3A_312 : vector<16xi32>
        %and3A_314 = arith.constant 15 : i32
        %and3A_315 = vector.broadcast %and3A_314 : i32 to vector<16xi32>
        %and3A_316 = arith.andi %add3A_313, %and3A_315 : vector<16xi32>
        %add3A_317 = arith.constant 0 : i32
        %add3A_318 = vector.broadcast %add3A_317 : i32 to vector<16xi32>
        %add3A_319 = arith.addi %and3A_316, %add3A_318 : vector<16xi32>
        %add3A_320 = arith.addi %mul3A_272, %add3A_319 : vector<16xi32>
        %gather3A_321 = tpu.vector_load_idx %arg7[%add3A_290, %add3A_320] : memref<128x128xf32, #tpu.memory_space<vmem>>[vector<16xi32>, vector<16xi32>], vector<16xf32>,
        %iota3A_322 = tpu.iota {dimensions = array<i32: 0>} : vector<16xi32>
        %add3A_323 = arith.constant 2 : i32
        %add3A_324 = vector.broadcast %add3A_323 : i32 to vector<16xi32>
        %add3A_325 = arith.addi %iota3A_322, %add3A_324 : vector<16xi32>
        %and3A_326 = arith.constant 15 : i32
        %and3A_327 = vector.broadcast %and3A_326 : i32 to vector<16xi32>
        %and3A_328 = arith.andi %add3A_325, %and3A_327 : vector<16xi32>
        %add3A_329 = arith.constant 0 : i32
        %add3A_330 = vector.broadcast %add3A_329 : i32 to vector<16xi32>
        %add3A_331 = arith.addi %and3A_328, %add3A_330 : vector<16xi32>
        %add3A_332 = arith.addi %mul3A_272, %add3A_331 : vector<16xi32>
        %gather3A_333 = tpu.vector_load_idx %arg7[%add3A_290, %add3A_332] : memref<128x128xf32, #tpu.memory_space<vmem>>[vector<16xi32>, vector<16xi32>], vector<16xf32>,
        %iota3A_334 = tpu.iota {dimensions = array<i32: 0>} : vector<16xi32>
        %add3A_335 = arith.constant 3 : i32
        %add3A_336 = vector.broadcast %add3A_335 : i32 to vector<16xi32>
        %add3A_337 = arith.addi %iota3A_334, %add3A_336 : vector<16xi32>
        %and3A_338 = arith.constant 15 : i32
        %and3A_339 = vector.broadcast %and3A_338 : i32 to vector<16xi32>
        %and3A_340 = arith.andi %add3A_337, %and3A_339 : vector<16xi32>
        %add3A_341 = arith.constant 0 : i32
        %add3A_342 = vector.broadcast %add3A_341 : i32 to vector<16xi32>
        %add3A_343 = arith.addi %and3A_340, %add3A_342 : vector<16xi32>
        %add3A_344 = arith.addi %mul3A_272, %add3A_343 : vector<16xi32>
        %gather3A_345 = tpu.vector_load_idx %arg7[%add3A_290, %add3A_344] : memref<128x128xf32, #tpu.memory_space<vmem>>[vector<16xi32>, vector<16xi32>], vector<16xf32>,
        %iota3A_346 = tpu.iota {dimensions = array<i32: 0>} : vector<16xi32>
        %add3A_347 = arith.constant 4 : i32
        %add3A_348 = vector.broadcast %add3A_347 : i32 to vector<16xi32>
        %add3A_349 = arith.addi %iota3A_346, %add3A_348 : vector<16xi32>
        %and3A_350 = arith.constant 15 : i32
        %and3A_351 = vector.broadcast %and3A_350 : i32 to vector<16xi32>
        %and3A_352 = arith.andi %add3A_349, %and3A_351 : vector<16xi32>
        %add3A_353 = arith.constant 0 : i32
        %add3A_354 = vector.broadcast %add3A_353 : i32 to vector<16xi32>
        %add3A_355 = arith.addi %and3A_352, %add3A_354 : vector<16xi32>
        %add3A_356 = arith.addi %mul3A_272, %add3A_355 : vector<16xi32>
        %gather3A_357 = tpu.vector_load_idx %arg7[%add3A_290, %add3A_356] : memref<128x128xf32, #tpu.memory_space<vmem>>[vector<16xi32>, vector<16xi32>], vector<16xf32>,
        %iota3A_358 = tpu.iota {dimensions = array<i32: 0>} : vector<16xi32>
        %add3A_359 = arith.constant 5 : i32
        %add3A_360 = vector.broadcast %add3A_359 : i32 to vector<16xi32>
        %add3A_361 = arith.addi %iota3A_358, %add3A_360 : vector<16xi32>
        %and3A_362 = arith.constant 15 : i32
        %and3A_363 = vector.broadcast %and3A_362 : i32 to vector<16xi32>
        %and3A_364 = arith.andi %add3A_361, %and3A_363 : vector<16xi32>
        %add3A_365 = arith.constant 0 : i32
        %add3A_366 = vector.broadcast %add3A_365 : i32 to vector<16xi32>
        %add3A_367 = arith.addi %and3A_364, %add3A_366 : vector<16xi32>
        %add3A_368 = arith.addi %mul3A_272, %add3A_367 : vector<16xi32>
        %gather3A_369 = tpu.vector_load_idx %arg7[%add3A_290, %add3A_368] : memref<128x128xf32, #tpu.memory_space<vmem>>[vector<16xi32>, vector<16xi32>], vector<16xf32>,
        %iota3A_370 = tpu.iota {dimensions = array<i32: 0>} : vector<16xi32>
        %add3A_371 = arith.constant 6 : i32
        %add3A_372 = vector.broadcast %add3A_371 : i32 to vector<16xi32>
        %add3A_373 = arith.addi %iota3A_370, %add3A_372 : vector<16xi32>
        %and3A_374 = arith.constant 15 : i32
        %and3A_375 = vector.broadcast %and3A_374 : i32 to vector<16xi32>
        %and3A_376 = arith.andi %add3A_373, %and3A_375 : vector<16xi32>
        %add3A_377 = arith.constant 0 : i32
        %add3A_378 = vector.broadcast %add3A_377 : i32 to vector<16xi32>
        %add3A_379 = arith.addi %and3A_376, %add3A_378 : vector<16xi32>
        %add3A_380 = arith.addi %mul3A_272, %add3A_379 : vector<16xi32>
        %gather3A_381 = tpu.vector_load_idx %arg7[%add3A_290, %add3A_380] : memref<128x128xf32, #tpu.memory_space<vmem>>[vector<16xi32>, vector<16xi32>], vector<16xf32>,
        %iota3A_382 = tpu.iota {dimensions = array<i32: 0>} : vector<16xi32>
        %add3A_383 = arith.constant 7 : i32
        %add3A_384 = vector.broadcast %add3A_383 : i32 to vector<16xi32>
        %add3A_385 = arith.addi %iota3A_382, %add3A_384 : vector<16xi32>
        %and3A_386 = arith.constant 15 : i32
        %and3A_387 = vector.broadcast %and3A_386 : i32 to vector<16xi32>
        %and3A_388 = arith.andi %add3A_385, %and3A_387 : vector<16xi32>
        %add3A_389 = arith.constant 0 : i32
        %add3A_390 = vector.broadcast %add3A_389 : i32 to vector<16xi32>
        %add3A_391 = arith.addi %and3A_388, %add3A_390 : vector<16xi32>
        %add3A_392 = arith.addi %mul3A_272, %add3A_391 : vector<16xi32>
        %gather3A_393 = tpu.vector_load_idx %arg7[%add3A_290, %add3A_392] : memref<128x128xf32, #tpu.memory_space<vmem>>[vector<16xi32>, vector<16xi32>], vector<16xf32>,
        %iota3A_394 = tpu.iota {dimensions = array<i32: 0>} : vector<16xi32>
        %add3A_395 = arith.constant 0 : i32
        %add3A_396 = vector.broadcast %add3A_395 : i32 to vector<16xi32>
        %add3A_397 = arith.addi %iota3A_394, %add3A_396 : vector<16xi32>
        %and3A_398 = arith.constant 15 : i32
        %and3A_399 = vector.broadcast %and3A_398 : i32 to vector<16xi32>
        %and3A_400 = arith.andi %add3A_397, %and3A_399 : vector<16xi32>
        %add3A_401 = arith.constant 0 : i32
        %add3A_402 = vector.broadcast %add3A_401 : i32 to vector<16xi32>
        %add3A_403 = arith.addi %and3A_400, %add3A_402 : vector<16xi32>
        tpu.vector_store_idx %arg8[%add3A_403, %add3A_298], %gather3A : memref<64x512xf32, #tpu.memory_space<vmem>>[vector<16xi32>, vector<16xi32>], vector<16xf32>,
        %iota3A_404 = tpu.iota {dimensions = array<i32: 0>} : vector<16xi32>
        %add3A_405 = arith.constant 1 : i32
        %add3A_406 = vector.broadcast %add3A_405 : i32 to vector<16xi32>
        %add3A_407 = arith.addi %iota3A_404, %add3A_406 : vector<16xi32>
        %and3A_408 = arith.constant 15 : i32
        %and3A_409 = vector.broadcast %and3A_408 : i32 to vector<16xi32>
        %and3A_410 = arith.andi %add3A_407, %and3A_409 : vector<16xi32>
        %add3A_411 = arith.constant 0 : i32
        %add3A_412 = vector.broadcast %add3A_411 : i32 to vector<16xi32>
        %add3A_413 = arith.addi %and3A_410, %add3A_412 : vector<16xi32>
        tpu.vector_store_idx %arg8[%add3A_413, %add3A_298], %gather3A_321 : memref<64x512xf32, #tpu.memory_space<vmem>>[vector<16xi32>, vector<16xi32>], vector<16xf32>,
        %iota3A_414 = tpu.iota {dimensions = array<i32: 0>} : vector<16xi32>
        %add3A_415 = arith.constant 2 : i32
        %add3A_416 = vector.broadcast %add3A_415 : i32 to vector<16xi32>
        %add3A_417 = arith.addi %iota3A_414, %add3A_416 : vector<16xi32>
        %and3A_418 = arith.constant 15 : i32
        %and3A_419 = vector.broadcast %and3A_418 : i32 to vector<16xi32>
        %and3A_420 = arith.andi %add3A_417, %and3A_419 : vector<16xi32>
        %add3A_421 = arith.constant 0 : i32
        %add3A_422 = vector.broadcast %add3A_421 : i32 to vector<16xi32>
        %add3A_423 = arith.addi %and3A_420, %add3A_422 : vector<16xi32>
        tpu.vector_store_idx %arg8[%add3A_423, %add3A_298], %gather3A_333 : memref<64x512xf32, #tpu.memory_space<vmem>>[vector<16xi32>, vector<16xi32>], vector<16xf32>,
        %iota3A_424 = tpu.iota {dimensions = array<i32: 0>} : vector<16xi32>
        %add3A_425 = arith.constant 3 : i32
        %add3A_426 = vector.broadcast %add3A_425 : i32 to vector<16xi32>
        %add3A_427 = arith.addi %iota3A_424, %add3A_426 : vector<16xi32>
        %and3A_428 = arith.constant 15 : i32
        %and3A_429 = vector.broadcast %and3A_428 : i32 to vector<16xi32>
        %and3A_430 = arith.andi %add3A_427, %and3A_429 : vector<16xi32>
        %add3A_431 = arith.constant 0 : i32
        %add3A_432 = vector.broadcast %add3A_431 : i32 to vector<16xi32>
        %add3A_433 = arith.addi %and3A_430, %add3A_432 : vector<16xi32>
        tpu.vector_store_idx %arg8[%add3A_433, %add3A_298], %gather3A_345 : memref<64x512xf32, #tpu.memory_space<vmem>>[vector<16xi32>, vector<16xi32>], vector<16xf32>,
        %iota3A_434 = tpu.iota {dimensions = array<i32: 0>} : vector<16xi32>
        %add3A_435 = arith.constant 4 : i32
        %add3A_436 = vector.broadcast %add3A_435 : i32 to vector<16xi32>
        %add3A_437 = arith.addi %iota3A_434, %add3A_436 : vector<16xi32>
        %and3A_438 = arith.constant 15 : i32
        %and3A_439 = vector.broadcast %and3A_438 : i32 to vector<16xi32>
        %and3A_440 = arith.andi %add3A_437, %and3A_439 : vector<16xi32>
        %add3A_441 = arith.constant 0 : i32
        %add3A_442 = vector.broadcast %add3A_441 : i32 to vector<16xi32>
        %add3A_443 = arith.addi %and3A_440, %add3A_442 : vector<16xi32>
        tpu.vector_store_idx %arg8[%add3A_443, %add3A_298], %gather3A_357 : memref<64x512xf32, #tpu.memory_space<vmem>>[vector<16xi32>, vector<16xi32>], vector<16xf32>,
        %iota3A_444 = tpu.iota {dimensions = array<i32: 0>} : vector<16xi32>
        %add3A_445 = arith.constant 5 : i32
        %add3A_446 = vector.broadcast %add3A_445 : i32 to vector<16xi32>
        %add3A_447 = arith.addi %iota3A_444, %add3A_446 : vector<16xi32>
        %and3A_448 = arith.constant 15 : i32
        %and3A_449 = vector.broadcast %and3A_448 : i32 to vector<16xi32>
        %and3A_450 = arith.andi %add3A_447, %and3A_449 : vector<16xi32>
        %add3A_451 = arith.constant 0 : i32
        %add3A_452 = vector.broadcast %add3A_451 : i32 to vector<16xi32>
        %add3A_453 = arith.addi %and3A_450, %add3A_452 : vector<16xi32>
        tpu.vector_store_idx %arg8[%add3A_453, %add3A_298], %gather3A_369 : memref<64x512xf32, #tpu.memory_space<vmem>>[vector<16xi32>, vector<16xi32>], vector<16xf32>,
        %iota3A_454 = tpu.iota {dimensions = array<i32: 0>} : vector<16xi32>
        %add3A_455 = arith.constant 6 : i32
        %add3A_456 = vector.broadcast %add3A_455 : i32 to vector<16xi32>
        %add3A_457 = arith.addi %iota3A_454, %add3A_456 : vector<16xi32>
        %and3A_458 = arith.constant 15 : i32
        %and3A_459 = vector.broadcast %and3A_458 : i32 to vector<16xi32>
        %and3A_460 = arith.andi %add3A_457, %and3A_459 : vector<16xi32>
        %add3A_461 = arith.constant 0 : i32
        %add3A_462 = vector.broadcast %add3A_461 : i32 to vector<16xi32>
        %add3A_463 = arith.addi %and3A_460, %add3A_462 : vector<16xi32>
        tpu.vector_store_idx %arg8[%add3A_463, %add3A_298], %gather3A_381 : memref<64x512xf32, #tpu.memory_space<vmem>>[vector<16xi32>, vector<16xi32>], vector<16xf32>,
        %iota3A_464 = tpu.iota {dimensions = array<i32: 0>} : vector<16xi32>
        %add3A_465 = arith.constant 7 : i32
        %add3A_466 = vector.broadcast %add3A_465 : i32 to vector<16xi32>
        %add3A_467 = arith.addi %iota3A_464, %add3A_466 : vector<16xi32>
        %and3A_468 = arith.constant 15 : i32
        %and3A_469 = vector.broadcast %and3A_468 : i32 to vector<16xi32>
        %and3A_470 = arith.andi %add3A_467, %and3A_469 : vector<16xi32>
        %add3A_471 = arith.constant 0 : i32
        %add3A_472 = vector.broadcast %add3A_471 : i32 to vector<16xi32>
        %add3A_473 = arith.addi %and3A_470, %add3A_472 : vector<16xi32>
        tpu.vector_store_idx %arg8[%add3A_473, %add3A_298], %gather3A_393 : memref<64x512xf32, #tpu.memory_space<vmem>>[vector<16xi32>, vector<16xi32>], vector<16xf32>,
        %iota3A_474 = tpu.iota {dimensions = array<i32: 0>} : vector<16xi32>
        %add3A_475 = arith.constant 8 : i32
        %add3A_476 = vector.broadcast %add3A_475 : i32 to vector<16xi32>
        %add3A_477 = arith.addi %iota3A_474, %add3A_476 : vector<16xi32>
        %and3A_478 = arith.constant 15 : i32
        %and3A_479 = vector.broadcast %and3A_478 : i32 to vector<16xi32>
        %and3A_480 = arith.andi %add3A_477, %and3A_479 : vector<16xi32>
        %add3A_481 = arith.constant 0 : i32
        %add3A_482 = vector.broadcast %add3A_481 : i32 to vector<16xi32>
        %add3A_483 = arith.addi %and3A_480, %add3A_482 : vector<16xi32>
        %add3A_484 = arith.addi %mul3A_272, %add3A_483 : vector<16xi32>
        %gather3A_485 = tpu.vector_load_idx %arg7[%add3A_290, %add3A_484] : memref<128x128xf32, #tpu.memory_space<vmem>>[vector<16xi32>, vector<16xi32>], vector<16xf32>,
        %iota3A_486 = tpu.iota {dimensions = array<i32: 0>} : vector<16xi32>
        %add3A_487 = arith.constant 9 : i32
        %add3A_488 = vector.broadcast %add3A_487 : i32 to vector<16xi32>
        %add3A_489 = arith.addi %iota3A_486, %add3A_488 : vector<16xi32>
        %and3A_490 = arith.constant 15 : i32
        %and3A_491 = vector.broadcast %and3A_490 : i32 to vector<16xi32>
        %and3A_492 = arith.andi %add3A_489, %and3A_491 : vector<16xi32>
        %add3A_493 = arith.constant 0 : i32
        %add3A_494 = vector.broadcast %add3A_493 : i32 to vector<16xi32>
        %add3A_495 = arith.addi %and3A_492, %add3A_494 : vector<16xi32>
        %add3A_496 = arith.addi %mul3A_272, %add3A_495 : vector<16xi32>
        %gather3A_497 = tpu.vector_load_idx %arg7[%add3A_290, %add3A_496] : memref<128x128xf32, #tpu.memory_space<vmem>>[vector<16xi32>, vector<16xi32>], vector<16xf32>,
        %iota3A_498 = tpu.iota {dimensions = array<i32: 0>} : vector<16xi32>
        %add3A_499 = arith.constant 10 : i32
        %add3A_500 = vector.broadcast %add3A_499 : i32 to vector<16xi32>
        %add3A_501 = arith.addi %iota3A_498, %add3A_500 : vector<16xi32>
        %and3A_502 = arith.constant 15 : i32
        %and3A_503 = vector.broadcast %and3A_502 : i32 to vector<16xi32>
        %and3A_504 = arith.andi %add3A_501, %and3A_503 : vector<16xi32>
        %add3A_505 = arith.constant 0 : i32
        %add3A_506 = vector.broadcast %add3A_505 : i32 to vector<16xi32>
        %add3A_507 = arith.addi %and3A_504, %add3A_506 : vector<16xi32>
        %add3A_508 = arith.addi %mul3A_272, %add3A_507 : vector<16xi32>
        %gather3A_509 = tpu.vector_load_idx %arg7[%add3A_290, %add3A_508] : memref<128x128xf32, #tpu.memory_space<vmem>>[vector<16xi32>, vector<16xi32>], vector<16xf32>,
        %iota3A_510 = tpu.iota {dimensions = array<i32: 0>} : vector<16xi32>
        %add3A_511 = arith.constant 11 : i32
        %add3A_512 = vector.broadcast %add3A_511 : i32 to vector<16xi32>
        %add3A_513 = arith.addi %iota3A_510, %add3A_512 : vector<16xi32>
        %and3A_514 = arith.constant 15 : i32
        %and3A_515 = vector.broadcast %and3A_514 : i32 to vector<16xi32>
        %and3A_516 = arith.andi %add3A_513, %and3A_515 : vector<16xi32>
        %add3A_517 = arith.constant 0 : i32
        %add3A_518 = vector.broadcast %add3A_517 : i32 to vector<16xi32>
        %add3A_519 = arith.addi %and3A_516, %add3A_518 : vector<16xi32>
        %add3A_520 = arith.addi %mul3A_272, %add3A_519 : vector<16xi32>
        %gather3A_521 = tpu.vector_load_idx %arg7[%add3A_290, %add3A_520] : memref<128x128xf32, #tpu.memory_space<vmem>>[vector<16xi32>, vector<16xi32>], vector<16xf32>,
        %iota3A_522 = tpu.iota {dimensions = array<i32: 0>} : vector<16xi32>
        %add3A_523 = arith.constant 12 : i32
        %add3A_524 = vector.broadcast %add3A_523 : i32 to vector<16xi32>
        %add3A_525 = arith.addi %iota3A_522, %add3A_524 : vector<16xi32>
        %and3A_526 = arith.constant 15 : i32
        %and3A_527 = vector.broadcast %and3A_526 : i32 to vector<16xi32>
        %and3A_528 = arith.andi %add3A_525, %and3A_527 : vector<16xi32>
        %add3A_529 = arith.constant 0 : i32
        %add3A_530 = vector.broadcast %add3A_529 : i32 to vector<16xi32>
        %add3A_531 = arith.addi %and3A_528, %add3A_530 : vector<16xi32>
        %add3A_532 = arith.addi %mul3A_272, %add3A_531 : vector<16xi32>
        %gather3A_533 = tpu.vector_load_idx %arg7[%add3A_290, %add3A_532] : memref<128x128xf32, #tpu.memory_space<vmem>>[vector<16xi32>, vector<16xi32>], vector<16xf32>,
        %iota3A_534 = tpu.iota {dimensions = array<i32: 0>} : vector<16xi32>
        %add3A_535 = arith.constant 13 : i32
        %add3A_536 = vector.broadcast %add3A_535 : i32 to vector<16xi32>
        %add3A_537 = arith.addi %iota3A_534, %add3A_536 : vector<16xi32>
        %and3A_538 = arith.constant 15 : i32
        %and3A_539 = vector.broadcast %and3A_538 : i32 to vector<16xi32>
        %and3A_540 = arith.andi %add3A_537, %and3A_539 : vector<16xi32>
        %add3A_541 = arith.constant 0 : i32
        %add3A_542 = vector.broadcast %add3A_541 : i32 to vector<16xi32>
        %add3A_543 = arith.addi %and3A_540, %add3A_542 : vector<16xi32>
        %add3A_544 = arith.addi %mul3A_272, %add3A_543 : vector<16xi32>
        %gather3A_545 = tpu.vector_load_idx %arg7[%add3A_290, %add3A_544] : memref<128x128xf32, #tpu.memory_space<vmem>>[vector<16xi32>, vector<16xi32>], vector<16xf32>,
        %iota3A_546 = tpu.iota {dimensions = array<i32: 0>} : vector<16xi32>
        %add3A_547 = arith.constant 14 : i32
        %add3A_548 = vector.broadcast %add3A_547 : i32 to vector<16xi32>
        %add3A_549 = arith.addi %iota3A_546, %add3A_548 : vector<16xi32>
        %and3A_550 = arith.constant 15 : i32
        %and3A_551 = vector.broadcast %and3A_550 : i32 to vector<16xi32>
        %and3A_552 = arith.andi %add3A_549, %and3A_551 : vector<16xi32>
        %add3A_553 = arith.constant 0 : i32
        %add3A_554 = vector.broadcast %add3A_553 : i32 to vector<16xi32>
        %add3A_555 = arith.addi %and3A_552, %add3A_554 : vector<16xi32>
        %add3A_556 = arith.addi %mul3A_272, %add3A_555 : vector<16xi32>
        %gather3A_557 = tpu.vector_load_idx %arg7[%add3A_290, %add3A_556] : memref<128x128xf32, #tpu.memory_space<vmem>>[vector<16xi32>, vector<16xi32>], vector<16xf32>,
        %iota3A_558 = tpu.iota {dimensions = array<i32: 0>} : vector<16xi32>
        %add3A_559 = arith.constant 15 : i32
        %add3A_560 = vector.broadcast %add3A_559 : i32 to vector<16xi32>
        %add3A_561 = arith.addi %iota3A_558, %add3A_560 : vector<16xi32>
        %and3A_562 = arith.constant 15 : i32
        %and3A_563 = vector.broadcast %and3A_562 : i32 to vector<16xi32>
        %and3A_564 = arith.andi %add3A_561, %and3A_563 : vector<16xi32>
        %add3A_565 = arith.constant 0 : i32
        %add3A_566 = vector.broadcast %add3A_565 : i32 to vector<16xi32>
        %add3A_567 = arith.addi %and3A_564, %add3A_566 : vector<16xi32>
        %add3A_568 = arith.addi %mul3A_272, %add3A_567 : vector<16xi32>
        %gather3A_569 = tpu.vector_load_idx %arg7[%add3A_290, %add3A_568] : memref<128x128xf32, #tpu.memory_space<vmem>>[vector<16xi32>, vector<16xi32>], vector<16xf32>,
        %iota3A_570 = tpu.iota {dimensions = array<i32: 0>} : vector<16xi32>
        %add3A_571 = arith.constant 8 : i32
        %add3A_572 = vector.broadcast %add3A_571 : i32 to vector<16xi32>
        %add3A_573 = arith.addi %iota3A_570, %add3A_572 : vector<16xi32>
        %and3A_574 = arith.constant 15 : i32
        %and3A_575 = vector.broadcast %and3A_574 : i32 to vector<16xi32>
        %and3A_576 = arith.andi %add3A_573, %and3A_575 : vector<16xi32>
        %add3A_577 = arith.constant 0 : i32
        %add3A_578 = vector.broadcast %add3A_577 : i32 to vector<16xi32>
        %add3A_579 = arith.addi %and3A_576, %add3A_578 : vector<16xi32>
        tpu.vector_store_idx %arg8[%add3A_579, %add3A_298], %gather3A_485 : memref<64x512xf32, #tpu.memory_space<vmem>>[vector<16xi32>, vector<16xi32>], vector<16xf32>,
        %iota3A_580 = tpu.iota {dimensions = array<i32: 0>} : vector<16xi32>
        %add3A_581 = arith.constant 9 : i32
        %add3A_582 = vector.broadcast %add3A_581 : i32 to vector<16xi32>
        %add3A_583 = arith.addi %iota3A_580, %add3A_582 : vector<16xi32>
        %and3A_584 = arith.constant 15 : i32
        %and3A_585 = vector.broadcast %and3A_584 : i32 to vector<16xi32>
        %and3A_586 = arith.andi %add3A_583, %and3A_585 : vector<16xi32>
        %add3A_587 = arith.constant 0 : i32
        %add3A_588 = vector.broadcast %add3A_587 : i32 to vector<16xi32>
        %add3A_589 = arith.addi %and3A_586, %add3A_588 : vector<16xi32>
        tpu.vector_store_idx %arg8[%add3A_589, %add3A_298], %gather3A_497 : memref<64x512xf32, #tpu.memory_space<vmem>>[vector<16xi32>, vector<16xi32>], vector<16xf32>,
        %iota3A_590 = tpu.iota {dimensions = array<i32: 0>} : vector<16xi32>
        %add3A_591 = arith.constant 10 : i32
        %add3A_592 = vector.broadcast %add3A_591 : i32 to vector<16xi32>
        %add3A_593 = arith.addi %iota3A_590, %add3A_592 : vector<16xi32>
        %and3A_594 = arith.constant 15 : i32
        %and3A_595 = vector.broadcast %and3A_594 : i32 to vector<16xi32>
        %and3A_596 = arith.andi %add3A_593, %and3A_595 : vector<16xi32>
        %add3A_597 = arith.constant 0 : i32
        %add3A_598 = vector.broadcast %add3A_597 : i32 to vector<16xi32>
        %add3A_599 = arith.addi %and3A_596, %add3A_598 : vector<16xi32>
        tpu.vector_store_idx %arg8[%add3A_599, %add3A_298], %gather3A_509 : memref<64x512xf32, #tpu.memory_space<vmem>>[vector<16xi32>, vector<16xi32>], vector<16xf32>,
        %iota3A_600 = tpu.iota {dimensions = array<i32: 0>} : vector<16xi32>
        %add3A_601 = arith.constant 11 : i32
        %add3A_602 = vector.broadcast %add3A_601 : i32 to vector<16xi32>
        %add3A_603 = arith.addi %iota3A_600, %add3A_602 : vector<16xi32>
        %and3A_604 = arith.constant 15 : i32
        %and3A_605 = vector.broadcast %and3A_604 : i32 to vector<16xi32>
        %and3A_606 = arith.andi %add3A_603, %and3A_605 : vector<16xi32>
        %add3A_607 = arith.constant 0 : i32
        %add3A_608 = vector.broadcast %add3A_607 : i32 to vector<16xi32>
        %add3A_609 = arith.addi %and3A_606, %add3A_608 : vector<16xi32>
        tpu.vector_store_idx %arg8[%add3A_609, %add3A_298], %gather3A_521 : memref<64x512xf32, #tpu.memory_space<vmem>>[vector<16xi32>, vector<16xi32>], vector<16xf32>,
        %iota3A_610 = tpu.iota {dimensions = array<i32: 0>} : vector<16xi32>
        %add3A_611 = arith.constant 12 : i32
        %add3A_612 = vector.broadcast %add3A_611 : i32 to vector<16xi32>
        %add3A_613 = arith.addi %iota3A_610, %add3A_612 : vector<16xi32>
        %and3A_614 = arith.constant 15 : i32
        %and3A_615 = vector.broadcast %and3A_614 : i32 to vector<16xi32>
        %and3A_616 = arith.andi %add3A_613, %and3A_615 : vector<16xi32>
        %add3A_617 = arith.constant 0 : i32
        %add3A_618 = vector.broadcast %add3A_617 : i32 to vector<16xi32>
        %add3A_619 = arith.addi %and3A_616, %add3A_618 : vector<16xi32>
        tpu.vector_store_idx %arg8[%add3A_619, %add3A_298], %gather3A_533 : memref<64x512xf32, #tpu.memory_space<vmem>>[vector<16xi32>, vector<16xi32>], vector<16xf32>,
        %iota3A_620 = tpu.iota {dimensions = array<i32: 0>} : vector<16xi32>
        %add3A_621 = arith.constant 13 : i32
        %add3A_622 = vector.broadcast %add3A_621 : i32 to vector<16xi32>
        %add3A_623 = arith.addi %iota3A_620, %add3A_622 : vector<16xi32>
        %and3A_624 = arith.constant 15 : i32
        %and3A_625 = vector.broadcast %and3A_624 : i32 to vector<16xi32>
        %and3A_626 = arith.andi %add3A_623, %and3A_625 : vector<16xi32>
        %add3A_627 = arith.constant 0 : i32
        %add3A_628 = vector.broadcast %add3A_627 : i32 to vector<16xi32>
        %add3A_629 = arith.addi %and3A_626, %add3A_628 : vector<16xi32>
        tpu.vector_store_idx %arg8[%add3A_629, %add3A_298], %gather3A_545 : memref<64x512xf32, #tpu.memory_space<vmem>>[vector<16xi32>, vector<16xi32>], vector<16xf32>,
        %iota3A_630 = tpu.iota {dimensions = array<i32: 0>} : vector<16xi32>
        %add3A_631 = arith.constant 14 : i32
        %add3A_632 = vector.broadcast %add3A_631 : i32 to vector<16xi32>
        %add3A_633 = arith.addi %iota3A_630, %add3A_632 : vector<16xi32>
        %and3A_634 = arith.constant 15 : i32
        %and3A_635 = vector.broadcast %and3A_634 : i32 to vector<16xi32>
        %and3A_636 = arith.andi %add3A_633, %and3A_635 : vector<16xi32>
        %add3A_637 = arith.constant 0 : i32
        %add3A_638 = vector.broadcast %add3A_637 : i32 to vector<16xi32>
        %add3A_639 = arith.addi %and3A_636, %add3A_638 : vector<16xi32>
        tpu.vector_store_idx %arg8[%add3A_639, %add3A_298], %gather3A_557 : memref<64x512xf32, #tpu.memory_space<vmem>>[vector<16xi32>, vector<16xi32>], vector<16xf32>,
        %iota3A_640 = tpu.iota {dimensions = array<i32: 0>} : vector<16xi32>
        %add3A_641 = arith.constant 15 : i32
        %add3A_642 = vector.broadcast %add3A_641 : i32 to vector<16xi32>
        %add3A_643 = arith.addi %iota3A_640, %add3A_642 : vector<16xi32>
        %and3A_644 = arith.constant 15 : i32
        %and3A_645 = vector.broadcast %and3A_644 : i32 to vector<16xi32>
        %and3A_646 = arith.andi %add3A_643, %and3A_645 : vector<16xi32>
        %add3A_647 = arith.constant 0 : i32
        %add3A_648 = vector.broadcast %add3A_647 : i32 to vector<16xi32>
        %add3A_649 = arith.addi %and3A_646, %add3A_648 : vector<16xi32>
        tpu.vector_store_idx %arg8[%add3A_649, %add3A_298], %gather3A_569 : memref<64x512xf32, #tpu.memory_space<vmem>>[vector<16xi32>, vector<16xi32>], vector<16xf32>,
        %iota3A_650 = tpu.iota {dimensions = array<i32: 0>} : vector<16xi32>
        %add3A_651 = arith.constant 0 : i32
        %add3A_652 = vector.broadcast %add3A_651 : i32 to vector<16xi32>
        %add3A_653 = arith.addi %iota3A_650, %add3A_652 : vector<16xi32>
        %and3A_654 = arith.constant 15 : i32
        %and3A_655 = vector.broadcast %and3A_654 : i32 to vector<16xi32>
        %and3A_656 = arith.andi %add3A_653, %and3A_655 : vector<16xi32>
        %add3A_657 = arith.constant 16 : i32
        %add3A_658 = vector.broadcast %add3A_657 : i32 to vector<16xi32>
        %add3A_659 = arith.addi %and3A_656, %add3A_658 : vector<16xi32>
        %add3A_660 = arith.addi %mul3A_272, %add3A_659 : vector<16xi32>
        %gather3A_661 = tpu.vector_load_idx %arg7[%add3A_290, %add3A_660] : memref<128x128xf32, #tpu.memory_space<vmem>>[vector<16xi32>, vector<16xi32>], vector<16xf32>,
        %iota3A_662 = tpu.iota {dimensions = array<i32: 0>} : vector<16xi32>
        %add3A_663 = arith.constant 1 : i32
        %add3A_664 = vector.broadcast %add3A_663 : i32 to vector<16xi32>
        %add3A_665 = arith.addi %iota3A_662, %add3A_664 : vector<16xi32>
        %and3A_666 = arith.constant 15 : i32
        %and3A_667 = vector.broadcast %and3A_666 : i32 to vector<16xi32>
        %and3A_668 = arith.andi %add3A_665, %and3A_667 : vector<16xi32>
        %add3A_669 = arith.constant 16 : i32
        %add3A_670 = vector.broadcast %add3A_669 : i32 to vector<16xi32>
        %add3A_671 = arith.addi %and3A_668, %add3A_670 : vector<16xi32>
        %add3A_672 = arith.addi %mul3A_272, %add3A_671 : vector<16xi32>
        %gather3A_673 = tpu.vector_load_idx %arg7[%add3A_290, %add3A_672] : memref<128x128xf32, #tpu.memory_space<vmem>>[vector<16xi32>, vector<16xi32>], vector<16xf32>,
        %iota3A_674 = tpu.iota {dimensions = array<i32: 0>} : vector<16xi32>
        %add3A_675 = arith.constant 2 : i32
        %add3A_676 = vector.broadcast %add3A_675 : i32 to vector<16xi32>
        %add3A_677 = arith.addi %iota3A_674, %add3A_676 : vector<16xi32>
        %and3A_678 = arith.constant 15 : i32
        %and3A_679 = vector.broadcast %and3A_678 : i32 to vector<16xi32>
        %and3A_680 = arith.andi %add3A_677, %and3A_679 : vector<16xi32>
        %add3A_681 = arith.constant 16 : i32
        %add3A_682 = vector.broadcast %add3A_681 : i32 to vector<16xi32>
        %add3A_683 = arith.addi %and3A_680, %add3A_682 : vector<16xi32>
        %add3A_684 = arith.addi %mul3A_272, %add3A_683 : vector<16xi32>
        %gather3A_685 = tpu.vector_load_idx %arg7[%add3A_290, %add3A_684] : memref<128x128xf32, #tpu.memory_space<vmem>>[vector<16xi32>, vector<16xi32>], vector<16xf32>,
        %iota3A_686 = tpu.iota {dimensions = array<i32: 0>} : vector<16xi32>
        %add3A_687 = arith.constant 3 : i32
        %add3A_688 = vector.broadcast %add3A_687 : i32 to vector<16xi32>
        %add3A_689 = arith.addi %iota3A_686, %add3A_688 : vector<16xi32>
        %and3A_690 = arith.constant 15 : i32
        %and3A_691 = vector.broadcast %and3A_690 : i32 to vector<16xi32>
        %and3A_692 = arith.andi %add3A_689, %and3A_691 : vector<16xi32>
        %add3A_693 = arith.constant 16 : i32
        %add3A_694 = vector.broadcast %add3A_693 : i32 to vector<16xi32>
        %add3A_695 = arith.addi %and3A_692, %add3A_694 : vector<16xi32>
        %add3A_696 = arith.addi %mul3A_272, %add3A_695 : vector<16xi32>
        %gather3A_697 = tpu.vector_load_idx %arg7[%add3A_290, %add3A_696] : memref<128x128xf32, #tpu.memory_space<vmem>>[vector<16xi32>, vector<16xi32>], vector<16xf32>,
        %iota3A_698 = tpu.iota {dimensions = array<i32: 0>} : vector<16xi32>
        %add3A_699 = arith.constant 4 : i32
        %add3A_700 = vector.broadcast %add3A_699 : i32 to vector<16xi32>
        %add3A_701 = arith.addi %iota3A_698, %add3A_700 : vector<16xi32>
        %and3A_702 = arith.constant 15 : i32
        %and3A_703 = vector.broadcast %and3A_702 : i32 to vector<16xi32>
        %and3A_704 = arith.andi %add3A_701, %and3A_703 : vector<16xi32>
        %add3A_705 = arith.constant 16 : i32
        %add3A_706 = vector.broadcast %add3A_705 : i32 to vector<16xi32>
        %add3A_707 = arith.addi %and3A_704, %add3A_706 : vector<16xi32>
        %add3A_708 = arith.addi %mul3A_272, %add3A_707 : vector<16xi32>
        %gather3A_709 = tpu.vector_load_idx %arg7[%add3A_290, %add3A_708] : memref<128x128xf32, #tpu.memory_space<vmem>>[vector<16xi32>, vector<16xi32>], vector<16xf32>,
        %iota3A_710 = tpu.iota {dimensions = array<i32: 0>} : vector<16xi32>
        %add3A_711 = arith.constant 5 : i32
        %add3A_712 = vector.broadcast %add3A_711 : i32 to vector<16xi32>
        %add3A_713 = arith.addi %iota3A_710, %add3A_712 : vector<16xi32>
        %and3A_714 = arith.constant 15 : i32
        %and3A_715 = vector.broadcast %and3A_714 : i32 to vector<16xi32>
        %and3A_716 = arith.andi %add3A_713, %and3A_715 : vector<16xi32>
        %add3A_717 = arith.constant 16 : i32
        %add3A_718 = vector.broadcast %add3A_717 : i32 to vector<16xi32>
        %add3A_719 = arith.addi %and3A_716, %add3A_718 : vector<16xi32>
        %add3A_720 = arith.addi %mul3A_272, %add3A_719 : vector<16xi32>
        %gather3A_721 = tpu.vector_load_idx %arg7[%add3A_290, %add3A_720] : memref<128x128xf32, #tpu.memory_space<vmem>>[vector<16xi32>, vector<16xi32>], vector<16xf32>,
        %iota3A_722 = tpu.iota {dimensions = array<i32: 0>} : vector<16xi32>
        %add3A_723 = arith.constant 6 : i32
        %add3A_724 = vector.broadcast %add3A_723 : i32 to vector<16xi32>
        %add3A_725 = arith.addi %iota3A_722, %add3A_724 : vector<16xi32>
        %and3A_726 = arith.constant 15 : i32
        %and3A_727 = vector.broadcast %and3A_726 : i32 to vector<16xi32>
        %and3A_728 = arith.andi %add3A_725, %and3A_727 : vector<16xi32>
        %add3A_729 = arith.constant 16 : i32
        %add3A_730 = vector.broadcast %add3A_729 : i32 to vector<16xi32>
        %add3A_731 = arith.addi %and3A_728, %add3A_730 : vector<16xi32>
        %add3A_732 = arith.addi %mul3A_272, %add3A_731 : vector<16xi32>
        %gather3A_733 = tpu.vector_load_idx %arg7[%add3A_290, %add3A_732] : memref<128x128xf32, #tpu.memory_space<vmem>>[vector<16xi32>, vector<16xi32>], vector<16xf32>,
        %iota3A_734 = tpu.iota {dimensions = array<i32: 0>} : vector<16xi32>
        %add3A_735 = arith.constant 7 : i32
        %add3A_736 = vector.broadcast %add3A_735 : i32 to vector<16xi32>
        %add3A_737 = arith.addi %iota3A_734, %add3A_736 : vector<16xi32>
        %and3A_738 = arith.constant 15 : i32
        %and3A_739 = vector.broadcast %and3A_738 : i32 to vector<16xi32>
        %and3A_740 = arith.andi %add3A_737, %and3A_739 : vector<16xi32>
        %add3A_741 = arith.constant 16 : i32
        %add3A_742 = vector.broadcast %add3A_741 : i32 to vector<16xi32>
        %add3A_743 = arith.addi %and3A_740, %add3A_742 : vector<16xi32>
        %add3A_744 = arith.addi %mul3A_272, %add3A_743 : vector<16xi32>
        %gather3A_745 = tpu.vector_load_idx %arg7[%add3A_290, %add3A_744] : memref<128x128xf32, #tpu.memory_space<vmem>>[vector<16xi32>, vector<16xi32>], vector<16xf32>,
        %iota3A_746 = tpu.iota {dimensions = array<i32: 0>} : vector<16xi32>
        %add3A_747 = arith.constant 0 : i32
        %add3A_748 = vector.broadcast %add3A_747 : i32 to vector<16xi32>
        %add3A_749 = arith.addi %iota3A_746, %add3A_748 : vector<16xi32>
        %and3A_750 = arith.constant 15 : i32
        %and3A_751 = vector.broadcast %and3A_750 : i32 to vector<16xi32>
        %and3A_752 = arith.andi %add3A_749, %and3A_751 : vector<16xi32>
        %add3A_753 = arith.constant 16 : i32
        %add3A_754 = vector.broadcast %add3A_753 : i32 to vector<16xi32>
        %add3A_755 = arith.addi %and3A_752, %add3A_754 : vector<16xi32>
        tpu.vector_store_idx %arg8[%add3A_755, %add3A_298], %gather3A_661 : memref<64x512xf32, #tpu.memory_space<vmem>>[vector<16xi32>, vector<16xi32>], vector<16xf32>,
        %iota3A_756 = tpu.iota {dimensions = array<i32: 0>} : vector<16xi32>
        %add3A_757 = arith.constant 1 : i32
        %add3A_758 = vector.broadcast %add3A_757 : i32 to vector<16xi32>
        %add3A_759 = arith.addi %iota3A_756, %add3A_758 : vector<16xi32>
        %and3A_760 = arith.constant 15 : i32
        %and3A_761 = vector.broadcast %and3A_760 : i32 to vector<16xi32>
        %and3A_762 = arith.andi %add3A_759, %and3A_761 : vector<16xi32>
        %add3A_763 = arith.constant 16 : i32
        %add3A_764 = vector.broadcast %add3A_763 : i32 to vector<16xi32>
        %add3A_765 = arith.addi %and3A_762, %add3A_764 : vector<16xi32>
        tpu.vector_store_idx %arg8[%add3A_765, %add3A_298], %gather3A_673 : memref<64x512xf32, #tpu.memory_space<vmem>>[vector<16xi32>, vector<16xi32>], vector<16xf32>,
        %iota3A_766 = tpu.iota {dimensions = array<i32: 0>} : vector<16xi32>
        %add3A_767 = arith.constant 2 : i32
        %add3A_768 = vector.broadcast %add3A_767 : i32 to vector<16xi32>
        %add3A_769 = arith.addi %iota3A_766, %add3A_768 : vector<16xi32>
        %and3A_770 = arith.constant 15 : i32
        %and3A_771 = vector.broadcast %and3A_770 : i32 to vector<16xi32>
        %and3A_772 = arith.andi %add3A_769, %and3A_771 : vector<16xi32>
        %add3A_773 = arith.constant 16 : i32
        %add3A_774 = vector.broadcast %add3A_773 : i32 to vector<16xi32>
        %add3A_775 = arith.addi %and3A_772, %add3A_774 : vector<16xi32>
        tpu.vector_store_idx %arg8[%add3A_775, %add3A_298], %gather3A_685 : memref<64x512xf32, #tpu.memory_space<vmem>>[vector<16xi32>, vector<16xi32>], vector<16xf32>,
        %iota3A_776 = tpu.iota {dimensions = array<i32: 0>} : vector<16xi32>
        %add3A_777 = arith.constant 3 : i32
        %add3A_778 = vector.broadcast %add3A_777 : i32 to vector<16xi32>
        %add3A_779 = arith.addi %iota3A_776, %add3A_778 : vector<16xi32>
        %and3A_780 = arith.constant 15 : i32
        %and3A_781 = vector.broadcast %and3A_780 : i32 to vector<16xi32>
        %and3A_782 = arith.andi %add3A_779, %and3A_781 : vector<16xi32>
        %add3A_783 = arith.constant 16 : i32
        %add3A_784 = vector.broadcast %add3A_783 : i32 to vector<16xi32>
        %add3A_785 = arith.addi %and3A_782, %add3A_784 : vector<16xi32>
        tpu.vector_store_idx %arg8[%add3A_785, %add3A_298], %gather3A_697 : memref<64x512xf32, #tpu.memory_space<vmem>>[vector<16xi32>, vector<16xi32>], vector<16xf32>,
        %iota3A_786 = tpu.iota {dimensions = array<i32: 0>} : vector<16xi32>
        %add3A_787 = arith.constant 4 : i32
        %add3A_788 = vector.broadcast %add3A_787 : i32 to vector<16xi32>
        %add3A_789 = arith.addi %iota3A_786, %add3A_788 : vector<16xi32>
        %and3A_790 = arith.constant 15 : i32
        %and3A_791 = vector.broadcast %and3A_790 : i32 to vector<16xi32>
        %and3A_792 = arith.andi %add3A_789, %and3A_791 : vector<16xi32>
        %add3A_793 = arith.constant 16 : i32
        %add3A_794 = vector.broadcast %add3A_793 : i32 to vector<16xi32>
        %add3A_795 = arith.addi %and3A_792, %add3A_794 : vector<16xi32>
        tpu.vector_store_idx %arg8[%add3A_795, %add3A_298], %gather3A_709 : memref<64x512xf32, #tpu.memory_space<vmem>>[vector<16xi32>, vector<16xi32>], vector<16xf32>,
        %iota3A_796 = tpu.iota {dimensions = array<i32: 0>} : vector<16xi32>
        %add3A_797 = arith.constant 5 : i32
        %add3A_798 = vector.broadcast %add3A_797 : i32 to vector<16xi32>
        %add3A_799 = arith.addi %iota3A_796, %add3A_798 : vector<16xi32>
        %and3A_800 = arith.constant 15 : i32
        %and3A_801 = vector.broadcast %and3A_800 : i32 to vector<16xi32>
        %and3A_802 = arith.andi %add3A_799, %and3A_801 : vector<16xi32>
        %add3A_803 = arith.constant 16 : i32
        %add3A_804 = vector.broadcast %add3A_803 : i32 to vector<16xi32>
        %add3A_805 = arith.addi %and3A_802, %add3A_804 : vector<16xi32>
        tpu.vector_store_idx %arg8[%add3A_805, %add3A_298], %gather3A_721 : memref<64x512xf32, #tpu.memory_space<vmem>>[vector<16xi32>, vector<16xi32>], vector<16xf32>,
        %iota3A_806 = tpu.iota {dimensions = array<i32: 0>} : vector<16xi32>
        %add3A_807 = arith.constant 6 : i32
        %add3A_808 = vector.broadcast %add3A_807 : i32 to vector<16xi32>
        %add3A_809 = arith.addi %iota3A_806, %add3A_808 : vector<16xi32>
        %and3A_810 = arith.constant 15 : i32
        %and3A_811 = vector.broadcast %and3A_810 : i32 to vector<16xi32>
        %and3A_812 = arith.andi %add3A_809, %and3A_811 : vector<16xi32>
        %add3A_813 = arith.constant 16 : i32
        %add3A_814 = vector.broadcast %add3A_813 : i32 to vector<16xi32>
        %add3A_815 = arith.addi %and3A_812, %add3A_814 : vector<16xi32>
        tpu.vector_store_idx %arg8[%add3A_815, %add3A_298], %gather3A_733 : memref<64x512xf32, #tpu.memory_space<vmem>>[vector<16xi32>, vector<16xi32>], vector<16xf32>,
        %iota3A_816 = tpu.iota {dimensions = array<i32: 0>} : vector<16xi32>
        %add3A_817 = arith.constant 7 : i32
        %add3A_818 = vector.broadcast %add3A_817 : i32 to vector<16xi32>
        %add3A_819 = arith.addi %iota3A_816, %add3A_818 : vector<16xi32>
        %and3A_820 = arith.constant 15 : i32
        %and3A_821 = vector.broadcast %and3A_820 : i32 to vector<16xi32>
        %and3A_822 = arith.andi %add3A_819, %and3A_821 : vector<16xi32>
        %add3A_823 = arith.constant 16 : i32
        %add3A_824 = vector.broadcast %add3A_823 : i32 to vector<16xi32>
        %add3A_825 = arith.addi %and3A_822, %add3A_824 : vector<16xi32>
        tpu.vector_store_idx %arg8[%add3A_825, %add3A_298], %gather3A_745 : memref<64x512xf32, #tpu.memory_space<vmem>>[vector<16xi32>, vector<16xi32>], vector<16xf32>,
        %iota3A_826 = tpu.iota {dimensions = array<i32: 0>} : vector<16xi32>
        %add3A_827 = arith.constant 8 : i32
        %add3A_828 = vector.broadcast %add3A_827 : i32 to vector<16xi32>
        %add3A_829 = arith.addi %iota3A_826, %add3A_828 : vector<16xi32>
        %and3A_830 = arith.constant 15 : i32
        %and3A_831 = vector.broadcast %and3A_830 : i32 to vector<16xi32>
        %and3A_832 = arith.andi %add3A_829, %and3A_831 : vector<16xi32>
        %add3A_833 = arith.constant 16 : i32
        %add3A_834 = vector.broadcast %add3A_833 : i32 to vector<16xi32>
        %add3A_835 = arith.addi %and3A_832, %add3A_834 : vector<16xi32>
        %add3A_836 = arith.addi %mul3A_272, %add3A_835 : vector<16xi32>
        %gather3A_837 = tpu.vector_load_idx %arg7[%add3A_290, %add3A_836] : memref<128x128xf32, #tpu.memory_space<vmem>>[vector<16xi32>, vector<16xi32>], vector<16xf32>,
        %iota3A_838 = tpu.iota {dimensions = array<i32: 0>} : vector<16xi32>
        %add3A_839 = arith.constant 9 : i32
        %add3A_840 = vector.broadcast %add3A_839 : i32 to vector<16xi32>
        %add3A_841 = arith.addi %iota3A_838, %add3A_840 : vector<16xi32>
        %and3A_842 = arith.constant 15 : i32
        %and3A_843 = vector.broadcast %and3A_842 : i32 to vector<16xi32>
        %and3A_844 = arith.andi %add3A_841, %and3A_843 : vector<16xi32>
        %add3A_845 = arith.constant 16 : i32
        %add3A_846 = vector.broadcast %add3A_845 : i32 to vector<16xi32>
        %add3A_847 = arith.addi %and3A_844, %add3A_846 : vector<16xi32>
        %add3A_848 = arith.addi %mul3A_272, %add3A_847 : vector<16xi32>
        %gather3A_849 = tpu.vector_load_idx %arg7[%add3A_290, %add3A_848] : memref<128x128xf32, #tpu.memory_space<vmem>>[vector<16xi32>, vector<16xi32>], vector<16xf32>,
        %iota3A_850 = tpu.iota {dimensions = array<i32: 0>} : vector<16xi32>
        %add3A_851 = arith.constant 10 : i32
        %add3A_852 = vector.broadcast %add3A_851 : i32 to vector<16xi32>
        %add3A_853 = arith.addi %iota3A_850, %add3A_852 : vector<16xi32>
        %and3A_854 = arith.constant 15 : i32
        %and3A_855 = vector.broadcast %and3A_854 : i32 to vector<16xi32>
        %and3A_856 = arith.andi %add3A_853, %and3A_855 : vector<16xi32>
        %add3A_857 = arith.constant 16 : i32
        %add3A_858 = vector.broadcast %add3A_857 : i32 to vector<16xi32>
        %add3A_859 = arith.addi %and3A_856, %add3A_858 : vector<16xi32>
        %add3A_860 = arith.addi %mul3A_272, %add3A_859 : vector<16xi32>
        %gather3A_861 = tpu.vector_load_idx %arg7[%add3A_290, %add3A_860] : memref<128x128xf32, #tpu.memory_space<vmem>>[vector<16xi32>, vector<16xi32>], vector<16xf32>,
        %iota3A_862 = tpu.iota {dimensions = array<i32: 0>} : vector<16xi32>
        %add3A_863 = arith.constant 11 : i32
        %add3A_864 = vector.broadcast %add3A_863 : i32 to vector<16xi32>
        %add3A_865 = arith.addi %iota3A_862, %add3A_864 : vector<16xi32>
        %and3A_866 = arith.constant 15 : i32
        %and3A_867 = vector.broadcast %and3A_866 : i32 to vector<16xi32>
        %and3A_868 = arith.andi %add3A_865, %and3A_867 : vector<16xi32>
        %add3A_869 = arith.constant 16 : i32
        %add3A_870 = vector.broadcast %add3A_869 : i32 to vector<16xi32>
        %add3A_871 = arith.addi %and3A_868, %add3A_870 : vector<16xi32>
        %add3A_872 = arith.addi %mul3A_272, %add3A_871 : vector<16xi32>
        %gather3A_873 = tpu.vector_load_idx %arg7[%add3A_290, %add3A_872] : memref<128x128xf32, #tpu.memory_space<vmem>>[vector<16xi32>, vector<16xi32>], vector<16xf32>,
        %iota3A_874 = tpu.iota {dimensions = array<i32: 0>} : vector<16xi32>
        %add3A_875 = arith.constant 12 : i32
        %add3A_876 = vector.broadcast %add3A_875 : i32 to vector<16xi32>
        %add3A_877 = arith.addi %iota3A_874, %add3A_876 : vector<16xi32>
        %and3A_878 = arith.constant 15 : i32
        %and3A_879 = vector.broadcast %and3A_878 : i32 to vector<16xi32>
        %and3A_880 = arith.andi %add3A_877, %and3A_879 : vector<16xi32>
        %add3A_881 = arith.constant 16 : i32
        %add3A_882 = vector.broadcast %add3A_881 : i32 to vector<16xi32>
        %add3A_883 = arith.addi %and3A_880, %add3A_882 : vector<16xi32>
        %add3A_884 = arith.addi %mul3A_272, %add3A_883 : vector<16xi32>
        %gather3A_885 = tpu.vector_load_idx %arg7[%add3A_290, %add3A_884] : memref<128x128xf32, #tpu.memory_space<vmem>>[vector<16xi32>, vector<16xi32>], vector<16xf32>,
        %iota3A_886 = tpu.iota {dimensions = array<i32: 0>} : vector<16xi32>
        %add3A_887 = arith.constant 13 : i32
        %add3A_888 = vector.broadcast %add3A_887 : i32 to vector<16xi32>
        %add3A_889 = arith.addi %iota3A_886, %add3A_888 : vector<16xi32>
        %and3A_890 = arith.constant 15 : i32
        %and3A_891 = vector.broadcast %and3A_890 : i32 to vector<16xi32>
        %and3A_892 = arith.andi %add3A_889, %and3A_891 : vector<16xi32>
        %add3A_893 = arith.constant 16 : i32
        %add3A_894 = vector.broadcast %add3A_893 : i32 to vector<16xi32>
        %add3A_895 = arith.addi %and3A_892, %add3A_894 : vector<16xi32>
        %add3A_896 = arith.addi %mul3A_272, %add3A_895 : vector<16xi32>
        %gather3A_897 = tpu.vector_load_idx %arg7[%add3A_290, %add3A_896] : memref<128x128xf32, #tpu.memory_space<vmem>>[vector<16xi32>, vector<16xi32>], vector<16xf32>,
        %iota3A_898 = tpu.iota {dimensions = array<i32: 0>} : vector<16xi32>
        %add3A_899 = arith.constant 14 : i32
        %add3A_900 = vector.broadcast %add3A_899 : i32 to vector<16xi32>
        %add3A_901 = arith.addi %iota3A_898, %add3A_900 : vector<16xi32>
        %and3A_902 = arith.constant 15 : i32
        %and3A_903 = vector.broadcast %and3A_902 : i32 to vector<16xi32>
        %and3A_904 = arith.andi %add3A_901, %and3A_903 : vector<16xi32>
        %add3A_905 = arith.constant 16 : i32
        %add3A_906 = vector.broadcast %add3A_905 : i32 to vector<16xi32>
        %add3A_907 = arith.addi %and3A_904, %add3A_906 : vector<16xi32>
        %add3A_908 = arith.addi %mul3A_272, %add3A_907 : vector<16xi32>
        %gather3A_909 = tpu.vector_load_idx %arg7[%add3A_290, %add3A_908] : memref<128x128xf32, #tpu.memory_space<vmem>>[vector<16xi32>, vector<16xi32>], vector<16xf32>,
        %iota3A_910 = tpu.iota {dimensions = array<i32: 0>} : vector<16xi32>
        %add3A_911 = arith.constant 15 : i32
        %add3A_912 = vector.broadcast %add3A_911 : i32 to vector<16xi32>
        %add3A_913 = arith.addi %iota3A_910, %add3A_912 : vector<16xi32>
        %and3A_914 = arith.constant 15 : i32
        %and3A_915 = vector.broadcast %and3A_914 : i32 to vector<16xi32>
        %and3A_916 = arith.andi %add3A_913, %and3A_915 : vector<16xi32>
        %add3A_917 = arith.constant 16 : i32
        %add3A_918 = vector.broadcast %add3A_917 : i32 to vector<16xi32>
        %add3A_919 = arith.addi %and3A_916, %add3A_918 : vector<16xi32>
        %add3A_920 = arith.addi %mul3A_272, %add3A_919 : vector<16xi32>
        %gather3A_921 = tpu.vector_load_idx %arg7[%add3A_290, %add3A_920] : memref<128x128xf32, #tpu.memory_space<vmem>>[vector<16xi32>, vector<16xi32>], vector<16xf32>,
        %iota3A_922 = tpu.iota {dimensions = array<i32: 0>} : vector<16xi32>
        %add3A_923 = arith.constant 8 : i32
        %add3A_924 = vector.broadcast %add3A_923 : i32 to vector<16xi32>
        %add3A_925 = arith.addi %iota3A_922, %add3A_924 : vector<16xi32>
        %and3A_926 = arith.constant 15 : i32
        %and3A_927 = vector.broadcast %and3A_926 : i32 to vector<16xi32>
        %and3A_928 = arith.andi %add3A_925, %and3A_927 : vector<16xi32>
        %add3A_929 = arith.constant 16 : i32
        %add3A_930 = vector.broadcast %add3A_929 : i32 to vector<16xi32>
        %add3A_931 = arith.addi %and3A_928, %add3A_930 : vector<16xi32>
        tpu.vector_store_idx %arg8[%add3A_931, %add3A_298], %gather3A_837 : memref<64x512xf32, #tpu.memory_space<vmem>>[vector<16xi32>, vector<16xi32>], vector<16xf32>,
        %iota3A_932 = tpu.iota {dimensions = array<i32: 0>} : vector<16xi32>
        %add3A_933 = arith.constant 9 : i32
        %add3A_934 = vector.broadcast %add3A_933 : i32 to vector<16xi32>
        %add3A_935 = arith.addi %iota3A_932, %add3A_934 : vector<16xi32>
        %and3A_936 = arith.constant 15 : i32
        %and3A_937 = vector.broadcast %and3A_936 : i32 to vector<16xi32>
        %and3A_938 = arith.andi %add3A_935, %and3A_937 : vector<16xi32>
        %add3A_939 = arith.constant 16 : i32
        %add3A_940 = vector.broadcast %add3A_939 : i32 to vector<16xi32>
        %add3A_941 = arith.addi %and3A_938, %add3A_940 : vector<16xi32>
        tpu.vector_store_idx %arg8[%add3A_941, %add3A_298], %gather3A_849 : memref<64x512xf32, #tpu.memory_space<vmem>>[vector<16xi32>, vector<16xi32>], vector<16xf32>,
        %iota3A_942 = tpu.iota {dimensions = array<i32: 0>} : vector<16xi32>
        %add3A_943 = arith.constant 10 : i32
        %add3A_944 = vector.broadcast %add3A_943 : i32 to vector<16xi32>
        %add3A_945 = arith.addi %iota3A_942, %add3A_944 : vector<16xi32>
        %and3A_946 = arith.constant 15 : i32
        %and3A_947 = vector.broadcast %and3A_946 : i32 to vector<16xi32>
        %and3A_948 = arith.andi %add3A_945, %and3A_947 : vector<16xi32>
        %add3A_949 = arith.constant 16 : i32
        %add3A_950 = vector.broadcast %add3A_949 : i32 to vector<16xi32>
        %add3A_951 = arith.addi %and3A_948, %add3A_950 : vector<16xi32>
        tpu.vector_store_idx %arg8[%add3A_951, %add3A_298], %gather3A_861 : memref<64x512xf32, #tpu.memory_space<vmem>>[vector<16xi32>, vector<16xi32>], vector<16xf32>,
        %iota3A_952 = tpu.iota {dimensions = array<i32: 0>} : vector<16xi32>
        %add3A_953 = arith.constant 11 : i32
        %add3A_954 = vector.broadcast %add3A_953 : i32 to vector<16xi32>
        %add3A_955 = arith.addi %iota3A_952, %add3A_954 : vector<16xi32>
        %and3A_956 = arith.constant 15 : i32
        %and3A_957 = vector.broadcast %and3A_956 : i32 to vector<16xi32>
        %and3A_958 = arith.andi %add3A_955, %and3A_957 : vector<16xi32>
        %add3A_959 = arith.constant 16 : i32
        %add3A_960 = vector.broadcast %add3A_959 : i32 to vector<16xi32>
        %add3A_961 = arith.addi %and3A_958, %add3A_960 : vector<16xi32>
        tpu.vector_store_idx %arg8[%add3A_961, %add3A_298], %gather3A_873 : memref<64x512xf32, #tpu.memory_space<vmem>>[vector<16xi32>, vector<16xi32>], vector<16xf32>,
        %iota3A_962 = tpu.iota {dimensions = array<i32: 0>} : vector<16xi32>
        %add3A_963 = arith.constant 12 : i32
        %add3A_964 = vector.broadcast %add3A_963 : i32 to vector<16xi32>
        %add3A_965 = arith.addi %iota3A_962, %add3A_964 : vector<16xi32>
        %and3A_966 = arith.constant 15 : i32
        %and3A_967 = vector.broadcast %and3A_966 : i32 to vector<16xi32>
        %and3A_968 = arith.andi %add3A_965, %and3A_967 : vector<16xi32>
        %add3A_969 = arith.constant 16 : i32
        %add3A_970 = vector.broadcast %add3A_969 : i32 to vector<16xi32>
        %add3A_971 = arith.addi %and3A_968, %add3A_970 : vector<16xi32>
        tpu.vector_store_idx %arg8[%add3A_971, %add3A_298], %gather3A_885 : memref<64x512xf32, #tpu.memory_space<vmem>>[vector<16xi32>, vector<16xi32>], vector<16xf32>,
        %iota3A_972 = tpu.iota {dimensions = array<i32: 0>} : vector<16xi32>
        %add3A_973 = arith.constant 13 : i32
        %add3A_974 = vector.broadcast %add3A_973 : i32 to vector<16xi32>
        %add3A_975 = arith.addi %iota3A_972, %add3A_974 : vector<16xi32>
        %and3A_976 = arith.constant 15 : i32
        %and3A_977 = vector.broadcast %and3A_976 : i32 to vector<16xi32>
        %and3A_978 = arith.andi %add3A_975, %and3A_977 : vector<16xi32>
        %add3A_979 = arith.constant 16 : i32
        %add3A_980 = vector.broadcast %add3A_979 : i32 to vector<16xi32>
        %add3A_981 = arith.addi %and3A_978, %add3A_980 : vector<16xi32>
        tpu.vector_store_idx %arg8[%add3A_981, %add3A_298], %gather3A_897 : memref<64x512xf32, #tpu.memory_space<vmem>>[vector<16xi32>, vector<16xi32>], vector<16xf32>,
        %iota3A_982 = tpu.iota {dimensions = array<i32: 0>} : vector<16xi32>
        %add3A_983 = arith.constant 14 : i32
        %add3A_984 = vector.broadcast %add3A_983 : i32 to vector<16xi32>
        %add3A_985 = arith.addi %iota3A_982, %add3A_984 : vector<16xi32>
        %and3A_986 = arith.constant 15 : i32
        %and3A_987 = vector.broadcast %and3A_986 : i32 to vector<16xi32>
        %and3A_988 = arith.andi %add3A_985, %and3A_987 : vector<16xi32>
        %add3A_989 = arith.constant 16 : i32
        %add3A_990 = vector.broadcast %add3A_989 : i32 to vector<16xi32>
        %add3A_991 = arith.addi %and3A_988, %add3A_990 : vector<16xi32>
        tpu.vector_store_idx %arg8[%add3A_991, %add3A_298], %gather3A_909 : memref<64x512xf32, #tpu.memory_space<vmem>>[vector<16xi32>, vector<16xi32>], vector<16xf32>,
        %iota3A_992 = tpu.iota {dimensions = array<i32: 0>} : vector<16xi32>
        %add3A_993 = arith.constant 15 : i32
        %add3A_994 = vector.broadcast %add3A_993 : i32 to vector<16xi32>
        %add3A_995 = arith.addi %iota3A_992, %add3A_994 : vector<16xi32>
        %and3A_996 = arith.constant 15 : i32
        %and3A_997 = vector.broadcast %and3A_996 : i32 to vector<16xi32>
        %and3A_998 = arith.andi %add3A_995, %and3A_997 : vector<16xi32>
        %add3A_999 = arith.constant 16 : i32
        %add3A_1000 = vector.broadcast %add3A_999 : i32 to vector<16xi32>
        %add3A_1001 = arith.addi %and3A_998, %add3A_1000 : vector<16xi32>
        tpu.vector_store_idx %arg8[%add3A_1001, %add3A_298], %gather3A_921 : memref<64x512xf32, #tpu.memory_space<vmem>>[vector<16xi32>, vector<16xi32>], vector<16xf32>,
        %iota3A_1002 = tpu.iota {dimensions = array<i32: 0>} : vector<16xi32>
        %add3A_1003 = arith.constant 0 : i32
        %add3A_1004 = vector.broadcast %add3A_1003 : i32 to vector<16xi32>
        %add3A_1005 = arith.addi %iota3A_1002, %add3A_1004 : vector<16xi32>
        %and3A_1006 = arith.constant 15 : i32
        %and3A_1007 = vector.broadcast %and3A_1006 : i32 to vector<16xi32>
        %and3A_1008 = arith.andi %add3A_1005, %and3A_1007 : vector<16xi32>
        %add3A_1009 = arith.constant 32 : i32
        %add3A_1010 = vector.broadcast %add3A_1009 : i32 to vector<16xi32>
        %add3A_1011 = arith.addi %and3A_1008, %add3A_1010 : vector<16xi32>
        %add3A_1012 = arith.addi %mul3A_272, %add3A_1011 : vector<16xi32>
        %gather3A_1013 = tpu.vector_load_idx %arg7[%add3A_290, %add3A_1012] : memref<128x128xf32, #tpu.memory_space<vmem>>[vector<16xi32>, vector<16xi32>], vector<16xf32>,
        %iota3A_1014 = tpu.iota {dimensions = array<i32: 0>} : vector<16xi32>
        %add3A_1015 = arith.constant 1 : i32
        %add3A_1016 = vector.broadcast %add3A_1015 : i32 to vector<16xi32>
        %add3A_1017 = arith.addi %iota3A_1014, %add3A_1016 : vector<16xi32>
        %and3A_1018 = arith.constant 15 : i32
        %and3A_1019 = vector.broadcast %and3A_1018 : i32 to vector<16xi32>
        %and3A_1020 = arith.andi %add3A_1017, %and3A_1019 : vector<16xi32>
        %add3A_1021 = arith.constant 32 : i32
        %add3A_1022 = vector.broadcast %add3A_1021 : i32 to vector<16xi32>
        %add3A_1023 = arith.addi %and3A_1020, %add3A_1022 : vector<16xi32>
        %add3A_1024 = arith.addi %mul3A_272, %add3A_1023 : vector<16xi32>
        %gather3A_1025 = tpu.vector_load_idx %arg7[%add3A_290, %add3A_1024] : memref<128x128xf32, #tpu.memory_space<vmem>>[vector<16xi32>, vector<16xi32>], vector<16xf32>,
        %iota3A_1026 = tpu.iota {dimensions = array<i32: 0>} : vector<16xi32>
        %add3A_1027 = arith.constant 2 : i32
        %add3A_1028 = vector.broadcast %add3A_1027 : i32 to vector<16xi32>
        %add3A_1029 = arith.addi %iota3A_1026, %add3A_1028 : vector<16xi32>
        %and3A_1030 = arith.constant 15 : i32
        %and3A_1031 = vector.broadcast %and3A_1030 : i32 to vector<16xi32>
        %and3A_1032 = arith.andi %add3A_1029, %and3A_1031 : vector<16xi32>
        %add3A_1033 = arith.constant 32 : i32
        %add3A_1034 = vector.broadcast %add3A_1033 : i32 to vector<16xi32>
        %add3A_1035 = arith.addi %and3A_1032, %add3A_1034 : vector<16xi32>
        %add3A_1036 = arith.addi %mul3A_272, %add3A_1035 : vector<16xi32>
        %gather3A_1037 = tpu.vector_load_idx %arg7[%add3A_290, %add3A_1036] : memref<128x128xf32, #tpu.memory_space<vmem>>[vector<16xi32>, vector<16xi32>], vector<16xf32>,
        %iota3A_1038 = tpu.iota {dimensions = array<i32: 0>} : vector<16xi32>
        %add3A_1039 = arith.constant 3 : i32
        %add3A_1040 = vector.broadcast %add3A_1039 : i32 to vector<16xi32>
        %add3A_1041 = arith.addi %iota3A_1038, %add3A_1040 : vector<16xi32>
        %and3A_1042 = arith.constant 15 : i32
        %and3A_1043 = vector.broadcast %and3A_1042 : i32 to vector<16xi32>
        %and3A_1044 = arith.andi %add3A_1041, %and3A_1043 : vector<16xi32>
        %add3A_1045 = arith.constant 32 : i32
        %add3A_1046 = vector.broadcast %add3A_1045 : i32 to vector<16xi32>
        %add3A_1047 = arith.addi %and3A_1044, %add3A_1046 : vector<16xi32>
        %add3A_1048 = arith.addi %mul3A_272, %add3A_1047 : vector<16xi32>
        %gather3A_1049 = tpu.vector_load_idx %arg7[%add3A_290, %add3A_1048] : memref<128x128xf32, #tpu.memory_space<vmem>>[vector<16xi32>, vector<16xi32>], vector<16xf32>,
        %iota3A_1050 = tpu.iota {dimensions = array<i32: 0>} : vector<16xi32>
        %add3A_1051 = arith.constant 4 : i32
        %add3A_1052 = vector.broadcast %add3A_1051 : i32 to vector<16xi32>
        %add3A_1053 = arith.addi %iota3A_1050, %add3A_1052 : vector<16xi32>
        %and3A_1054 = arith.constant 15 : i32
        %and3A_1055 = vector.broadcast %and3A_1054 : i32 to vector<16xi32>
        %and3A_1056 = arith.andi %add3A_1053, %and3A_1055 : vector<16xi32>
        %add3A_1057 = arith.constant 32 : i32
        %add3A_1058 = vector.broadcast %add3A_1057 : i32 to vector<16xi32>
        %add3A_1059 = arith.addi %and3A_1056, %add3A_1058 : vector<16xi32>
        %add3A_1060 = arith.addi %mul3A_272, %add3A_1059 : vector<16xi32>
        %gather3A_1061 = tpu.vector_load_idx %arg7[%add3A_290, %add3A_1060] : memref<128x128xf32, #tpu.memory_space<vmem>>[vector<16xi32>, vector<16xi32>], vector<16xf32>,
        %iota3A_1062 = tpu.iota {dimensions = array<i32: 0>} : vector<16xi32>
        %add3A_1063 = arith.constant 5 : i32
        %add3A_1064 = vector.broadcast %add3A_1063 : i32 to vector<16xi32>
        %add3A_1065 = arith.addi %iota3A_1062, %add3A_1064 : vector<16xi32>
        %and3A_1066 = arith.constant 15 : i32
        %and3A_1067 = vector.broadcast %and3A_1066 : i32 to vector<16xi32>
        %and3A_1068 = arith.andi %add3A_1065, %and3A_1067 : vector<16xi32>
        %add3A_1069 = arith.constant 32 : i32
        %add3A_1070 = vector.broadcast %add3A_1069 : i32 to vector<16xi32>
        %add3A_1071 = arith.addi %and3A_1068, %add3A_1070 : vector<16xi32>
        %add3A_1072 = arith.addi %mul3A_272, %add3A_1071 : vector<16xi32>
        %gather3A_1073 = tpu.vector_load_idx %arg7[%add3A_290, %add3A_1072] : memref<128x128xf32, #tpu.memory_space<vmem>>[vector<16xi32>, vector<16xi32>], vector<16xf32>,
        %iota3A_1074 = tpu.iota {dimensions = array<i32: 0>} : vector<16xi32>
        %add3A_1075 = arith.constant 6 : i32
        %add3A_1076 = vector.broadcast %add3A_1075 : i32 to vector<16xi32>
        %add3A_1077 = arith.addi %iota3A_1074, %add3A_1076 : vector<16xi32>
        %and3A_1078 = arith.constant 15 : i32
        %and3A_1079 = vector.broadcast %and3A_1078 : i32 to vector<16xi32>
        %and3A_1080 = arith.andi %add3A_1077, %and3A_1079 : vector<16xi32>
        %add3A_1081 = arith.constant 32 : i32
        %add3A_1082 = vector.broadcast %add3A_1081 : i32 to vector<16xi32>
        %add3A_1083 = arith.addi %and3A_1080, %add3A_1082 : vector<16xi32>
        %add3A_1084 = arith.addi %mul3A_272, %add3A_1083 : vector<16xi32>
        %gather3A_1085 = tpu.vector_load_idx %arg7[%add3A_290, %add3A_1084] : memref<128x128xf32, #tpu.memory_space<vmem>>[vector<16xi32>, vector<16xi32>], vector<16xf32>,
        %iota3A_1086 = tpu.iota {dimensions = array<i32: 0>} : vector<16xi32>
        %add3A_1087 = arith.constant 7 : i32
        %add3A_1088 = vector.broadcast %add3A_1087 : i32 to vector<16xi32>
        %add3A_1089 = arith.addi %iota3A_1086, %add3A_1088 : vector<16xi32>
        %and3A_1090 = arith.constant 15 : i32
        %and3A_1091 = vector.broadcast %and3A_1090 : i32 to vector<16xi32>
        %and3A_1092 = arith.andi %add3A_1089, %and3A_1091 : vector<16xi32>
        %add3A_1093 = arith.constant 32 : i32
        %add3A_1094 = vector.broadcast %add3A_1093 : i32 to vector<16xi32>
        %add3A_1095 = arith.addi %and3A_1092, %add3A_1094 : vector<16xi32>
        %add3A_1096 = arith.addi %mul3A_272, %add3A_1095 : vector<16xi32>
        %gather3A_1097 = tpu.vector_load_idx %arg7[%add3A_290, %add3A_1096] : memref<128x128xf32, #tpu.memory_space<vmem>>[vector<16xi32>, vector<16xi32>], vector<16xf32>,
        %iota3A_1098 = tpu.iota {dimensions = array<i32: 0>} : vector<16xi32>
        %add3A_1099 = arith.constant 0 : i32
        %add3A_1100 = vector.broadcast %add3A_1099 : i32 to vector<16xi32>
        %add3A_1101 = arith.addi %iota3A_1098, %add3A_1100 : vector<16xi32>
        %and3A_1102 = arith.constant 15 : i32
        %and3A_1103 = vector.broadcast %and3A_1102 : i32 to vector<16xi32>
        %and3A_1104 = arith.andi %add3A_1101, %and3A_1103 : vector<16xi32>
        %add3A_1105 = arith.constant 32 : i32
        %add3A_1106 = vector.broadcast %add3A_1105 : i32 to vector<16xi32>
        %add3A_1107 = arith.addi %and3A_1104, %add3A_1106 : vector<16xi32>
        tpu.vector_store_idx %arg8[%add3A_1107, %add3A_298], %gather3A_1013 : memref<64x512xf32, #tpu.memory_space<vmem>>[vector<16xi32>, vector<16xi32>], vector<16xf32>,
        %iota3A_1108 = tpu.iota {dimensions = array<i32: 0>} : vector<16xi32>
        %add3A_1109 = arith.constant 1 : i32
        %add3A_1110 = vector.broadcast %add3A_1109 : i32 to vector<16xi32>
        %add3A_1111 = arith.addi %iota3A_1108, %add3A_1110 : vector<16xi32>
        %and3A_1112 = arith.constant 15 : i32
        %and3A_1113 = vector.broadcast %and3A_1112 : i32 to vector<16xi32>
        %and3A_1114 = arith.andi %add3A_1111, %and3A_1113 : vector<16xi32>
        %add3A_1115 = arith.constant 32 : i32
        %add3A_1116 = vector.broadcast %add3A_1115 : i32 to vector<16xi32>
        %add3A_1117 = arith.addi %and3A_1114, %add3A_1116 : vector<16xi32>
        tpu.vector_store_idx %arg8[%add3A_1117, %add3A_298], %gather3A_1025 : memref<64x512xf32, #tpu.memory_space<vmem>>[vector<16xi32>, vector<16xi32>], vector<16xf32>,
        %iota3A_1118 = tpu.iota {dimensions = array<i32: 0>} : vector<16xi32>
        %add3A_1119 = arith.constant 2 : i32
        %add3A_1120 = vector.broadcast %add3A_1119 : i32 to vector<16xi32>
        %add3A_1121 = arith.addi %iota3A_1118, %add3A_1120 : vector<16xi32>
        %and3A_1122 = arith.constant 15 : i32
        %and3A_1123 = vector.broadcast %and3A_1122 : i32 to vector<16xi32>
        %and3A_1124 = arith.andi %add3A_1121, %and3A_1123 : vector<16xi32>
        %add3A_1125 = arith.constant 32 : i32
        %add3A_1126 = vector.broadcast %add3A_1125 : i32 to vector<16xi32>
        %add3A_1127 = arith.addi %and3A_1124, %add3A_1126 : vector<16xi32>
        tpu.vector_store_idx %arg8[%add3A_1127, %add3A_298], %gather3A_1037 : memref<64x512xf32, #tpu.memory_space<vmem>>[vector<16xi32>, vector<16xi32>], vector<16xf32>,
        %iota3A_1128 = tpu.iota {dimensions = array<i32: 0>} : vector<16xi32>
        %add3A_1129 = arith.constant 3 : i32
        %add3A_1130 = vector.broadcast %add3A_1129 : i32 to vector<16xi32>
        %add3A_1131 = arith.addi %iota3A_1128, %add3A_1130 : vector<16xi32>
        %and3A_1132 = arith.constant 15 : i32
        %and3A_1133 = vector.broadcast %and3A_1132 : i32 to vector<16xi32>
        %and3A_1134 = arith.andi %add3A_1131, %and3A_1133 : vector<16xi32>
        %add3A_1135 = arith.constant 32 : i32
        %add3A_1136 = vector.broadcast %add3A_1135 : i32 to vector<16xi32>
        %add3A_1137 = arith.addi %and3A_1134, %add3A_1136 : vector<16xi32>
        tpu.vector_store_idx %arg8[%add3A_1137, %add3A_298], %gather3A_1049 : memref<64x512xf32, #tpu.memory_space<vmem>>[vector<16xi32>, vector<16xi32>], vector<16xf32>,
        %iota3A_1138 = tpu.iota {dimensions = array<i32: 0>} : vector<16xi32>
        %add3A_1139 = arith.constant 4 : i32
        %add3A_1140 = vector.broadcast %add3A_1139 : i32 to vector<16xi32>
        %add3A_1141 = arith.addi %iota3A_1138, %add3A_1140 : vector<16xi32>
        %and3A_1142 = arith.constant 15 : i32
        %and3A_1143 = vector.broadcast %and3A_1142 : i32 to vector<16xi32>
        %and3A_1144 = arith.andi %add3A_1141, %and3A_1143 : vector<16xi32>
        %add3A_1145 = arith.constant 32 : i32
        %add3A_1146 = vector.broadcast %add3A_1145 : i32 to vector<16xi32>
        %add3A_1147 = arith.addi %and3A_1144, %add3A_1146 : vector<16xi32>
        tpu.vector_store_idx %arg8[%add3A_1147, %add3A_298], %gather3A_1061 : memref<64x512xf32, #tpu.memory_space<vmem>>[vector<16xi32>, vector<16xi32>], vector<16xf32>,
        %iota3A_1148 = tpu.iota {dimensions = array<i32: 0>} : vector<16xi32>
        %add3A_1149 = arith.constant 5 : i32
        %add3A_1150 = vector.broadcast %add3A_1149 : i32 to vector<16xi32>
        %add3A_1151 = arith.addi %iota3A_1148, %add3A_1150 : vector<16xi32>
        %and3A_1152 = arith.constant 15 : i32
        %and3A_1153 = vector.broadcast %and3A_1152 : i32 to vector<16xi32>
        %and3A_1154 = arith.andi %add3A_1151, %and3A_1153 : vector<16xi32>
        %add3A_1155 = arith.constant 32 : i32
        %add3A_1156 = vector.broadcast %add3A_1155 : i32 to vector<16xi32>
        %add3A_1157 = arith.addi %and3A_1154, %add3A_1156 : vector<16xi32>
        tpu.vector_store_idx %arg8[%add3A_1157, %add3A_298], %gather3A_1073 : memref<64x512xf32, #tpu.memory_space<vmem>>[vector<16xi32>, vector<16xi32>], vector<16xf32>,
        %iota3A_1158 = tpu.iota {dimensions = array<i32: 0>} : vector<16xi32>
        %add3A_1159 = arith.constant 6 : i32
        %add3A_1160 = vector.broadcast %add3A_1159 : i32 to vector<16xi32>
        %add3A_1161 = arith.addi %iota3A_1158, %add3A_1160 : vector<16xi32>
        %and3A_1162 = arith.constant 15 : i32
        %and3A_1163 = vector.broadcast %and3A_1162 : i32 to vector<16xi32>
        %and3A_1164 = arith.andi %add3A_1161, %and3A_1163 : vector<16xi32>
        %add3A_1165 = arith.constant 32 : i32
        %add3A_1166 = vector.broadcast %add3A_1165 : i32 to vector<16xi32>
        %add3A_1167 = arith.addi %and3A_1164, %add3A_1166 : vector<16xi32>
        tpu.vector_store_idx %arg8[%add3A_1167, %add3A_298], %gather3A_1085 : memref<64x512xf32, #tpu.memory_space<vmem>>[vector<16xi32>, vector<16xi32>], vector<16xf32>,
        %iota3A_1168 = tpu.iota {dimensions = array<i32: 0>} : vector<16xi32>
        %add3A_1169 = arith.constant 7 : i32
        %add3A_1170 = vector.broadcast %add3A_1169 : i32 to vector<16xi32>
        %add3A_1171 = arith.addi %iota3A_1168, %add3A_1170 : vector<16xi32>
        %and3A_1172 = arith.constant 15 : i32
        %and3A_1173 = vector.broadcast %and3A_1172 : i32 to vector<16xi32>
        %and3A_1174 = arith.andi %add3A_1171, %and3A_1173 : vector<16xi32>
        %add3A_1175 = arith.constant 32 : i32
        %add3A_1176 = vector.broadcast %add3A_1175 : i32 to vector<16xi32>
        %add3A_1177 = arith.addi %and3A_1174, %add3A_1176 : vector<16xi32>
        tpu.vector_store_idx %arg8[%add3A_1177, %add3A_298], %gather3A_1097 : memref<64x512xf32, #tpu.memory_space<vmem>>[vector<16xi32>, vector<16xi32>], vector<16xf32>,
        %iota3A_1178 = tpu.iota {dimensions = array<i32: 0>} : vector<16xi32>
        %add3A_1179 = arith.constant 8 : i32
        %add3A_1180 = vector.broadcast %add3A_1179 : i32 to vector<16xi32>
        %add3A_1181 = arith.addi %iota3A_1178, %add3A_1180 : vector<16xi32>
        %and3A_1182 = arith.constant 15 : i32
        %and3A_1183 = vector.broadcast %and3A_1182 : i32 to vector<16xi32>
        %and3A_1184 = arith.andi %add3A_1181, %and3A_1183 : vector<16xi32>
        %add3A_1185 = arith.constant 32 : i32
        %add3A_1186 = vector.broadcast %add3A_1185 : i32 to vector<16xi32>
        %add3A_1187 = arith.addi %and3A_1184, %add3A_1186 : vector<16xi32>
        %add3A_1188 = arith.addi %mul3A_272, %add3A_1187 : vector<16xi32>
        %gather3A_1189 = tpu.vector_load_idx %arg7[%add3A_290, %add3A_1188] : memref<128x128xf32, #tpu.memory_space<vmem>>[vector<16xi32>, vector<16xi32>], vector<16xf32>,
        %iota3A_1190 = tpu.iota {dimensions = array<i32: 0>} : vector<16xi32>
        %add3A_1191 = arith.constant 9 : i32
        %add3A_1192 = vector.broadcast %add3A_1191 : i32 to vector<16xi32>
        %add3A_1193 = arith.addi %iota3A_1190, %add3A_1192 : vector<16xi32>
        %and3A_1194 = arith.constant 15 : i32
        %and3A_1195 = vector.broadcast %and3A_1194 : i32 to vector<16xi32>
        %and3A_1196 = arith.andi %add3A_1193, %and3A_1195 : vector<16xi32>
        %add3A_1197 = arith.constant 32 : i32
        %add3A_1198 = vector.broadcast %add3A_1197 : i32 to vector<16xi32>
        %add3A_1199 = arith.addi %and3A_1196, %add3A_1198 : vector<16xi32>
        %add3A_1200 = arith.addi %mul3A_272, %add3A_1199 : vector<16xi32>
        %gather3A_1201 = tpu.vector_load_idx %arg7[%add3A_290, %add3A_1200] : memref<128x128xf32, #tpu.memory_space<vmem>>[vector<16xi32>, vector<16xi32>], vector<16xf32>,
        %iota3A_1202 = tpu.iota {dimensions = array<i32: 0>} : vector<16xi32>
        %add3A_1203 = arith.constant 10 : i32
        %add3A_1204 = vector.broadcast %add3A_1203 : i32 to vector<16xi32>
        %add3A_1205 = arith.addi %iota3A_1202, %add3A_1204 : vector<16xi32>
        %and3A_1206 = arith.constant 15 : i32
        %and3A_1207 = vector.broadcast %and3A_1206 : i32 to vector<16xi32>
        %and3A_1208 = arith.andi %add3A_1205, %and3A_1207 : vector<16xi32>
        %add3A_1209 = arith.constant 32 : i32
        %add3A_1210 = vector.broadcast %add3A_1209 : i32 to vector<16xi32>
        %add3A_1211 = arith.addi %and3A_1208, %add3A_1210 : vector<16xi32>
        %add3A_1212 = arith.addi %mul3A_272, %add3A_1211 : vector<16xi32>
        %gather3A_1213 = tpu.vector_load_idx %arg7[%add3A_290, %add3A_1212] : memref<128x128xf32, #tpu.memory_space<vmem>>[vector<16xi32>, vector<16xi32>], vector<16xf32>,
        %iota3A_1214 = tpu.iota {dimensions = array<i32: 0>} : vector<16xi32>
        %add3A_1215 = arith.constant 11 : i32
        %add3A_1216 = vector.broadcast %add3A_1215 : i32 to vector<16xi32>
        %add3A_1217 = arith.addi %iota3A_1214, %add3A_1216 : vector<16xi32>
        %and3A_1218 = arith.constant 15 : i32
        %and3A_1219 = vector.broadcast %and3A_1218 : i32 to vector<16xi32>
        %and3A_1220 = arith.andi %add3A_1217, %and3A_1219 : vector<16xi32>
        %add3A_1221 = arith.constant 32 : i32
        %add3A_1222 = vector.broadcast %add3A_1221 : i32 to vector<16xi32>
        %add3A_1223 = arith.addi %and3A_1220, %add3A_1222 : vector<16xi32>
        %add3A_1224 = arith.addi %mul3A_272, %add3A_1223 : vector<16xi32>
        %gather3A_1225 = tpu.vector_load_idx %arg7[%add3A_290, %add3A_1224] : memref<128x128xf32, #tpu.memory_space<vmem>>[vector<16xi32>, vector<16xi32>], vector<16xf32>,
        %iota3A_1226 = tpu.iota {dimensions = array<i32: 0>} : vector<16xi32>
        %add3A_1227 = arith.constant 12 : i32
        %add3A_1228 = vector.broadcast %add3A_1227 : i32 to vector<16xi32>
        %add3A_1229 = arith.addi %iota3A_1226, %add3A_1228 : vector<16xi32>
        %and3A_1230 = arith.constant 15 : i32
        %and3A_1231 = vector.broadcast %and3A_1230 : i32 to vector<16xi32>
        %and3A_1232 = arith.andi %add3A_1229, %and3A_1231 : vector<16xi32>
        %add3A_1233 = arith.constant 32 : i32
        %add3A_1234 = vector.broadcast %add3A_1233 : i32 to vector<16xi32>
        %add3A_1235 = arith.addi %and3A_1232, %add3A_1234 : vector<16xi32>
        %add3A_1236 = arith.addi %mul3A_272, %add3A_1235 : vector<16xi32>
        %gather3A_1237 = tpu.vector_load_idx %arg7[%add3A_290, %add3A_1236] : memref<128x128xf32, #tpu.memory_space<vmem>>[vector<16xi32>, vector<16xi32>], vector<16xf32>,
        %iota3A_1238 = tpu.iota {dimensions = array<i32: 0>} : vector<16xi32>
        %add3A_1239 = arith.constant 13 : i32
        %add3A_1240 = vector.broadcast %add3A_1239 : i32 to vector<16xi32>
        %add3A_1241 = arith.addi %iota3A_1238, %add3A_1240 : vector<16xi32>
        %and3A_1242 = arith.constant 15 : i32
        %and3A_1243 = vector.broadcast %and3A_1242 : i32 to vector<16xi32>
        %and3A_1244 = arith.andi %add3A_1241, %and3A_1243 : vector<16xi32>
        %add3A_1245 = arith.constant 32 : i32
        %add3A_1246 = vector.broadcast %add3A_1245 : i32 to vector<16xi32>
        %add3A_1247 = arith.addi %and3A_1244, %add3A_1246 : vector<16xi32>
        %add3A_1248 = arith.addi %mul3A_272, %add3A_1247 : vector<16xi32>
        %gather3A_1249 = tpu.vector_load_idx %arg7[%add3A_290, %add3A_1248] : memref<128x128xf32, #tpu.memory_space<vmem>>[vector<16xi32>, vector<16xi32>], vector<16xf32>,
        %iota3A_1250 = tpu.iota {dimensions = array<i32: 0>} : vector<16xi32>
        %add3A_1251 = arith.constant 14 : i32
        %add3A_1252 = vector.broadcast %add3A_1251 : i32 to vector<16xi32>
        %add3A_1253 = arith.addi %iota3A_1250, %add3A_1252 : vector<16xi32>
        %and3A_1254 = arith.constant 15 : i32
        %and3A_1255 = vector.broadcast %and3A_1254 : i32 to vector<16xi32>
        %and3A_1256 = arith.andi %add3A_1253, %and3A_1255 : vector<16xi32>
        %add3A_1257 = arith.constant 32 : i32
        %add3A_1258 = vector.broadcast %add3A_1257 : i32 to vector<16xi32>
        %add3A_1259 = arith.addi %and3A_1256, %add3A_1258 : vector<16xi32>
        %add3A_1260 = arith.addi %mul3A_272, %add3A_1259 : vector<16xi32>
        %gather3A_1261 = tpu.vector_load_idx %arg7[%add3A_290, %add3A_1260] : memref<128x128xf32, #tpu.memory_space<vmem>>[vector<16xi32>, vector<16xi32>], vector<16xf32>,
        %iota3A_1262 = tpu.iota {dimensions = array<i32: 0>} : vector<16xi32>
        %add3A_1263 = arith.constant 15 : i32
        %add3A_1264 = vector.broadcast %add3A_1263 : i32 to vector<16xi32>
        %add3A_1265 = arith.addi %iota3A_1262, %add3A_1264 : vector<16xi32>
        %and3A_1266 = arith.constant 15 : i32
        %and3A_1267 = vector.broadcast %and3A_1266 : i32 to vector<16xi32>
        %and3A_1268 = arith.andi %add3A_1265, %and3A_1267 : vector<16xi32>
        %add3A_1269 = arith.constant 32 : i32
        %add3A_1270 = vector.broadcast %add3A_1269 : i32 to vector<16xi32>
        %add3A_1271 = arith.addi %and3A_1268, %add3A_1270 : vector<16xi32>
        %add3A_1272 = arith.addi %mul3A_272, %add3A_1271 : vector<16xi32>
        %gather3A_1273 = tpu.vector_load_idx %arg7[%add3A_290, %add3A_1272] : memref<128x128xf32, #tpu.memory_space<vmem>>[vector<16xi32>, vector<16xi32>], vector<16xf32>,
        %iota3A_1274 = tpu.iota {dimensions = array<i32: 0>} : vector<16xi32>
        %add3A_1275 = arith.constant 8 : i32
        %add3A_1276 = vector.broadcast %add3A_1275 : i32 to vector<16xi32>
        %add3A_1277 = arith.addi %iota3A_1274, %add3A_1276 : vector<16xi32>
        %and3A_1278 = arith.constant 15 : i32
        %and3A_1279 = vector.broadcast %and3A_1278 : i32 to vector<16xi32>
        %and3A_1280 = arith.andi %add3A_1277, %and3A_1279 : vector<16xi32>
        %add3A_1281 = arith.constant 32 : i32
        %add3A_1282 = vector.broadcast %add3A_1281 : i32 to vector<16xi32>
        %add3A_1283 = arith.addi %and3A_1280, %add3A_1282 : vector<16xi32>
        tpu.vector_store_idx %arg8[%add3A_1283, %add3A_298], %gather3A_1189 : memref<64x512xf32, #tpu.memory_space<vmem>>[vector<16xi32>, vector<16xi32>], vector<16xf32>,
        %iota3A_1284 = tpu.iota {dimensions = array<i32: 0>} : vector<16xi32>
        %add3A_1285 = arith.constant 9 : i32
        %add3A_1286 = vector.broadcast %add3A_1285 : i32 to vector<16xi32>
        %add3A_1287 = arith.addi %iota3A_1284, %add3A_1286 : vector<16xi32>
        %and3A_1288 = arith.constant 15 : i32
        %and3A_1289 = vector.broadcast %and3A_1288 : i32 to vector<16xi32>
        %and3A_1290 = arith.andi %add3A_1287, %and3A_1289 : vector<16xi32>
        %add3A_1291 = arith.constant 32 : i32
        %add3A_1292 = vector.broadcast %add3A_1291 : i32 to vector<16xi32>
        %add3A_1293 = arith.addi %and3A_1290, %add3A_1292 : vector<16xi32>
        tpu.vector_store_idx %arg8[%add3A_1293, %add3A_298], %gather3A_1201 : memref<64x512xf32, #tpu.memory_space<vmem>>[vector<16xi32>, vector<16xi32>], vector<16xf32>,
        %iota3A_1294 = tpu.iota {dimensions = array<i32: 0>} : vector<16xi32>
        %add3A_1295 = arith.constant 10 : i32
        %add3A_1296 = vector.broadcast %add3A_1295 : i32 to vector<16xi32>
        %add3A_1297 = arith.addi %iota3A_1294, %add3A_1296 : vector<16xi32>
        %and3A_1298 = arith.constant 15 : i32
        %and3A_1299 = vector.broadcast %and3A_1298 : i32 to vector<16xi32>
        %and3A_1300 = arith.andi %add3A_1297, %and3A_1299 : vector<16xi32>
        %add3A_1301 = arith.constant 32 : i32
        %add3A_1302 = vector.broadcast %add3A_1301 : i32 to vector<16xi32>
        %add3A_1303 = arith.addi %and3A_1300, %add3A_1302 : vector<16xi32>
        tpu.vector_store_idx %arg8[%add3A_1303, %add3A_298], %gather3A_1213 : memref<64x512xf32, #tpu.memory_space<vmem>>[vector<16xi32>, vector<16xi32>], vector<16xf32>,
        %iota3A_1304 = tpu.iota {dimensions = array<i32: 0>} : vector<16xi32>
        %add3A_1305 = arith.constant 11 : i32
        %add3A_1306 = vector.broadcast %add3A_1305 : i32 to vector<16xi32>
        %add3A_1307 = arith.addi %iota3A_1304, %add3A_1306 : vector<16xi32>
        %and3A_1308 = arith.constant 15 : i32
        %and3A_1309 = vector.broadcast %and3A_1308 : i32 to vector<16xi32>
        %and3A_1310 = arith.andi %add3A_1307, %and3A_1309 : vector<16xi32>
        %add3A_1311 = arith.constant 32 : i32
        %add3A_1312 = vector.broadcast %add3A_1311 : i32 to vector<16xi32>
        %add3A_1313 = arith.addi %and3A_1310, %add3A_1312 : vector<16xi32>
        tpu.vector_store_idx %arg8[%add3A_1313, %add3A_298], %gather3A_1225 : memref<64x512xf32, #tpu.memory_space<vmem>>[vector<16xi32>, vector<16xi32>], vector<16xf32>,
        %iota3A_1314 = tpu.iota {dimensions = array<i32: 0>} : vector<16xi32>
        %add3A_1315 = arith.constant 12 : i32
        %add3A_1316 = vector.broadcast %add3A_1315 : i32 to vector<16xi32>
        %add3A_1317 = arith.addi %iota3A_1314, %add3A_1316 : vector<16xi32>
        %and3A_1318 = arith.constant 15 : i32
        %and3A_1319 = vector.broadcast %and3A_1318 : i32 to vector<16xi32>
        %and3A_1320 = arith.andi %add3A_1317, %and3A_1319 : vector<16xi32>
        %add3A_1321 = arith.constant 32 : i32
        %add3A_1322 = vector.broadcast %add3A_1321 : i32 to vector<16xi32>
        %add3A_1323 = arith.addi %and3A_1320, %add3A_1322 : vector<16xi32>
        tpu.vector_store_idx %arg8[%add3A_1323, %add3A_298], %gather3A_1237 : memref<64x512xf32, #tpu.memory_space<vmem>>[vector<16xi32>, vector<16xi32>], vector<16xf32>,
        %iota3A_1324 = tpu.iota {dimensions = array<i32: 0>} : vector<16xi32>
        %add3A_1325 = arith.constant 13 : i32
        %add3A_1326 = vector.broadcast %add3A_1325 : i32 to vector<16xi32>
        %add3A_1327 = arith.addi %iota3A_1324, %add3A_1326 : vector<16xi32>
        %and3A_1328 = arith.constant 15 : i32
        %and3A_1329 = vector.broadcast %and3A_1328 : i32 to vector<16xi32>
        %and3A_1330 = arith.andi %add3A_1327, %and3A_1329 : vector<16xi32>
        %add3A_1331 = arith.constant 32 : i32
        %add3A_1332 = vector.broadcast %add3A_1331 : i32 to vector<16xi32>
        %add3A_1333 = arith.addi %and3A_1330, %add3A_1332 : vector<16xi32>
        tpu.vector_store_idx %arg8[%add3A_1333, %add3A_298], %gather3A_1249 : memref<64x512xf32, #tpu.memory_space<vmem>>[vector<16xi32>, vector<16xi32>], vector<16xf32>,
        %iota3A_1334 = tpu.iota {dimensions = array<i32: 0>} : vector<16xi32>
        %add3A_1335 = arith.constant 14 : i32
        %add3A_1336 = vector.broadcast %add3A_1335 : i32 to vector<16xi32>
        %add3A_1337 = arith.addi %iota3A_1334, %add3A_1336 : vector<16xi32>
        %and3A_1338 = arith.constant 15 : i32
        %and3A_1339 = vector.broadcast %and3A_1338 : i32 to vector<16xi32>
        %and3A_1340 = arith.andi %add3A_1337, %and3A_1339 : vector<16xi32>
        %add3A_1341 = arith.constant 32 : i32
        %add3A_1342 = vector.broadcast %add3A_1341 : i32 to vector<16xi32>
        %add3A_1343 = arith.addi %and3A_1340, %add3A_1342 : vector<16xi32>
        tpu.vector_store_idx %arg8[%add3A_1343, %add3A_298], %gather3A_1261 : memref<64x512xf32, #tpu.memory_space<vmem>>[vector<16xi32>, vector<16xi32>], vector<16xf32>,
        %iota3A_1344 = tpu.iota {dimensions = array<i32: 0>} : vector<16xi32>
        %add3A_1345 = arith.constant 15 : i32
        %add3A_1346 = vector.broadcast %add3A_1345 : i32 to vector<16xi32>
        %add3A_1347 = arith.addi %iota3A_1344, %add3A_1346 : vector<16xi32>
        %and3A_1348 = arith.constant 15 : i32
        %and3A_1349 = vector.broadcast %and3A_1348 : i32 to vector<16xi32>
        %and3A_1350 = arith.andi %add3A_1347, %and3A_1349 : vector<16xi32>
        %add3A_1351 = arith.constant 32 : i32
        %add3A_1352 = vector.broadcast %add3A_1351 : i32 to vector<16xi32>
        %add3A_1353 = arith.addi %and3A_1350, %add3A_1352 : vector<16xi32>
        tpu.vector_store_idx %arg8[%add3A_1353, %add3A_298], %gather3A_1273 : memref<64x512xf32, #tpu.memory_space<vmem>>[vector<16xi32>, vector<16xi32>], vector<16xf32>,
        %iota3A_1354 = tpu.iota {dimensions = array<i32: 0>} : vector<16xi32>
        %add3A_1355 = arith.constant 0 : i32
        %add3A_1356 = vector.broadcast %add3A_1355 : i32 to vector<16xi32>
        %add3A_1357 = arith.addi %iota3A_1354, %add3A_1356 : vector<16xi32>
        %and3A_1358 = arith.constant 15 : i32
        %and3A_1359 = vector.broadcast %and3A_1358 : i32 to vector<16xi32>
        %and3A_1360 = arith.andi %add3A_1357, %and3A_1359 : vector<16xi32>
        %add3A_1361 = arith.constant 48 : i32
        %add3A_1362 = vector.broadcast %add3A_1361 : i32 to vector<16xi32>
        %add3A_1363 = arith.addi %and3A_1360, %add3A_1362 : vector<16xi32>
        %add3A_1364 = arith.addi %mul3A_272, %add3A_1363 : vector<16xi32>
        %gather3A_1365 = tpu.vector_load_idx %arg7[%add3A_290, %add3A_1364] : memref<128x128xf32, #tpu.memory_space<vmem>>[vector<16xi32>, vector<16xi32>], vector<16xf32>,
        %iota3A_1366 = tpu.iota {dimensions = array<i32: 0>} : vector<16xi32>
        %add3A_1367 = arith.constant 1 : i32
        %add3A_1368 = vector.broadcast %add3A_1367 : i32 to vector<16xi32>
        %add3A_1369 = arith.addi %iota3A_1366, %add3A_1368 : vector<16xi32>
        %and3A_1370 = arith.constant 15 : i32
        %and3A_1371 = vector.broadcast %and3A_1370 : i32 to vector<16xi32>
        %and3A_1372 = arith.andi %add3A_1369, %and3A_1371 : vector<16xi32>
        %add3A_1373 = arith.constant 48 : i32
        %add3A_1374 = vector.broadcast %add3A_1373 : i32 to vector<16xi32>
        %add3A_1375 = arith.addi %and3A_1372, %add3A_1374 : vector<16xi32>
        %add3A_1376 = arith.addi %mul3A_272, %add3A_1375 : vector<16xi32>
        %gather3A_1377 = tpu.vector_load_idx %arg7[%add3A_290, %add3A_1376] : memref<128x128xf32, #tpu.memory_space<vmem>>[vector<16xi32>, vector<16xi32>], vector<16xf32>,
        %iota3A_1378 = tpu.iota {dimensions = array<i32: 0>} : vector<16xi32>
        %add3A_1379 = arith.constant 2 : i32
        %add3A_1380 = vector.broadcast %add3A_1379 : i32 to vector<16xi32>
        %add3A_1381 = arith.addi %iota3A_1378, %add3A_1380 : vector<16xi32>
        %and3A_1382 = arith.constant 15 : i32
        %and3A_1383 = vector.broadcast %and3A_1382 : i32 to vector<16xi32>
        %and3A_1384 = arith.andi %add3A_1381, %and3A_1383 : vector<16xi32>
        %add3A_1385 = arith.constant 48 : i32
        %add3A_1386 = vector.broadcast %add3A_1385 : i32 to vector<16xi32>
        %add3A_1387 = arith.addi %and3A_1384, %add3A_1386 : vector<16xi32>
        %add3A_1388 = arith.addi %mul3A_272, %add3A_1387 : vector<16xi32>
        %gather3A_1389 = tpu.vector_load_idx %arg7[%add3A_290, %add3A_1388] : memref<128x128xf32, #tpu.memory_space<vmem>>[vector<16xi32>, vector<16xi32>], vector<16xf32>,
        %iota3A_1390 = tpu.iota {dimensions = array<i32: 0>} : vector<16xi32>
        %add3A_1391 = arith.constant 3 : i32
        %add3A_1392 = vector.broadcast %add3A_1391 : i32 to vector<16xi32>
        %add3A_1393 = arith.addi %iota3A_1390, %add3A_1392 : vector<16xi32>
        %and3A_1394 = arith.constant 15 : i32
        %and3A_1395 = vector.broadcast %and3A_1394 : i32 to vector<16xi32>
        %and3A_1396 = arith.andi %add3A_1393, %and3A_1395 : vector<16xi32>
        %add3A_1397 = arith.constant 48 : i32
        %add3A_1398 = vector.broadcast %add3A_1397 : i32 to vector<16xi32>
        %add3A_1399 = arith.addi %and3A_1396, %add3A_1398 : vector<16xi32>
        %add3A_1400 = arith.addi %mul3A_272, %add3A_1399 : vector<16xi32>
        %gather3A_1401 = tpu.vector_load_idx %arg7[%add3A_290, %add3A_1400] : memref<128x128xf32, #tpu.memory_space<vmem>>[vector<16xi32>, vector<16xi32>], vector<16xf32>,
        %iota3A_1402 = tpu.iota {dimensions = array<i32: 0>} : vector<16xi32>
        %add3A_1403 = arith.constant 4 : i32
        %add3A_1404 = vector.broadcast %add3A_1403 : i32 to vector<16xi32>
        %add3A_1405 = arith.addi %iota3A_1402, %add3A_1404 : vector<16xi32>
        %and3A_1406 = arith.constant 15 : i32
        %and3A_1407 = vector.broadcast %and3A_1406 : i32 to vector<16xi32>
        %and3A_1408 = arith.andi %add3A_1405, %and3A_1407 : vector<16xi32>
        %add3A_1409 = arith.constant 48 : i32
        %add3A_1410 = vector.broadcast %add3A_1409 : i32 to vector<16xi32>
        %add3A_1411 = arith.addi %and3A_1408, %add3A_1410 : vector<16xi32>
        %add3A_1412 = arith.addi %mul3A_272, %add3A_1411 : vector<16xi32>
        %gather3A_1413 = tpu.vector_load_idx %arg7[%add3A_290, %add3A_1412] : memref<128x128xf32, #tpu.memory_space<vmem>>[vector<16xi32>, vector<16xi32>], vector<16xf32>,
        %iota3A_1414 = tpu.iota {dimensions = array<i32: 0>} : vector<16xi32>
        %add3A_1415 = arith.constant 5 : i32
        %add3A_1416 = vector.broadcast %add3A_1415 : i32 to vector<16xi32>
        %add3A_1417 = arith.addi %iota3A_1414, %add3A_1416 : vector<16xi32>
        %and3A_1418 = arith.constant 15 : i32
        %and3A_1419 = vector.broadcast %and3A_1418 : i32 to vector<16xi32>
        %and3A_1420 = arith.andi %add3A_1417, %and3A_1419 : vector<16xi32>
        %add3A_1421 = arith.constant 48 : i32
        %add3A_1422 = vector.broadcast %add3A_1421 : i32 to vector<16xi32>
        %add3A_1423 = arith.addi %and3A_1420, %add3A_1422 : vector<16xi32>
        %add3A_1424 = arith.addi %mul3A_272, %add3A_1423 : vector<16xi32>
        %gather3A_1425 = tpu.vector_load_idx %arg7[%add3A_290, %add3A_1424] : memref<128x128xf32, #tpu.memory_space<vmem>>[vector<16xi32>, vector<16xi32>], vector<16xf32>,
        %iota3A_1426 = tpu.iota {dimensions = array<i32: 0>} : vector<16xi32>
        %add3A_1427 = arith.constant 6 : i32
        %add3A_1428 = vector.broadcast %add3A_1427 : i32 to vector<16xi32>
        %add3A_1429 = arith.addi %iota3A_1426, %add3A_1428 : vector<16xi32>
        %and3A_1430 = arith.constant 15 : i32
        %and3A_1431 = vector.broadcast %and3A_1430 : i32 to vector<16xi32>
        %and3A_1432 = arith.andi %add3A_1429, %and3A_1431 : vector<16xi32>
        %add3A_1433 = arith.constant 48 : i32
        %add3A_1434 = vector.broadcast %add3A_1433 : i32 to vector<16xi32>
        %add3A_1435 = arith.addi %and3A_1432, %add3A_1434 : vector<16xi32>
        %add3A_1436 = arith.addi %mul3A_272, %add3A_1435 : vector<16xi32>
        %gather3A_1437 = tpu.vector_load_idx %arg7[%add3A_290, %add3A_1436] : memref<128x128xf32, #tpu.memory_space<vmem>>[vector<16xi32>, vector<16xi32>], vector<16xf32>,
        %iota3A_1438 = tpu.iota {dimensions = array<i32: 0>} : vector<16xi32>
        %add3A_1439 = arith.constant 7 : i32
        %add3A_1440 = vector.broadcast %add3A_1439 : i32 to vector<16xi32>
        %add3A_1441 = arith.addi %iota3A_1438, %add3A_1440 : vector<16xi32>
        %and3A_1442 = arith.constant 15 : i32
        %and3A_1443 = vector.broadcast %and3A_1442 : i32 to vector<16xi32>
        %and3A_1444 = arith.andi %add3A_1441, %and3A_1443 : vector<16xi32>
        %add3A_1445 = arith.constant 48 : i32
        %add3A_1446 = vector.broadcast %add3A_1445 : i32 to vector<16xi32>
        %add3A_1447 = arith.addi %and3A_1444, %add3A_1446 : vector<16xi32>
        %add3A_1448 = arith.addi %mul3A_272, %add3A_1447 : vector<16xi32>
        %gather3A_1449 = tpu.vector_load_idx %arg7[%add3A_290, %add3A_1448] : memref<128x128xf32, #tpu.memory_space<vmem>>[vector<16xi32>, vector<16xi32>], vector<16xf32>,
        %iota3A_1450 = tpu.iota {dimensions = array<i32: 0>} : vector<16xi32>
        %add3A_1451 = arith.constant 0 : i32
        %add3A_1452 = vector.broadcast %add3A_1451 : i32 to vector<16xi32>
        %add3A_1453 = arith.addi %iota3A_1450, %add3A_1452 : vector<16xi32>
        %and3A_1454 = arith.constant 15 : i32
        %and3A_1455 = vector.broadcast %and3A_1454 : i32 to vector<16xi32>
        %and3A_1456 = arith.andi %add3A_1453, %and3A_1455 : vector<16xi32>
        %add3A_1457 = arith.constant 48 : i32
        %add3A_1458 = vector.broadcast %add3A_1457 : i32 to vector<16xi32>
        %add3A_1459 = arith.addi %and3A_1456, %add3A_1458 : vector<16xi32>
        tpu.vector_store_idx %arg8[%add3A_1459, %add3A_298], %gather3A_1365 : memref<64x512xf32, #tpu.memory_space<vmem>>[vector<16xi32>, vector<16xi32>], vector<16xf32>,
        %iota3A_1460 = tpu.iota {dimensions = array<i32: 0>} : vector<16xi32>
        %add3A_1461 = arith.constant 1 : i32
        %add3A_1462 = vector.broadcast %add3A_1461 : i32 to vector<16xi32>
        %add3A_1463 = arith.addi %iota3A_1460, %add3A_1462 : vector<16xi32>
        %and3A_1464 = arith.constant 15 : i32
        %and3A_1465 = vector.broadcast %and3A_1464 : i32 to vector<16xi32>
        %and3A_1466 = arith.andi %add3A_1463, %and3A_1465 : vector<16xi32>
        %add3A_1467 = arith.constant 48 : i32
        %add3A_1468 = vector.broadcast %add3A_1467 : i32 to vector<16xi32>
        %add3A_1469 = arith.addi %and3A_1466, %add3A_1468 : vector<16xi32>
        tpu.vector_store_idx %arg8[%add3A_1469, %add3A_298], %gather3A_1377 : memref<64x512xf32, #tpu.memory_space<vmem>>[vector<16xi32>, vector<16xi32>], vector<16xf32>,
        %iota3A_1470 = tpu.iota {dimensions = array<i32: 0>} : vector<16xi32>
        %add3A_1471 = arith.constant 2 : i32
        %add3A_1472 = vector.broadcast %add3A_1471 : i32 to vector<16xi32>
        %add3A_1473 = arith.addi %iota3A_1470, %add3A_1472 : vector<16xi32>
        %and3A_1474 = arith.constant 15 : i32
        %and3A_1475 = vector.broadcast %and3A_1474 : i32 to vector<16xi32>
        %and3A_1476 = arith.andi %add3A_1473, %and3A_1475 : vector<16xi32>
        %add3A_1477 = arith.constant 48 : i32
        %add3A_1478 = vector.broadcast %add3A_1477 : i32 to vector<16xi32>
        %add3A_1479 = arith.addi %and3A_1476, %add3A_1478 : vector<16xi32>
        tpu.vector_store_idx %arg8[%add3A_1479, %add3A_298], %gather3A_1389 : memref<64x512xf32, #tpu.memory_space<vmem>>[vector<16xi32>, vector<16xi32>], vector<16xf32>,
        %iota3A_1480 = tpu.iota {dimensions = array<i32: 0>} : vector<16xi32>
        %add3A_1481 = arith.constant 3 : i32
        %add3A_1482 = vector.broadcast %add3A_1481 : i32 to vector<16xi32>
        %add3A_1483 = arith.addi %iota3A_1480, %add3A_1482 : vector<16xi32>
        %and3A_1484 = arith.constant 15 : i32
        %and3A_1485 = vector.broadcast %and3A_1484 : i32 to vector<16xi32>
        %and3A_1486 = arith.andi %add3A_1483, %and3A_1485 : vector<16xi32>
        %add3A_1487 = arith.constant 48 : i32
        %add3A_1488 = vector.broadcast %add3A_1487 : i32 to vector<16xi32>
        %add3A_1489 = arith.addi %and3A_1486, %add3A_1488 : vector<16xi32>
        tpu.vector_store_idx %arg8[%add3A_1489, %add3A_298], %gather3A_1401 : memref<64x512xf32, #tpu.memory_space<vmem>>[vector<16xi32>, vector<16xi32>], vector<16xf32>,
        %iota3A_1490 = tpu.iota {dimensions = array<i32: 0>} : vector<16xi32>
        %add3A_1491 = arith.constant 4 : i32
        %add3A_1492 = vector.broadcast %add3A_1491 : i32 to vector<16xi32>
        %add3A_1493 = arith.addi %iota3A_1490, %add3A_1492 : vector<16xi32>
        %and3A_1494 = arith.constant 15 : i32
        %and3A_1495 = vector.broadcast %and3A_1494 : i32 to vector<16xi32>
        %and3A_1496 = arith.andi %add3A_1493, %and3A_1495 : vector<16xi32>
        %add3A_1497 = arith.constant 48 : i32
        %add3A_1498 = vector.broadcast %add3A_1497 : i32 to vector<16xi32>
        %add3A_1499 = arith.addi %and3A_1496, %add3A_1498 : vector<16xi32>
        tpu.vector_store_idx %arg8[%add3A_1499, %add3A_298], %gather3A_1413 : memref<64x512xf32, #tpu.memory_space<vmem>>[vector<16xi32>, vector<16xi32>], vector<16xf32>,
        %iota3A_1500 = tpu.iota {dimensions = array<i32: 0>} : vector<16xi32>
        %add3A_1501 = arith.constant 5 : i32
        %add3A_1502 = vector.broadcast %add3A_1501 : i32 to vector<16xi32>
        %add3A_1503 = arith.addi %iota3A_1500, %add3A_1502 : vector<16xi32>
        %and3A_1504 = arith.constant 15 : i32
        %and3A_1505 = vector.broadcast %and3A_1504 : i32 to vector<16xi32>
        %and3A_1506 = arith.andi %add3A_1503, %and3A_1505 : vector<16xi32>
        %add3A_1507 = arith.constant 48 : i32
        %add3A_1508 = vector.broadcast %add3A_1507 : i32 to vector<16xi32>
        %add3A_1509 = arith.addi %and3A_1506, %add3A_1508 : vector<16xi32>
        tpu.vector_store_idx %arg8[%add3A_1509, %add3A_298], %gather3A_1425 : memref<64x512xf32, #tpu.memory_space<vmem>>[vector<16xi32>, vector<16xi32>], vector<16xf32>,
        %iota3A_1510 = tpu.iota {dimensions = array<i32: 0>} : vector<16xi32>
        %add3A_1511 = arith.constant 6 : i32
        %add3A_1512 = vector.broadcast %add3A_1511 : i32 to vector<16xi32>
        %add3A_1513 = arith.addi %iota3A_1510, %add3A_1512 : vector<16xi32>
        %and3A_1514 = arith.constant 15 : i32
        %and3A_1515 = vector.broadcast %and3A_1514 : i32 to vector<16xi32>
        %and3A_1516 = arith.andi %add3A_1513, %and3A_1515 : vector<16xi32>
        %add3A_1517 = arith.constant 48 : i32
        %add3A_1518 = vector.broadcast %add3A_1517 : i32 to vector<16xi32>
        %add3A_1519 = arith.addi %and3A_1516, %add3A_1518 : vector<16xi32>
        tpu.vector_store_idx %arg8[%add3A_1519, %add3A_298], %gather3A_1437 : memref<64x512xf32, #tpu.memory_space<vmem>>[vector<16xi32>, vector<16xi32>], vector<16xf32>,
        %iota3A_1520 = tpu.iota {dimensions = array<i32: 0>} : vector<16xi32>
        %add3A_1521 = arith.constant 7 : i32
        %add3A_1522 = vector.broadcast %add3A_1521 : i32 to vector<16xi32>
        %add3A_1523 = arith.addi %iota3A_1520, %add3A_1522 : vector<16xi32>
        %and3A_1524 = arith.constant 15 : i32
        %and3A_1525 = vector.broadcast %and3A_1524 : i32 to vector<16xi32>
        %and3A_1526 = arith.andi %add3A_1523, %and3A_1525 : vector<16xi32>
        %add3A_1527 = arith.constant 48 : i32
        %add3A_1528 = vector.broadcast %add3A_1527 : i32 to vector<16xi32>
        %add3A_1529 = arith.addi %and3A_1526, %add3A_1528 : vector<16xi32>
        tpu.vector_store_idx %arg8[%add3A_1529, %add3A_298], %gather3A_1449 : memref<64x512xf32, #tpu.memory_space<vmem>>[vector<16xi32>, vector<16xi32>], vector<16xf32>,
        %iota3A_1530 = tpu.iota {dimensions = array<i32: 0>} : vector<16xi32>
        %add3A_1531 = arith.constant 8 : i32
        %add3A_1532 = vector.broadcast %add3A_1531 : i32 to vector<16xi32>
        %add3A_1533 = arith.addi %iota3A_1530, %add3A_1532 : vector<16xi32>
        %and3A_1534 = arith.constant 15 : i32
        %and3A_1535 = vector.broadcast %and3A_1534 : i32 to vector<16xi32>
        %and3A_1536 = arith.andi %add3A_1533, %and3A_1535 : vector<16xi32>
        %add3A_1537 = arith.constant 48 : i32
        %add3A_1538 = vector.broadcast %add3A_1537 : i32 to vector<16xi32>
        %add3A_1539 = arith.addi %and3A_1536, %add3A_1538 : vector<16xi32>
        %add3A_1540 = arith.addi %mul3A_272, %add3A_1539 : vector<16xi32>
        %gather3A_1541 = tpu.vector_load_idx %arg7[%add3A_290, %add3A_1540] : memref<128x128xf32, #tpu.memory_space<vmem>>[vector<16xi32>, vector<16xi32>], vector<16xf32>,
        %iota3A_1542 = tpu.iota {dimensions = array<i32: 0>} : vector<16xi32>
        %add3A_1543 = arith.constant 9 : i32
        %add3A_1544 = vector.broadcast %add3A_1543 : i32 to vector<16xi32>
        %add3A_1545 = arith.addi %iota3A_1542, %add3A_1544 : vector<16xi32>
        %and3A_1546 = arith.constant 15 : i32
        %and3A_1547 = vector.broadcast %and3A_1546 : i32 to vector<16xi32>
        %and3A_1548 = arith.andi %add3A_1545, %and3A_1547 : vector<16xi32>
        %add3A_1549 = arith.constant 48 : i32
        %add3A_1550 = vector.broadcast %add3A_1549 : i32 to vector<16xi32>
        %add3A_1551 = arith.addi %and3A_1548, %add3A_1550 : vector<16xi32>
        %add3A_1552 = arith.addi %mul3A_272, %add3A_1551 : vector<16xi32>
        %gather3A_1553 = tpu.vector_load_idx %arg7[%add3A_290, %add3A_1552] : memref<128x128xf32, #tpu.memory_space<vmem>>[vector<16xi32>, vector<16xi32>], vector<16xf32>,
        %iota3A_1554 = tpu.iota {dimensions = array<i32: 0>} : vector<16xi32>
        %add3A_1555 = arith.constant 10 : i32
        %add3A_1556 = vector.broadcast %add3A_1555 : i32 to vector<16xi32>
        %add3A_1557 = arith.addi %iota3A_1554, %add3A_1556 : vector<16xi32>
        %and3A_1558 = arith.constant 15 : i32
        %and3A_1559 = vector.broadcast %and3A_1558 : i32 to vector<16xi32>
        %and3A_1560 = arith.andi %add3A_1557, %and3A_1559 : vector<16xi32>
        %add3A_1561 = arith.constant 48 : i32
        %add3A_1562 = vector.broadcast %add3A_1561 : i32 to vector<16xi32>
        %add3A_1563 = arith.addi %and3A_1560, %add3A_1562 : vector<16xi32>
        %add3A_1564 = arith.addi %mul3A_272, %add3A_1563 : vector<16xi32>
        %gather3A_1565 = tpu.vector_load_idx %arg7[%add3A_290, %add3A_1564] : memref<128x128xf32, #tpu.memory_space<vmem>>[vector<16xi32>, vector<16xi32>], vector<16xf32>,
        %iota3A_1566 = tpu.iota {dimensions = array<i32: 0>} : vector<16xi32>
        %add3A_1567 = arith.constant 11 : i32
        %add3A_1568 = vector.broadcast %add3A_1567 : i32 to vector<16xi32>
        %add3A_1569 = arith.addi %iota3A_1566, %add3A_1568 : vector<16xi32>
        %and3A_1570 = arith.constant 15 : i32
        %and3A_1571 = vector.broadcast %and3A_1570 : i32 to vector<16xi32>
        %and3A_1572 = arith.andi %add3A_1569, %and3A_1571 : vector<16xi32>
        %add3A_1573 = arith.constant 48 : i32
        %add3A_1574 = vector.broadcast %add3A_1573 : i32 to vector<16xi32>
        %add3A_1575 = arith.addi %and3A_1572, %add3A_1574 : vector<16xi32>
        %add3A_1576 = arith.addi %mul3A_272, %add3A_1575 : vector<16xi32>
        %gather3A_1577 = tpu.vector_load_idx %arg7[%add3A_290, %add3A_1576] : memref<128x128xf32, #tpu.memory_space<vmem>>[vector<16xi32>, vector<16xi32>], vector<16xf32>,
        %iota3A_1578 = tpu.iota {dimensions = array<i32: 0>} : vector<16xi32>
        %add3A_1579 = arith.constant 12 : i32
        %add3A_1580 = vector.broadcast %add3A_1579 : i32 to vector<16xi32>
        %add3A_1581 = arith.addi %iota3A_1578, %add3A_1580 : vector<16xi32>
        %and3A_1582 = arith.constant 15 : i32
        %and3A_1583 = vector.broadcast %and3A_1582 : i32 to vector<16xi32>
        %and3A_1584 = arith.andi %add3A_1581, %and3A_1583 : vector<16xi32>
        %add3A_1585 = arith.constant 48 : i32
        %add3A_1586 = vector.broadcast %add3A_1585 : i32 to vector<16xi32>
        %add3A_1587 = arith.addi %and3A_1584, %add3A_1586 : vector<16xi32>
        %add3A_1588 = arith.addi %mul3A_272, %add3A_1587 : vector<16xi32>
        %gather3A_1589 = tpu.vector_load_idx %arg7[%add3A_290, %add3A_1588] : memref<128x128xf32, #tpu.memory_space<vmem>>[vector<16xi32>, vector<16xi32>], vector<16xf32>,
        %iota3A_1590 = tpu.iota {dimensions = array<i32: 0>} : vector<16xi32>
        %add3A_1591 = arith.constant 13 : i32
        %add3A_1592 = vector.broadcast %add3A_1591 : i32 to vector<16xi32>
        %add3A_1593 = arith.addi %iota3A_1590, %add3A_1592 : vector<16xi32>
        %and3A_1594 = arith.constant 15 : i32
        %and3A_1595 = vector.broadcast %and3A_1594 : i32 to vector<16xi32>
        %and3A_1596 = arith.andi %add3A_1593, %and3A_1595 : vector<16xi32>
        %add3A_1597 = arith.constant 48 : i32
        %add3A_1598 = vector.broadcast %add3A_1597 : i32 to vector<16xi32>
        %add3A_1599 = arith.addi %and3A_1596, %add3A_1598 : vector<16xi32>
        %add3A_1600 = arith.addi %mul3A_272, %add3A_1599 : vector<16xi32>
        %gather3A_1601 = tpu.vector_load_idx %arg7[%add3A_290, %add3A_1600] : memref<128x128xf32, #tpu.memory_space<vmem>>[vector<16xi32>, vector<16xi32>], vector<16xf32>,
        %iota3A_1602 = tpu.iota {dimensions = array<i32: 0>} : vector<16xi32>
        %add3A_1603 = arith.constant 14 : i32
        %add3A_1604 = vector.broadcast %add3A_1603 : i32 to vector<16xi32>
        %add3A_1605 = arith.addi %iota3A_1602, %add3A_1604 : vector<16xi32>
        %and3A_1606 = arith.constant 15 : i32
        %and3A_1607 = vector.broadcast %and3A_1606 : i32 to vector<16xi32>
        %and3A_1608 = arith.andi %add3A_1605, %and3A_1607 : vector<16xi32>
        %add3A_1609 = arith.constant 48 : i32
        %add3A_1610 = vector.broadcast %add3A_1609 : i32 to vector<16xi32>
        %add3A_1611 = arith.addi %and3A_1608, %add3A_1610 : vector<16xi32>
        %add3A_1612 = arith.addi %mul3A_272, %add3A_1611 : vector<16xi32>
        %gather3A_1613 = tpu.vector_load_idx %arg7[%add3A_290, %add3A_1612] : memref<128x128xf32, #tpu.memory_space<vmem>>[vector<16xi32>, vector<16xi32>], vector<16xf32>,
        %iota3A_1614 = tpu.iota {dimensions = array<i32: 0>} : vector<16xi32>
        %add3A_1615 = arith.constant 15 : i32
        %add3A_1616 = vector.broadcast %add3A_1615 : i32 to vector<16xi32>
        %add3A_1617 = arith.addi %iota3A_1614, %add3A_1616 : vector<16xi32>
        %and3A_1618 = arith.constant 15 : i32
        %and3A_1619 = vector.broadcast %and3A_1618 : i32 to vector<16xi32>
        %and3A_1620 = arith.andi %add3A_1617, %and3A_1619 : vector<16xi32>
        %add3A_1621 = arith.constant 48 : i32
        %add3A_1622 = vector.broadcast %add3A_1621 : i32 to vector<16xi32>
        %add3A_1623 = arith.addi %and3A_1620, %add3A_1622 : vector<16xi32>
        %add3A_1624 = arith.addi %mul3A_272, %add3A_1623 : vector<16xi32>
        %gather3A_1625 = tpu.vector_load_idx %arg7[%add3A_290, %add3A_1624] : memref<128x128xf32, #tpu.memory_space<vmem>>[vector<16xi32>, vector<16xi32>], vector<16xf32>,
        %iota3A_1626 = tpu.iota {dimensions = array<i32: 0>} : vector<16xi32>
        %add3A_1627 = arith.constant 8 : i32
        %add3A_1628 = vector.broadcast %add3A_1627 : i32 to vector<16xi32>
        %add3A_1629 = arith.addi %iota3A_1626, %add3A_1628 : vector<16xi32>
        %and3A_1630 = arith.constant 15 : i32
        %and3A_1631 = vector.broadcast %and3A_1630 : i32 to vector<16xi32>
        %and3A_1632 = arith.andi %add3A_1629, %and3A_1631 : vector<16xi32>
        %add3A_1633 = arith.constant 48 : i32
        %add3A_1634 = vector.broadcast %add3A_1633 : i32 to vector<16xi32>
        %add3A_1635 = arith.addi %and3A_1632, %add3A_1634 : vector<16xi32>
        tpu.vector_store_idx %arg8[%add3A_1635, %add3A_298], %gather3A_1541 : memref<64x512xf32, #tpu.memory_space<vmem>>[vector<16xi32>, vector<16xi32>], vector<16xf32>,
        %iota3A_1636 = tpu.iota {dimensions = array<i32: 0>} : vector<16xi32>
        %add3A_1637 = arith.constant 9 : i32
        %add3A_1638 = vector.broadcast %add3A_1637 : i32 to vector<16xi32>
        %add3A_1639 = arith.addi %iota3A_1636, %add3A_1638 : vector<16xi32>
        %and3A_1640 = arith.constant 15 : i32
        %and3A_1641 = vector.broadcast %and3A_1640 : i32 to vector<16xi32>
        %and3A_1642 = arith.andi %add3A_1639, %and3A_1641 : vector<16xi32>
        %add3A_1643 = arith.constant 48 : i32
        %add3A_1644 = vector.broadcast %add3A_1643 : i32 to vector<16xi32>
        %add3A_1645 = arith.addi %and3A_1642, %add3A_1644 : vector<16xi32>
        tpu.vector_store_idx %arg8[%add3A_1645, %add3A_298], %gather3A_1553 : memref<64x512xf32, #tpu.memory_space<vmem>>[vector<16xi32>, vector<16xi32>], vector<16xf32>,
        %iota3A_1646 = tpu.iota {dimensions = array<i32: 0>} : vector<16xi32>
        %add3A_1647 = arith.constant 10 : i32
        %add3A_1648 = vector.broadcast %add3A_1647 : i32 to vector<16xi32>
        %add3A_1649 = arith.addi %iota3A_1646, %add3A_1648 : vector<16xi32>
        %and3A_1650 = arith.constant 15 : i32
        %and3A_1651 = vector.broadcast %and3A_1650 : i32 to vector<16xi32>
        %and3A_1652 = arith.andi %add3A_1649, %and3A_1651 : vector<16xi32>
        %add3A_1653 = arith.constant 48 : i32
        %add3A_1654 = vector.broadcast %add3A_1653 : i32 to vector<16xi32>
        %add3A_1655 = arith.addi %and3A_1652, %add3A_1654 : vector<16xi32>
        tpu.vector_store_idx %arg8[%add3A_1655, %add3A_298], %gather3A_1565 : memref<64x512xf32, #tpu.memory_space<vmem>>[vector<16xi32>, vector<16xi32>], vector<16xf32>,
        %iota3A_1656 = tpu.iota {dimensions = array<i32: 0>} : vector<16xi32>
        %add3A_1657 = arith.constant 11 : i32
        %add3A_1658 = vector.broadcast %add3A_1657 : i32 to vector<16xi32>
        %add3A_1659 = arith.addi %iota3A_1656, %add3A_1658 : vector<16xi32>
        %and3A_1660 = arith.constant 15 : i32
        %and3A_1661 = vector.broadcast %and3A_1660 : i32 to vector<16xi32>
        %and3A_1662 = arith.andi %add3A_1659, %and3A_1661 : vector<16xi32>
        %add3A_1663 = arith.constant 48 : i32
        %add3A_1664 = vector.broadcast %add3A_1663 : i32 to vector<16xi32>
        %add3A_1665 = arith.addi %and3A_1662, %add3A_1664 : vector<16xi32>
        tpu.vector_store_idx %arg8[%add3A_1665, %add3A_298], %gather3A_1577 : memref<64x512xf32, #tpu.memory_space<vmem>>[vector<16xi32>, vector<16xi32>], vector<16xf32>,
        %iota3A_1666 = tpu.iota {dimensions = array<i32: 0>} : vector<16xi32>
        %add3A_1667 = arith.constant 12 : i32
        %add3A_1668 = vector.broadcast %add3A_1667 : i32 to vector<16xi32>
        %add3A_1669 = arith.addi %iota3A_1666, %add3A_1668 : vector<16xi32>
        %and3A_1670 = arith.constant 15 : i32
        %and3A_1671 = vector.broadcast %and3A_1670 : i32 to vector<16xi32>
        %and3A_1672 = arith.andi %add3A_1669, %and3A_1671 : vector<16xi32>
        %add3A_1673 = arith.constant 48 : i32
        %add3A_1674 = vector.broadcast %add3A_1673 : i32 to vector<16xi32>
        %add3A_1675 = arith.addi %and3A_1672, %add3A_1674 : vector<16xi32>
        tpu.vector_store_idx %arg8[%add3A_1675, %add3A_298], %gather3A_1589 : memref<64x512xf32, #tpu.memory_space<vmem>>[vector<16xi32>, vector<16xi32>], vector<16xf32>,
        %iota3A_1676 = tpu.iota {dimensions = array<i32: 0>} : vector<16xi32>
        %add3A_1677 = arith.constant 13 : i32
        %add3A_1678 = vector.broadcast %add3A_1677 : i32 to vector<16xi32>
        %add3A_1679 = arith.addi %iota3A_1676, %add3A_1678 : vector<16xi32>
        %and3A_1680 = arith.constant 15 : i32
        %and3A_1681 = vector.broadcast %and3A_1680 : i32 to vector<16xi32>
        %and3A_1682 = arith.andi %add3A_1679, %and3A_1681 : vector<16xi32>
        %add3A_1683 = arith.constant 48 : i32
        %add3A_1684 = vector.broadcast %add3A_1683 : i32 to vector<16xi32>
        %add3A_1685 = arith.addi %and3A_1682, %add3A_1684 : vector<16xi32>
        tpu.vector_store_idx %arg8[%add3A_1685, %add3A_298], %gather3A_1601 : memref<64x512xf32, #tpu.memory_space<vmem>>[vector<16xi32>, vector<16xi32>], vector<16xf32>,
        %iota3A_1686 = tpu.iota {dimensions = array<i32: 0>} : vector<16xi32>
        %add3A_1687 = arith.constant 14 : i32
        %add3A_1688 = vector.broadcast %add3A_1687 : i32 to vector<16xi32>
        %add3A_1689 = arith.addi %iota3A_1686, %add3A_1688 : vector<16xi32>
        %and3A_1690 = arith.constant 15 : i32
        %and3A_1691 = vector.broadcast %and3A_1690 : i32 to vector<16xi32>
        %and3A_1692 = arith.andi %add3A_1689, %and3A_1691 : vector<16xi32>
        %add3A_1693 = arith.constant 48 : i32
        %add3A_1694 = vector.broadcast %add3A_1693 : i32 to vector<16xi32>
        %add3A_1695 = arith.addi %and3A_1692, %add3A_1694 : vector<16xi32>
        tpu.vector_store_idx %arg8[%add3A_1695, %add3A_298], %gather3A_1613 : memref<64x512xf32, #tpu.memory_space<vmem>>[vector<16xi32>, vector<16xi32>], vector<16xf32>,
        %iota3A_1696 = tpu.iota {dimensions = array<i32: 0>} : vector<16xi32>
        %add3A_1697 = arith.constant 15 : i32
        %add3A_1698 = vector.broadcast %add3A_1697 : i32 to vector<16xi32>
        %add3A_1699 = arith.addi %iota3A_1696, %add3A_1698 : vector<16xi32>
        %and3A_1700 = arith.constant 15 : i32
        %and3A_1701 = vector.broadcast %and3A_1700 : i32 to vector<16xi32>
        %and3A_1702 = arith.andi %add3A_1699, %and3A_1701 : vector<16xi32>
        %add3A_1703 = arith.constant 48 : i32
        %add3A_1704 = vector.broadcast %add3A_1703 : i32 to vector<16xi32>
        %add3A_1705 = arith.addi %and3A_1702, %add3A_1704 : vector<16xi32>
        tpu.vector_store_idx %arg8[%add3A_1705, %add3A_298], %gather3A_1625 : memref<64x512xf32, #tpu.memory_space<vmem>>[vector<16xi32>, vector<16xi32>], vector<16xf32>,
      }
      %scan3A_255 = arith.constant 4 : i32
    }
    %scan3A_234 = arith.constant 8 : i32
    "tpu.region"() ({
      %run_scoped3A = tpu.sem_alloc : memref<!tpu.dma_semaphore, #tpu.memory_space<semaphore_mem>>
      %dma_start3A_235 = arith.constant 0 : i32
      %dma_start3A_236 = tpu.memref_slice %arg4[%dma_start3A_235, %mul3A_2] : memref<64x16384xf32, #tpu.memory_space<hbm>> -> memref<64x512xf32, #tpu.memory_space<hbm>>
      %dma_start3A_237 = arith.constant 0 : i32
      %dma_start3A_238 = tpu.memref_slice %arg4[%dma_start3A_237, %mul3A_2] : memref<64x16384xf32, #tpu.memory_space<hbm>> -> memref<64x512xf32, #tpu.memory_space<hbm>>
      tpu.enqueue_dma source(%arg8 : memref<64x512xf32, #tpu.memory_space<vmem>>) target(%dma_start3A_238 : memref<64x512xf32, #tpu.memory_space<hbm>>) target_semaphore(%run_scoped3A : memref<!tpu.dma_semaphore, #tpu.memory_space<semaphore_mem>>)
      %dma_wait3A = arith.constant 0 : i32
      %dma_wait3A_239 = tpu.memref_slice %arg4[%dma_wait3A, %mul3A_2] : memref<64x16384xf32, #tpu.memory_space<hbm>> -> memref<64x512xf32, #tpu.memory_space<hbm>>
      %dma_wait3A_240 = arith.constant 0 : i32
      %dma_wait3A_241 = tpu.memref_slice %arg4[%dma_wait3A_240, %mul3A_2] : memref<64x16384xf32, #tpu.memory_space<hbm>> -> memref<64x512xf32, #tpu.memory_space<hbm>>
      tpu.wait_dma2 semaphore(%run_scoped3A : memref<!tpu.dma_semaphore, #tpu.memory_space<semaphore_mem>>) src(%arg8 : memref<64x512xf32, #tpu.memory_space<vmem>>) dst(%dma_wait3A_241 : memref<64x512xf32, #tpu.memory_space<hbm>>)
      tpu.yield
    }) : () -> ()
    return
  }
}

#map = affine_map<(d0, d1) -> (0, 0)>
module attributes {stable_mosaic.version = 14 : i64} {
  func.func @k(%arg0: i32, %arg1: i32, %arg2: memref<64x100000xf32, #tpu.memory_space<hbm>>, %arg3: memref<16x128xf32, #tpu.memory_space<hbm>>, %arg4: memref<50000x128xf32, #tpu.memory_space<hbm>>, %arg5: memref<128x128xf32, #tpu.memory_space<vmem>>, %arg6: memref<64x128xf32, #tpu.memory_space<vmem>>, %arg7: memref<16x128xf32, #tpu.memory_space<vmem>>, %arg8: memref<!tpu.dma_semaphore, #tpu.memory_space<semaphore_mem>>, %arg9: memref<!tpu.dma_semaphore, #tpu.memory_space<semaphore_mem>>) attributes {dimension_semantics = [#tpu.dimension_semantics<core_parallel>, #tpu.dimension_semantics<subcore_parallel>], iteration_bounds = array<i64: 2, 16>, scalar_prefetch = 0 : i64, scratch_operands = 5 : i64, tpu.core_type = #tpu.core_type<sc_vector_subcore>, window_params = [{transform_indices = #map}, {transform_indices = #map}, {transform_indices = #map}]} {
    %mul3A = arith.constant 2 : i32
    %mul3A_0 = arith.muli %arg1, %mul3A : i32
    %add3A = arith.addi %mul3A_0, %arg0 : i32
    %eq3A = arith.constant 31 : i32
    %eq3A_1 = arith.cmpi eq, %add3A, %eq3A : i32
    %convert_element_type3A = arith.extui %eq3A_1 : i1 to i32
    %cond3A = arith.constant 0 : i32
    %cond3A_2 = arith.cmpi ne, %convert_element_type3A, %cond3A : i32
    scf.if %cond3A_2 {
      "tpu.region"() ({
        %run_scoped3A = tpu.sem_alloc : memref<!tpu.dma_semaphore, #tpu.memory_space<semaphore_mem>>
        tpu.enqueue_dma source(%arg3 : memref<16x128xf32, #tpu.memory_space<hbm>>) target(%arg7 : memref<16x128xf32, #tpu.memory_space<vmem>>) target_semaphore(%run_scoped3A : memref<!tpu.dma_semaphore, #tpu.memory_space<semaphore_mem>>)
        tpu.wait_dma2 semaphore(%run_scoped3A : memref<!tpu.dma_semaphore, #tpu.memory_space<semaphore_mem>>) src(%arg3 : memref<16x128xf32, #tpu.memory_space<hbm>>) dst(%arg7 : memref<16x128xf32, #tpu.memory_space<vmem>>)
        tpu.yield
      }) : () -> ()
      "tpu.region"() ({
        %run_scoped3A = tpu.sem_alloc : memref<!tpu.dma_semaphore, #tpu.memory_space<semaphore_mem>>
        %dma_start3A_23 = arith.constant 49984 : i32
        %dma_start3A_24 = arith.constant 0 : i32
        %dma_start3A_25 = tpu.memref_slice %arg4[%dma_start3A_23, %dma_start3A_24] : memref<50000x128xf32, #tpu.memory_space<hbm>> -> memref<16x128xf32, #tpu.memory_space<hbm>>
        %dma_start3A_26 = arith.constant 49984 : i32
        %dma_start3A_27 = arith.constant 0 : i32
        %dma_start3A_28 = tpu.memref_slice %arg4[%dma_start3A_26, %dma_start3A_27] : memref<50000x128xf32, #tpu.memory_space<hbm>> -> memref<16x128xf32, #tpu.memory_space<hbm>>
        tpu.enqueue_dma source(%arg7 : memref<16x128xf32, #tpu.memory_space<vmem>>) target(%dma_start3A_28 : memref<16x128xf32, #tpu.memory_space<hbm>>) target_semaphore(%run_scoped3A : memref<!tpu.dma_semaphore, #tpu.memory_space<semaphore_mem>>)
        %dma_wait3A_29 = arith.constant 49984 : i32
        %dma_wait3A_30 = arith.constant 0 : i32
        %dma_wait3A_31 = tpu.memref_slice %arg4[%dma_wait3A_29, %dma_wait3A_30] : memref<50000x128xf32, #tpu.memory_space<hbm>> -> memref<16x128xf32, #tpu.memory_space<hbm>>
        %dma_wait3A_32 = arith.constant 49984 : i32
        %dma_wait3A_33 = arith.constant 0 : i32
        %dma_wait3A_34 = tpu.memref_slice %arg4[%dma_wait3A_32, %dma_wait3A_33] : memref<50000x128xf32, #tpu.memory_space<hbm>> -> memref<16x128xf32, #tpu.memory_space<hbm>>
        tpu.wait_dma2 semaphore(%run_scoped3A : memref<!tpu.dma_semaphore, #tpu.memory_space<semaphore_mem>>) src(%arg7 : memref<16x128xf32, #tpu.memory_space<vmem>>) dst(%dma_wait3A_34 : memref<16x128xf32, #tpu.memory_space<hbm>>)
        tpu.yield
      }) : () -> ()
    } else {
    }
    %mul3A_3 = arith.constant 128 : i32
    %mul3A_4 = arith.muli %add3A, %mul3A_3 : i32
    %dma_start3A = arith.constant 0 : i32
    %dma_start3A_5 = arith.constant 0 : i32
    %dma_start3A_6 = tpu.memref_slice %arg5[%dma_start3A, %dma_start3A_5] : memref<128x128xf32, #tpu.memory_space<vmem>> -> memref<64x128xf32, #tpu.memory_space<vmem>>
    %dma_start3A_7 = arith.constant 0 : i32
    %dma_start3A_8 = tpu.memref_slice %arg2[%dma_start3A_7, %mul3A_4] : memref<64x100000xf32, #tpu.memory_space<hbm>> -> memref<64x128xf32, #tpu.memory_space<hbm>>
    %dma_start3A_9 = arith.constant 0 : i32
    %dma_start3A_10 = arith.constant 0 : i32
    %dma_start3A_11 = tpu.memref_slice %arg5[%dma_start3A_9, %dma_start3A_10] : memref<128x128xf32, #tpu.memory_space<vmem>> -> memref<64x128xf32, #tpu.memory_space<vmem>>
    %dma_start3A_12 = arith.constant 0 : i32
    %dma_start3A_13 = tpu.memref_slice %arg2[%dma_start3A_12, %mul3A_4] : memref<64x100000xf32, #tpu.memory_space<hbm>> -> memref<64x128xf32, #tpu.memory_space<hbm>>
    tpu.enqueue_dma source(%dma_start3A_13 : memref<64x128xf32, #tpu.memory_space<hbm>>) target(%dma_start3A_11 : memref<64x128xf32, #tpu.memory_space<vmem>>) target_semaphore(%arg8 : memref<!tpu.dma_semaphore, #tpu.memory_space<semaphore_mem>>)
    %scan3A = arith.constant 0 : i32
    %scan3A_14 = arith.constant 25 : i32
    %scan3A_15 = arith.addi %scan3A, %scan3A_14 : i32
    %scan3A_16 = arith.constant 1 : i32
    scf.for %scan3A_23 = %scan3A to %scan3A_15 step %scan3A_16  : i32 {
      %mul3A_24 = arith.constant 1 : i32
      %mul3A_25 = arith.muli %scan3A_23, %mul3A_24 : i32
      %add3A_26 = arith.constant 0 : i32
      %add3A_27 = arith.addi %add3A_26, %mul3A_25 : i32
      %mul3A_28 = arith.constant 32 : i32
      %mul3A_29 = arith.muli %add3A_27, %mul3A_28 : i32
      %add3A_30 = arith.addi %mul3A_29, %add3A : i32
      %jit3A = arith.constant 2 : i32
      %eq3A_31 = arith.constant 0 : i32
      %eq3A_32 = arith.cmpi eq, %jit3A, %eq3A_31 : i32
      %jit3A_33 = arith.constant 1 : i32
      %select_n3A = arith.select %eq3A_32, %jit3A_33, %jit3A : i32
      %rem3A = arith.remsi %add3A_27, %select_n3A : i32
      %ne3A = arith.constant 0 : i32
      %ne3A_34 = arith.cmpi ne, %rem3A, %ne3A : i32
      %lt3A = arith.constant 0 : i32
      %lt3A_35 = arith.cmpi slt, %rem3A, %lt3A : i32
      %lt3A_36 = arith.constant 0 : i32
      %lt3A_37 = arith.cmpi slt, %select_n3A, %lt3A_36 : i32
      %ne3A_38 = arith.xori %lt3A_35, %lt3A_37 : i1
      %and3A = arith.andi %ne3A_38, %ne3A_34 : i1
      %add3A_39 = arith.addi %rem3A, %select_n3A : i32
      %select_n3A_40 = arith.select %and3A, %add3A_39, %rem3A : i32
      %mul3A_41 = arith.constant 64 : i32
      %mul3A_42 = arith.muli %select_n3A_40, %mul3A_41 : i32
      %add3A_43 = arith.constant 32 : i32
      %add3A_44 = arith.addi %add3A_30, %add3A_43 : i32
      %lt3A_45 = arith.constant 781 : i32
      %lt3A_46 = arith.cmpi slt, %add3A_30, %lt3A_45 : i32
      %convert_element_type3A_47 = arith.extui %lt3A_46 : i1 to i32
      %cond3A_48 = arith.constant 0 : i32
      %cond3A_49 = arith.cmpi ne, %convert_element_type3A_47, %cond3A_48 : i32
      scf.if %cond3A_49 {
        %dma_wait3A_50 = arith.constant 0 : i32
        %dma_wait3A_51 = arith.constant 0 : i32
        %dma_wait3A_52 = tpu.memref_slice %arg5[%dma_wait3A_50, %dma_wait3A_51] : memref<128x128xf32, #tpu.memory_space<vmem>> -> memref<64x128xf32, #tpu.memory_space<vmem>>
        %dma_wait3A_53 = arith.constant 0 : i32
        %dma_wait3A_54 = arith.constant 0 : i32
        %dma_wait3A_55 = tpu.memref_slice %arg2[%dma_wait3A_53, %dma_wait3A_54] : memref<64x100000xf32, #tpu.memory_space<hbm>> -> memref<64x128xf32, #tpu.memory_space<hbm>>
        %dma_wait3A_56 = arith.constant 0 : i32
        %dma_wait3A_57 = arith.constant 0 : i32
        %dma_wait3A_58 = tpu.memref_slice %arg5[%dma_wait3A_56, %dma_wait3A_57] : memref<128x128xf32, #tpu.memory_space<vmem>> -> memref<64x128xf32, #tpu.memory_space<vmem>>
        %dma_wait3A_59 = arith.constant 0 : i32
        %dma_wait3A_60 = arith.constant 0 : i32
        %dma_wait3A_61 = tpu.memref_slice %arg2[%dma_wait3A_59, %dma_wait3A_60] : memref<64x100000xf32, #tpu.memory_space<hbm>> -> memref<64x128xf32, #tpu.memory_space<hbm>>
        tpu.wait_dma2 semaphore(%arg8 : memref<!tpu.dma_semaphore, #tpu.memory_space<semaphore_mem>>) src(%dma_wait3A_61 : memref<64x128xf32, #tpu.memory_space<hbm>>) dst(%dma_wait3A_58 : memref<64x128xf32, #tpu.memory_space<vmem>>)
        %lt3A_62 = arith.constant 781 : i32
        %lt3A_63 = arith.cmpi slt, %add3A_44, %lt3A_62 : i32
        %convert_element_type3A_64 = arith.extui %lt3A_63 : i1 to i32
        %cond3A_65 = arith.constant 0 : i32
        %cond3A_66 = arith.cmpi ne, %convert_element_type3A_64, %cond3A_65 : i32
        scf.if %cond3A_66 {
          %add3A_82 = arith.constant 1 : i32
          %add3A_83 = arith.addi %add3A_27, %add3A_82 : i32
          %jit3A_84 = arith.constant 2 : i32
          %eq3A_85 = arith.constant 0 : i32
          %eq3A_86 = arith.cmpi eq, %jit3A_84, %eq3A_85 : i32
          %jit3A_87 = arith.constant 1 : i32
          %select_n3A_88 = arith.select %eq3A_86, %jit3A_87, %jit3A_84 : i32
          %rem3A_89 = arith.remsi %add3A_83, %select_n3A_88 : i32
          %ne3A_90 = arith.constant 0 : i32
          %ne3A_91 = arith.cmpi ne, %rem3A_89, %ne3A_90 : i32
          %lt3A_92 = arith.constant 0 : i32
          %lt3A_93 = arith.cmpi slt, %rem3A_89, %lt3A_92 : i32
          %lt3A_94 = arith.constant 0 : i32
          %lt3A_95 = arith.cmpi slt, %select_n3A_88, %lt3A_94 : i32
          %ne3A_96 = arith.xori %lt3A_93, %lt3A_95 : i1
          %and3A_97 = arith.andi %ne3A_96, %ne3A_91 : i1
          %add3A_98 = arith.addi %rem3A_89, %select_n3A_88 : i32
          %select_n3A_99 = arith.select %and3A_97, %add3A_98, %rem3A_89 : i32
          %mul3A_100 = arith.constant 128 : i32
          %mul3A_101 = arith.muli %add3A_44, %mul3A_100 : i32
          %mul3A_102 = arith.constant 64 : i32
          %mul3A_103 = arith.muli %select_n3A_99, %mul3A_102 : i32
          %dma_start3A_104 = arith.constant 0 : i32
          %dma_start3A_105 = tpu.memref_slice %arg5[%mul3A_103, %dma_start3A_104] : memref<128x128xf32, #tpu.memory_space<vmem>> -> memref<64x128xf32, #tpu.memory_space<vmem>>
          %dma_start3A_106 = arith.constant 0 : i32
          %dma_start3A_107 = tpu.memref_slice %arg2[%dma_start3A_106, %mul3A_101] : memref<64x100000xf32, #tpu.memory_space<hbm>> -> memref<64x128xf32, #tpu.memory_space<hbm>>
          %dma_start3A_108 = arith.constant 0 : i32
          %dma_start3A_109 = tpu.memref_slice %arg5[%mul3A_103, %dma_start3A_108] : memref<128x128xf32, #tpu.memory_space<vmem>> -> memref<64x128xf32, #tpu.memory_space<vmem>>
          %dma_start3A_110 = arith.constant 0 : i32
          %dma_start3A_111 = tpu.memref_slice %arg2[%dma_start3A_110, %mul3A_101] : memref<64x100000xf32, #tpu.memory_space<hbm>> -> memref<64x128xf32, #tpu.memory_space<hbm>>
          tpu.enqueue_dma source(%dma_start3A_111 : memref<64x128xf32, #tpu.memory_space<hbm>>) target(%dma_start3A_109 : memref<64x128xf32, #tpu.memory_space<vmem>>) target_semaphore(%arg8 : memref<!tpu.dma_semaphore, #tpu.memory_space<semaphore_mem>>)
        } else {
        }
        %gt3A = arith.constant 0 : i32
        %gt3A_67 = arith.cmpi sgt, %add3A_27, %gt3A : i32
        %convert_element_type3A_68 = arith.extui %gt3A_67 : i1 to i32
        %cond3A_69 = arith.constant 0 : i32
        %cond3A_70 = arith.cmpi ne, %convert_element_type3A_68, %cond3A_69 : i32
        scf.if %cond3A_70 {
          %dma_wait3A_82 = arith.constant 0 : i32
          %dma_wait3A_83 = arith.constant 0 : i32
          %dma_wait3A_84 = tpu.memref_slice %arg4[%dma_wait3A_82, %dma_wait3A_83] : memref<50000x128xf32, #tpu.memory_space<hbm>> -> memref<64x128xf32, #tpu.memory_space<hbm>>
          %dma_wait3A_85 = arith.constant 0 : i32
          %dma_wait3A_86 = arith.constant 0 : i32
          %dma_wait3A_87 = tpu.memref_slice %arg4[%dma_wait3A_85, %dma_wait3A_86] : memref<50000x128xf32, #tpu.memory_space<hbm>> -> memref<64x128xf32, #tpu.memory_space<hbm>>
          tpu.wait_dma2 semaphore(%arg9 : memref<!tpu.dma_semaphore, #tpu.memory_space<semaphore_mem>>) src(%arg6 : memref<64x128xf32, #tpu.memory_space<vmem>>) dst(%dma_wait3A_87 : memref<64x128xf32, #tpu.memory_space<hbm>>)
        } else {
        }
        %scan3A_71 = arith.constant 0 : i32
        %scan3A_72 = arith.constant 8 : i32
        %scan3A_73 = arith.addi %scan3A_71, %scan3A_72 : i32
        %scan3A_74 = arith.constant 1 : i32
        scf.for %scan3A_82 = %scan3A_71 to %scan3A_73 step %scan3A_74  : i32 {
          %mul3A_83 = arith.constant 1 : i32
          %mul3A_84 = arith.muli %scan3A_82, %mul3A_83 : i32
          %add3A_85 = arith.constant 0 : i32
          %add3A_86 = arith.addi %add3A_85, %mul3A_84 : i32
          %mul3A_87 = arith.constant 16 : i32
          %mul3A_88 = arith.muli %add3A_86, %mul3A_87 : i32
          %mul3A_89 = arith.constant 8 : i32
          %mul3A_90 = arith.muli %add3A_86, %mul3A_89 : i32
          %add3A_91 = arith.constant 0 : i32
          %add3A_92 = arith.addi %add3A_91, %mul3A_42 : i32
          %iota3A = tpu.iota {dimensions = array<i32: 0>} : vector<16xi32>
          %add3A_93 = vector.broadcast %add3A_92 : i32 to vector<16xi32>
          %add3A_94 = arith.addi %iota3A, %add3A_93 : vector<16xi32>
          %iota3A_95 = tpu.iota {dimensions = array<i32: 0>} : vector<16xi32>
          %add3A_96 = arith.constant 0 : i32
          %add3A_97 = vector.broadcast %add3A_96 : i32 to vector<16xi32>
          %add3A_98 = arith.addi %iota3A_95, %add3A_97 : vector<16xi32>
          %and3A_99 = arith.constant 15 : i32
          %and3A_100 = vector.broadcast %and3A_99 : i32 to vector<16xi32>
          %and3A_101 = arith.andi %add3A_98, %and3A_100 : vector<16xi32>
          %add3A_102 = vector.broadcast %mul3A_88 : i32 to vector<16xi32>
          %add3A_103 = arith.addi %and3A_101, %add3A_102 : vector<16xi32>
          %gather3A = tpu.vector_load_idx %arg5[%add3A_94, %add3A_103] : memref<128x128xf32, #tpu.memory_space<vmem>>[vector<16xi32>, vector<16xi32>], vector<16xf32>,
          %iota3A_104 = tpu.iota {dimensions = array<i32: 0>} : vector<16xi32>
          %add3A_105 = arith.constant 1 : i32
          %add3A_106 = vector.broadcast %add3A_105 : i32 to vector<16xi32>
          %add3A_107 = arith.addi %iota3A_104, %add3A_106 : vector<16xi32>
          %and3A_108 = arith.constant 15 : i32
          %and3A_109 = vector.broadcast %and3A_108 : i32 to vector<16xi32>
          %and3A_110 = arith.andi %add3A_107, %and3A_109 : vector<16xi32>
          %add3A_111 = vector.broadcast %mul3A_88 : i32 to vector<16xi32>
          %add3A_112 = arith.addi %and3A_110, %add3A_111 : vector<16xi32>
          %gather3A_113 = tpu.vector_load_idx %arg5[%add3A_94, %add3A_112] : memref<128x128xf32, #tpu.memory_space<vmem>>[vector<16xi32>, vector<16xi32>], vector<16xf32>,
          %iota3A_114 = tpu.iota {dimensions = array<i32: 0>} : vector<16xi32>
          %add3A_115 = arith.constant 2 : i32
          %add3A_116 = vector.broadcast %add3A_115 : i32 to vector<16xi32>
          %add3A_117 = arith.addi %iota3A_114, %add3A_116 : vector<16xi32>
          %and3A_118 = arith.constant 15 : i32
          %and3A_119 = vector.broadcast %and3A_118 : i32 to vector<16xi32>
          %and3A_120 = arith.andi %add3A_117, %and3A_119 : vector<16xi32>
          %add3A_121 = vector.broadcast %mul3A_88 : i32 to vector<16xi32>
          %add3A_122 = arith.addi %and3A_120, %add3A_121 : vector<16xi32>
          %gather3A_123 = tpu.vector_load_idx %arg5[%add3A_94, %add3A_122] : memref<128x128xf32, #tpu.memory_space<vmem>>[vector<16xi32>, vector<16xi32>], vector<16xf32>,
          %iota3A_124 = tpu.iota {dimensions = array<i32: 0>} : vector<16xi32>
          %add3A_125 = arith.constant 3 : i32
          %add3A_126 = vector.broadcast %add3A_125 : i32 to vector<16xi32>
          %add3A_127 = arith.addi %iota3A_124, %add3A_126 : vector<16xi32>
          %and3A_128 = arith.constant 15 : i32
          %and3A_129 = vector.broadcast %and3A_128 : i32 to vector<16xi32>
          %and3A_130 = arith.andi %add3A_127, %and3A_129 : vector<16xi32>
          %add3A_131 = vector.broadcast %mul3A_88 : i32 to vector<16xi32>
          %add3A_132 = arith.addi %and3A_130, %add3A_131 : vector<16xi32>
          %gather3A_133 = tpu.vector_load_idx %arg5[%add3A_94, %add3A_132] : memref<128x128xf32, #tpu.memory_space<vmem>>[vector<16xi32>, vector<16xi32>], vector<16xf32>,
          %iota3A_134 = tpu.iota {dimensions = array<i32: 0>} : vector<16xi32>
          %add3A_135 = arith.constant 4 : i32
          %add3A_136 = vector.broadcast %add3A_135 : i32 to vector<16xi32>
          %add3A_137 = arith.addi %iota3A_134, %add3A_136 : vector<16xi32>
          %and3A_138 = arith.constant 15 : i32
          %and3A_139 = vector.broadcast %and3A_138 : i32 to vector<16xi32>
          %and3A_140 = arith.andi %add3A_137, %and3A_139 : vector<16xi32>
          %add3A_141 = vector.broadcast %mul3A_88 : i32 to vector<16xi32>
          %add3A_142 = arith.addi %and3A_140, %add3A_141 : vector<16xi32>
          %gather3A_143 = tpu.vector_load_idx %arg5[%add3A_94, %add3A_142] : memref<128x128xf32, #tpu.memory_space<vmem>>[vector<16xi32>, vector<16xi32>], vector<16xf32>,
          %iota3A_144 = tpu.iota {dimensions = array<i32: 0>} : vector<16xi32>
          %add3A_145 = arith.constant 5 : i32
          %add3A_146 = vector.broadcast %add3A_145 : i32 to vector<16xi32>
          %add3A_147 = arith.addi %iota3A_144, %add3A_146 : vector<16xi32>
          %and3A_148 = arith.constant 15 : i32
          %and3A_149 = vector.broadcast %and3A_148 : i32 to vector<16xi32>
          %and3A_150 = arith.andi %add3A_147, %and3A_149 : vector<16xi32>
          %add3A_151 = vector.broadcast %mul3A_88 : i32 to vector<16xi32>
          %add3A_152 = arith.addi %and3A_150, %add3A_151 : vector<16xi32>
          %gather3A_153 = tpu.vector_load_idx %arg5[%add3A_94, %add3A_152] : memref<128x128xf32, #tpu.memory_space<vmem>>[vector<16xi32>, vector<16xi32>], vector<16xf32>,
          %iota3A_154 = tpu.iota {dimensions = array<i32: 0>} : vector<16xi32>
          %add3A_155 = arith.constant 6 : i32
          %add3A_156 = vector.broadcast %add3A_155 : i32 to vector<16xi32>
          %add3A_157 = arith.addi %iota3A_154, %add3A_156 : vector<16xi32>
          %and3A_158 = arith.constant 15 : i32
          %and3A_159 = vector.broadcast %and3A_158 : i32 to vector<16xi32>
          %and3A_160 = arith.andi %add3A_157, %and3A_159 : vector<16xi32>
          %add3A_161 = vector.broadcast %mul3A_88 : i32 to vector<16xi32>
          %add3A_162 = arith.addi %and3A_160, %add3A_161 : vector<16xi32>
          %gather3A_163 = tpu.vector_load_idx %arg5[%add3A_94, %add3A_162] : memref<128x128xf32, #tpu.memory_space<vmem>>[vector<16xi32>, vector<16xi32>], vector<16xf32>,
          %iota3A_164 = tpu.iota {dimensions = array<i32: 0>} : vector<16xi32>
          %add3A_165 = arith.constant 7 : i32
          %add3A_166 = vector.broadcast %add3A_165 : i32 to vector<16xi32>
          %add3A_167 = arith.addi %iota3A_164, %add3A_166 : vector<16xi32>
          %and3A_168 = arith.constant 15 : i32
          %and3A_169 = vector.broadcast %and3A_168 : i32 to vector<16xi32>
          %and3A_170 = arith.andi %add3A_167, %and3A_169 : vector<16xi32>
          %add3A_171 = vector.broadcast %mul3A_88 : i32 to vector<16xi32>
          %add3A_172 = arith.addi %and3A_170, %add3A_171 : vector<16xi32>
          %gather3A_173 = tpu.vector_load_idx %arg5[%add3A_94, %add3A_172] : memref<128x128xf32, #tpu.memory_space<vmem>>[vector<16xi32>, vector<16xi32>], vector<16xf32>,
          %iota3A_174 = tpu.iota {dimensions = array<i32: 0>} : vector<16xi32>
          %add3A_175 = arith.constant 0 : i32
          %add3A_176 = vector.broadcast %add3A_175 : i32 to vector<16xi32>
          %add3A_177 = arith.addi %iota3A_174, %add3A_176 : vector<16xi32>
          %and3A_178 = arith.constant 15 : i32
          %and3A_179 = vector.broadcast %and3A_178 : i32 to vector<16xi32>
          %and3A_180 = arith.andi %add3A_177, %and3A_179 : vector<16xi32>
          %shift_right_logical3A = arith.constant 1 : i32
          %shift_right_logical3A_181 = vector.broadcast %shift_right_logical3A : i32 to vector<16xi32>
          %shift_right_logical3A_182 = arith.shrui %and3A_180, %shift_right_logical3A_181 : vector<16xi32>
          %add3A_183 = vector.broadcast %mul3A_90 : i32 to vector<16xi32>
          %add3A_184 = arith.addi %shift_right_logical3A_182, %add3A_183 : vector<16xi32>
          %iota3A_185 = tpu.iota {dimensions = array<i32: 0>} : vector<16xi32>
          %add3A_186 = arith.constant 0 : i32
          %add3A_187 = vector.broadcast %add3A_186 : i32 to vector<16xi32>
          %add3A_188 = arith.addi %iota3A_185, %add3A_187 : vector<16xi32>
          %and3A_189 = arith.constant 15 : i32
          %and3A_190 = vector.broadcast %and3A_189 : i32 to vector<16xi32>
          %and3A_191 = arith.andi %add3A_188, %and3A_190 : vector<16xi32>
          %and3A_192 = arith.constant 1 : i32
          %and3A_193 = vector.broadcast %and3A_192 : i32 to vector<16xi32>
          %and3A_194 = arith.andi %and3A_191, %and3A_193 : vector<16xi32>
          %mul3A_195 = arith.constant 64 : i32
          %mul3A_196 = vector.broadcast %mul3A_195 : i32 to vector<16xi32>
          %mul3A_197 = arith.muli %and3A_194, %mul3A_196 : vector<16xi32>
          %iota3A_198 = tpu.iota {dimensions = array<i32: 0>} : vector<16xi32>
          %add3A_199 = arith.addi %mul3A_197, %iota3A_198 : vector<16xi32>
          %add3A_200 = arith.constant 0 : i32
          %add3A_201 = vector.broadcast %add3A_200 : i32 to vector<16xi32>
          %add3A_202 = arith.addi %add3A_199, %add3A_201 : vector<16xi32>
          tpu.vector_store_idx %arg6[%add3A_184, %add3A_202], %gather3A : memref<64x128xf32, #tpu.memory_space<vmem>>[vector<16xi32>, vector<16xi32>], vector<16xf32>,
          %iota3A_203 = tpu.iota {dimensions = array<i32: 0>} : vector<16xi32>
          %add3A_204 = arith.constant 1 : i32
          %add3A_205 = vector.broadcast %add3A_204 : i32 to vector<16xi32>
          %add3A_206 = arith.addi %iota3A_203, %add3A_205 : vector<16xi32>
          %and3A_207 = arith.constant 15 : i32
          %and3A_208 = vector.broadcast %and3A_207 : i32 to vector<16xi32>
          %and3A_209 = arith.andi %add3A_206, %and3A_208 : vector<16xi32>
          %shift_right_logical3A_210 = arith.constant 1 : i32
          %shift_right_logical3A_211 = vector.broadcast %shift_right_logical3A_210 : i32 to vector<16xi32>
          %shift_right_logical3A_212 = arith.shrui %and3A_209, %shift_right_logical3A_211 : vector<16xi32>
          %add3A_213 = vector.broadcast %mul3A_90 : i32 to vector<16xi32>
          %add3A_214 = arith.addi %shift_right_logical3A_212, %add3A_213 : vector<16xi32>
          %iota3A_215 = tpu.iota {dimensions = array<i32: 0>} : vector<16xi32>
          %add3A_216 = arith.constant 1 : i32
          %add3A_217 = vector.broadcast %add3A_216 : i32 to vector<16xi32>
          %add3A_218 = arith.addi %iota3A_215, %add3A_217 : vector<16xi32>
          %and3A_219 = arith.constant 15 : i32
          %and3A_220 = vector.broadcast %and3A_219 : i32 to vector<16xi32>
          %and3A_221 = arith.andi %add3A_218, %and3A_220 : vector<16xi32>
          %and3A_222 = arith.constant 1 : i32
          %and3A_223 = vector.broadcast %and3A_222 : i32 to vector<16xi32>
          %and3A_224 = arith.andi %and3A_221, %and3A_223 : vector<16xi32>
          %mul3A_225 = arith.constant 64 : i32
          %mul3A_226 = vector.broadcast %mul3A_225 : i32 to vector<16xi32>
          %mul3A_227 = arith.muli %and3A_224, %mul3A_226 : vector<16xi32>
          %iota3A_228 = tpu.iota {dimensions = array<i32: 0>} : vector<16xi32>
          %add3A_229 = arith.addi %mul3A_227, %iota3A_228 : vector<16xi32>
          %add3A_230 = arith.constant 0 : i32
          %add3A_231 = vector.broadcast %add3A_230 : i32 to vector<16xi32>
          %add3A_232 = arith.addi %add3A_229, %add3A_231 : vector<16xi32>
          tpu.vector_store_idx %arg6[%add3A_214, %add3A_232], %gather3A_113 : memref<64x128xf32, #tpu.memory_space<vmem>>[vector<16xi32>, vector<16xi32>], vector<16xf32>,
          %iota3A_233 = tpu.iota {dimensions = array<i32: 0>} : vector<16xi32>
          %add3A_234 = arith.constant 2 : i32
          %add3A_235 = vector.broadcast %add3A_234 : i32 to vector<16xi32>
          %add3A_236 = arith.addi %iota3A_233, %add3A_235 : vector<16xi32>
          %and3A_237 = arith.constant 15 : i32
          %and3A_238 = vector.broadcast %and3A_237 : i32 to vector<16xi32>
          %and3A_239 = arith.andi %add3A_236, %and3A_238 : vector<16xi32>
          %shift_right_logical3A_240 = arith.constant 1 : i32
          %shift_right_logical3A_241 = vector.broadcast %shift_right_logical3A_240 : i32 to vector<16xi32>
          %shift_right_logical3A_242 = arith.shrui %and3A_239, %shift_right_logical3A_241 : vector<16xi32>
          %add3A_243 = vector.broadcast %mul3A_90 : i32 to vector<16xi32>
          %add3A_244 = arith.addi %shift_right_logical3A_242, %add3A_243 : vector<16xi32>
          %iota3A_245 = tpu.iota {dimensions = array<i32: 0>} : vector<16xi32>
          %add3A_246 = arith.constant 2 : i32
          %add3A_247 = vector.broadcast %add3A_246 : i32 to vector<16xi32>
          %add3A_248 = arith.addi %iota3A_245, %add3A_247 : vector<16xi32>
          %and3A_249 = arith.constant 15 : i32
          %and3A_250 = vector.broadcast %and3A_249 : i32 to vector<16xi32>
          %and3A_251 = arith.andi %add3A_248, %and3A_250 : vector<16xi32>
          %and3A_252 = arith.constant 1 : i32
          %and3A_253 = vector.broadcast %and3A_252 : i32 to vector<16xi32>
          %and3A_254 = arith.andi %and3A_251, %and3A_253 : vector<16xi32>
          %mul3A_255 = arith.constant 64 : i32
          %mul3A_256 = vector.broadcast %mul3A_255 : i32 to vector<16xi32>
          %mul3A_257 = arith.muli %and3A_254, %mul3A_256 : vector<16xi32>
          %iota3A_258 = tpu.iota {dimensions = array<i32: 0>} : vector<16xi32>
          %add3A_259 = arith.addi %mul3A_257, %iota3A_258 : vector<16xi32>
          %add3A_260 = arith.constant 0 : i32
          %add3A_261 = vector.broadcast %add3A_260 : i32 to vector<16xi32>
          %add3A_262 = arith.addi %add3A_259, %add3A_261 : vector<16xi32>
          tpu.vector_store_idx %arg6[%add3A_244, %add3A_262], %gather3A_123 : memref<64x128xf32, #tpu.memory_space<vmem>>[vector<16xi32>, vector<16xi32>], vector<16xf32>,
          %iota3A_263 = tpu.iota {dimensions = array<i32: 0>} : vector<16xi32>
          %add3A_264 = arith.constant 3 : i32
          %add3A_265 = vector.broadcast %add3A_264 : i32 to vector<16xi32>
          %add3A_266 = arith.addi %iota3A_263, %add3A_265 : vector<16xi32>
          %and3A_267 = arith.constant 15 : i32
          %and3A_268 = vector.broadcast %and3A_267 : i32 to vector<16xi32>
          %and3A_269 = arith.andi %add3A_266, %and3A_268 : vector<16xi32>
          %shift_right_logical3A_270 = arith.constant 1 : i32
          %shift_right_logical3A_271 = vector.broadcast %shift_right_logical3A_270 : i32 to vector<16xi32>
          %shift_right_logical3A_272 = arith.shrui %and3A_269, %shift_right_logical3A_271 : vector<16xi32>
          %add3A_273 = vector.broadcast %mul3A_90 : i32 to vector<16xi32>
          %add3A_274 = arith.addi %shift_right_logical3A_272, %add3A_273 : vector<16xi32>
          %iota3A_275 = tpu.iota {dimensions = array<i32: 0>} : vector<16xi32>
          %add3A_276 = arith.constant 3 : i32
          %add3A_277 = vector.broadcast %add3A_276 : i32 to vector<16xi32>
          %add3A_278 = arith.addi %iota3A_275, %add3A_277 : vector<16xi32>
          %and3A_279 = arith.constant 15 : i32
          %and3A_280 = vector.broadcast %and3A_279 : i32 to vector<16xi32>
          %and3A_281 = arith.andi %add3A_278, %and3A_280 : vector<16xi32>
          %and3A_282 = arith.constant 1 : i32
          %and3A_283 = vector.broadcast %and3A_282 : i32 to vector<16xi32>
          %and3A_284 = arith.andi %and3A_281, %and3A_283 : vector<16xi32>
          %mul3A_285 = arith.constant 64 : i32
          %mul3A_286 = vector.broadcast %mul3A_285 : i32 to vector<16xi32>
          %mul3A_287 = arith.muli %and3A_284, %mul3A_286 : vector<16xi32>
          %iota3A_288 = tpu.iota {dimensions = array<i32: 0>} : vector<16xi32>
          %add3A_289 = arith.addi %mul3A_287, %iota3A_288 : vector<16xi32>
          %add3A_290 = arith.constant 0 : i32
          %add3A_291 = vector.broadcast %add3A_290 : i32 to vector<16xi32>
          %add3A_292 = arith.addi %add3A_289, %add3A_291 : vector<16xi32>
          tpu.vector_store_idx %arg6[%add3A_274, %add3A_292], %gather3A_133 : memref<64x128xf32, #tpu.memory_space<vmem>>[vector<16xi32>, vector<16xi32>], vector<16xf32>,
          %iota3A_293 = tpu.iota {dimensions = array<i32: 0>} : vector<16xi32>
          %add3A_294 = arith.constant 4 : i32
          %add3A_295 = vector.broadcast %add3A_294 : i32 to vector<16xi32>
          %add3A_296 = arith.addi %iota3A_293, %add3A_295 : vector<16xi32>
          %and3A_297 = arith.constant 15 : i32
          %and3A_298 = vector.broadcast %and3A_297 : i32 to vector<16xi32>
          %and3A_299 = arith.andi %add3A_296, %and3A_298 : vector<16xi32>
          %shift_right_logical3A_300 = arith.constant 1 : i32
          %shift_right_logical3A_301 = vector.broadcast %shift_right_logical3A_300 : i32 to vector<16xi32>
          %shift_right_logical3A_302 = arith.shrui %and3A_299, %shift_right_logical3A_301 : vector<16xi32>
          %add3A_303 = vector.broadcast %mul3A_90 : i32 to vector<16xi32>
          %add3A_304 = arith.addi %shift_right_logical3A_302, %add3A_303 : vector<16xi32>
          %iota3A_305 = tpu.iota {dimensions = array<i32: 0>} : vector<16xi32>
          %add3A_306 = arith.constant 4 : i32
          %add3A_307 = vector.broadcast %add3A_306 : i32 to vector<16xi32>
          %add3A_308 = arith.addi %iota3A_305, %add3A_307 : vector<16xi32>
          %and3A_309 = arith.constant 15 : i32
          %and3A_310 = vector.broadcast %and3A_309 : i32 to vector<16xi32>
          %and3A_311 = arith.andi %add3A_308, %and3A_310 : vector<16xi32>
          %and3A_312 = arith.constant 1 : i32
          %and3A_313 = vector.broadcast %and3A_312 : i32 to vector<16xi32>
          %and3A_314 = arith.andi %and3A_311, %and3A_313 : vector<16xi32>
          %mul3A_315 = arith.constant 64 : i32
          %mul3A_316 = vector.broadcast %mul3A_315 : i32 to vector<16xi32>
          %mul3A_317 = arith.muli %and3A_314, %mul3A_316 : vector<16xi32>
          %iota3A_318 = tpu.iota {dimensions = array<i32: 0>} : vector<16xi32>
          %add3A_319 = arith.addi %mul3A_317, %iota3A_318 : vector<16xi32>
          %add3A_320 = arith.constant 0 : i32
          %add3A_321 = vector.broadcast %add3A_320 : i32 to vector<16xi32>
          %add3A_322 = arith.addi %add3A_319, %add3A_321 : vector<16xi32>
          tpu.vector_store_idx %arg6[%add3A_304, %add3A_322], %gather3A_143 : memref<64x128xf32, #tpu.memory_space<vmem>>[vector<16xi32>, vector<16xi32>], vector<16xf32>,
          %iota3A_323 = tpu.iota {dimensions = array<i32: 0>} : vector<16xi32>
          %add3A_324 = arith.constant 5 : i32
          %add3A_325 = vector.broadcast %add3A_324 : i32 to vector<16xi32>
          %add3A_326 = arith.addi %iota3A_323, %add3A_325 : vector<16xi32>
          %and3A_327 = arith.constant 15 : i32
          %and3A_328 = vector.broadcast %and3A_327 : i32 to vector<16xi32>
          %and3A_329 = arith.andi %add3A_326, %and3A_328 : vector<16xi32>
          %shift_right_logical3A_330 = arith.constant 1 : i32
          %shift_right_logical3A_331 = vector.broadcast %shift_right_logical3A_330 : i32 to vector<16xi32>
          %shift_right_logical3A_332 = arith.shrui %and3A_329, %shift_right_logical3A_331 : vector<16xi32>
          %add3A_333 = vector.broadcast %mul3A_90 : i32 to vector<16xi32>
          %add3A_334 = arith.addi %shift_right_logical3A_332, %add3A_333 : vector<16xi32>
          %iota3A_335 = tpu.iota {dimensions = array<i32: 0>} : vector<16xi32>
          %add3A_336 = arith.constant 5 : i32
          %add3A_337 = vector.broadcast %add3A_336 : i32 to vector<16xi32>
          %add3A_338 = arith.addi %iota3A_335, %add3A_337 : vector<16xi32>
          %and3A_339 = arith.constant 15 : i32
          %and3A_340 = vector.broadcast %and3A_339 : i32 to vector<16xi32>
          %and3A_341 = arith.andi %add3A_338, %and3A_340 : vector<16xi32>
          %and3A_342 = arith.constant 1 : i32
          %and3A_343 = vector.broadcast %and3A_342 : i32 to vector<16xi32>
          %and3A_344 = arith.andi %and3A_341, %and3A_343 : vector<16xi32>
          %mul3A_345 = arith.constant 64 : i32
          %mul3A_346 = vector.broadcast %mul3A_345 : i32 to vector<16xi32>
          %mul3A_347 = arith.muli %and3A_344, %mul3A_346 : vector<16xi32>
          %iota3A_348 = tpu.iota {dimensions = array<i32: 0>} : vector<16xi32>
          %add3A_349 = arith.addi %mul3A_347, %iota3A_348 : vector<16xi32>
          %add3A_350 = arith.constant 0 : i32
          %add3A_351 = vector.broadcast %add3A_350 : i32 to vector<16xi32>
          %add3A_352 = arith.addi %add3A_349, %add3A_351 : vector<16xi32>
          tpu.vector_store_idx %arg6[%add3A_334, %add3A_352], %gather3A_153 : memref<64x128xf32, #tpu.memory_space<vmem>>[vector<16xi32>, vector<16xi32>], vector<16xf32>,
          %iota3A_353 = tpu.iota {dimensions = array<i32: 0>} : vector<16xi32>
          %add3A_354 = arith.constant 6 : i32
          %add3A_355 = vector.broadcast %add3A_354 : i32 to vector<16xi32>
          %add3A_356 = arith.addi %iota3A_353, %add3A_355 : vector<16xi32>
          %and3A_357 = arith.constant 15 : i32
          %and3A_358 = vector.broadcast %and3A_357 : i32 to vector<16xi32>
          %and3A_359 = arith.andi %add3A_356, %and3A_358 : vector<16xi32>
          %shift_right_logical3A_360 = arith.constant 1 : i32
          %shift_right_logical3A_361 = vector.broadcast %shift_right_logical3A_360 : i32 to vector<16xi32>
          %shift_right_logical3A_362 = arith.shrui %and3A_359, %shift_right_logical3A_361 : vector<16xi32>
          %add3A_363 = vector.broadcast %mul3A_90 : i32 to vector<16xi32>
          %add3A_364 = arith.addi %shift_right_logical3A_362, %add3A_363 : vector<16xi32>
          %iota3A_365 = tpu.iota {dimensions = array<i32: 0>} : vector<16xi32>
          %add3A_366 = arith.constant 6 : i32
          %add3A_367 = vector.broadcast %add3A_366 : i32 to vector<16xi32>
          %add3A_368 = arith.addi %iota3A_365, %add3A_367 : vector<16xi32>
          %and3A_369 = arith.constant 15 : i32
          %and3A_370 = vector.broadcast %and3A_369 : i32 to vector<16xi32>
          %and3A_371 = arith.andi %add3A_368, %and3A_370 : vector<16xi32>
          %and3A_372 = arith.constant 1 : i32
          %and3A_373 = vector.broadcast %and3A_372 : i32 to vector<16xi32>
          %and3A_374 = arith.andi %and3A_371, %and3A_373 : vector<16xi32>
          %mul3A_375 = arith.constant 64 : i32
          %mul3A_376 = vector.broadcast %mul3A_375 : i32 to vector<16xi32>
          %mul3A_377 = arith.muli %and3A_374, %mul3A_376 : vector<16xi32>
          %iota3A_378 = tpu.iota {dimensions = array<i32: 0>} : vector<16xi32>
          %add3A_379 = arith.addi %mul3A_377, %iota3A_378 : vector<16xi32>
          %add3A_380 = arith.constant 0 : i32
          %add3A_381 = vector.broadcast %add3A_380 : i32 to vector<16xi32>
          %add3A_382 = arith.addi %add3A_379, %add3A_381 : vector<16xi32>
          tpu.vector_store_idx %arg6[%add3A_364, %add3A_382], %gather3A_163 : memref<64x128xf32, #tpu.memory_space<vmem>>[vector<16xi32>, vector<16xi32>], vector<16xf32>,
          %iota3A_383 = tpu.iota {dimensions = array<i32: 0>} : vector<16xi32>
          %add3A_384 = arith.constant 7 : i32
          %add3A_385 = vector.broadcast %add3A_384 : i32 to vector<16xi32>
          %add3A_386 = arith.addi %iota3A_383, %add3A_385 : vector<16xi32>
          %and3A_387 = arith.constant 15 : i32
          %and3A_388 = vector.broadcast %and3A_387 : i32 to vector<16xi32>
          %and3A_389 = arith.andi %add3A_386, %and3A_388 : vector<16xi32>
          %shift_right_logical3A_390 = arith.constant 1 : i32
          %shift_right_logical3A_391 = vector.broadcast %shift_right_logical3A_390 : i32 to vector<16xi32>
          %shift_right_logical3A_392 = arith.shrui %and3A_389, %shift_right_logical3A_391 : vector<16xi32>
          %add3A_393 = vector.broadcast %mul3A_90 : i32 to vector<16xi32>
          %add3A_394 = arith.addi %shift_right_logical3A_392, %add3A_393 : vector<16xi32>
          %iota3A_395 = tpu.iota {dimensions = array<i32: 0>} : vector<16xi32>
          %add3A_396 = arith.constant 7 : i32
          %add3A_397 = vector.broadcast %add3A_396 : i32 to vector<16xi32>
          %add3A_398 = arith.addi %iota3A_395, %add3A_397 : vector<16xi32>
          %and3A_399 = arith.constant 15 : i32
          %and3A_400 = vector.broadcast %and3A_399 : i32 to vector<16xi32>
          %and3A_401 = arith.andi %add3A_398, %and3A_400 : vector<16xi32>
          %and3A_402 = arith.constant 1 : i32
          %and3A_403 = vector.broadcast %and3A_402 : i32 to vector<16xi32>
          %and3A_404 = arith.andi %and3A_401, %and3A_403 : vector<16xi32>
          %mul3A_405 = arith.constant 64 : i32
          %mul3A_406 = vector.broadcast %mul3A_405 : i32 to vector<16xi32>
          %mul3A_407 = arith.muli %and3A_404, %mul3A_406 : vector<16xi32>
          %iota3A_408 = tpu.iota {dimensions = array<i32: 0>} : vector<16xi32>
          %add3A_409 = arith.addi %mul3A_407, %iota3A_408 : vector<16xi32>
          %add3A_410 = arith.constant 0 : i32
          %add3A_411 = vector.broadcast %add3A_410 : i32 to vector<16xi32>
          %add3A_412 = arith.addi %add3A_409, %add3A_411 : vector<16xi32>
          tpu.vector_store_idx %arg6[%add3A_394, %add3A_412], %gather3A_173 : memref<64x128xf32, #tpu.memory_space<vmem>>[vector<16xi32>, vector<16xi32>], vector<16xf32>,
          %iota3A_413 = tpu.iota {dimensions = array<i32: 0>} : vector<16xi32>
          %add3A_414 = arith.constant 8 : i32
          %add3A_415 = vector.broadcast %add3A_414 : i32 to vector<16xi32>
          %add3A_416 = arith.addi %iota3A_413, %add3A_415 : vector<16xi32>
          %and3A_417 = arith.constant 15 : i32
          %and3A_418 = vector.broadcast %and3A_417 : i32 to vector<16xi32>
          %and3A_419 = arith.andi %add3A_416, %and3A_418 : vector<16xi32>
          %add3A_420 = vector.broadcast %mul3A_88 : i32 to vector<16xi32>
          %add3A_421 = arith.addi %and3A_419, %add3A_420 : vector<16xi32>
          %gather3A_422 = tpu.vector_load_idx %arg5[%add3A_94, %add3A_421] : memref<128x128xf32, #tpu.memory_space<vmem>>[vector<16xi32>, vector<16xi32>], vector<16xf32>,
          %iota3A_423 = tpu.iota {dimensions = array<i32: 0>} : vector<16xi32>
          %add3A_424 = arith.constant 9 : i32
          %add3A_425 = vector.broadcast %add3A_424 : i32 to vector<16xi32>
          %add3A_426 = arith.addi %iota3A_423, %add3A_425 : vector<16xi32>
          %and3A_427 = arith.constant 15 : i32
          %and3A_428 = vector.broadcast %and3A_427 : i32 to vector<16xi32>
          %and3A_429 = arith.andi %add3A_426, %and3A_428 : vector<16xi32>
          %add3A_430 = vector.broadcast %mul3A_88 : i32 to vector<16xi32>
          %add3A_431 = arith.addi %and3A_429, %add3A_430 : vector<16xi32>
          %gather3A_432 = tpu.vector_load_idx %arg5[%add3A_94, %add3A_431] : memref<128x128xf32, #tpu.memory_space<vmem>>[vector<16xi32>, vector<16xi32>], vector<16xf32>,
          %iota3A_433 = tpu.iota {dimensions = array<i32: 0>} : vector<16xi32>
          %add3A_434 = arith.constant 10 : i32
          %add3A_435 = vector.broadcast %add3A_434 : i32 to vector<16xi32>
          %add3A_436 = arith.addi %iota3A_433, %add3A_435 : vector<16xi32>
          %and3A_437 = arith.constant 15 : i32
          %and3A_438 = vector.broadcast %and3A_437 : i32 to vector<16xi32>
          %and3A_439 = arith.andi %add3A_436, %and3A_438 : vector<16xi32>
          %add3A_440 = vector.broadcast %mul3A_88 : i32 to vector<16xi32>
          %add3A_441 = arith.addi %and3A_439, %add3A_440 : vector<16xi32>
          %gather3A_442 = tpu.vector_load_idx %arg5[%add3A_94, %add3A_441] : memref<128x128xf32, #tpu.memory_space<vmem>>[vector<16xi32>, vector<16xi32>], vector<16xf32>,
          %iota3A_443 = tpu.iota {dimensions = array<i32: 0>} : vector<16xi32>
          %add3A_444 = arith.constant 11 : i32
          %add3A_445 = vector.broadcast %add3A_444 : i32 to vector<16xi32>
          %add3A_446 = arith.addi %iota3A_443, %add3A_445 : vector<16xi32>
          %and3A_447 = arith.constant 15 : i32
          %and3A_448 = vector.broadcast %and3A_447 : i32 to vector<16xi32>
          %and3A_449 = arith.andi %add3A_446, %and3A_448 : vector<16xi32>
          %add3A_450 = vector.broadcast %mul3A_88 : i32 to vector<16xi32>
          %add3A_451 = arith.addi %and3A_449, %add3A_450 : vector<16xi32>
          %gather3A_452 = tpu.vector_load_idx %arg5[%add3A_94, %add3A_451] : memref<128x128xf32, #tpu.memory_space<vmem>>[vector<16xi32>, vector<16xi32>], vector<16xf32>,
          %iota3A_453 = tpu.iota {dimensions = array<i32: 0>} : vector<16xi32>
          %add3A_454 = arith.constant 12 : i32
          %add3A_455 = vector.broadcast %add3A_454 : i32 to vector<16xi32>
          %add3A_456 = arith.addi %iota3A_453, %add3A_455 : vector<16xi32>
          %and3A_457 = arith.constant 15 : i32
          %and3A_458 = vector.broadcast %and3A_457 : i32 to vector<16xi32>
          %and3A_459 = arith.andi %add3A_456, %and3A_458 : vector<16xi32>
          %add3A_460 = vector.broadcast %mul3A_88 : i32 to vector<16xi32>
          %add3A_461 = arith.addi %and3A_459, %add3A_460 : vector<16xi32>
          %gather3A_462 = tpu.vector_load_idx %arg5[%add3A_94, %add3A_461] : memref<128x128xf32, #tpu.memory_space<vmem>>[vector<16xi32>, vector<16xi32>], vector<16xf32>,
          %iota3A_463 = tpu.iota {dimensions = array<i32: 0>} : vector<16xi32>
          %add3A_464 = arith.constant 13 : i32
          %add3A_465 = vector.broadcast %add3A_464 : i32 to vector<16xi32>
          %add3A_466 = arith.addi %iota3A_463, %add3A_465 : vector<16xi32>
          %and3A_467 = arith.constant 15 : i32
          %and3A_468 = vector.broadcast %and3A_467 : i32 to vector<16xi32>
          %and3A_469 = arith.andi %add3A_466, %and3A_468 : vector<16xi32>
          %add3A_470 = vector.broadcast %mul3A_88 : i32 to vector<16xi32>
          %add3A_471 = arith.addi %and3A_469, %add3A_470 : vector<16xi32>
          %gather3A_472 = tpu.vector_load_idx %arg5[%add3A_94, %add3A_471] : memref<128x128xf32, #tpu.memory_space<vmem>>[vector<16xi32>, vector<16xi32>], vector<16xf32>,
          %iota3A_473 = tpu.iota {dimensions = array<i32: 0>} : vector<16xi32>
          %add3A_474 = arith.constant 14 : i32
          %add3A_475 = vector.broadcast %add3A_474 : i32 to vector<16xi32>
          %add3A_476 = arith.addi %iota3A_473, %add3A_475 : vector<16xi32>
          %and3A_477 = arith.constant 15 : i32
          %and3A_478 = vector.broadcast %and3A_477 : i32 to vector<16xi32>
          %and3A_479 = arith.andi %add3A_476, %and3A_478 : vector<16xi32>
          %add3A_480 = vector.broadcast %mul3A_88 : i32 to vector<16xi32>
          %add3A_481 = arith.addi %and3A_479, %add3A_480 : vector<16xi32>
          %gather3A_482 = tpu.vector_load_idx %arg5[%add3A_94, %add3A_481] : memref<128x128xf32, #tpu.memory_space<vmem>>[vector<16xi32>, vector<16xi32>], vector<16xf32>,
          %iota3A_483 = tpu.iota {dimensions = array<i32: 0>} : vector<16xi32>
          %add3A_484 = arith.constant 15 : i32
          %add3A_485 = vector.broadcast %add3A_484 : i32 to vector<16xi32>
          %add3A_486 = arith.addi %iota3A_483, %add3A_485 : vector<16xi32>
          %and3A_487 = arith.constant 15 : i32
          %and3A_488 = vector.broadcast %and3A_487 : i32 to vector<16xi32>
          %and3A_489 = arith.andi %add3A_486, %and3A_488 : vector<16xi32>
          %add3A_490 = vector.broadcast %mul3A_88 : i32 to vector<16xi32>
          %add3A_491 = arith.addi %and3A_489, %add3A_490 : vector<16xi32>
          %gather3A_492 = tpu.vector_load_idx %arg5[%add3A_94, %add3A_491] : memref<128x128xf32, #tpu.memory_space<vmem>>[vector<16xi32>, vector<16xi32>], vector<16xf32>,
          %iota3A_493 = tpu.iota {dimensions = array<i32: 0>} : vector<16xi32>
          %add3A_494 = arith.constant 8 : i32
          %add3A_495 = vector.broadcast %add3A_494 : i32 to vector<16xi32>
          %add3A_496 = arith.addi %iota3A_493, %add3A_495 : vector<16xi32>
          %and3A_497 = arith.constant 15 : i32
          %and3A_498 = vector.broadcast %and3A_497 : i32 to vector<16xi32>
          %and3A_499 = arith.andi %add3A_496, %and3A_498 : vector<16xi32>
          %shift_right_logical3A_500 = arith.constant 1 : i32
          %shift_right_logical3A_501 = vector.broadcast %shift_right_logical3A_500 : i32 to vector<16xi32>
          %shift_right_logical3A_502 = arith.shrui %and3A_499, %shift_right_logical3A_501 : vector<16xi32>
          %add3A_503 = vector.broadcast %mul3A_90 : i32 to vector<16xi32>
          %add3A_504 = arith.addi %shift_right_logical3A_502, %add3A_503 : vector<16xi32>
          %iota3A_505 = tpu.iota {dimensions = array<i32: 0>} : vector<16xi32>
          %add3A_506 = arith.constant 8 : i32
          %add3A_507 = vector.broadcast %add3A_506 : i32 to vector<16xi32>
          %add3A_508 = arith.addi %iota3A_505, %add3A_507 : vector<16xi32>
          %and3A_509 = arith.constant 15 : i32
          %and3A_510 = vector.broadcast %and3A_509 : i32 to vector<16xi32>
          %and3A_511 = arith.andi %add3A_508, %and3A_510 : vector<16xi32>
          %and3A_512 = arith.constant 1 : i32
          %and3A_513 = vector.broadcast %and3A_512 : i32 to vector<16xi32>
          %and3A_514 = arith.andi %and3A_511, %and3A_513 : vector<16xi32>
          %mul3A_515 = arith.constant 64 : i32
          %mul3A_516 = vector.broadcast %mul3A_515 : i32 to vector<16xi32>
          %mul3A_517 = arith.muli %and3A_514, %mul3A_516 : vector<16xi32>
          %iota3A_518 = tpu.iota {dimensions = array<i32: 0>} : vector<16xi32>
          %add3A_519 = arith.addi %mul3A_517, %iota3A_518 : vector<16xi32>
          %add3A_520 = arith.constant 0 : i32
          %add3A_521 = vector.broadcast %add3A_520 : i32 to vector<16xi32>
          %add3A_522 = arith.addi %add3A_519, %add3A_521 : vector<16xi32>
          tpu.vector_store_idx %arg6[%add3A_504, %add3A_522], %gather3A_422 : memref<64x128xf32, #tpu.memory_space<vmem>>[vector<16xi32>, vector<16xi32>], vector<16xf32>,
          %iota3A_523 = tpu.iota {dimensions = array<i32: 0>} : vector<16xi32>
          %add3A_524 = arith.constant 9 : i32
          %add3A_525 = vector.broadcast %add3A_524 : i32 to vector<16xi32>
          %add3A_526 = arith.addi %iota3A_523, %add3A_525 : vector<16xi32>
          %and3A_527 = arith.constant 15 : i32
          %and3A_528 = vector.broadcast %and3A_527 : i32 to vector<16xi32>
          %and3A_529 = arith.andi %add3A_526, %and3A_528 : vector<16xi32>
          %shift_right_logical3A_530 = arith.constant 1 : i32
          %shift_right_logical3A_531 = vector.broadcast %shift_right_logical3A_530 : i32 to vector<16xi32>
          %shift_right_logical3A_532 = arith.shrui %and3A_529, %shift_right_logical3A_531 : vector<16xi32>
          %add3A_533 = vector.broadcast %mul3A_90 : i32 to vector<16xi32>
          %add3A_534 = arith.addi %shift_right_logical3A_532, %add3A_533 : vector<16xi32>
          %iota3A_535 = tpu.iota {dimensions = array<i32: 0>} : vector<16xi32>
          %add3A_536 = arith.constant 9 : i32
          %add3A_537 = vector.broadcast %add3A_536 : i32 to vector<16xi32>
          %add3A_538 = arith.addi %iota3A_535, %add3A_537 : vector<16xi32>
          %and3A_539 = arith.constant 15 : i32
          %and3A_540 = vector.broadcast %and3A_539 : i32 to vector<16xi32>
          %and3A_541 = arith.andi %add3A_538, %and3A_540 : vector<16xi32>
          %and3A_542 = arith.constant 1 : i32
          %and3A_543 = vector.broadcast %and3A_542 : i32 to vector<16xi32>
          %and3A_544 = arith.andi %and3A_541, %and3A_543 : vector<16xi32>
          %mul3A_545 = arith.constant 64 : i32
          %mul3A_546 = vector.broadcast %mul3A_545 : i32 to vector<16xi32>
          %mul3A_547 = arith.muli %and3A_544, %mul3A_546 : vector<16xi32>
          %iota3A_548 = tpu.iota {dimensions = array<i32: 0>} : vector<16xi32>
          %add3A_549 = arith.addi %mul3A_547, %iota3A_548 : vector<16xi32>
          %add3A_550 = arith.constant 0 : i32
          %add3A_551 = vector.broadcast %add3A_550 : i32 to vector<16xi32>
          %add3A_552 = arith.addi %add3A_549, %add3A_551 : vector<16xi32>
          tpu.vector_store_idx %arg6[%add3A_534, %add3A_552], %gather3A_432 : memref<64x128xf32, #tpu.memory_space<vmem>>[vector<16xi32>, vector<16xi32>], vector<16xf32>,
          %iota3A_553 = tpu.iota {dimensions = array<i32: 0>} : vector<16xi32>
          %add3A_554 = arith.constant 10 : i32
          %add3A_555 = vector.broadcast %add3A_554 : i32 to vector<16xi32>
          %add3A_556 = arith.addi %iota3A_553, %add3A_555 : vector<16xi32>
          %and3A_557 = arith.constant 15 : i32
          %and3A_558 = vector.broadcast %and3A_557 : i32 to vector<16xi32>
          %and3A_559 = arith.andi %add3A_556, %and3A_558 : vector<16xi32>
          %shift_right_logical3A_560 = arith.constant 1 : i32
          %shift_right_logical3A_561 = vector.broadcast %shift_right_logical3A_560 : i32 to vector<16xi32>
          %shift_right_logical3A_562 = arith.shrui %and3A_559, %shift_right_logical3A_561 : vector<16xi32>
          %add3A_563 = vector.broadcast %mul3A_90 : i32 to vector<16xi32>
          %add3A_564 = arith.addi %shift_right_logical3A_562, %add3A_563 : vector<16xi32>
          %iota3A_565 = tpu.iota {dimensions = array<i32: 0>} : vector<16xi32>
          %add3A_566 = arith.constant 10 : i32
          %add3A_567 = vector.broadcast %add3A_566 : i32 to vector<16xi32>
          %add3A_568 = arith.addi %iota3A_565, %add3A_567 : vector<16xi32>
          %and3A_569 = arith.constant 15 : i32
          %and3A_570 = vector.broadcast %and3A_569 : i32 to vector<16xi32>
          %and3A_571 = arith.andi %add3A_568, %and3A_570 : vector<16xi32>
          %and3A_572 = arith.constant 1 : i32
          %and3A_573 = vector.broadcast %and3A_572 : i32 to vector<16xi32>
          %and3A_574 = arith.andi %and3A_571, %and3A_573 : vector<16xi32>
          %mul3A_575 = arith.constant 64 : i32
          %mul3A_576 = vector.broadcast %mul3A_575 : i32 to vector<16xi32>
          %mul3A_577 = arith.muli %and3A_574, %mul3A_576 : vector<16xi32>
          %iota3A_578 = tpu.iota {dimensions = array<i32: 0>} : vector<16xi32>
          %add3A_579 = arith.addi %mul3A_577, %iota3A_578 : vector<16xi32>
          %add3A_580 = arith.constant 0 : i32
          %add3A_581 = vector.broadcast %add3A_580 : i32 to vector<16xi32>
          %add3A_582 = arith.addi %add3A_579, %add3A_581 : vector<16xi32>
          tpu.vector_store_idx %arg6[%add3A_564, %add3A_582], %gather3A_442 : memref<64x128xf32, #tpu.memory_space<vmem>>[vector<16xi32>, vector<16xi32>], vector<16xf32>,
          %iota3A_583 = tpu.iota {dimensions = array<i32: 0>} : vector<16xi32>
          %add3A_584 = arith.constant 11 : i32
          %add3A_585 = vector.broadcast %add3A_584 : i32 to vector<16xi32>
          %add3A_586 = arith.addi %iota3A_583, %add3A_585 : vector<16xi32>
          %and3A_587 = arith.constant 15 : i32
          %and3A_588 = vector.broadcast %and3A_587 : i32 to vector<16xi32>
          %and3A_589 = arith.andi %add3A_586, %and3A_588 : vector<16xi32>
          %shift_right_logical3A_590 = arith.constant 1 : i32
          %shift_right_logical3A_591 = vector.broadcast %shift_right_logical3A_590 : i32 to vector<16xi32>
          %shift_right_logical3A_592 = arith.shrui %and3A_589, %shift_right_logical3A_591 : vector<16xi32>
          %add3A_593 = vector.broadcast %mul3A_90 : i32 to vector<16xi32>
          %add3A_594 = arith.addi %shift_right_logical3A_592, %add3A_593 : vector<16xi32>
          %iota3A_595 = tpu.iota {dimensions = array<i32: 0>} : vector<16xi32>
          %add3A_596 = arith.constant 11 : i32
          %add3A_597 = vector.broadcast %add3A_596 : i32 to vector<16xi32>
          %add3A_598 = arith.addi %iota3A_595, %add3A_597 : vector<16xi32>
          %and3A_599 = arith.constant 15 : i32
          %and3A_600 = vector.broadcast %and3A_599 : i32 to vector<16xi32>
          %and3A_601 = arith.andi %add3A_598, %and3A_600 : vector<16xi32>
          %and3A_602 = arith.constant 1 : i32
          %and3A_603 = vector.broadcast %and3A_602 : i32 to vector<16xi32>
          %and3A_604 = arith.andi %and3A_601, %and3A_603 : vector<16xi32>
          %mul3A_605 = arith.constant 64 : i32
          %mul3A_606 = vector.broadcast %mul3A_605 : i32 to vector<16xi32>
          %mul3A_607 = arith.muli %and3A_604, %mul3A_606 : vector<16xi32>
          %iota3A_608 = tpu.iota {dimensions = array<i32: 0>} : vector<16xi32>
          %add3A_609 = arith.addi %mul3A_607, %iota3A_608 : vector<16xi32>
          %add3A_610 = arith.constant 0 : i32
          %add3A_611 = vector.broadcast %add3A_610 : i32 to vector<16xi32>
          %add3A_612 = arith.addi %add3A_609, %add3A_611 : vector<16xi32>
          tpu.vector_store_idx %arg6[%add3A_594, %add3A_612], %gather3A_452 : memref<64x128xf32, #tpu.memory_space<vmem>>[vector<16xi32>, vector<16xi32>], vector<16xf32>,
          %iota3A_613 = tpu.iota {dimensions = array<i32: 0>} : vector<16xi32>
          %add3A_614 = arith.constant 12 : i32
          %add3A_615 = vector.broadcast %add3A_614 : i32 to vector<16xi32>
          %add3A_616 = arith.addi %iota3A_613, %add3A_615 : vector<16xi32>
          %and3A_617 = arith.constant 15 : i32
          %and3A_618 = vector.broadcast %and3A_617 : i32 to vector<16xi32>
          %and3A_619 = arith.andi %add3A_616, %and3A_618 : vector<16xi32>
          %shift_right_logical3A_620 = arith.constant 1 : i32
          %shift_right_logical3A_621 = vector.broadcast %shift_right_logical3A_620 : i32 to vector<16xi32>
          %shift_right_logical3A_622 = arith.shrui %and3A_619, %shift_right_logical3A_621 : vector<16xi32>
          %add3A_623 = vector.broadcast %mul3A_90 : i32 to vector<16xi32>
          %add3A_624 = arith.addi %shift_right_logical3A_622, %add3A_623 : vector<16xi32>
          %iota3A_625 = tpu.iota {dimensions = array<i32: 0>} : vector<16xi32>
          %add3A_626 = arith.constant 12 : i32
          %add3A_627 = vector.broadcast %add3A_626 : i32 to vector<16xi32>
          %add3A_628 = arith.addi %iota3A_625, %add3A_627 : vector<16xi32>
          %and3A_629 = arith.constant 15 : i32
          %and3A_630 = vector.broadcast %and3A_629 : i32 to vector<16xi32>
          %and3A_631 = arith.andi %add3A_628, %and3A_630 : vector<16xi32>
          %and3A_632 = arith.constant 1 : i32
          %and3A_633 = vector.broadcast %and3A_632 : i32 to vector<16xi32>
          %and3A_634 = arith.andi %and3A_631, %and3A_633 : vector<16xi32>
          %mul3A_635 = arith.constant 64 : i32
          %mul3A_636 = vector.broadcast %mul3A_635 : i32 to vector<16xi32>
          %mul3A_637 = arith.muli %and3A_634, %mul3A_636 : vector<16xi32>
          %iota3A_638 = tpu.iota {dimensions = array<i32: 0>} : vector<16xi32>
          %add3A_639 = arith.addi %mul3A_637, %iota3A_638 : vector<16xi32>
          %add3A_640 = arith.constant 0 : i32
          %add3A_641 = vector.broadcast %add3A_640 : i32 to vector<16xi32>
          %add3A_642 = arith.addi %add3A_639, %add3A_641 : vector<16xi32>
          tpu.vector_store_idx %arg6[%add3A_624, %add3A_642], %gather3A_462 : memref<64x128xf32, #tpu.memory_space<vmem>>[vector<16xi32>, vector<16xi32>], vector<16xf32>,
          %iota3A_643 = tpu.iota {dimensions = array<i32: 0>} : vector<16xi32>
          %add3A_644 = arith.constant 13 : i32
          %add3A_645 = vector.broadcast %add3A_644 : i32 to vector<16xi32>
          %add3A_646 = arith.addi %iota3A_643, %add3A_645 : vector<16xi32>
          %and3A_647 = arith.constant 15 : i32
          %and3A_648 = vector.broadcast %and3A_647 : i32 to vector<16xi32>
          %and3A_649 = arith.andi %add3A_646, %and3A_648 : vector<16xi32>
          %shift_right_logical3A_650 = arith.constant 1 : i32
          %shift_right_logical3A_651 = vector.broadcast %shift_right_logical3A_650 : i32 to vector<16xi32>
          %shift_right_logical3A_652 = arith.shrui %and3A_649, %shift_right_logical3A_651 : vector<16xi32>
          %add3A_653 = vector.broadcast %mul3A_90 : i32 to vector<16xi32>
          %add3A_654 = arith.addi %shift_right_logical3A_652, %add3A_653 : vector<16xi32>
          %iota3A_655 = tpu.iota {dimensions = array<i32: 0>} : vector<16xi32>
          %add3A_656 = arith.constant 13 : i32
          %add3A_657 = vector.broadcast %add3A_656 : i32 to vector<16xi32>
          %add3A_658 = arith.addi %iota3A_655, %add3A_657 : vector<16xi32>
          %and3A_659 = arith.constant 15 : i32
          %and3A_660 = vector.broadcast %and3A_659 : i32 to vector<16xi32>
          %and3A_661 = arith.andi %add3A_658, %and3A_660 : vector<16xi32>
          %and3A_662 = arith.constant 1 : i32
          %and3A_663 = vector.broadcast %and3A_662 : i32 to vector<16xi32>
          %and3A_664 = arith.andi %and3A_661, %and3A_663 : vector<16xi32>
          %mul3A_665 = arith.constant 64 : i32
          %mul3A_666 = vector.broadcast %mul3A_665 : i32 to vector<16xi32>
          %mul3A_667 = arith.muli %and3A_664, %mul3A_666 : vector<16xi32>
          %iota3A_668 = tpu.iota {dimensions = array<i32: 0>} : vector<16xi32>
          %add3A_669 = arith.addi %mul3A_667, %iota3A_668 : vector<16xi32>
          %add3A_670 = arith.constant 0 : i32
          %add3A_671 = vector.broadcast %add3A_670 : i32 to vector<16xi32>
          %add3A_672 = arith.addi %add3A_669, %add3A_671 : vector<16xi32>
          tpu.vector_store_idx %arg6[%add3A_654, %add3A_672], %gather3A_472 : memref<64x128xf32, #tpu.memory_space<vmem>>[vector<16xi32>, vector<16xi32>], vector<16xf32>,
          %iota3A_673 = tpu.iota {dimensions = array<i32: 0>} : vector<16xi32>
          %add3A_674 = arith.constant 14 : i32
          %add3A_675 = vector.broadcast %add3A_674 : i32 to vector<16xi32>
          %add3A_676 = arith.addi %iota3A_673, %add3A_675 : vector<16xi32>
          %and3A_677 = arith.constant 15 : i32
          %and3A_678 = vector.broadcast %and3A_677 : i32 to vector<16xi32>
          %and3A_679 = arith.andi %add3A_676, %and3A_678 : vector<16xi32>
          %shift_right_logical3A_680 = arith.constant 1 : i32
          %shift_right_logical3A_681 = vector.broadcast %shift_right_logical3A_680 : i32 to vector<16xi32>
          %shift_right_logical3A_682 = arith.shrui %and3A_679, %shift_right_logical3A_681 : vector<16xi32>
          %add3A_683 = vector.broadcast %mul3A_90 : i32 to vector<16xi32>
          %add3A_684 = arith.addi %shift_right_logical3A_682, %add3A_683 : vector<16xi32>
          %iota3A_685 = tpu.iota {dimensions = array<i32: 0>} : vector<16xi32>
          %add3A_686 = arith.constant 14 : i32
          %add3A_687 = vector.broadcast %add3A_686 : i32 to vector<16xi32>
          %add3A_688 = arith.addi %iota3A_685, %add3A_687 : vector<16xi32>
          %and3A_689 = arith.constant 15 : i32
          %and3A_690 = vector.broadcast %and3A_689 : i32 to vector<16xi32>
          %and3A_691 = arith.andi %add3A_688, %and3A_690 : vector<16xi32>
          %and3A_692 = arith.constant 1 : i32
          %and3A_693 = vector.broadcast %and3A_692 : i32 to vector<16xi32>
          %and3A_694 = arith.andi %and3A_691, %and3A_693 : vector<16xi32>
          %mul3A_695 = arith.constant 64 : i32
          %mul3A_696 = vector.broadcast %mul3A_695 : i32 to vector<16xi32>
          %mul3A_697 = arith.muli %and3A_694, %mul3A_696 : vector<16xi32>
          %iota3A_698 = tpu.iota {dimensions = array<i32: 0>} : vector<16xi32>
          %add3A_699 = arith.addi %mul3A_697, %iota3A_698 : vector<16xi32>
          %add3A_700 = arith.constant 0 : i32
          %add3A_701 = vector.broadcast %add3A_700 : i32 to vector<16xi32>
          %add3A_702 = arith.addi %add3A_699, %add3A_701 : vector<16xi32>
          tpu.vector_store_idx %arg6[%add3A_684, %add3A_702], %gather3A_482 : memref<64x128xf32, #tpu.memory_space<vmem>>[vector<16xi32>, vector<16xi32>], vector<16xf32>,
          %iota3A_703 = tpu.iota {dimensions = array<i32: 0>} : vector<16xi32>
          %add3A_704 = arith.constant 15 : i32
          %add3A_705 = vector.broadcast %add3A_704 : i32 to vector<16xi32>
          %add3A_706 = arith.addi %iota3A_703, %add3A_705 : vector<16xi32>
          %and3A_707 = arith.constant 15 : i32
          %and3A_708 = vector.broadcast %and3A_707 : i32 to vector<16xi32>
          %and3A_709 = arith.andi %add3A_706, %and3A_708 : vector<16xi32>
          %shift_right_logical3A_710 = arith.constant 1 : i32
          %shift_right_logical3A_711 = vector.broadcast %shift_right_logical3A_710 : i32 to vector<16xi32>
          %shift_right_logical3A_712 = arith.shrui %and3A_709, %shift_right_logical3A_711 : vector<16xi32>
          %add3A_713 = vector.broadcast %mul3A_90 : i32 to vector<16xi32>
          %add3A_714 = arith.addi %shift_right_logical3A_712, %add3A_713 : vector<16xi32>
          %iota3A_715 = tpu.iota {dimensions = array<i32: 0>} : vector<16xi32>
          %add3A_716 = arith.constant 15 : i32
          %add3A_717 = vector.broadcast %add3A_716 : i32 to vector<16xi32>
          %add3A_718 = arith.addi %iota3A_715, %add3A_717 : vector<16xi32>
          %and3A_719 = arith.constant 15 : i32
          %and3A_720 = vector.broadcast %and3A_719 : i32 to vector<16xi32>
          %and3A_721 = arith.andi %add3A_718, %and3A_720 : vector<16xi32>
          %and3A_722 = arith.constant 1 : i32
          %and3A_723 = vector.broadcast %and3A_722 : i32 to vector<16xi32>
          %and3A_724 = arith.andi %and3A_721, %and3A_723 : vector<16xi32>
          %mul3A_725 = arith.constant 64 : i32
          %mul3A_726 = vector.broadcast %mul3A_725 : i32 to vector<16xi32>
          %mul3A_727 = arith.muli %and3A_724, %mul3A_726 : vector<16xi32>
          %iota3A_728 = tpu.iota {dimensions = array<i32: 0>} : vector<16xi32>
          %add3A_729 = arith.addi %mul3A_727, %iota3A_728 : vector<16xi32>
          %add3A_730 = arith.constant 0 : i32
          %add3A_731 = vector.broadcast %add3A_730 : i32 to vector<16xi32>
          %add3A_732 = arith.addi %add3A_729, %add3A_731 : vector<16xi32>
          tpu.vector_store_idx %arg6[%add3A_714, %add3A_732], %gather3A_492 : memref<64x128xf32, #tpu.memory_space<vmem>>[vector<16xi32>, vector<16xi32>], vector<16xf32>,
          %add3A_733 = arith.constant 16 : i32
          %add3A_734 = arith.addi %add3A_733, %mul3A_42 : i32
          %iota3A_735 = tpu.iota {dimensions = array<i32: 0>} : vector<16xi32>
          %add3A_736 = vector.broadcast %add3A_734 : i32 to vector<16xi32>
          %add3A_737 = arith.addi %iota3A_735, %add3A_736 : vector<16xi32>
          %iota3A_738 = tpu.iota {dimensions = array<i32: 0>} : vector<16xi32>
          %add3A_739 = arith.constant 0 : i32
          %add3A_740 = vector.broadcast %add3A_739 : i32 to vector<16xi32>
          %add3A_741 = arith.addi %iota3A_738, %add3A_740 : vector<16xi32>
          %and3A_742 = arith.constant 15 : i32
          %and3A_743 = vector.broadcast %and3A_742 : i32 to vector<16xi32>
          %and3A_744 = arith.andi %add3A_741, %and3A_743 : vector<16xi32>
          %add3A_745 = vector.broadcast %mul3A_88 : i32 to vector<16xi32>
          %add3A_746 = arith.addi %and3A_744, %add3A_745 : vector<16xi32>
          %gather3A_747 = tpu.vector_load_idx %arg5[%add3A_737, %add3A_746] : memref<128x128xf32, #tpu.memory_space<vmem>>[vector<16xi32>, vector<16xi32>], vector<16xf32>,
          %iota3A_748 = tpu.iota {dimensions = array<i32: 0>} : vector<16xi32>
          %add3A_749 = arith.constant 1 : i32
          %add3A_750 = vector.broadcast %add3A_749 : i32 to vector<16xi32>
          %add3A_751 = arith.addi %iota3A_748, %add3A_750 : vector<16xi32>
          %and3A_752 = arith.constant 15 : i32
          %and3A_753 = vector.broadcast %and3A_752 : i32 to vector<16xi32>
          %and3A_754 = arith.andi %add3A_751, %and3A_753 : vector<16xi32>
          %add3A_755 = vector.broadcast %mul3A_88 : i32 to vector<16xi32>
          %add3A_756 = arith.addi %and3A_754, %add3A_755 : vector<16xi32>
          %gather3A_757 = tpu.vector_load_idx %arg5[%add3A_737, %add3A_756] : memref<128x128xf32, #tpu.memory_space<vmem>>[vector<16xi32>, vector<16xi32>], vector<16xf32>,
          %iota3A_758 = tpu.iota {dimensions = array<i32: 0>} : vector<16xi32>
          %add3A_759 = arith.constant 2 : i32
          %add3A_760 = vector.broadcast %add3A_759 : i32 to vector<16xi32>
          %add3A_761 = arith.addi %iota3A_758, %add3A_760 : vector<16xi32>
          %and3A_762 = arith.constant 15 : i32
          %and3A_763 = vector.broadcast %and3A_762 : i32 to vector<16xi32>
          %and3A_764 = arith.andi %add3A_761, %and3A_763 : vector<16xi32>
          %add3A_765 = vector.broadcast %mul3A_88 : i32 to vector<16xi32>
          %add3A_766 = arith.addi %and3A_764, %add3A_765 : vector<16xi32>
          %gather3A_767 = tpu.vector_load_idx %arg5[%add3A_737, %add3A_766] : memref<128x128xf32, #tpu.memory_space<vmem>>[vector<16xi32>, vector<16xi32>], vector<16xf32>,
          %iota3A_768 = tpu.iota {dimensions = array<i32: 0>} : vector<16xi32>
          %add3A_769 = arith.constant 3 : i32
          %add3A_770 = vector.broadcast %add3A_769 : i32 to vector<16xi32>
          %add3A_771 = arith.addi %iota3A_768, %add3A_770 : vector<16xi32>
          %and3A_772 = arith.constant 15 : i32
          %and3A_773 = vector.broadcast %and3A_772 : i32 to vector<16xi32>
          %and3A_774 = arith.andi %add3A_771, %and3A_773 : vector<16xi32>
          %add3A_775 = vector.broadcast %mul3A_88 : i32 to vector<16xi32>
          %add3A_776 = arith.addi %and3A_774, %add3A_775 : vector<16xi32>
          %gather3A_777 = tpu.vector_load_idx %arg5[%add3A_737, %add3A_776] : memref<128x128xf32, #tpu.memory_space<vmem>>[vector<16xi32>, vector<16xi32>], vector<16xf32>,
          %iota3A_778 = tpu.iota {dimensions = array<i32: 0>} : vector<16xi32>
          %add3A_779 = arith.constant 4 : i32
          %add3A_780 = vector.broadcast %add3A_779 : i32 to vector<16xi32>
          %add3A_781 = arith.addi %iota3A_778, %add3A_780 : vector<16xi32>
          %and3A_782 = arith.constant 15 : i32
          %and3A_783 = vector.broadcast %and3A_782 : i32 to vector<16xi32>
          %and3A_784 = arith.andi %add3A_781, %and3A_783 : vector<16xi32>
          %add3A_785 = vector.broadcast %mul3A_88 : i32 to vector<16xi32>
          %add3A_786 = arith.addi %and3A_784, %add3A_785 : vector<16xi32>
          %gather3A_787 = tpu.vector_load_idx %arg5[%add3A_737, %add3A_786] : memref<128x128xf32, #tpu.memory_space<vmem>>[vector<16xi32>, vector<16xi32>], vector<16xf32>,
          %iota3A_788 = tpu.iota {dimensions = array<i32: 0>} : vector<16xi32>
          %add3A_789 = arith.constant 5 : i32
          %add3A_790 = vector.broadcast %add3A_789 : i32 to vector<16xi32>
          %add3A_791 = arith.addi %iota3A_788, %add3A_790 : vector<16xi32>
          %and3A_792 = arith.constant 15 : i32
          %and3A_793 = vector.broadcast %and3A_792 : i32 to vector<16xi32>
          %and3A_794 = arith.andi %add3A_791, %and3A_793 : vector<16xi32>
          %add3A_795 = vector.broadcast %mul3A_88 : i32 to vector<16xi32>
          %add3A_796 = arith.addi %and3A_794, %add3A_795 : vector<16xi32>
          %gather3A_797 = tpu.vector_load_idx %arg5[%add3A_737, %add3A_796] : memref<128x128xf32, #tpu.memory_space<vmem>>[vector<16xi32>, vector<16xi32>], vector<16xf32>,
          %iota3A_798 = tpu.iota {dimensions = array<i32: 0>} : vector<16xi32>
          %add3A_799 = arith.constant 6 : i32
          %add3A_800 = vector.broadcast %add3A_799 : i32 to vector<16xi32>
          %add3A_801 = arith.addi %iota3A_798, %add3A_800 : vector<16xi32>
          %and3A_802 = arith.constant 15 : i32
          %and3A_803 = vector.broadcast %and3A_802 : i32 to vector<16xi32>
          %and3A_804 = arith.andi %add3A_801, %and3A_803 : vector<16xi32>
          %add3A_805 = vector.broadcast %mul3A_88 : i32 to vector<16xi32>
          %add3A_806 = arith.addi %and3A_804, %add3A_805 : vector<16xi32>
          %gather3A_807 = tpu.vector_load_idx %arg5[%add3A_737, %add3A_806] : memref<128x128xf32, #tpu.memory_space<vmem>>[vector<16xi32>, vector<16xi32>], vector<16xf32>,
          %iota3A_808 = tpu.iota {dimensions = array<i32: 0>} : vector<16xi32>
          %add3A_809 = arith.constant 7 : i32
          %add3A_810 = vector.broadcast %add3A_809 : i32 to vector<16xi32>
          %add3A_811 = arith.addi %iota3A_808, %add3A_810 : vector<16xi32>
          %and3A_812 = arith.constant 15 : i32
          %and3A_813 = vector.broadcast %and3A_812 : i32 to vector<16xi32>
          %and3A_814 = arith.andi %add3A_811, %and3A_813 : vector<16xi32>
          %add3A_815 = vector.broadcast %mul3A_88 : i32 to vector<16xi32>
          %add3A_816 = arith.addi %and3A_814, %add3A_815 : vector<16xi32>
          %gather3A_817 = tpu.vector_load_idx %arg5[%add3A_737, %add3A_816] : memref<128x128xf32, #tpu.memory_space<vmem>>[vector<16xi32>, vector<16xi32>], vector<16xf32>,
          %iota3A_818 = tpu.iota {dimensions = array<i32: 0>} : vector<16xi32>
          %add3A_819 = arith.constant 0 : i32
          %add3A_820 = vector.broadcast %add3A_819 : i32 to vector<16xi32>
          %add3A_821 = arith.addi %iota3A_818, %add3A_820 : vector<16xi32>
          %and3A_822 = arith.constant 15 : i32
          %and3A_823 = vector.broadcast %and3A_822 : i32 to vector<16xi32>
          %and3A_824 = arith.andi %add3A_821, %and3A_823 : vector<16xi32>
          %shift_right_logical3A_825 = arith.constant 1 : i32
          %shift_right_logical3A_826 = vector.broadcast %shift_right_logical3A_825 : i32 to vector<16xi32>
          %shift_right_logical3A_827 = arith.shrui %and3A_824, %shift_right_logical3A_826 : vector<16xi32>
          %add3A_828 = vector.broadcast %mul3A_90 : i32 to vector<16xi32>
          %add3A_829 = arith.addi %shift_right_logical3A_827, %add3A_828 : vector<16xi32>
          %iota3A_830 = tpu.iota {dimensions = array<i32: 0>} : vector<16xi32>
          %add3A_831 = arith.constant 0 : i32
          %add3A_832 = vector.broadcast %add3A_831 : i32 to vector<16xi32>
          %add3A_833 = arith.addi %iota3A_830, %add3A_832 : vector<16xi32>
          %and3A_834 = arith.constant 15 : i32
          %and3A_835 = vector.broadcast %and3A_834 : i32 to vector<16xi32>
          %and3A_836 = arith.andi %add3A_833, %and3A_835 : vector<16xi32>
          %and3A_837 = arith.constant 1 : i32
          %and3A_838 = vector.broadcast %and3A_837 : i32 to vector<16xi32>
          %and3A_839 = arith.andi %and3A_836, %and3A_838 : vector<16xi32>
          %mul3A_840 = arith.constant 64 : i32
          %mul3A_841 = vector.broadcast %mul3A_840 : i32 to vector<16xi32>
          %mul3A_842 = arith.muli %and3A_839, %mul3A_841 : vector<16xi32>
          %iota3A_843 = tpu.iota {dimensions = array<i32: 0>} : vector<16xi32>
          %add3A_844 = arith.addi %mul3A_842, %iota3A_843 : vector<16xi32>
          %add3A_845 = arith.constant 16 : i32
          %add3A_846 = vector.broadcast %add3A_845 : i32 to vector<16xi32>
          %add3A_847 = arith.addi %add3A_844, %add3A_846 : vector<16xi32>
          tpu.vector_store_idx %arg6[%add3A_829, %add3A_847], %gather3A_747 : memref<64x128xf32, #tpu.memory_space<vmem>>[vector<16xi32>, vector<16xi32>], vector<16xf32>,
          %iota3A_848 = tpu.iota {dimensions = array<i32: 0>} : vector<16xi32>
          %add3A_849 = arith.constant 1 : i32
          %add3A_850 = vector.broadcast %add3A_849 : i32 to vector<16xi32>
          %add3A_851 = arith.addi %iota3A_848, %add3A_850 : vector<16xi32>
          %and3A_852 = arith.constant 15 : i32
          %and3A_853 = vector.broadcast %and3A_852 : i32 to vector<16xi32>
          %and3A_854 = arith.andi %add3A_851, %and3A_853 : vector<16xi32>
          %shift_right_logical3A_855 = arith.constant 1 : i32
          %shift_right_logical3A_856 = vector.broadcast %shift_right_logical3A_855 : i32 to vector<16xi32>
          %shift_right_logical3A_857 = arith.shrui %and3A_854, %shift_right_logical3A_856 : vector<16xi32>
          %add3A_858 = vector.broadcast %mul3A_90 : i32 to vector<16xi32>
          %add3A_859 = arith.addi %shift_right_logical3A_857, %add3A_858 : vector<16xi32>
          %iota3A_860 = tpu.iota {dimensions = array<i32: 0>} : vector<16xi32>
          %add3A_861 = arith.constant 1 : i32
          %add3A_862 = vector.broadcast %add3A_861 : i32 to vector<16xi32>
          %add3A_863 = arith.addi %iota3A_860, %add3A_862 : vector<16xi32>
          %and3A_864 = arith.constant 15 : i32
          %and3A_865 = vector.broadcast %and3A_864 : i32 to vector<16xi32>
          %and3A_866 = arith.andi %add3A_863, %and3A_865 : vector<16xi32>
          %and3A_867 = arith.constant 1 : i32
          %and3A_868 = vector.broadcast %and3A_867 : i32 to vector<16xi32>
          %and3A_869 = arith.andi %and3A_866, %and3A_868 : vector<16xi32>
          %mul3A_870 = arith.constant 64 : i32
          %mul3A_871 = vector.broadcast %mul3A_870 : i32 to vector<16xi32>
          %mul3A_872 = arith.muli %and3A_869, %mul3A_871 : vector<16xi32>
          %iota3A_873 = tpu.iota {dimensions = array<i32: 0>} : vector<16xi32>
          %add3A_874 = arith.addi %mul3A_872, %iota3A_873 : vector<16xi32>
          %add3A_875 = arith.constant 16 : i32
          %add3A_876 = vector.broadcast %add3A_875 : i32 to vector<16xi32>
          %add3A_877 = arith.addi %add3A_874, %add3A_876 : vector<16xi32>
          tpu.vector_store_idx %arg6[%add3A_859, %add3A_877], %gather3A_757 : memref<64x128xf32, #tpu.memory_space<vmem>>[vector<16xi32>, vector<16xi32>], vector<16xf32>,
          %iota3A_878 = tpu.iota {dimensions = array<i32: 0>} : vector<16xi32>
          %add3A_879 = arith.constant 2 : i32
          %add3A_880 = vector.broadcast %add3A_879 : i32 to vector<16xi32>
          %add3A_881 = arith.addi %iota3A_878, %add3A_880 : vector<16xi32>
          %and3A_882 = arith.constant 15 : i32
          %and3A_883 = vector.broadcast %and3A_882 : i32 to vector<16xi32>
          %and3A_884 = arith.andi %add3A_881, %and3A_883 : vector<16xi32>
          %shift_right_logical3A_885 = arith.constant 1 : i32
          %shift_right_logical3A_886 = vector.broadcast %shift_right_logical3A_885 : i32 to vector<16xi32>
          %shift_right_logical3A_887 = arith.shrui %and3A_884, %shift_right_logical3A_886 : vector<16xi32>
          %add3A_888 = vector.broadcast %mul3A_90 : i32 to vector<16xi32>
          %add3A_889 = arith.addi %shift_right_logical3A_887, %add3A_888 : vector<16xi32>
          %iota3A_890 = tpu.iota {dimensions = array<i32: 0>} : vector<16xi32>
          %add3A_891 = arith.constant 2 : i32
          %add3A_892 = vector.broadcast %add3A_891 : i32 to vector<16xi32>
          %add3A_893 = arith.addi %iota3A_890, %add3A_892 : vector<16xi32>
          %and3A_894 = arith.constant 15 : i32
          %and3A_895 = vector.broadcast %and3A_894 : i32 to vector<16xi32>
          %and3A_896 = arith.andi %add3A_893, %and3A_895 : vector<16xi32>
          %and3A_897 = arith.constant 1 : i32
          %and3A_898 = vector.broadcast %and3A_897 : i32 to vector<16xi32>
          %and3A_899 = arith.andi %and3A_896, %and3A_898 : vector<16xi32>
          %mul3A_900 = arith.constant 64 : i32
          %mul3A_901 = vector.broadcast %mul3A_900 : i32 to vector<16xi32>
          %mul3A_902 = arith.muli %and3A_899, %mul3A_901 : vector<16xi32>
          %iota3A_903 = tpu.iota {dimensions = array<i32: 0>} : vector<16xi32>
          %add3A_904 = arith.addi %mul3A_902, %iota3A_903 : vector<16xi32>
          %add3A_905 = arith.constant 16 : i32
          %add3A_906 = vector.broadcast %add3A_905 : i32 to vector<16xi32>
          %add3A_907 = arith.addi %add3A_904, %add3A_906 : vector<16xi32>
          tpu.vector_store_idx %arg6[%add3A_889, %add3A_907], %gather3A_767 : memref<64x128xf32, #tpu.memory_space<vmem>>[vector<16xi32>, vector<16xi32>], vector<16xf32>,
          %iota3A_908 = tpu.iota {dimensions = array<i32: 0>} : vector<16xi32>
          %add3A_909 = arith.constant 3 : i32
          %add3A_910 = vector.broadcast %add3A_909 : i32 to vector<16xi32>
          %add3A_911 = arith.addi %iota3A_908, %add3A_910 : vector<16xi32>
          %and3A_912 = arith.constant 15 : i32
          %and3A_913 = vector.broadcast %and3A_912 : i32 to vector<16xi32>
          %and3A_914 = arith.andi %add3A_911, %and3A_913 : vector<16xi32>
          %shift_right_logical3A_915 = arith.constant 1 : i32
          %shift_right_logical3A_916 = vector.broadcast %shift_right_logical3A_915 : i32 to vector<16xi32>
          %shift_right_logical3A_917 = arith.shrui %and3A_914, %shift_right_logical3A_916 : vector<16xi32>
          %add3A_918 = vector.broadcast %mul3A_90 : i32 to vector<16xi32>
          %add3A_919 = arith.addi %shift_right_logical3A_917, %add3A_918 : vector<16xi32>
          %iota3A_920 = tpu.iota {dimensions = array<i32: 0>} : vector<16xi32>
          %add3A_921 = arith.constant 3 : i32
          %add3A_922 = vector.broadcast %add3A_921 : i32 to vector<16xi32>
          %add3A_923 = arith.addi %iota3A_920, %add3A_922 : vector<16xi32>
          %and3A_924 = arith.constant 15 : i32
          %and3A_925 = vector.broadcast %and3A_924 : i32 to vector<16xi32>
          %and3A_926 = arith.andi %add3A_923, %and3A_925 : vector<16xi32>
          %and3A_927 = arith.constant 1 : i32
          %and3A_928 = vector.broadcast %and3A_927 : i32 to vector<16xi32>
          %and3A_929 = arith.andi %and3A_926, %and3A_928 : vector<16xi32>
          %mul3A_930 = arith.constant 64 : i32
          %mul3A_931 = vector.broadcast %mul3A_930 : i32 to vector<16xi32>
          %mul3A_932 = arith.muli %and3A_929, %mul3A_931 : vector<16xi32>
          %iota3A_933 = tpu.iota {dimensions = array<i32: 0>} : vector<16xi32>
          %add3A_934 = arith.addi %mul3A_932, %iota3A_933 : vector<16xi32>
          %add3A_935 = arith.constant 16 : i32
          %add3A_936 = vector.broadcast %add3A_935 : i32 to vector<16xi32>
          %add3A_937 = arith.addi %add3A_934, %add3A_936 : vector<16xi32>
          tpu.vector_store_idx %arg6[%add3A_919, %add3A_937], %gather3A_777 : memref<64x128xf32, #tpu.memory_space<vmem>>[vector<16xi32>, vector<16xi32>], vector<16xf32>,
          %iota3A_938 = tpu.iota {dimensions = array<i32: 0>} : vector<16xi32>
          %add3A_939 = arith.constant 4 : i32
          %add3A_940 = vector.broadcast %add3A_939 : i32 to vector<16xi32>
          %add3A_941 = arith.addi %iota3A_938, %add3A_940 : vector<16xi32>
          %and3A_942 = arith.constant 15 : i32
          %and3A_943 = vector.broadcast %and3A_942 : i32 to vector<16xi32>
          %and3A_944 = arith.andi %add3A_941, %and3A_943 : vector<16xi32>
          %shift_right_logical3A_945 = arith.constant 1 : i32
          %shift_right_logical3A_946 = vector.broadcast %shift_right_logical3A_945 : i32 to vector<16xi32>
          %shift_right_logical3A_947 = arith.shrui %and3A_944, %shift_right_logical3A_946 : vector<16xi32>
          %add3A_948 = vector.broadcast %mul3A_90 : i32 to vector<16xi32>
          %add3A_949 = arith.addi %shift_right_logical3A_947, %add3A_948 : vector<16xi32>
          %iota3A_950 = tpu.iota {dimensions = array<i32: 0>} : vector<16xi32>
          %add3A_951 = arith.constant 4 : i32
          %add3A_952 = vector.broadcast %add3A_951 : i32 to vector<16xi32>
          %add3A_953 = arith.addi %iota3A_950, %add3A_952 : vector<16xi32>
          %and3A_954 = arith.constant 15 : i32
          %and3A_955 = vector.broadcast %and3A_954 : i32 to vector<16xi32>
          %and3A_956 = arith.andi %add3A_953, %and3A_955 : vector<16xi32>
          %and3A_957 = arith.constant 1 : i32
          %and3A_958 = vector.broadcast %and3A_957 : i32 to vector<16xi32>
          %and3A_959 = arith.andi %and3A_956, %and3A_958 : vector<16xi32>
          %mul3A_960 = arith.constant 64 : i32
          %mul3A_961 = vector.broadcast %mul3A_960 : i32 to vector<16xi32>
          %mul3A_962 = arith.muli %and3A_959, %mul3A_961 : vector<16xi32>
          %iota3A_963 = tpu.iota {dimensions = array<i32: 0>} : vector<16xi32>
          %add3A_964 = arith.addi %mul3A_962, %iota3A_963 : vector<16xi32>
          %add3A_965 = arith.constant 16 : i32
          %add3A_966 = vector.broadcast %add3A_965 : i32 to vector<16xi32>
          %add3A_967 = arith.addi %add3A_964, %add3A_966 : vector<16xi32>
          tpu.vector_store_idx %arg6[%add3A_949, %add3A_967], %gather3A_787 : memref<64x128xf32, #tpu.memory_space<vmem>>[vector<16xi32>, vector<16xi32>], vector<16xf32>,
          %iota3A_968 = tpu.iota {dimensions = array<i32: 0>} : vector<16xi32>
          %add3A_969 = arith.constant 5 : i32
          %add3A_970 = vector.broadcast %add3A_969 : i32 to vector<16xi32>
          %add3A_971 = arith.addi %iota3A_968, %add3A_970 : vector<16xi32>
          %and3A_972 = arith.constant 15 : i32
          %and3A_973 = vector.broadcast %and3A_972 : i32 to vector<16xi32>
          %and3A_974 = arith.andi %add3A_971, %and3A_973 : vector<16xi32>
          %shift_right_logical3A_975 = arith.constant 1 : i32
          %shift_right_logical3A_976 = vector.broadcast %shift_right_logical3A_975 : i32 to vector<16xi32>
          %shift_right_logical3A_977 = arith.shrui %and3A_974, %shift_right_logical3A_976 : vector<16xi32>
          %add3A_978 = vector.broadcast %mul3A_90 : i32 to vector<16xi32>
          %add3A_979 = arith.addi %shift_right_logical3A_977, %add3A_978 : vector<16xi32>
          %iota3A_980 = tpu.iota {dimensions = array<i32: 0>} : vector<16xi32>
          %add3A_981 = arith.constant 5 : i32
          %add3A_982 = vector.broadcast %add3A_981 : i32 to vector<16xi32>
          %add3A_983 = arith.addi %iota3A_980, %add3A_982 : vector<16xi32>
          %and3A_984 = arith.constant 15 : i32
          %and3A_985 = vector.broadcast %and3A_984 : i32 to vector<16xi32>
          %and3A_986 = arith.andi %add3A_983, %and3A_985 : vector<16xi32>
          %and3A_987 = arith.constant 1 : i32
          %and3A_988 = vector.broadcast %and3A_987 : i32 to vector<16xi32>
          %and3A_989 = arith.andi %and3A_986, %and3A_988 : vector<16xi32>
          %mul3A_990 = arith.constant 64 : i32
          %mul3A_991 = vector.broadcast %mul3A_990 : i32 to vector<16xi32>
          %mul3A_992 = arith.muli %and3A_989, %mul3A_991 : vector<16xi32>
          %iota3A_993 = tpu.iota {dimensions = array<i32: 0>} : vector<16xi32>
          %add3A_994 = arith.addi %mul3A_992, %iota3A_993 : vector<16xi32>
          %add3A_995 = arith.constant 16 : i32
          %add3A_996 = vector.broadcast %add3A_995 : i32 to vector<16xi32>
          %add3A_997 = arith.addi %add3A_994, %add3A_996 : vector<16xi32>
          tpu.vector_store_idx %arg6[%add3A_979, %add3A_997], %gather3A_797 : memref<64x128xf32, #tpu.memory_space<vmem>>[vector<16xi32>, vector<16xi32>], vector<16xf32>,
          %iota3A_998 = tpu.iota {dimensions = array<i32: 0>} : vector<16xi32>
          %add3A_999 = arith.constant 6 : i32
          %add3A_1000 = vector.broadcast %add3A_999 : i32 to vector<16xi32>
          %add3A_1001 = arith.addi %iota3A_998, %add3A_1000 : vector<16xi32>
          %and3A_1002 = arith.constant 15 : i32
          %and3A_1003 = vector.broadcast %and3A_1002 : i32 to vector<16xi32>
          %and3A_1004 = arith.andi %add3A_1001, %and3A_1003 : vector<16xi32>
          %shift_right_logical3A_1005 = arith.constant 1 : i32
          %shift_right_logical3A_1006 = vector.broadcast %shift_right_logical3A_1005 : i32 to vector<16xi32>
          %shift_right_logical3A_1007 = arith.shrui %and3A_1004, %shift_right_logical3A_1006 : vector<16xi32>
          %add3A_1008 = vector.broadcast %mul3A_90 : i32 to vector<16xi32>
          %add3A_1009 = arith.addi %shift_right_logical3A_1007, %add3A_1008 : vector<16xi32>
          %iota3A_1010 = tpu.iota {dimensions = array<i32: 0>} : vector<16xi32>
          %add3A_1011 = arith.constant 6 : i32
          %add3A_1012 = vector.broadcast %add3A_1011 : i32 to vector<16xi32>
          %add3A_1013 = arith.addi %iota3A_1010, %add3A_1012 : vector<16xi32>
          %and3A_1014 = arith.constant 15 : i32
          %and3A_1015 = vector.broadcast %and3A_1014 : i32 to vector<16xi32>
          %and3A_1016 = arith.andi %add3A_1013, %and3A_1015 : vector<16xi32>
          %and3A_1017 = arith.constant 1 : i32
          %and3A_1018 = vector.broadcast %and3A_1017 : i32 to vector<16xi32>
          %and3A_1019 = arith.andi %and3A_1016, %and3A_1018 : vector<16xi32>
          %mul3A_1020 = arith.constant 64 : i32
          %mul3A_1021 = vector.broadcast %mul3A_1020 : i32 to vector<16xi32>
          %mul3A_1022 = arith.muli %and3A_1019, %mul3A_1021 : vector<16xi32>
          %iota3A_1023 = tpu.iota {dimensions = array<i32: 0>} : vector<16xi32>
          %add3A_1024 = arith.addi %mul3A_1022, %iota3A_1023 : vector<16xi32>
          %add3A_1025 = arith.constant 16 : i32
          %add3A_1026 = vector.broadcast %add3A_1025 : i32 to vector<16xi32>
          %add3A_1027 = arith.addi %add3A_1024, %add3A_1026 : vector<16xi32>
          tpu.vector_store_idx %arg6[%add3A_1009, %add3A_1027], %gather3A_807 : memref<64x128xf32, #tpu.memory_space<vmem>>[vector<16xi32>, vector<16xi32>], vector<16xf32>,
          %iota3A_1028 = tpu.iota {dimensions = array<i32: 0>} : vector<16xi32>
          %add3A_1029 = arith.constant 7 : i32
          %add3A_1030 = vector.broadcast %add3A_1029 : i32 to vector<16xi32>
          %add3A_1031 = arith.addi %iota3A_1028, %add3A_1030 : vector<16xi32>
          %and3A_1032 = arith.constant 15 : i32
          %and3A_1033 = vector.broadcast %and3A_1032 : i32 to vector<16xi32>
          %and3A_1034 = arith.andi %add3A_1031, %and3A_1033 : vector<16xi32>
          %shift_right_logical3A_1035 = arith.constant 1 : i32
          %shift_right_logical3A_1036 = vector.broadcast %shift_right_logical3A_1035 : i32 to vector<16xi32>
          %shift_right_logical3A_1037 = arith.shrui %and3A_1034, %shift_right_logical3A_1036 : vector<16xi32>
          %add3A_1038 = vector.broadcast %mul3A_90 : i32 to vector<16xi32>
          %add3A_1039 = arith.addi %shift_right_logical3A_1037, %add3A_1038 : vector<16xi32>
          %iota3A_1040 = tpu.iota {dimensions = array<i32: 0>} : vector<16xi32>
          %add3A_1041 = arith.constant 7 : i32
          %add3A_1042 = vector.broadcast %add3A_1041 : i32 to vector<16xi32>
          %add3A_1043 = arith.addi %iota3A_1040, %add3A_1042 : vector<16xi32>
          %and3A_1044 = arith.constant 15 : i32
          %and3A_1045 = vector.broadcast %and3A_1044 : i32 to vector<16xi32>
          %and3A_1046 = arith.andi %add3A_1043, %and3A_1045 : vector<16xi32>
          %and3A_1047 = arith.constant 1 : i32
          %and3A_1048 = vector.broadcast %and3A_1047 : i32 to vector<16xi32>
          %and3A_1049 = arith.andi %and3A_1046, %and3A_1048 : vector<16xi32>
          %mul3A_1050 = arith.constant 64 : i32
          %mul3A_1051 = vector.broadcast %mul3A_1050 : i32 to vector<16xi32>
          %mul3A_1052 = arith.muli %and3A_1049, %mul3A_1051 : vector<16xi32>
          %iota3A_1053 = tpu.iota {dimensions = array<i32: 0>} : vector<16xi32>
          %add3A_1054 = arith.addi %mul3A_1052, %iota3A_1053 : vector<16xi32>
          %add3A_1055 = arith.constant 16 : i32
          %add3A_1056 = vector.broadcast %add3A_1055 : i32 to vector<16xi32>
          %add3A_1057 = arith.addi %add3A_1054, %add3A_1056 : vector<16xi32>
          tpu.vector_store_idx %arg6[%add3A_1039, %add3A_1057], %gather3A_817 : memref<64x128xf32, #tpu.memory_space<vmem>>[vector<16xi32>, vector<16xi32>], vector<16xf32>,
          %iota3A_1058 = tpu.iota {dimensions = array<i32: 0>} : vector<16xi32>
          %add3A_1059 = arith.constant 8 : i32
          %add3A_1060 = vector.broadcast %add3A_1059 : i32 to vector<16xi32>
          %add3A_1061 = arith.addi %iota3A_1058, %add3A_1060 : vector<16xi32>
          %and3A_1062 = arith.constant 15 : i32
          %and3A_1063 = vector.broadcast %and3A_1062 : i32 to vector<16xi32>
          %and3A_1064 = arith.andi %add3A_1061, %and3A_1063 : vector<16xi32>
          %add3A_1065 = vector.broadcast %mul3A_88 : i32 to vector<16xi32>
          %add3A_1066 = arith.addi %and3A_1064, %add3A_1065 : vector<16xi32>
          %gather3A_1067 = tpu.vector_load_idx %arg5[%add3A_737, %add3A_1066] : memref<128x128xf32, #tpu.memory_space<vmem>>[vector<16xi32>, vector<16xi32>], vector<16xf32>,
          %iota3A_1068 = tpu.iota {dimensions = array<i32: 0>} : vector<16xi32>
          %add3A_1069 = arith.constant 9 : i32
          %add3A_1070 = vector.broadcast %add3A_1069 : i32 to vector<16xi32>
          %add3A_1071 = arith.addi %iota3A_1068, %add3A_1070 : vector<16xi32>
          %and3A_1072 = arith.constant 15 : i32
          %and3A_1073 = vector.broadcast %and3A_1072 : i32 to vector<16xi32>
          %and3A_1074 = arith.andi %add3A_1071, %and3A_1073 : vector<16xi32>
          %add3A_1075 = vector.broadcast %mul3A_88 : i32 to vector<16xi32>
          %add3A_1076 = arith.addi %and3A_1074, %add3A_1075 : vector<16xi32>
          %gather3A_1077 = tpu.vector_load_idx %arg5[%add3A_737, %add3A_1076] : memref<128x128xf32, #tpu.memory_space<vmem>>[vector<16xi32>, vector<16xi32>], vector<16xf32>,
          %iota3A_1078 = tpu.iota {dimensions = array<i32: 0>} : vector<16xi32>
          %add3A_1079 = arith.constant 10 : i32
          %add3A_1080 = vector.broadcast %add3A_1079 : i32 to vector<16xi32>
          %add3A_1081 = arith.addi %iota3A_1078, %add3A_1080 : vector<16xi32>
          %and3A_1082 = arith.constant 15 : i32
          %and3A_1083 = vector.broadcast %and3A_1082 : i32 to vector<16xi32>
          %and3A_1084 = arith.andi %add3A_1081, %and3A_1083 : vector<16xi32>
          %add3A_1085 = vector.broadcast %mul3A_88 : i32 to vector<16xi32>
          %add3A_1086 = arith.addi %and3A_1084, %add3A_1085 : vector<16xi32>
          %gather3A_1087 = tpu.vector_load_idx %arg5[%add3A_737, %add3A_1086] : memref<128x128xf32, #tpu.memory_space<vmem>>[vector<16xi32>, vector<16xi32>], vector<16xf32>,
          %iota3A_1088 = tpu.iota {dimensions = array<i32: 0>} : vector<16xi32>
          %add3A_1089 = arith.constant 11 : i32
          %add3A_1090 = vector.broadcast %add3A_1089 : i32 to vector<16xi32>
          %add3A_1091 = arith.addi %iota3A_1088, %add3A_1090 : vector<16xi32>
          %and3A_1092 = arith.constant 15 : i32
          %and3A_1093 = vector.broadcast %and3A_1092 : i32 to vector<16xi32>
          %and3A_1094 = arith.andi %add3A_1091, %and3A_1093 : vector<16xi32>
          %add3A_1095 = vector.broadcast %mul3A_88 : i32 to vector<16xi32>
          %add3A_1096 = arith.addi %and3A_1094, %add3A_1095 : vector<16xi32>
          %gather3A_1097 = tpu.vector_load_idx %arg5[%add3A_737, %add3A_1096] : memref<128x128xf32, #tpu.memory_space<vmem>>[vector<16xi32>, vector<16xi32>], vector<16xf32>,
          %iota3A_1098 = tpu.iota {dimensions = array<i32: 0>} : vector<16xi32>
          %add3A_1099 = arith.constant 12 : i32
          %add3A_1100 = vector.broadcast %add3A_1099 : i32 to vector<16xi32>
          %add3A_1101 = arith.addi %iota3A_1098, %add3A_1100 : vector<16xi32>
          %and3A_1102 = arith.constant 15 : i32
          %and3A_1103 = vector.broadcast %and3A_1102 : i32 to vector<16xi32>
          %and3A_1104 = arith.andi %add3A_1101, %and3A_1103 : vector<16xi32>
          %add3A_1105 = vector.broadcast %mul3A_88 : i32 to vector<16xi32>
          %add3A_1106 = arith.addi %and3A_1104, %add3A_1105 : vector<16xi32>
          %gather3A_1107 = tpu.vector_load_idx %arg5[%add3A_737, %add3A_1106] : memref<128x128xf32, #tpu.memory_space<vmem>>[vector<16xi32>, vector<16xi32>], vector<16xf32>,
          %iota3A_1108 = tpu.iota {dimensions = array<i32: 0>} : vector<16xi32>
          %add3A_1109 = arith.constant 13 : i32
          %add3A_1110 = vector.broadcast %add3A_1109 : i32 to vector<16xi32>
          %add3A_1111 = arith.addi %iota3A_1108, %add3A_1110 : vector<16xi32>
          %and3A_1112 = arith.constant 15 : i32
          %and3A_1113 = vector.broadcast %and3A_1112 : i32 to vector<16xi32>
          %and3A_1114 = arith.andi %add3A_1111, %and3A_1113 : vector<16xi32>
          %add3A_1115 = vector.broadcast %mul3A_88 : i32 to vector<16xi32>
          %add3A_1116 = arith.addi %and3A_1114, %add3A_1115 : vector<16xi32>
          %gather3A_1117 = tpu.vector_load_idx %arg5[%add3A_737, %add3A_1116] : memref<128x128xf32, #tpu.memory_space<vmem>>[vector<16xi32>, vector<16xi32>], vector<16xf32>,
          %iota3A_1118 = tpu.iota {dimensions = array<i32: 0>} : vector<16xi32>
          %add3A_1119 = arith.constant 14 : i32
          %add3A_1120 = vector.broadcast %add3A_1119 : i32 to vector<16xi32>
          %add3A_1121 = arith.addi %iota3A_1118, %add3A_1120 : vector<16xi32>
          %and3A_1122 = arith.constant 15 : i32
          %and3A_1123 = vector.broadcast %and3A_1122 : i32 to vector<16xi32>
          %and3A_1124 = arith.andi %add3A_1121, %and3A_1123 : vector<16xi32>
          %add3A_1125 = vector.broadcast %mul3A_88 : i32 to vector<16xi32>
          %add3A_1126 = arith.addi %and3A_1124, %add3A_1125 : vector<16xi32>
          %gather3A_1127 = tpu.vector_load_idx %arg5[%add3A_737, %add3A_1126] : memref<128x128xf32, #tpu.memory_space<vmem>>[vector<16xi32>, vector<16xi32>], vector<16xf32>,
          %iota3A_1128 = tpu.iota {dimensions = array<i32: 0>} : vector<16xi32>
          %add3A_1129 = arith.constant 15 : i32
          %add3A_1130 = vector.broadcast %add3A_1129 : i32 to vector<16xi32>
          %add3A_1131 = arith.addi %iota3A_1128, %add3A_1130 : vector<16xi32>
          %and3A_1132 = arith.constant 15 : i32
          %and3A_1133 = vector.broadcast %and3A_1132 : i32 to vector<16xi32>
          %and3A_1134 = arith.andi %add3A_1131, %and3A_1133 : vector<16xi32>
          %add3A_1135 = vector.broadcast %mul3A_88 : i32 to vector<16xi32>
          %add3A_1136 = arith.addi %and3A_1134, %add3A_1135 : vector<16xi32>
          %gather3A_1137 = tpu.vector_load_idx %arg5[%add3A_737, %add3A_1136] : memref<128x128xf32, #tpu.memory_space<vmem>>[vector<16xi32>, vector<16xi32>], vector<16xf32>,
          %iota3A_1138 = tpu.iota {dimensions = array<i32: 0>} : vector<16xi32>
          %add3A_1139 = arith.constant 8 : i32
          %add3A_1140 = vector.broadcast %add3A_1139 : i32 to vector<16xi32>
          %add3A_1141 = arith.addi %iota3A_1138, %add3A_1140 : vector<16xi32>
          %and3A_1142 = arith.constant 15 : i32
          %and3A_1143 = vector.broadcast %and3A_1142 : i32 to vector<16xi32>
          %and3A_1144 = arith.andi %add3A_1141, %and3A_1143 : vector<16xi32>
          %shift_right_logical3A_1145 = arith.constant 1 : i32
          %shift_right_logical3A_1146 = vector.broadcast %shift_right_logical3A_1145 : i32 to vector<16xi32>
          %shift_right_logical3A_1147 = arith.shrui %and3A_1144, %shift_right_logical3A_1146 : vector<16xi32>
          %add3A_1148 = vector.broadcast %mul3A_90 : i32 to vector<16xi32>
          %add3A_1149 = arith.addi %shift_right_logical3A_1147, %add3A_1148 : vector<16xi32>
          %iota3A_1150 = tpu.iota {dimensions = array<i32: 0>} : vector<16xi32>
          %add3A_1151 = arith.constant 8 : i32
          %add3A_1152 = vector.broadcast %add3A_1151 : i32 to vector<16xi32>
          %add3A_1153 = arith.addi %iota3A_1150, %add3A_1152 : vector<16xi32>
          %and3A_1154 = arith.constant 15 : i32
          %and3A_1155 = vector.broadcast %and3A_1154 : i32 to vector<16xi32>
          %and3A_1156 = arith.andi %add3A_1153, %and3A_1155 : vector<16xi32>
          %and3A_1157 = arith.constant 1 : i32
          %and3A_1158 = vector.broadcast %and3A_1157 : i32 to vector<16xi32>
          %and3A_1159 = arith.andi %and3A_1156, %and3A_1158 : vector<16xi32>
          %mul3A_1160 = arith.constant 64 : i32
          %mul3A_1161 = vector.broadcast %mul3A_1160 : i32 to vector<16xi32>
          %mul3A_1162 = arith.muli %and3A_1159, %mul3A_1161 : vector<16xi32>
          %iota3A_1163 = tpu.iota {dimensions = array<i32: 0>} : vector<16xi32>
          %add3A_1164 = arith.addi %mul3A_1162, %iota3A_1163 : vector<16xi32>
          %add3A_1165 = arith.constant 16 : i32
          %add3A_1166 = vector.broadcast %add3A_1165 : i32 to vector<16xi32>
          %add3A_1167 = arith.addi %add3A_1164, %add3A_1166 : vector<16xi32>
          tpu.vector_store_idx %arg6[%add3A_1149, %add3A_1167], %gather3A_1067 : memref<64x128xf32, #tpu.memory_space<vmem>>[vector<16xi32>, vector<16xi32>], vector<16xf32>,
          %iota3A_1168 = tpu.iota {dimensions = array<i32: 0>} : vector<16xi32>
          %add3A_1169 = arith.constant 9 : i32
          %add3A_1170 = vector.broadcast %add3A_1169 : i32 to vector<16xi32>
          %add3A_1171 = arith.addi %iota3A_1168, %add3A_1170 : vector<16xi32>
          %and3A_1172 = arith.constant 15 : i32
          %and3A_1173 = vector.broadcast %and3A_1172 : i32 to vector<16xi32>
          %and3A_1174 = arith.andi %add3A_1171, %and3A_1173 : vector<16xi32>
          %shift_right_logical3A_1175 = arith.constant 1 : i32
          %shift_right_logical3A_1176 = vector.broadcast %shift_right_logical3A_1175 : i32 to vector<16xi32>
          %shift_right_logical3A_1177 = arith.shrui %and3A_1174, %shift_right_logical3A_1176 : vector<16xi32>
          %add3A_1178 = vector.broadcast %mul3A_90 : i32 to vector<16xi32>
          %add3A_1179 = arith.addi %shift_right_logical3A_1177, %add3A_1178 : vector<16xi32>
          %iota3A_1180 = tpu.iota {dimensions = array<i32: 0>} : vector<16xi32>
          %add3A_1181 = arith.constant 9 : i32
          %add3A_1182 = vector.broadcast %add3A_1181 : i32 to vector<16xi32>
          %add3A_1183 = arith.addi %iota3A_1180, %add3A_1182 : vector<16xi32>
          %and3A_1184 = arith.constant 15 : i32
          %and3A_1185 = vector.broadcast %and3A_1184 : i32 to vector<16xi32>
          %and3A_1186 = arith.andi %add3A_1183, %and3A_1185 : vector<16xi32>
          %and3A_1187 = arith.constant 1 : i32
          %and3A_1188 = vector.broadcast %and3A_1187 : i32 to vector<16xi32>
          %and3A_1189 = arith.andi %and3A_1186, %and3A_1188 : vector<16xi32>
          %mul3A_1190 = arith.constant 64 : i32
          %mul3A_1191 = vector.broadcast %mul3A_1190 : i32 to vector<16xi32>
          %mul3A_1192 = arith.muli %and3A_1189, %mul3A_1191 : vector<16xi32>
          %iota3A_1193 = tpu.iota {dimensions = array<i32: 0>} : vector<16xi32>
          %add3A_1194 = arith.addi %mul3A_1192, %iota3A_1193 : vector<16xi32>
          %add3A_1195 = arith.constant 16 : i32
          %add3A_1196 = vector.broadcast %add3A_1195 : i32 to vector<16xi32>
          %add3A_1197 = arith.addi %add3A_1194, %add3A_1196 : vector<16xi32>
          tpu.vector_store_idx %arg6[%add3A_1179, %add3A_1197], %gather3A_1077 : memref<64x128xf32, #tpu.memory_space<vmem>>[vector<16xi32>, vector<16xi32>], vector<16xf32>,
          %iota3A_1198 = tpu.iota {dimensions = array<i32: 0>} : vector<16xi32>
          %add3A_1199 = arith.constant 10 : i32
          %add3A_1200 = vector.broadcast %add3A_1199 : i32 to vector<16xi32>
          %add3A_1201 = arith.addi %iota3A_1198, %add3A_1200 : vector<16xi32>
          %and3A_1202 = arith.constant 15 : i32
          %and3A_1203 = vector.broadcast %and3A_1202 : i32 to vector<16xi32>
          %and3A_1204 = arith.andi %add3A_1201, %and3A_1203 : vector<16xi32>
          %shift_right_logical3A_1205 = arith.constant 1 : i32
          %shift_right_logical3A_1206 = vector.broadcast %shift_right_logical3A_1205 : i32 to vector<16xi32>
          %shift_right_logical3A_1207 = arith.shrui %and3A_1204, %shift_right_logical3A_1206 : vector<16xi32>
          %add3A_1208 = vector.broadcast %mul3A_90 : i32 to vector<16xi32>
          %add3A_1209 = arith.addi %shift_right_logical3A_1207, %add3A_1208 : vector<16xi32>
          %iota3A_1210 = tpu.iota {dimensions = array<i32: 0>} : vector<16xi32>
          %add3A_1211 = arith.constant 10 : i32
          %add3A_1212 = vector.broadcast %add3A_1211 : i32 to vector<16xi32>
          %add3A_1213 = arith.addi %iota3A_1210, %add3A_1212 : vector<16xi32>
          %and3A_1214 = arith.constant 15 : i32
          %and3A_1215 = vector.broadcast %and3A_1214 : i32 to vector<16xi32>
          %and3A_1216 = arith.andi %add3A_1213, %and3A_1215 : vector<16xi32>
          %and3A_1217 = arith.constant 1 : i32
          %and3A_1218 = vector.broadcast %and3A_1217 : i32 to vector<16xi32>
          %and3A_1219 = arith.andi %and3A_1216, %and3A_1218 : vector<16xi32>
          %mul3A_1220 = arith.constant 64 : i32
          %mul3A_1221 = vector.broadcast %mul3A_1220 : i32 to vector<16xi32>
          %mul3A_1222 = arith.muli %and3A_1219, %mul3A_1221 : vector<16xi32>
          %iota3A_1223 = tpu.iota {dimensions = array<i32: 0>} : vector<16xi32>
          %add3A_1224 = arith.addi %mul3A_1222, %iota3A_1223 : vector<16xi32>
          %add3A_1225 = arith.constant 16 : i32
          %add3A_1226 = vector.broadcast %add3A_1225 : i32 to vector<16xi32>
          %add3A_1227 = arith.addi %add3A_1224, %add3A_1226 : vector<16xi32>
          tpu.vector_store_idx %arg6[%add3A_1209, %add3A_1227], %gather3A_1087 : memref<64x128xf32, #tpu.memory_space<vmem>>[vector<16xi32>, vector<16xi32>], vector<16xf32>,
          %iota3A_1228 = tpu.iota {dimensions = array<i32: 0>} : vector<16xi32>
          %add3A_1229 = arith.constant 11 : i32
          %add3A_1230 = vector.broadcast %add3A_1229 : i32 to vector<16xi32>
          %add3A_1231 = arith.addi %iota3A_1228, %add3A_1230 : vector<16xi32>
          %and3A_1232 = arith.constant 15 : i32
          %and3A_1233 = vector.broadcast %and3A_1232 : i32 to vector<16xi32>
          %and3A_1234 = arith.andi %add3A_1231, %and3A_1233 : vector<16xi32>
          %shift_right_logical3A_1235 = arith.constant 1 : i32
          %shift_right_logical3A_1236 = vector.broadcast %shift_right_logical3A_1235 : i32 to vector<16xi32>
          %shift_right_logical3A_1237 = arith.shrui %and3A_1234, %shift_right_logical3A_1236 : vector<16xi32>
          %add3A_1238 = vector.broadcast %mul3A_90 : i32 to vector<16xi32>
          %add3A_1239 = arith.addi %shift_right_logical3A_1237, %add3A_1238 : vector<16xi32>
          %iota3A_1240 = tpu.iota {dimensions = array<i32: 0>} : vector<16xi32>
          %add3A_1241 = arith.constant 11 : i32
          %add3A_1242 = vector.broadcast %add3A_1241 : i32 to vector<16xi32>
          %add3A_1243 = arith.addi %iota3A_1240, %add3A_1242 : vector<16xi32>
          %and3A_1244 = arith.constant 15 : i32
          %and3A_1245 = vector.broadcast %and3A_1244 : i32 to vector<16xi32>
          %and3A_1246 = arith.andi %add3A_1243, %and3A_1245 : vector<16xi32>
          %and3A_1247 = arith.constant 1 : i32
          %and3A_1248 = vector.broadcast %and3A_1247 : i32 to vector<16xi32>
          %and3A_1249 = arith.andi %and3A_1246, %and3A_1248 : vector<16xi32>
          %mul3A_1250 = arith.constant 64 : i32
          %mul3A_1251 = vector.broadcast %mul3A_1250 : i32 to vector<16xi32>
          %mul3A_1252 = arith.muli %and3A_1249, %mul3A_1251 : vector<16xi32>
          %iota3A_1253 = tpu.iota {dimensions = array<i32: 0>} : vector<16xi32>
          %add3A_1254 = arith.addi %mul3A_1252, %iota3A_1253 : vector<16xi32>
          %add3A_1255 = arith.constant 16 : i32
          %add3A_1256 = vector.broadcast %add3A_1255 : i32 to vector<16xi32>
          %add3A_1257 = arith.addi %add3A_1254, %add3A_1256 : vector<16xi32>
          tpu.vector_store_idx %arg6[%add3A_1239, %add3A_1257], %gather3A_1097 : memref<64x128xf32, #tpu.memory_space<vmem>>[vector<16xi32>, vector<16xi32>], vector<16xf32>,
          %iota3A_1258 = tpu.iota {dimensions = array<i32: 0>} : vector<16xi32>
          %add3A_1259 = arith.constant 12 : i32
          %add3A_1260 = vector.broadcast %add3A_1259 : i32 to vector<16xi32>
          %add3A_1261 = arith.addi %iota3A_1258, %add3A_1260 : vector<16xi32>
          %and3A_1262 = arith.constant 15 : i32
          %and3A_1263 = vector.broadcast %and3A_1262 : i32 to vector<16xi32>
          %and3A_1264 = arith.andi %add3A_1261, %and3A_1263 : vector<16xi32>
          %shift_right_logical3A_1265 = arith.constant 1 : i32
          %shift_right_logical3A_1266 = vector.broadcast %shift_right_logical3A_1265 : i32 to vector<16xi32>
          %shift_right_logical3A_1267 = arith.shrui %and3A_1264, %shift_right_logical3A_1266 : vector<16xi32>
          %add3A_1268 = vector.broadcast %mul3A_90 : i32 to vector<16xi32>
          %add3A_1269 = arith.addi %shift_right_logical3A_1267, %add3A_1268 : vector<16xi32>
          %iota3A_1270 = tpu.iota {dimensions = array<i32: 0>} : vector<16xi32>
          %add3A_1271 = arith.constant 12 : i32
          %add3A_1272 = vector.broadcast %add3A_1271 : i32 to vector<16xi32>
          %add3A_1273 = arith.addi %iota3A_1270, %add3A_1272 : vector<16xi32>
          %and3A_1274 = arith.constant 15 : i32
          %and3A_1275 = vector.broadcast %and3A_1274 : i32 to vector<16xi32>
          %and3A_1276 = arith.andi %add3A_1273, %and3A_1275 : vector<16xi32>
          %and3A_1277 = arith.constant 1 : i32
          %and3A_1278 = vector.broadcast %and3A_1277 : i32 to vector<16xi32>
          %and3A_1279 = arith.andi %and3A_1276, %and3A_1278 : vector<16xi32>
          %mul3A_1280 = arith.constant 64 : i32
          %mul3A_1281 = vector.broadcast %mul3A_1280 : i32 to vector<16xi32>
          %mul3A_1282 = arith.muli %and3A_1279, %mul3A_1281 : vector<16xi32>
          %iota3A_1283 = tpu.iota {dimensions = array<i32: 0>} : vector<16xi32>
          %add3A_1284 = arith.addi %mul3A_1282, %iota3A_1283 : vector<16xi32>
          %add3A_1285 = arith.constant 16 : i32
          %add3A_1286 = vector.broadcast %add3A_1285 : i32 to vector<16xi32>
          %add3A_1287 = arith.addi %add3A_1284, %add3A_1286 : vector<16xi32>
          tpu.vector_store_idx %arg6[%add3A_1269, %add3A_1287], %gather3A_1107 : memref<64x128xf32, #tpu.memory_space<vmem>>[vector<16xi32>, vector<16xi32>], vector<16xf32>,
          %iota3A_1288 = tpu.iota {dimensions = array<i32: 0>} : vector<16xi32>
          %add3A_1289 = arith.constant 13 : i32
          %add3A_1290 = vector.broadcast %add3A_1289 : i32 to vector<16xi32>
          %add3A_1291 = arith.addi %iota3A_1288, %add3A_1290 : vector<16xi32>
          %and3A_1292 = arith.constant 15 : i32
          %and3A_1293 = vector.broadcast %and3A_1292 : i32 to vector<16xi32>
          %and3A_1294 = arith.andi %add3A_1291, %and3A_1293 : vector<16xi32>
          %shift_right_logical3A_1295 = arith.constant 1 : i32
          %shift_right_logical3A_1296 = vector.broadcast %shift_right_logical3A_1295 : i32 to vector<16xi32>
          %shift_right_logical3A_1297 = arith.shrui %and3A_1294, %shift_right_logical3A_1296 : vector<16xi32>
          %add3A_1298 = vector.broadcast %mul3A_90 : i32 to vector<16xi32>
          %add3A_1299 = arith.addi %shift_right_logical3A_1297, %add3A_1298 : vector<16xi32>
          %iota3A_1300 = tpu.iota {dimensions = array<i32: 0>} : vector<16xi32>
          %add3A_1301 = arith.constant 13 : i32
          %add3A_1302 = vector.broadcast %add3A_1301 : i32 to vector<16xi32>
          %add3A_1303 = arith.addi %iota3A_1300, %add3A_1302 : vector<16xi32>
          %and3A_1304 = arith.constant 15 : i32
          %and3A_1305 = vector.broadcast %and3A_1304 : i32 to vector<16xi32>
          %and3A_1306 = arith.andi %add3A_1303, %and3A_1305 : vector<16xi32>
          %and3A_1307 = arith.constant 1 : i32
          %and3A_1308 = vector.broadcast %and3A_1307 : i32 to vector<16xi32>
          %and3A_1309 = arith.andi %and3A_1306, %and3A_1308 : vector<16xi32>
          %mul3A_1310 = arith.constant 64 : i32
          %mul3A_1311 = vector.broadcast %mul3A_1310 : i32 to vector<16xi32>
          %mul3A_1312 = arith.muli %and3A_1309, %mul3A_1311 : vector<16xi32>
          %iota3A_1313 = tpu.iota {dimensions = array<i32: 0>} : vector<16xi32>
          %add3A_1314 = arith.addi %mul3A_1312, %iota3A_1313 : vector<16xi32>
          %add3A_1315 = arith.constant 16 : i32
          %add3A_1316 = vector.broadcast %add3A_1315 : i32 to vector<16xi32>
          %add3A_1317 = arith.addi %add3A_1314, %add3A_1316 : vector<16xi32>
          tpu.vector_store_idx %arg6[%add3A_1299, %add3A_1317], %gather3A_1117 : memref<64x128xf32, #tpu.memory_space<vmem>>[vector<16xi32>, vector<16xi32>], vector<16xf32>,
          %iota3A_1318 = tpu.iota {dimensions = array<i32: 0>} : vector<16xi32>
          %add3A_1319 = arith.constant 14 : i32
          %add3A_1320 = vector.broadcast %add3A_1319 : i32 to vector<16xi32>
          %add3A_1321 = arith.addi %iota3A_1318, %add3A_1320 : vector<16xi32>
          %and3A_1322 = arith.constant 15 : i32
          %and3A_1323 = vector.broadcast %and3A_1322 : i32 to vector<16xi32>
          %and3A_1324 = arith.andi %add3A_1321, %and3A_1323 : vector<16xi32>
          %shift_right_logical3A_1325 = arith.constant 1 : i32
          %shift_right_logical3A_1326 = vector.broadcast %shift_right_logical3A_1325 : i32 to vector<16xi32>
          %shift_right_logical3A_1327 = arith.shrui %and3A_1324, %shift_right_logical3A_1326 : vector<16xi32>
          %add3A_1328 = vector.broadcast %mul3A_90 : i32 to vector<16xi32>
          %add3A_1329 = arith.addi %shift_right_logical3A_1327, %add3A_1328 : vector<16xi32>
          %iota3A_1330 = tpu.iota {dimensions = array<i32: 0>} : vector<16xi32>
          %add3A_1331 = arith.constant 14 : i32
          %add3A_1332 = vector.broadcast %add3A_1331 : i32 to vector<16xi32>
          %add3A_1333 = arith.addi %iota3A_1330, %add3A_1332 : vector<16xi32>
          %and3A_1334 = arith.constant 15 : i32
          %and3A_1335 = vector.broadcast %and3A_1334 : i32 to vector<16xi32>
          %and3A_1336 = arith.andi %add3A_1333, %and3A_1335 : vector<16xi32>
          %and3A_1337 = arith.constant 1 : i32
          %and3A_1338 = vector.broadcast %and3A_1337 : i32 to vector<16xi32>
          %and3A_1339 = arith.andi %and3A_1336, %and3A_1338 : vector<16xi32>
          %mul3A_1340 = arith.constant 64 : i32
          %mul3A_1341 = vector.broadcast %mul3A_1340 : i32 to vector<16xi32>
          %mul3A_1342 = arith.muli %and3A_1339, %mul3A_1341 : vector<16xi32>
          %iota3A_1343 = tpu.iota {dimensions = array<i32: 0>} : vector<16xi32>
          %add3A_1344 = arith.addi %mul3A_1342, %iota3A_1343 : vector<16xi32>
          %add3A_1345 = arith.constant 16 : i32
          %add3A_1346 = vector.broadcast %add3A_1345 : i32 to vector<16xi32>
          %add3A_1347 = arith.addi %add3A_1344, %add3A_1346 : vector<16xi32>
          tpu.vector_store_idx %arg6[%add3A_1329, %add3A_1347], %gather3A_1127 : memref<64x128xf32, #tpu.memory_space<vmem>>[vector<16xi32>, vector<16xi32>], vector<16xf32>,
          %iota3A_1348 = tpu.iota {dimensions = array<i32: 0>} : vector<16xi32>
          %add3A_1349 = arith.constant 15 : i32
          %add3A_1350 = vector.broadcast %add3A_1349 : i32 to vector<16xi32>
          %add3A_1351 = arith.addi %iota3A_1348, %add3A_1350 : vector<16xi32>
          %and3A_1352 = arith.constant 15 : i32
          %and3A_1353 = vector.broadcast %and3A_1352 : i32 to vector<16xi32>
          %and3A_1354 = arith.andi %add3A_1351, %and3A_1353 : vector<16xi32>
          %shift_right_logical3A_1355 = arith.constant 1 : i32
          %shift_right_logical3A_1356 = vector.broadcast %shift_right_logical3A_1355 : i32 to vector<16xi32>
          %shift_right_logical3A_1357 = arith.shrui %and3A_1354, %shift_right_logical3A_1356 : vector<16xi32>
          %add3A_1358 = vector.broadcast %mul3A_90 : i32 to vector<16xi32>
          %add3A_1359 = arith.addi %shift_right_logical3A_1357, %add3A_1358 : vector<16xi32>
          %iota3A_1360 = tpu.iota {dimensions = array<i32: 0>} : vector<16xi32>
          %add3A_1361 = arith.constant 15 : i32
          %add3A_1362 = vector.broadcast %add3A_1361 : i32 to vector<16xi32>
          %add3A_1363 = arith.addi %iota3A_1360, %add3A_1362 : vector<16xi32>
          %and3A_1364 = arith.constant 15 : i32
          %and3A_1365 = vector.broadcast %and3A_1364 : i32 to vector<16xi32>
          %and3A_1366 = arith.andi %add3A_1363, %and3A_1365 : vector<16xi32>
          %and3A_1367 = arith.constant 1 : i32
          %and3A_1368 = vector.broadcast %and3A_1367 : i32 to vector<16xi32>
          %and3A_1369 = arith.andi %and3A_1366, %and3A_1368 : vector<16xi32>
          %mul3A_1370 = arith.constant 64 : i32
          %mul3A_1371 = vector.broadcast %mul3A_1370 : i32 to vector<16xi32>
          %mul3A_1372 = arith.muli %and3A_1369, %mul3A_1371 : vector<16xi32>
          %iota3A_1373 = tpu.iota {dimensions = array<i32: 0>} : vector<16xi32>
          %add3A_1374 = arith.addi %mul3A_1372, %iota3A_1373 : vector<16xi32>
          %add3A_1375 = arith.constant 16 : i32
          %add3A_1376 = vector.broadcast %add3A_1375 : i32 to vector<16xi32>
          %add3A_1377 = arith.addi %add3A_1374, %add3A_1376 : vector<16xi32>
          tpu.vector_store_idx %arg6[%add3A_1359, %add3A_1377], %gather3A_1137 : memref<64x128xf32, #tpu.memory_space<vmem>>[vector<16xi32>, vector<16xi32>], vector<16xf32>,
          %add3A_1378 = arith.constant 32 : i32
          %add3A_1379 = arith.addi %add3A_1378, %mul3A_42 : i32
          %iota3A_1380 = tpu.iota {dimensions = array<i32: 0>} : vector<16xi32>
          %add3A_1381 = vector.broadcast %add3A_1379 : i32 to vector<16xi32>
          %add3A_1382 = arith.addi %iota3A_1380, %add3A_1381 : vector<16xi32>
          %iota3A_1383 = tpu.iota {dimensions = array<i32: 0>} : vector<16xi32>
          %add3A_1384 = arith.constant 0 : i32
          %add3A_1385 = vector.broadcast %add3A_1384 : i32 to vector<16xi32>
          %add3A_1386 = arith.addi %iota3A_1383, %add3A_1385 : vector<16xi32>
          %and3A_1387 = arith.constant 15 : i32
          %and3A_1388 = vector.broadcast %and3A_1387 : i32 to vector<16xi32>
          %and3A_1389 = arith.andi %add3A_1386, %and3A_1388 : vector<16xi32>
          %add3A_1390 = vector.broadcast %mul3A_88 : i32 to vector<16xi32>
          %add3A_1391 = arith.addi %and3A_1389, %add3A_1390 : vector<16xi32>
          %gather3A_1392 = tpu.vector_load_idx %arg5[%add3A_1382, %add3A_1391] : memref<128x128xf32, #tpu.memory_space<vmem>>[vector<16xi32>, vector<16xi32>], vector<16xf32>,
          %iota3A_1393 = tpu.iota {dimensions = array<i32: 0>} : vector<16xi32>
          %add3A_1394 = arith.constant 1 : i32
          %add3A_1395 = vector.broadcast %add3A_1394 : i32 to vector<16xi32>
          %add3A_1396 = arith.addi %iota3A_1393, %add3A_1395 : vector<16xi32>
          %and3A_1397 = arith.constant 15 : i32
          %and3A_1398 = vector.broadcast %and3A_1397 : i32 to vector<16xi32>
          %and3A_1399 = arith.andi %add3A_1396, %and3A_1398 : vector<16xi32>
          %add3A_1400 = vector.broadcast %mul3A_88 : i32 to vector<16xi32>
          %add3A_1401 = arith.addi %and3A_1399, %add3A_1400 : vector<16xi32>
          %gather3A_1402 = tpu.vector_load_idx %arg5[%add3A_1382, %add3A_1401] : memref<128x128xf32, #tpu.memory_space<vmem>>[vector<16xi32>, vector<16xi32>], vector<16xf32>,
          %iota3A_1403 = tpu.iota {dimensions = array<i32: 0>} : vector<16xi32>
          %add3A_1404 = arith.constant 2 : i32
          %add3A_1405 = vector.broadcast %add3A_1404 : i32 to vector<16xi32>
          %add3A_1406 = arith.addi %iota3A_1403, %add3A_1405 : vector<16xi32>
          %and3A_1407 = arith.constant 15 : i32
          %and3A_1408 = vector.broadcast %and3A_1407 : i32 to vector<16xi32>
          %and3A_1409 = arith.andi %add3A_1406, %and3A_1408 : vector<16xi32>
          %add3A_1410 = vector.broadcast %mul3A_88 : i32 to vector<16xi32>
          %add3A_1411 = arith.addi %and3A_1409, %add3A_1410 : vector<16xi32>
          %gather3A_1412 = tpu.vector_load_idx %arg5[%add3A_1382, %add3A_1411] : memref<128x128xf32, #tpu.memory_space<vmem>>[vector<16xi32>, vector<16xi32>], vector<16xf32>,
          %iota3A_1413 = tpu.iota {dimensions = array<i32: 0>} : vector<16xi32>
          %add3A_1414 = arith.constant 3 : i32
          %add3A_1415 = vector.broadcast %add3A_1414 : i32 to vector<16xi32>
          %add3A_1416 = arith.addi %iota3A_1413, %add3A_1415 : vector<16xi32>
          %and3A_1417 = arith.constant 15 : i32
          %and3A_1418 = vector.broadcast %and3A_1417 : i32 to vector<16xi32>
          %and3A_1419 = arith.andi %add3A_1416, %and3A_1418 : vector<16xi32>
          %add3A_1420 = vector.broadcast %mul3A_88 : i32 to vector<16xi32>
          %add3A_1421 = arith.addi %and3A_1419, %add3A_1420 : vector<16xi32>
          %gather3A_1422 = tpu.vector_load_idx %arg5[%add3A_1382, %add3A_1421] : memref<128x128xf32, #tpu.memory_space<vmem>>[vector<16xi32>, vector<16xi32>], vector<16xf32>,
          %iota3A_1423 = tpu.iota {dimensions = array<i32: 0>} : vector<16xi32>
          %add3A_1424 = arith.constant 4 : i32
          %add3A_1425 = vector.broadcast %add3A_1424 : i32 to vector<16xi32>
          %add3A_1426 = arith.addi %iota3A_1423, %add3A_1425 : vector<16xi32>
          %and3A_1427 = arith.constant 15 : i32
          %and3A_1428 = vector.broadcast %and3A_1427 : i32 to vector<16xi32>
          %and3A_1429 = arith.andi %add3A_1426, %and3A_1428 : vector<16xi32>
          %add3A_1430 = vector.broadcast %mul3A_88 : i32 to vector<16xi32>
          %add3A_1431 = arith.addi %and3A_1429, %add3A_1430 : vector<16xi32>
          %gather3A_1432 = tpu.vector_load_idx %arg5[%add3A_1382, %add3A_1431] : memref<128x128xf32, #tpu.memory_space<vmem>>[vector<16xi32>, vector<16xi32>], vector<16xf32>,
          %iota3A_1433 = tpu.iota {dimensions = array<i32: 0>} : vector<16xi32>
          %add3A_1434 = arith.constant 5 : i32
          %add3A_1435 = vector.broadcast %add3A_1434 : i32 to vector<16xi32>
          %add3A_1436 = arith.addi %iota3A_1433, %add3A_1435 : vector<16xi32>
          %and3A_1437 = arith.constant 15 : i32
          %and3A_1438 = vector.broadcast %and3A_1437 : i32 to vector<16xi32>
          %and3A_1439 = arith.andi %add3A_1436, %and3A_1438 : vector<16xi32>
          %add3A_1440 = vector.broadcast %mul3A_88 : i32 to vector<16xi32>
          %add3A_1441 = arith.addi %and3A_1439, %add3A_1440 : vector<16xi32>
          %gather3A_1442 = tpu.vector_load_idx %arg5[%add3A_1382, %add3A_1441] : memref<128x128xf32, #tpu.memory_space<vmem>>[vector<16xi32>, vector<16xi32>], vector<16xf32>,
          %iota3A_1443 = tpu.iota {dimensions = array<i32: 0>} : vector<16xi32>
          %add3A_1444 = arith.constant 6 : i32
          %add3A_1445 = vector.broadcast %add3A_1444 : i32 to vector<16xi32>
          %add3A_1446 = arith.addi %iota3A_1443, %add3A_1445 : vector<16xi32>
          %and3A_1447 = arith.constant 15 : i32
          %and3A_1448 = vector.broadcast %and3A_1447 : i32 to vector<16xi32>
          %and3A_1449 = arith.andi %add3A_1446, %and3A_1448 : vector<16xi32>
          %add3A_1450 = vector.broadcast %mul3A_88 : i32 to vector<16xi32>
          %add3A_1451 = arith.addi %and3A_1449, %add3A_1450 : vector<16xi32>
          %gather3A_1452 = tpu.vector_load_idx %arg5[%add3A_1382, %add3A_1451] : memref<128x128xf32, #tpu.memory_space<vmem>>[vector<16xi32>, vector<16xi32>], vector<16xf32>,
          %iota3A_1453 = tpu.iota {dimensions = array<i32: 0>} : vector<16xi32>
          %add3A_1454 = arith.constant 7 : i32
          %add3A_1455 = vector.broadcast %add3A_1454 : i32 to vector<16xi32>
          %add3A_1456 = arith.addi %iota3A_1453, %add3A_1455 : vector<16xi32>
          %and3A_1457 = arith.constant 15 : i32
          %and3A_1458 = vector.broadcast %and3A_1457 : i32 to vector<16xi32>
          %and3A_1459 = arith.andi %add3A_1456, %and3A_1458 : vector<16xi32>
          %add3A_1460 = vector.broadcast %mul3A_88 : i32 to vector<16xi32>
          %add3A_1461 = arith.addi %and3A_1459, %add3A_1460 : vector<16xi32>
          %gather3A_1462 = tpu.vector_load_idx %arg5[%add3A_1382, %add3A_1461] : memref<128x128xf32, #tpu.memory_space<vmem>>[vector<16xi32>, vector<16xi32>], vector<16xf32>,
          %iota3A_1463 = tpu.iota {dimensions = array<i32: 0>} : vector<16xi32>
          %add3A_1464 = arith.constant 0 : i32
          %add3A_1465 = vector.broadcast %add3A_1464 : i32 to vector<16xi32>
          %add3A_1466 = arith.addi %iota3A_1463, %add3A_1465 : vector<16xi32>
          %and3A_1467 = arith.constant 15 : i32
          %and3A_1468 = vector.broadcast %and3A_1467 : i32 to vector<16xi32>
          %and3A_1469 = arith.andi %add3A_1466, %and3A_1468 : vector<16xi32>
          %shift_right_logical3A_1470 = arith.constant 1 : i32
          %shift_right_logical3A_1471 = vector.broadcast %shift_right_logical3A_1470 : i32 to vector<16xi32>
          %shift_right_logical3A_1472 = arith.shrui %and3A_1469, %shift_right_logical3A_1471 : vector<16xi32>
          %add3A_1473 = vector.broadcast %mul3A_90 : i32 to vector<16xi32>
          %add3A_1474 = arith.addi %shift_right_logical3A_1472, %add3A_1473 : vector<16xi32>
          %iota3A_1475 = tpu.iota {dimensions = array<i32: 0>} : vector<16xi32>
          %add3A_1476 = arith.constant 0 : i32
          %add3A_1477 = vector.broadcast %add3A_1476 : i32 to vector<16xi32>
          %add3A_1478 = arith.addi %iota3A_1475, %add3A_1477 : vector<16xi32>
          %and3A_1479 = arith.constant 15 : i32
          %and3A_1480 = vector.broadcast %and3A_1479 : i32 to vector<16xi32>
          %and3A_1481 = arith.andi %add3A_1478, %and3A_1480 : vector<16xi32>
          %and3A_1482 = arith.constant 1 : i32
          %and3A_1483 = vector.broadcast %and3A_1482 : i32 to vector<16xi32>
          %and3A_1484 = arith.andi %and3A_1481, %and3A_1483 : vector<16xi32>
          %mul3A_1485 = arith.constant 64 : i32
          %mul3A_1486 = vector.broadcast %mul3A_1485 : i32 to vector<16xi32>
          %mul3A_1487 = arith.muli %and3A_1484, %mul3A_1486 : vector<16xi32>
          %iota3A_1488 = tpu.iota {dimensions = array<i32: 0>} : vector<16xi32>
          %add3A_1489 = arith.addi %mul3A_1487, %iota3A_1488 : vector<16xi32>
          %add3A_1490 = arith.constant 32 : i32
          %add3A_1491 = vector.broadcast %add3A_1490 : i32 to vector<16xi32>
          %add3A_1492 = arith.addi %add3A_1489, %add3A_1491 : vector<16xi32>
          tpu.vector_store_idx %arg6[%add3A_1474, %add3A_1492], %gather3A_1392 : memref<64x128xf32, #tpu.memory_space<vmem>>[vector<16xi32>, vector<16xi32>], vector<16xf32>,
          %iota3A_1493 = tpu.iota {dimensions = array<i32: 0>} : vector<16xi32>
          %add3A_1494 = arith.constant 1 : i32
          %add3A_1495 = vector.broadcast %add3A_1494 : i32 to vector<16xi32>
          %add3A_1496 = arith.addi %iota3A_1493, %add3A_1495 : vector<16xi32>
          %and3A_1497 = arith.constant 15 : i32
          %and3A_1498 = vector.broadcast %and3A_1497 : i32 to vector<16xi32>
          %and3A_1499 = arith.andi %add3A_1496, %and3A_1498 : vector<16xi32>
          %shift_right_logical3A_1500 = arith.constant 1 : i32
          %shift_right_logical3A_1501 = vector.broadcast %shift_right_logical3A_1500 : i32 to vector<16xi32>
          %shift_right_logical3A_1502 = arith.shrui %and3A_1499, %shift_right_logical3A_1501 : vector<16xi32>
          %add3A_1503 = vector.broadcast %mul3A_90 : i32 to vector<16xi32>
          %add3A_1504 = arith.addi %shift_right_logical3A_1502, %add3A_1503 : vector<16xi32>
          %iota3A_1505 = tpu.iota {dimensions = array<i32: 0>} : vector<16xi32>
          %add3A_1506 = arith.constant 1 : i32
          %add3A_1507 = vector.broadcast %add3A_1506 : i32 to vector<16xi32>
          %add3A_1508 = arith.addi %iota3A_1505, %add3A_1507 : vector<16xi32>
          %and3A_1509 = arith.constant 15 : i32
          %and3A_1510 = vector.broadcast %and3A_1509 : i32 to vector<16xi32>
          %and3A_1511 = arith.andi %add3A_1508, %and3A_1510 : vector<16xi32>
          %and3A_1512 = arith.constant 1 : i32
          %and3A_1513 = vector.broadcast %and3A_1512 : i32 to vector<16xi32>
          %and3A_1514 = arith.andi %and3A_1511, %and3A_1513 : vector<16xi32>
          %mul3A_1515 = arith.constant 64 : i32
          %mul3A_1516 = vector.broadcast %mul3A_1515 : i32 to vector<16xi32>
          %mul3A_1517 = arith.muli %and3A_1514, %mul3A_1516 : vector<16xi32>
          %iota3A_1518 = tpu.iota {dimensions = array<i32: 0>} : vector<16xi32>
          %add3A_1519 = arith.addi %mul3A_1517, %iota3A_1518 : vector<16xi32>
          %add3A_1520 = arith.constant 32 : i32
          %add3A_1521 = vector.broadcast %add3A_1520 : i32 to vector<16xi32>
          %add3A_1522 = arith.addi %add3A_1519, %add3A_1521 : vector<16xi32>
          tpu.vector_store_idx %arg6[%add3A_1504, %add3A_1522], %gather3A_1402 : memref<64x128xf32, #tpu.memory_space<vmem>>[vector<16xi32>, vector<16xi32>], vector<16xf32>,
          %iota3A_1523 = tpu.iota {dimensions = array<i32: 0>} : vector<16xi32>
          %add3A_1524 = arith.constant 2 : i32
          %add3A_1525 = vector.broadcast %add3A_1524 : i32 to vector<16xi32>
          %add3A_1526 = arith.addi %iota3A_1523, %add3A_1525 : vector<16xi32>
          %and3A_1527 = arith.constant 15 : i32
          %and3A_1528 = vector.broadcast %and3A_1527 : i32 to vector<16xi32>
          %and3A_1529 = arith.andi %add3A_1526, %and3A_1528 : vector<16xi32>
          %shift_right_logical3A_1530 = arith.constant 1 : i32
          %shift_right_logical3A_1531 = vector.broadcast %shift_right_logical3A_1530 : i32 to vector<16xi32>
          %shift_right_logical3A_1532 = arith.shrui %and3A_1529, %shift_right_logical3A_1531 : vector<16xi32>
          %add3A_1533 = vector.broadcast %mul3A_90 : i32 to vector<16xi32>
          %add3A_1534 = arith.addi %shift_right_logical3A_1532, %add3A_1533 : vector<16xi32>
          %iota3A_1535 = tpu.iota {dimensions = array<i32: 0>} : vector<16xi32>
          %add3A_1536 = arith.constant 2 : i32
          %add3A_1537 = vector.broadcast %add3A_1536 : i32 to vector<16xi32>
          %add3A_1538 = arith.addi %iota3A_1535, %add3A_1537 : vector<16xi32>
          %and3A_1539 = arith.constant 15 : i32
          %and3A_1540 = vector.broadcast %and3A_1539 : i32 to vector<16xi32>
          %and3A_1541 = arith.andi %add3A_1538, %and3A_1540 : vector<16xi32>
          %and3A_1542 = arith.constant 1 : i32
          %and3A_1543 = vector.broadcast %and3A_1542 : i32 to vector<16xi32>
          %and3A_1544 = arith.andi %and3A_1541, %and3A_1543 : vector<16xi32>
          %mul3A_1545 = arith.constant 64 : i32
          %mul3A_1546 = vector.broadcast %mul3A_1545 : i32 to vector<16xi32>
          %mul3A_1547 = arith.muli %and3A_1544, %mul3A_1546 : vector<16xi32>
          %iota3A_1548 = tpu.iota {dimensions = array<i32: 0>} : vector<16xi32>
          %add3A_1549 = arith.addi %mul3A_1547, %iota3A_1548 : vector<16xi32>
          %add3A_1550 = arith.constant 32 : i32
          %add3A_1551 = vector.broadcast %add3A_1550 : i32 to vector<16xi32>
          %add3A_1552 = arith.addi %add3A_1549, %add3A_1551 : vector<16xi32>
          tpu.vector_store_idx %arg6[%add3A_1534, %add3A_1552], %gather3A_1412 : memref<64x128xf32, #tpu.memory_space<vmem>>[vector<16xi32>, vector<16xi32>], vector<16xf32>,
          %iota3A_1553 = tpu.iota {dimensions = array<i32: 0>} : vector<16xi32>
          %add3A_1554 = arith.constant 3 : i32
          %add3A_1555 = vector.broadcast %add3A_1554 : i32 to vector<16xi32>
          %add3A_1556 = arith.addi %iota3A_1553, %add3A_1555 : vector<16xi32>
          %and3A_1557 = arith.constant 15 : i32
          %and3A_1558 = vector.broadcast %and3A_1557 : i32 to vector<16xi32>
          %and3A_1559 = arith.andi %add3A_1556, %and3A_1558 : vector<16xi32>
          %shift_right_logical3A_1560 = arith.constant 1 : i32
          %shift_right_logical3A_1561 = vector.broadcast %shift_right_logical3A_1560 : i32 to vector<16xi32>
          %shift_right_logical3A_1562 = arith.shrui %and3A_1559, %shift_right_logical3A_1561 : vector<16xi32>
          %add3A_1563 = vector.broadcast %mul3A_90 : i32 to vector<16xi32>
          %add3A_1564 = arith.addi %shift_right_logical3A_1562, %add3A_1563 : vector<16xi32>
          %iota3A_1565 = tpu.iota {dimensions = array<i32: 0>} : vector<16xi32>
          %add3A_1566 = arith.constant 3 : i32
          %add3A_1567 = vector.broadcast %add3A_1566 : i32 to vector<16xi32>
          %add3A_1568 = arith.addi %iota3A_1565, %add3A_1567 : vector<16xi32>
          %and3A_1569 = arith.constant 15 : i32
          %and3A_1570 = vector.broadcast %and3A_1569 : i32 to vector<16xi32>
          %and3A_1571 = arith.andi %add3A_1568, %and3A_1570 : vector<16xi32>
          %and3A_1572 = arith.constant 1 : i32
          %and3A_1573 = vector.broadcast %and3A_1572 : i32 to vector<16xi32>
          %and3A_1574 = arith.andi %and3A_1571, %and3A_1573 : vector<16xi32>
          %mul3A_1575 = arith.constant 64 : i32
          %mul3A_1576 = vector.broadcast %mul3A_1575 : i32 to vector<16xi32>
          %mul3A_1577 = arith.muli %and3A_1574, %mul3A_1576 : vector<16xi32>
          %iota3A_1578 = tpu.iota {dimensions = array<i32: 0>} : vector<16xi32>
          %add3A_1579 = arith.addi %mul3A_1577, %iota3A_1578 : vector<16xi32>
          %add3A_1580 = arith.constant 32 : i32
          %add3A_1581 = vector.broadcast %add3A_1580 : i32 to vector<16xi32>
          %add3A_1582 = arith.addi %add3A_1579, %add3A_1581 : vector<16xi32>
          tpu.vector_store_idx %arg6[%add3A_1564, %add3A_1582], %gather3A_1422 : memref<64x128xf32, #tpu.memory_space<vmem>>[vector<16xi32>, vector<16xi32>], vector<16xf32>,
          %iota3A_1583 = tpu.iota {dimensions = array<i32: 0>} : vector<16xi32>
          %add3A_1584 = arith.constant 4 : i32
          %add3A_1585 = vector.broadcast %add3A_1584 : i32 to vector<16xi32>
          %add3A_1586 = arith.addi %iota3A_1583, %add3A_1585 : vector<16xi32>
          %and3A_1587 = arith.constant 15 : i32
          %and3A_1588 = vector.broadcast %and3A_1587 : i32 to vector<16xi32>
          %and3A_1589 = arith.andi %add3A_1586, %and3A_1588 : vector<16xi32>
          %shift_right_logical3A_1590 = arith.constant 1 : i32
          %shift_right_logical3A_1591 = vector.broadcast %shift_right_logical3A_1590 : i32 to vector<16xi32>
          %shift_right_logical3A_1592 = arith.shrui %and3A_1589, %shift_right_logical3A_1591 : vector<16xi32>
          %add3A_1593 = vector.broadcast %mul3A_90 : i32 to vector<16xi32>
          %add3A_1594 = arith.addi %shift_right_logical3A_1592, %add3A_1593 : vector<16xi32>
          %iota3A_1595 = tpu.iota {dimensions = array<i32: 0>} : vector<16xi32>
          %add3A_1596 = arith.constant 4 : i32
          %add3A_1597 = vector.broadcast %add3A_1596 : i32 to vector<16xi32>
          %add3A_1598 = arith.addi %iota3A_1595, %add3A_1597 : vector<16xi32>
          %and3A_1599 = arith.constant 15 : i32
          %and3A_1600 = vector.broadcast %and3A_1599 : i32 to vector<16xi32>
          %and3A_1601 = arith.andi %add3A_1598, %and3A_1600 : vector<16xi32>
          %and3A_1602 = arith.constant 1 : i32
          %and3A_1603 = vector.broadcast %and3A_1602 : i32 to vector<16xi32>
          %and3A_1604 = arith.andi %and3A_1601, %and3A_1603 : vector<16xi32>
          %mul3A_1605 = arith.constant 64 : i32
          %mul3A_1606 = vector.broadcast %mul3A_1605 : i32 to vector<16xi32>
          %mul3A_1607 = arith.muli %and3A_1604, %mul3A_1606 : vector<16xi32>
          %iota3A_1608 = tpu.iota {dimensions = array<i32: 0>} : vector<16xi32>
          %add3A_1609 = arith.addi %mul3A_1607, %iota3A_1608 : vector<16xi32>
          %add3A_1610 = arith.constant 32 : i32
          %add3A_1611 = vector.broadcast %add3A_1610 : i32 to vector<16xi32>
          %add3A_1612 = arith.addi %add3A_1609, %add3A_1611 : vector<16xi32>
          tpu.vector_store_idx %arg6[%add3A_1594, %add3A_1612], %gather3A_1432 : memref<64x128xf32, #tpu.memory_space<vmem>>[vector<16xi32>, vector<16xi32>], vector<16xf32>,
          %iota3A_1613 = tpu.iota {dimensions = array<i32: 0>} : vector<16xi32>
          %add3A_1614 = arith.constant 5 : i32
          %add3A_1615 = vector.broadcast %add3A_1614 : i32 to vector<16xi32>
          %add3A_1616 = arith.addi %iota3A_1613, %add3A_1615 : vector<16xi32>
          %and3A_1617 = arith.constant 15 : i32
          %and3A_1618 = vector.broadcast %and3A_1617 : i32 to vector<16xi32>
          %and3A_1619 = arith.andi %add3A_1616, %and3A_1618 : vector<16xi32>
          %shift_right_logical3A_1620 = arith.constant 1 : i32
          %shift_right_logical3A_1621 = vector.broadcast %shift_right_logical3A_1620 : i32 to vector<16xi32>
          %shift_right_logical3A_1622 = arith.shrui %and3A_1619, %shift_right_logical3A_1621 : vector<16xi32>
          %add3A_1623 = vector.broadcast %mul3A_90 : i32 to vector<16xi32>
          %add3A_1624 = arith.addi %shift_right_logical3A_1622, %add3A_1623 : vector<16xi32>
          %iota3A_1625 = tpu.iota {dimensions = array<i32: 0>} : vector<16xi32>
          %add3A_1626 = arith.constant 5 : i32
          %add3A_1627 = vector.broadcast %add3A_1626 : i32 to vector<16xi32>
          %add3A_1628 = arith.addi %iota3A_1625, %add3A_1627 : vector<16xi32>
          %and3A_1629 = arith.constant 15 : i32
          %and3A_1630 = vector.broadcast %and3A_1629 : i32 to vector<16xi32>
          %and3A_1631 = arith.andi %add3A_1628, %and3A_1630 : vector<16xi32>
          %and3A_1632 = arith.constant 1 : i32
          %and3A_1633 = vector.broadcast %and3A_1632 : i32 to vector<16xi32>
          %and3A_1634 = arith.andi %and3A_1631, %and3A_1633 : vector<16xi32>
          %mul3A_1635 = arith.constant 64 : i32
          %mul3A_1636 = vector.broadcast %mul3A_1635 : i32 to vector<16xi32>
          %mul3A_1637 = arith.muli %and3A_1634, %mul3A_1636 : vector<16xi32>
          %iota3A_1638 = tpu.iota {dimensions = array<i32: 0>} : vector<16xi32>
          %add3A_1639 = arith.addi %mul3A_1637, %iota3A_1638 : vector<16xi32>
          %add3A_1640 = arith.constant 32 : i32
          %add3A_1641 = vector.broadcast %add3A_1640 : i32 to vector<16xi32>
          %add3A_1642 = arith.addi %add3A_1639, %add3A_1641 : vector<16xi32>
          tpu.vector_store_idx %arg6[%add3A_1624, %add3A_1642], %gather3A_1442 : memref<64x128xf32, #tpu.memory_space<vmem>>[vector<16xi32>, vector<16xi32>], vector<16xf32>,
          %iota3A_1643 = tpu.iota {dimensions = array<i32: 0>} : vector<16xi32>
          %add3A_1644 = arith.constant 6 : i32
          %add3A_1645 = vector.broadcast %add3A_1644 : i32 to vector<16xi32>
          %add3A_1646 = arith.addi %iota3A_1643, %add3A_1645 : vector<16xi32>
          %and3A_1647 = arith.constant 15 : i32
          %and3A_1648 = vector.broadcast %and3A_1647 : i32 to vector<16xi32>
          %and3A_1649 = arith.andi %add3A_1646, %and3A_1648 : vector<16xi32>
          %shift_right_logical3A_1650 = arith.constant 1 : i32
          %shift_right_logical3A_1651 = vector.broadcast %shift_right_logical3A_1650 : i32 to vector<16xi32>
          %shift_right_logical3A_1652 = arith.shrui %and3A_1649, %shift_right_logical3A_1651 : vector<16xi32>
          %add3A_1653 = vector.broadcast %mul3A_90 : i32 to vector<16xi32>
          %add3A_1654 = arith.addi %shift_right_logical3A_1652, %add3A_1653 : vector<16xi32>
          %iota3A_1655 = tpu.iota {dimensions = array<i32: 0>} : vector<16xi32>
          %add3A_1656 = arith.constant 6 : i32
          %add3A_1657 = vector.broadcast %add3A_1656 : i32 to vector<16xi32>
          %add3A_1658 = arith.addi %iota3A_1655, %add3A_1657 : vector<16xi32>
          %and3A_1659 = arith.constant 15 : i32
          %and3A_1660 = vector.broadcast %and3A_1659 : i32 to vector<16xi32>
          %and3A_1661 = arith.andi %add3A_1658, %and3A_1660 : vector<16xi32>
          %and3A_1662 = arith.constant 1 : i32
          %and3A_1663 = vector.broadcast %and3A_1662 : i32 to vector<16xi32>
          %and3A_1664 = arith.andi %and3A_1661, %and3A_1663 : vector<16xi32>
          %mul3A_1665 = arith.constant 64 : i32
          %mul3A_1666 = vector.broadcast %mul3A_1665 : i32 to vector<16xi32>
          %mul3A_1667 = arith.muli %and3A_1664, %mul3A_1666 : vector<16xi32>
          %iota3A_1668 = tpu.iota {dimensions = array<i32: 0>} : vector<16xi32>
          %add3A_1669 = arith.addi %mul3A_1667, %iota3A_1668 : vector<16xi32>
          %add3A_1670 = arith.constant 32 : i32
          %add3A_1671 = vector.broadcast %add3A_1670 : i32 to vector<16xi32>
          %add3A_1672 = arith.addi %add3A_1669, %add3A_1671 : vector<16xi32>
          tpu.vector_store_idx %arg6[%add3A_1654, %add3A_1672], %gather3A_1452 : memref<64x128xf32, #tpu.memory_space<vmem>>[vector<16xi32>, vector<16xi32>], vector<16xf32>,
          %iota3A_1673 = tpu.iota {dimensions = array<i32: 0>} : vector<16xi32>
          %add3A_1674 = arith.constant 7 : i32
          %add3A_1675 = vector.broadcast %add3A_1674 : i32 to vector<16xi32>
          %add3A_1676 = arith.addi %iota3A_1673, %add3A_1675 : vector<16xi32>
          %and3A_1677 = arith.constant 15 : i32
          %and3A_1678 = vector.broadcast %and3A_1677 : i32 to vector<16xi32>
          %and3A_1679 = arith.andi %add3A_1676, %and3A_1678 : vector<16xi32>
          %shift_right_logical3A_1680 = arith.constant 1 : i32
          %shift_right_logical3A_1681 = vector.broadcast %shift_right_logical3A_1680 : i32 to vector<16xi32>
          %shift_right_logical3A_1682 = arith.shrui %and3A_1679, %shift_right_logical3A_1681 : vector<16xi32>
          %add3A_1683 = vector.broadcast %mul3A_90 : i32 to vector<16xi32>
          %add3A_1684 = arith.addi %shift_right_logical3A_1682, %add3A_1683 : vector<16xi32>
          %iota3A_1685 = tpu.iota {dimensions = array<i32: 0>} : vector<16xi32>
          %add3A_1686 = arith.constant 7 : i32
          %add3A_1687 = vector.broadcast %add3A_1686 : i32 to vector<16xi32>
          %add3A_1688 = arith.addi %iota3A_1685, %add3A_1687 : vector<16xi32>
          %and3A_1689 = arith.constant 15 : i32
          %and3A_1690 = vector.broadcast %and3A_1689 : i32 to vector<16xi32>
          %and3A_1691 = arith.andi %add3A_1688, %and3A_1690 : vector<16xi32>
          %and3A_1692 = arith.constant 1 : i32
          %and3A_1693 = vector.broadcast %and3A_1692 : i32 to vector<16xi32>
          %and3A_1694 = arith.andi %and3A_1691, %and3A_1693 : vector<16xi32>
          %mul3A_1695 = arith.constant 64 : i32
          %mul3A_1696 = vector.broadcast %mul3A_1695 : i32 to vector<16xi32>
          %mul3A_1697 = arith.muli %and3A_1694, %mul3A_1696 : vector<16xi32>
          %iota3A_1698 = tpu.iota {dimensions = array<i32: 0>} : vector<16xi32>
          %add3A_1699 = arith.addi %mul3A_1697, %iota3A_1698 : vector<16xi32>
          %add3A_1700 = arith.constant 32 : i32
          %add3A_1701 = vector.broadcast %add3A_1700 : i32 to vector<16xi32>
          %add3A_1702 = arith.addi %add3A_1699, %add3A_1701 : vector<16xi32>
          tpu.vector_store_idx %arg6[%add3A_1684, %add3A_1702], %gather3A_1462 : memref<64x128xf32, #tpu.memory_space<vmem>>[vector<16xi32>, vector<16xi32>], vector<16xf32>,
          %iota3A_1703 = tpu.iota {dimensions = array<i32: 0>} : vector<16xi32>
          %add3A_1704 = arith.constant 8 : i32
          %add3A_1705 = vector.broadcast %add3A_1704 : i32 to vector<16xi32>
          %add3A_1706 = arith.addi %iota3A_1703, %add3A_1705 : vector<16xi32>
          %and3A_1707 = arith.constant 15 : i32
          %and3A_1708 = vector.broadcast %and3A_1707 : i32 to vector<16xi32>
          %and3A_1709 = arith.andi %add3A_1706, %and3A_1708 : vector<16xi32>
          %add3A_1710 = vector.broadcast %mul3A_88 : i32 to vector<16xi32>
          %add3A_1711 = arith.addi %and3A_1709, %add3A_1710 : vector<16xi32>
          %gather3A_1712 = tpu.vector_load_idx %arg5[%add3A_1382, %add3A_1711] : memref<128x128xf32, #tpu.memory_space<vmem>>[vector<16xi32>, vector<16xi32>], vector<16xf32>,
          %iota3A_1713 = tpu.iota {dimensions = array<i32: 0>} : vector<16xi32>
          %add3A_1714 = arith.constant 9 : i32
          %add3A_1715 = vector.broadcast %add3A_1714 : i32 to vector<16xi32>
          %add3A_1716 = arith.addi %iota3A_1713, %add3A_1715 : vector<16xi32>
          %and3A_1717 = arith.constant 15 : i32
          %and3A_1718 = vector.broadcast %and3A_1717 : i32 to vector<16xi32>
          %and3A_1719 = arith.andi %add3A_1716, %and3A_1718 : vector<16xi32>
          %add3A_1720 = vector.broadcast %mul3A_88 : i32 to vector<16xi32>
          %add3A_1721 = arith.addi %and3A_1719, %add3A_1720 : vector<16xi32>
          %gather3A_1722 = tpu.vector_load_idx %arg5[%add3A_1382, %add3A_1721] : memref<128x128xf32, #tpu.memory_space<vmem>>[vector<16xi32>, vector<16xi32>], vector<16xf32>,
          %iota3A_1723 = tpu.iota {dimensions = array<i32: 0>} : vector<16xi32>
          %add3A_1724 = arith.constant 10 : i32
          %add3A_1725 = vector.broadcast %add3A_1724 : i32 to vector<16xi32>
          %add3A_1726 = arith.addi %iota3A_1723, %add3A_1725 : vector<16xi32>
          %and3A_1727 = arith.constant 15 : i32
          %and3A_1728 = vector.broadcast %and3A_1727 : i32 to vector<16xi32>
          %and3A_1729 = arith.andi %add3A_1726, %and3A_1728 : vector<16xi32>
          %add3A_1730 = vector.broadcast %mul3A_88 : i32 to vector<16xi32>
          %add3A_1731 = arith.addi %and3A_1729, %add3A_1730 : vector<16xi32>
          %gather3A_1732 = tpu.vector_load_idx %arg5[%add3A_1382, %add3A_1731] : memref<128x128xf32, #tpu.memory_space<vmem>>[vector<16xi32>, vector<16xi32>], vector<16xf32>,
          %iota3A_1733 = tpu.iota {dimensions = array<i32: 0>} : vector<16xi32>
          %add3A_1734 = arith.constant 11 : i32
          %add3A_1735 = vector.broadcast %add3A_1734 : i32 to vector<16xi32>
          %add3A_1736 = arith.addi %iota3A_1733, %add3A_1735 : vector<16xi32>
          %and3A_1737 = arith.constant 15 : i32
          %and3A_1738 = vector.broadcast %and3A_1737 : i32 to vector<16xi32>
          %and3A_1739 = arith.andi %add3A_1736, %and3A_1738 : vector<16xi32>
          %add3A_1740 = vector.broadcast %mul3A_88 : i32 to vector<16xi32>
          %add3A_1741 = arith.addi %and3A_1739, %add3A_1740 : vector<16xi32>
          %gather3A_1742 = tpu.vector_load_idx %arg5[%add3A_1382, %add3A_1741] : memref<128x128xf32, #tpu.memory_space<vmem>>[vector<16xi32>, vector<16xi32>], vector<16xf32>,
          %iota3A_1743 = tpu.iota {dimensions = array<i32: 0>} : vector<16xi32>
          %add3A_1744 = arith.constant 12 : i32
          %add3A_1745 = vector.broadcast %add3A_1744 : i32 to vector<16xi32>
          %add3A_1746 = arith.addi %iota3A_1743, %add3A_1745 : vector<16xi32>
          %and3A_1747 = arith.constant 15 : i32
          %and3A_1748 = vector.broadcast %and3A_1747 : i32 to vector<16xi32>
          %and3A_1749 = arith.andi %add3A_1746, %and3A_1748 : vector<16xi32>
          %add3A_1750 = vector.broadcast %mul3A_88 : i32 to vector<16xi32>
          %add3A_1751 = arith.addi %and3A_1749, %add3A_1750 : vector<16xi32>
          %gather3A_1752 = tpu.vector_load_idx %arg5[%add3A_1382, %add3A_1751] : memref<128x128xf32, #tpu.memory_space<vmem>>[vector<16xi32>, vector<16xi32>], vector<16xf32>,
          %iota3A_1753 = tpu.iota {dimensions = array<i32: 0>} : vector<16xi32>
          %add3A_1754 = arith.constant 13 : i32
          %add3A_1755 = vector.broadcast %add3A_1754 : i32 to vector<16xi32>
          %add3A_1756 = arith.addi %iota3A_1753, %add3A_1755 : vector<16xi32>
          %and3A_1757 = arith.constant 15 : i32
          %and3A_1758 = vector.broadcast %and3A_1757 : i32 to vector<16xi32>
          %and3A_1759 = arith.andi %add3A_1756, %and3A_1758 : vector<16xi32>
          %add3A_1760 = vector.broadcast %mul3A_88 : i32 to vector<16xi32>
          %add3A_1761 = arith.addi %and3A_1759, %add3A_1760 : vector<16xi32>
          %gather3A_1762 = tpu.vector_load_idx %arg5[%add3A_1382, %add3A_1761] : memref<128x128xf32, #tpu.memory_space<vmem>>[vector<16xi32>, vector<16xi32>], vector<16xf32>,
          %iota3A_1763 = tpu.iota {dimensions = array<i32: 0>} : vector<16xi32>
          %add3A_1764 = arith.constant 14 : i32
          %add3A_1765 = vector.broadcast %add3A_1764 : i32 to vector<16xi32>
          %add3A_1766 = arith.addi %iota3A_1763, %add3A_1765 : vector<16xi32>
          %and3A_1767 = arith.constant 15 : i32
          %and3A_1768 = vector.broadcast %and3A_1767 : i32 to vector<16xi32>
          %and3A_1769 = arith.andi %add3A_1766, %and3A_1768 : vector<16xi32>
          %add3A_1770 = vector.broadcast %mul3A_88 : i32 to vector<16xi32>
          %add3A_1771 = arith.addi %and3A_1769, %add3A_1770 : vector<16xi32>
          %gather3A_1772 = tpu.vector_load_idx %arg5[%add3A_1382, %add3A_1771] : memref<128x128xf32, #tpu.memory_space<vmem>>[vector<16xi32>, vector<16xi32>], vector<16xf32>,
          %iota3A_1773 = tpu.iota {dimensions = array<i32: 0>} : vector<16xi32>
          %add3A_1774 = arith.constant 15 : i32
          %add3A_1775 = vector.broadcast %add3A_1774 : i32 to vector<16xi32>
          %add3A_1776 = arith.addi %iota3A_1773, %add3A_1775 : vector<16xi32>
          %and3A_1777 = arith.constant 15 : i32
          %and3A_1778 = vector.broadcast %and3A_1777 : i32 to vector<16xi32>
          %and3A_1779 = arith.andi %add3A_1776, %and3A_1778 : vector<16xi32>
          %add3A_1780 = vector.broadcast %mul3A_88 : i32 to vector<16xi32>
          %add3A_1781 = arith.addi %and3A_1779, %add3A_1780 : vector<16xi32>
          %gather3A_1782 = tpu.vector_load_idx %arg5[%add3A_1382, %add3A_1781] : memref<128x128xf32, #tpu.memory_space<vmem>>[vector<16xi32>, vector<16xi32>], vector<16xf32>,
          %iota3A_1783 = tpu.iota {dimensions = array<i32: 0>} : vector<16xi32>
          %add3A_1784 = arith.constant 8 : i32
          %add3A_1785 = vector.broadcast %add3A_1784 : i32 to vector<16xi32>
          %add3A_1786 = arith.addi %iota3A_1783, %add3A_1785 : vector<16xi32>
          %and3A_1787 = arith.constant 15 : i32
          %and3A_1788 = vector.broadcast %and3A_1787 : i32 to vector<16xi32>
          %and3A_1789 = arith.andi %add3A_1786, %and3A_1788 : vector<16xi32>
          %shift_right_logical3A_1790 = arith.constant 1 : i32
          %shift_right_logical3A_1791 = vector.broadcast %shift_right_logical3A_1790 : i32 to vector<16xi32>
          %shift_right_logical3A_1792 = arith.shrui %and3A_1789, %shift_right_logical3A_1791 : vector<16xi32>
          %add3A_1793 = vector.broadcast %mul3A_90 : i32 to vector<16xi32>
          %add3A_1794 = arith.addi %shift_right_logical3A_1792, %add3A_1793 : vector<16xi32>
          %iota3A_1795 = tpu.iota {dimensions = array<i32: 0>} : vector<16xi32>
          %add3A_1796 = arith.constant 8 : i32
          %add3A_1797 = vector.broadcast %add3A_1796 : i32 to vector<16xi32>
          %add3A_1798 = arith.addi %iota3A_1795, %add3A_1797 : vector<16xi32>
          %and3A_1799 = arith.constant 15 : i32
          %and3A_1800 = vector.broadcast %and3A_1799 : i32 to vector<16xi32>
          %and3A_1801 = arith.andi %add3A_1798, %and3A_1800 : vector<16xi32>
          %and3A_1802 = arith.constant 1 : i32
          %and3A_1803 = vector.broadcast %and3A_1802 : i32 to vector<16xi32>
          %and3A_1804 = arith.andi %and3A_1801, %and3A_1803 : vector<16xi32>
          %mul3A_1805 = arith.constant 64 : i32
          %mul3A_1806 = vector.broadcast %mul3A_1805 : i32 to vector<16xi32>
          %mul3A_1807 = arith.muli %and3A_1804, %mul3A_1806 : vector<16xi32>
          %iota3A_1808 = tpu.iota {dimensions = array<i32: 0>} : vector<16xi32>
          %add3A_1809 = arith.addi %mul3A_1807, %iota3A_1808 : vector<16xi32>
          %add3A_1810 = arith.constant 32 : i32
          %add3A_1811 = vector.broadcast %add3A_1810 : i32 to vector<16xi32>
          %add3A_1812 = arith.addi %add3A_1809, %add3A_1811 : vector<16xi32>
          tpu.vector_store_idx %arg6[%add3A_1794, %add3A_1812], %gather3A_1712 : memref<64x128xf32, #tpu.memory_space<vmem>>[vector<16xi32>, vector<16xi32>], vector<16xf32>,
          %iota3A_1813 = tpu.iota {dimensions = array<i32: 0>} : vector<16xi32>
          %add3A_1814 = arith.constant 9 : i32
          %add3A_1815 = vector.broadcast %add3A_1814 : i32 to vector<16xi32>
          %add3A_1816 = arith.addi %iota3A_1813, %add3A_1815 : vector<16xi32>
          %and3A_1817 = arith.constant 15 : i32
          %and3A_1818 = vector.broadcast %and3A_1817 : i32 to vector<16xi32>
          %and3A_1819 = arith.andi %add3A_1816, %and3A_1818 : vector<16xi32>
          %shift_right_logical3A_1820 = arith.constant 1 : i32
          %shift_right_logical3A_1821 = vector.broadcast %shift_right_logical3A_1820 : i32 to vector<16xi32>
          %shift_right_logical3A_1822 = arith.shrui %and3A_1819, %shift_right_logical3A_1821 : vector<16xi32>
          %add3A_1823 = vector.broadcast %mul3A_90 : i32 to vector<16xi32>
          %add3A_1824 = arith.addi %shift_right_logical3A_1822, %add3A_1823 : vector<16xi32>
          %iota3A_1825 = tpu.iota {dimensions = array<i32: 0>} : vector<16xi32>
          %add3A_1826 = arith.constant 9 : i32
          %add3A_1827 = vector.broadcast %add3A_1826 : i32 to vector<16xi32>
          %add3A_1828 = arith.addi %iota3A_1825, %add3A_1827 : vector<16xi32>
          %and3A_1829 = arith.constant 15 : i32
          %and3A_1830 = vector.broadcast %and3A_1829 : i32 to vector<16xi32>
          %and3A_1831 = arith.andi %add3A_1828, %and3A_1830 : vector<16xi32>
          %and3A_1832 = arith.constant 1 : i32
          %and3A_1833 = vector.broadcast %and3A_1832 : i32 to vector<16xi32>
          %and3A_1834 = arith.andi %and3A_1831, %and3A_1833 : vector<16xi32>
          %mul3A_1835 = arith.constant 64 : i32
          %mul3A_1836 = vector.broadcast %mul3A_1835 : i32 to vector<16xi32>
          %mul3A_1837 = arith.muli %and3A_1834, %mul3A_1836 : vector<16xi32>
          %iota3A_1838 = tpu.iota {dimensions = array<i32: 0>} : vector<16xi32>
          %add3A_1839 = arith.addi %mul3A_1837, %iota3A_1838 : vector<16xi32>
          %add3A_1840 = arith.constant 32 : i32
          %add3A_1841 = vector.broadcast %add3A_1840 : i32 to vector<16xi32>
          %add3A_1842 = arith.addi %add3A_1839, %add3A_1841 : vector<16xi32>
          tpu.vector_store_idx %arg6[%add3A_1824, %add3A_1842], %gather3A_1722 : memref<64x128xf32, #tpu.memory_space<vmem>>[vector<16xi32>, vector<16xi32>], vector<16xf32>,
          %iota3A_1843 = tpu.iota {dimensions = array<i32: 0>} : vector<16xi32>
          %add3A_1844 = arith.constant 10 : i32
          %add3A_1845 = vector.broadcast %add3A_1844 : i32 to vector<16xi32>
          %add3A_1846 = arith.addi %iota3A_1843, %add3A_1845 : vector<16xi32>
          %and3A_1847 = arith.constant 15 : i32
          %and3A_1848 = vector.broadcast %and3A_1847 : i32 to vector<16xi32>
          %and3A_1849 = arith.andi %add3A_1846, %and3A_1848 : vector<16xi32>
          %shift_right_logical3A_1850 = arith.constant 1 : i32
          %shift_right_logical3A_1851 = vector.broadcast %shift_right_logical3A_1850 : i32 to vector<16xi32>
          %shift_right_logical3A_1852 = arith.shrui %and3A_1849, %shift_right_logical3A_1851 : vector<16xi32>
          %add3A_1853 = vector.broadcast %mul3A_90 : i32 to vector<16xi32>
          %add3A_1854 = arith.addi %shift_right_logical3A_1852, %add3A_1853 : vector<16xi32>
          %iota3A_1855 = tpu.iota {dimensions = array<i32: 0>} : vector<16xi32>
          %add3A_1856 = arith.constant 10 : i32
          %add3A_1857 = vector.broadcast %add3A_1856 : i32 to vector<16xi32>
          %add3A_1858 = arith.addi %iota3A_1855, %add3A_1857 : vector<16xi32>
          %and3A_1859 = arith.constant 15 : i32
          %and3A_1860 = vector.broadcast %and3A_1859 : i32 to vector<16xi32>
          %and3A_1861 = arith.andi %add3A_1858, %and3A_1860 : vector<16xi32>
          %and3A_1862 = arith.constant 1 : i32
          %and3A_1863 = vector.broadcast %and3A_1862 : i32 to vector<16xi32>
          %and3A_1864 = arith.andi %and3A_1861, %and3A_1863 : vector<16xi32>
          %mul3A_1865 = arith.constant 64 : i32
          %mul3A_1866 = vector.broadcast %mul3A_1865 : i32 to vector<16xi32>
          %mul3A_1867 = arith.muli %and3A_1864, %mul3A_1866 : vector<16xi32>
          %iota3A_1868 = tpu.iota {dimensions = array<i32: 0>} : vector<16xi32>
          %add3A_1869 = arith.addi %mul3A_1867, %iota3A_1868 : vector<16xi32>
          %add3A_1870 = arith.constant 32 : i32
          %add3A_1871 = vector.broadcast %add3A_1870 : i32 to vector<16xi32>
          %add3A_1872 = arith.addi %add3A_1869, %add3A_1871 : vector<16xi32>
          tpu.vector_store_idx %arg6[%add3A_1854, %add3A_1872], %gather3A_1732 : memref<64x128xf32, #tpu.memory_space<vmem>>[vector<16xi32>, vector<16xi32>], vector<16xf32>,
          %iota3A_1873 = tpu.iota {dimensions = array<i32: 0>} : vector<16xi32>
          %add3A_1874 = arith.constant 11 : i32
          %add3A_1875 = vector.broadcast %add3A_1874 : i32 to vector<16xi32>
          %add3A_1876 = arith.addi %iota3A_1873, %add3A_1875 : vector<16xi32>
          %and3A_1877 = arith.constant 15 : i32
          %and3A_1878 = vector.broadcast %and3A_1877 : i32 to vector<16xi32>
          %and3A_1879 = arith.andi %add3A_1876, %and3A_1878 : vector<16xi32>
          %shift_right_logical3A_1880 = arith.constant 1 : i32
          %shift_right_logical3A_1881 = vector.broadcast %shift_right_logical3A_1880 : i32 to vector<16xi32>
          %shift_right_logical3A_1882 = arith.shrui %and3A_1879, %shift_right_logical3A_1881 : vector<16xi32>
          %add3A_1883 = vector.broadcast %mul3A_90 : i32 to vector<16xi32>
          %add3A_1884 = arith.addi %shift_right_logical3A_1882, %add3A_1883 : vector<16xi32>
          %iota3A_1885 = tpu.iota {dimensions = array<i32: 0>} : vector<16xi32>
          %add3A_1886 = arith.constant 11 : i32
          %add3A_1887 = vector.broadcast %add3A_1886 : i32 to vector<16xi32>
          %add3A_1888 = arith.addi %iota3A_1885, %add3A_1887 : vector<16xi32>
          %and3A_1889 = arith.constant 15 : i32
          %and3A_1890 = vector.broadcast %and3A_1889 : i32 to vector<16xi32>
          %and3A_1891 = arith.andi %add3A_1888, %and3A_1890 : vector<16xi32>
          %and3A_1892 = arith.constant 1 : i32
          %and3A_1893 = vector.broadcast %and3A_1892 : i32 to vector<16xi32>
          %and3A_1894 = arith.andi %and3A_1891, %and3A_1893 : vector<16xi32>
          %mul3A_1895 = arith.constant 64 : i32
          %mul3A_1896 = vector.broadcast %mul3A_1895 : i32 to vector<16xi32>
          %mul3A_1897 = arith.muli %and3A_1894, %mul3A_1896 : vector<16xi32>
          %iota3A_1898 = tpu.iota {dimensions = array<i32: 0>} : vector<16xi32>
          %add3A_1899 = arith.addi %mul3A_1897, %iota3A_1898 : vector<16xi32>
          %add3A_1900 = arith.constant 32 : i32
          %add3A_1901 = vector.broadcast %add3A_1900 : i32 to vector<16xi32>
          %add3A_1902 = arith.addi %add3A_1899, %add3A_1901 : vector<16xi32>
          tpu.vector_store_idx %arg6[%add3A_1884, %add3A_1902], %gather3A_1742 : memref<64x128xf32, #tpu.memory_space<vmem>>[vector<16xi32>, vector<16xi32>], vector<16xf32>,
          %iota3A_1903 = tpu.iota {dimensions = array<i32: 0>} : vector<16xi32>
          %add3A_1904 = arith.constant 12 : i32
          %add3A_1905 = vector.broadcast %add3A_1904 : i32 to vector<16xi32>
          %add3A_1906 = arith.addi %iota3A_1903, %add3A_1905 : vector<16xi32>
          %and3A_1907 = arith.constant 15 : i32
          %and3A_1908 = vector.broadcast %and3A_1907 : i32 to vector<16xi32>
          %and3A_1909 = arith.andi %add3A_1906, %and3A_1908 : vector<16xi32>
          %shift_right_logical3A_1910 = arith.constant 1 : i32
          %shift_right_logical3A_1911 = vector.broadcast %shift_right_logical3A_1910 : i32 to vector<16xi32>
          %shift_right_logical3A_1912 = arith.shrui %and3A_1909, %shift_right_logical3A_1911 : vector<16xi32>
          %add3A_1913 = vector.broadcast %mul3A_90 : i32 to vector<16xi32>
          %add3A_1914 = arith.addi %shift_right_logical3A_1912, %add3A_1913 : vector<16xi32>
          %iota3A_1915 = tpu.iota {dimensions = array<i32: 0>} : vector<16xi32>
          %add3A_1916 = arith.constant 12 : i32
          %add3A_1917 = vector.broadcast %add3A_1916 : i32 to vector<16xi32>
          %add3A_1918 = arith.addi %iota3A_1915, %add3A_1917 : vector<16xi32>
          %and3A_1919 = arith.constant 15 : i32
          %and3A_1920 = vector.broadcast %and3A_1919 : i32 to vector<16xi32>
          %and3A_1921 = arith.andi %add3A_1918, %and3A_1920 : vector<16xi32>
          %and3A_1922 = arith.constant 1 : i32
          %and3A_1923 = vector.broadcast %and3A_1922 : i32 to vector<16xi32>
          %and3A_1924 = arith.andi %and3A_1921, %and3A_1923 : vector<16xi32>
          %mul3A_1925 = arith.constant 64 : i32
          %mul3A_1926 = vector.broadcast %mul3A_1925 : i32 to vector<16xi32>
          %mul3A_1927 = arith.muli %and3A_1924, %mul3A_1926 : vector<16xi32>
          %iota3A_1928 = tpu.iota {dimensions = array<i32: 0>} : vector<16xi32>
          %add3A_1929 = arith.addi %mul3A_1927, %iota3A_1928 : vector<16xi32>
          %add3A_1930 = arith.constant 32 : i32
          %add3A_1931 = vector.broadcast %add3A_1930 : i32 to vector<16xi32>
          %add3A_1932 = arith.addi %add3A_1929, %add3A_1931 : vector<16xi32>
          tpu.vector_store_idx %arg6[%add3A_1914, %add3A_1932], %gather3A_1752 : memref<64x128xf32, #tpu.memory_space<vmem>>[vector<16xi32>, vector<16xi32>], vector<16xf32>,
          %iota3A_1933 = tpu.iota {dimensions = array<i32: 0>} : vector<16xi32>
          %add3A_1934 = arith.constant 13 : i32
          %add3A_1935 = vector.broadcast %add3A_1934 : i32 to vector<16xi32>
          %add3A_1936 = arith.addi %iota3A_1933, %add3A_1935 : vector<16xi32>
          %and3A_1937 = arith.constant 15 : i32
          %and3A_1938 = vector.broadcast %and3A_1937 : i32 to vector<16xi32>
          %and3A_1939 = arith.andi %add3A_1936, %and3A_1938 : vector<16xi32>
          %shift_right_logical3A_1940 = arith.constant 1 : i32
          %shift_right_logical3A_1941 = vector.broadcast %shift_right_logical3A_1940 : i32 to vector<16xi32>
          %shift_right_logical3A_1942 = arith.shrui %and3A_1939, %shift_right_logical3A_1941 : vector<16xi32>
          %add3A_1943 = vector.broadcast %mul3A_90 : i32 to vector<16xi32>
          %add3A_1944 = arith.addi %shift_right_logical3A_1942, %add3A_1943 : vector<16xi32>
          %iota3A_1945 = tpu.iota {dimensions = array<i32: 0>} : vector<16xi32>
          %add3A_1946 = arith.constant 13 : i32
          %add3A_1947 = vector.broadcast %add3A_1946 : i32 to vector<16xi32>
          %add3A_1948 = arith.addi %iota3A_1945, %add3A_1947 : vector<16xi32>
          %and3A_1949 = arith.constant 15 : i32
          %and3A_1950 = vector.broadcast %and3A_1949 : i32 to vector<16xi32>
          %and3A_1951 = arith.andi %add3A_1948, %and3A_1950 : vector<16xi32>
          %and3A_1952 = arith.constant 1 : i32
          %and3A_1953 = vector.broadcast %and3A_1952 : i32 to vector<16xi32>
          %and3A_1954 = arith.andi %and3A_1951, %and3A_1953 : vector<16xi32>
          %mul3A_1955 = arith.constant 64 : i32
          %mul3A_1956 = vector.broadcast %mul3A_1955 : i32 to vector<16xi32>
          %mul3A_1957 = arith.muli %and3A_1954, %mul3A_1956 : vector<16xi32>
          %iota3A_1958 = tpu.iota {dimensions = array<i32: 0>} : vector<16xi32>
          %add3A_1959 = arith.addi %mul3A_1957, %iota3A_1958 : vector<16xi32>
          %add3A_1960 = arith.constant 32 : i32
          %add3A_1961 = vector.broadcast %add3A_1960 : i32 to vector<16xi32>
          %add3A_1962 = arith.addi %add3A_1959, %add3A_1961 : vector<16xi32>
          tpu.vector_store_idx %arg6[%add3A_1944, %add3A_1962], %gather3A_1762 : memref<64x128xf32, #tpu.memory_space<vmem>>[vector<16xi32>, vector<16xi32>], vector<16xf32>,
          %iota3A_1963 = tpu.iota {dimensions = array<i32: 0>} : vector<16xi32>
          %add3A_1964 = arith.constant 14 : i32
          %add3A_1965 = vector.broadcast %add3A_1964 : i32 to vector<16xi32>
          %add3A_1966 = arith.addi %iota3A_1963, %add3A_1965 : vector<16xi32>
          %and3A_1967 = arith.constant 15 : i32
          %and3A_1968 = vector.broadcast %and3A_1967 : i32 to vector<16xi32>
          %and3A_1969 = arith.andi %add3A_1966, %and3A_1968 : vector<16xi32>
          %shift_right_logical3A_1970 = arith.constant 1 : i32
          %shift_right_logical3A_1971 = vector.broadcast %shift_right_logical3A_1970 : i32 to vector<16xi32>
          %shift_right_logical3A_1972 = arith.shrui %and3A_1969, %shift_right_logical3A_1971 : vector<16xi32>
          %add3A_1973 = vector.broadcast %mul3A_90 : i32 to vector<16xi32>
          %add3A_1974 = arith.addi %shift_right_logical3A_1972, %add3A_1973 : vector<16xi32>
          %iota3A_1975 = tpu.iota {dimensions = array<i32: 0>} : vector<16xi32>
          %add3A_1976 = arith.constant 14 : i32
          %add3A_1977 = vector.broadcast %add3A_1976 : i32 to vector<16xi32>
          %add3A_1978 = arith.addi %iota3A_1975, %add3A_1977 : vector<16xi32>
          %and3A_1979 = arith.constant 15 : i32
          %and3A_1980 = vector.broadcast %and3A_1979 : i32 to vector<16xi32>
          %and3A_1981 = arith.andi %add3A_1978, %and3A_1980 : vector<16xi32>
          %and3A_1982 = arith.constant 1 : i32
          %and3A_1983 = vector.broadcast %and3A_1982 : i32 to vector<16xi32>
          %and3A_1984 = arith.andi %and3A_1981, %and3A_1983 : vector<16xi32>
          %mul3A_1985 = arith.constant 64 : i32
          %mul3A_1986 = vector.broadcast %mul3A_1985 : i32 to vector<16xi32>
          %mul3A_1987 = arith.muli %and3A_1984, %mul3A_1986 : vector<16xi32>
          %iota3A_1988 = tpu.iota {dimensions = array<i32: 0>} : vector<16xi32>
          %add3A_1989 = arith.addi %mul3A_1987, %iota3A_1988 : vector<16xi32>
          %add3A_1990 = arith.constant 32 : i32
          %add3A_1991 = vector.broadcast %add3A_1990 : i32 to vector<16xi32>
          %add3A_1992 = arith.addi %add3A_1989, %add3A_1991 : vector<16xi32>
          tpu.vector_store_idx %arg6[%add3A_1974, %add3A_1992], %gather3A_1772 : memref<64x128xf32, #tpu.memory_space<vmem>>[vector<16xi32>, vector<16xi32>], vector<16xf32>,
          %iota3A_1993 = tpu.iota {dimensions = array<i32: 0>} : vector<16xi32>
          %add3A_1994 = arith.constant 15 : i32
          %add3A_1995 = vector.broadcast %add3A_1994 : i32 to vector<16xi32>
          %add3A_1996 = arith.addi %iota3A_1993, %add3A_1995 : vector<16xi32>
          %and3A_1997 = arith.constant 15 : i32
          %and3A_1998 = vector.broadcast %and3A_1997 : i32 to vector<16xi32>
          %and3A_1999 = arith.andi %add3A_1996, %and3A_1998 : vector<16xi32>
          %shift_right_logical3A_2000 = arith.constant 1 : i32
          %shift_right_logical3A_2001 = vector.broadcast %shift_right_logical3A_2000 : i32 to vector<16xi32>
          %shift_right_logical3A_2002 = arith.shrui %and3A_1999, %shift_right_logical3A_2001 : vector<16xi32>
          %add3A_2003 = vector.broadcast %mul3A_90 : i32 to vector<16xi32>
          %add3A_2004 = arith.addi %shift_right_logical3A_2002, %add3A_2003 : vector<16xi32>
          %iota3A_2005 = tpu.iota {dimensions = array<i32: 0>} : vector<16xi32>
          %add3A_2006 = arith.constant 15 : i32
          %add3A_2007 = vector.broadcast %add3A_2006 : i32 to vector<16xi32>
          %add3A_2008 = arith.addi %iota3A_2005, %add3A_2007 : vector<16xi32>
          %and3A_2009 = arith.constant 15 : i32
          %and3A_2010 = vector.broadcast %and3A_2009 : i32 to vector<16xi32>
          %and3A_2011 = arith.andi %add3A_2008, %and3A_2010 : vector<16xi32>
          %and3A_2012 = arith.constant 1 : i32
          %and3A_2013 = vector.broadcast %and3A_2012 : i32 to vector<16xi32>
          %and3A_2014 = arith.andi %and3A_2011, %and3A_2013 : vector<16xi32>
          %mul3A_2015 = arith.constant 64 : i32
          %mul3A_2016 = vector.broadcast %mul3A_2015 : i32 to vector<16xi32>
          %mul3A_2017 = arith.muli %and3A_2014, %mul3A_2016 : vector<16xi32>
          %iota3A_2018 = tpu.iota {dimensions = array<i32: 0>} : vector<16xi32>
          %add3A_2019 = arith.addi %mul3A_2017, %iota3A_2018 : vector<16xi32>
          %add3A_2020 = arith.constant 32 : i32
          %add3A_2021 = vector.broadcast %add3A_2020 : i32 to vector<16xi32>
          %add3A_2022 = arith.addi %add3A_2019, %add3A_2021 : vector<16xi32>
          tpu.vector_store_idx %arg6[%add3A_2004, %add3A_2022], %gather3A_1782 : memref<64x128xf32, #tpu.memory_space<vmem>>[vector<16xi32>, vector<16xi32>], vector<16xf32>,
          %add3A_2023 = arith.constant 48 : i32
          %add3A_2024 = arith.addi %add3A_2023, %mul3A_42 : i32
          %iota3A_2025 = tpu.iota {dimensions = array<i32: 0>} : vector<16xi32>
          %add3A_2026 = vector.broadcast %add3A_2024 : i32 to vector<16xi32>
          %add3A_2027 = arith.addi %iota3A_2025, %add3A_2026 : vector<16xi32>
          %iota3A_2028 = tpu.iota {dimensions = array<i32: 0>} : vector<16xi32>
          %add3A_2029 = arith.constant 0 : i32
          %add3A_2030 = vector.broadcast %add3A_2029 : i32 to vector<16xi32>
          %add3A_2031 = arith.addi %iota3A_2028, %add3A_2030 : vector<16xi32>
          %and3A_2032 = arith.constant 15 : i32
          %and3A_2033 = vector.broadcast %and3A_2032 : i32 to vector<16xi32>
          %and3A_2034 = arith.andi %add3A_2031, %and3A_2033 : vector<16xi32>
          %add3A_2035 = vector.broadcast %mul3A_88 : i32 to vector<16xi32>
          %add3A_2036 = arith.addi %and3A_2034, %add3A_2035 : vector<16xi32>
          %gather3A_2037 = tpu.vector_load_idx %arg5[%add3A_2027, %add3A_2036] : memref<128x128xf32, #tpu.memory_space<vmem>>[vector<16xi32>, vector<16xi32>], vector<16xf32>,
          %iota3A_2038 = tpu.iota {dimensions = array<i32: 0>} : vector<16xi32>
          %add3A_2039 = arith.constant 1 : i32
          %add3A_2040 = vector.broadcast %add3A_2039 : i32 to vector<16xi32>
          %add3A_2041 = arith.addi %iota3A_2038, %add3A_2040 : vector<16xi32>
          %and3A_2042 = arith.constant 15 : i32
          %and3A_2043 = vector.broadcast %and3A_2042 : i32 to vector<16xi32>
          %and3A_2044 = arith.andi %add3A_2041, %and3A_2043 : vector<16xi32>
          %add3A_2045 = vector.broadcast %mul3A_88 : i32 to vector<16xi32>
          %add3A_2046 = arith.addi %and3A_2044, %add3A_2045 : vector<16xi32>
          %gather3A_2047 = tpu.vector_load_idx %arg5[%add3A_2027, %add3A_2046] : memref<128x128xf32, #tpu.memory_space<vmem>>[vector<16xi32>, vector<16xi32>], vector<16xf32>,
          %iota3A_2048 = tpu.iota {dimensions = array<i32: 0>} : vector<16xi32>
          %add3A_2049 = arith.constant 2 : i32
          %add3A_2050 = vector.broadcast %add3A_2049 : i32 to vector<16xi32>
          %add3A_2051 = arith.addi %iota3A_2048, %add3A_2050 : vector<16xi32>
          %and3A_2052 = arith.constant 15 : i32
          %and3A_2053 = vector.broadcast %and3A_2052 : i32 to vector<16xi32>
          %and3A_2054 = arith.andi %add3A_2051, %and3A_2053 : vector<16xi32>
          %add3A_2055 = vector.broadcast %mul3A_88 : i32 to vector<16xi32>
          %add3A_2056 = arith.addi %and3A_2054, %add3A_2055 : vector<16xi32>
          %gather3A_2057 = tpu.vector_load_idx %arg5[%add3A_2027, %add3A_2056] : memref<128x128xf32, #tpu.memory_space<vmem>>[vector<16xi32>, vector<16xi32>], vector<16xf32>,
          %iota3A_2058 = tpu.iota {dimensions = array<i32: 0>} : vector<16xi32>
          %add3A_2059 = arith.constant 3 : i32
          %add3A_2060 = vector.broadcast %add3A_2059 : i32 to vector<16xi32>
          %add3A_2061 = arith.addi %iota3A_2058, %add3A_2060 : vector<16xi32>
          %and3A_2062 = arith.constant 15 : i32
          %and3A_2063 = vector.broadcast %and3A_2062 : i32 to vector<16xi32>
          %and3A_2064 = arith.andi %add3A_2061, %and3A_2063 : vector<16xi32>
          %add3A_2065 = vector.broadcast %mul3A_88 : i32 to vector<16xi32>
          %add3A_2066 = arith.addi %and3A_2064, %add3A_2065 : vector<16xi32>
          %gather3A_2067 = tpu.vector_load_idx %arg5[%add3A_2027, %add3A_2066] : memref<128x128xf32, #tpu.memory_space<vmem>>[vector<16xi32>, vector<16xi32>], vector<16xf32>,
          %iota3A_2068 = tpu.iota {dimensions = array<i32: 0>} : vector<16xi32>
          %add3A_2069 = arith.constant 4 : i32
          %add3A_2070 = vector.broadcast %add3A_2069 : i32 to vector<16xi32>
          %add3A_2071 = arith.addi %iota3A_2068, %add3A_2070 : vector<16xi32>
          %and3A_2072 = arith.constant 15 : i32
          %and3A_2073 = vector.broadcast %and3A_2072 : i32 to vector<16xi32>
          %and3A_2074 = arith.andi %add3A_2071, %and3A_2073 : vector<16xi32>
          %add3A_2075 = vector.broadcast %mul3A_88 : i32 to vector<16xi32>
          %add3A_2076 = arith.addi %and3A_2074, %add3A_2075 : vector<16xi32>
          %gather3A_2077 = tpu.vector_load_idx %arg5[%add3A_2027, %add3A_2076] : memref<128x128xf32, #tpu.memory_space<vmem>>[vector<16xi32>, vector<16xi32>], vector<16xf32>,
          %iota3A_2078 = tpu.iota {dimensions = array<i32: 0>} : vector<16xi32>
          %add3A_2079 = arith.constant 5 : i32
          %add3A_2080 = vector.broadcast %add3A_2079 : i32 to vector<16xi32>
          %add3A_2081 = arith.addi %iota3A_2078, %add3A_2080 : vector<16xi32>
          %and3A_2082 = arith.constant 15 : i32
          %and3A_2083 = vector.broadcast %and3A_2082 : i32 to vector<16xi32>
          %and3A_2084 = arith.andi %add3A_2081, %and3A_2083 : vector<16xi32>
          %add3A_2085 = vector.broadcast %mul3A_88 : i32 to vector<16xi32>
          %add3A_2086 = arith.addi %and3A_2084, %add3A_2085 : vector<16xi32>
          %gather3A_2087 = tpu.vector_load_idx %arg5[%add3A_2027, %add3A_2086] : memref<128x128xf32, #tpu.memory_space<vmem>>[vector<16xi32>, vector<16xi32>], vector<16xf32>,
          %iota3A_2088 = tpu.iota {dimensions = array<i32: 0>} : vector<16xi32>
          %add3A_2089 = arith.constant 6 : i32
          %add3A_2090 = vector.broadcast %add3A_2089 : i32 to vector<16xi32>
          %add3A_2091 = arith.addi %iota3A_2088, %add3A_2090 : vector<16xi32>
          %and3A_2092 = arith.constant 15 : i32
          %and3A_2093 = vector.broadcast %and3A_2092 : i32 to vector<16xi32>
          %and3A_2094 = arith.andi %add3A_2091, %and3A_2093 : vector<16xi32>
          %add3A_2095 = vector.broadcast %mul3A_88 : i32 to vector<16xi32>
          %add3A_2096 = arith.addi %and3A_2094, %add3A_2095 : vector<16xi32>
          %gather3A_2097 = tpu.vector_load_idx %arg5[%add3A_2027, %add3A_2096] : memref<128x128xf32, #tpu.memory_space<vmem>>[vector<16xi32>, vector<16xi32>], vector<16xf32>,
          %iota3A_2098 = tpu.iota {dimensions = array<i32: 0>} : vector<16xi32>
          %add3A_2099 = arith.constant 7 : i32
          %add3A_2100 = vector.broadcast %add3A_2099 : i32 to vector<16xi32>
          %add3A_2101 = arith.addi %iota3A_2098, %add3A_2100 : vector<16xi32>
          %and3A_2102 = arith.constant 15 : i32
          %and3A_2103 = vector.broadcast %and3A_2102 : i32 to vector<16xi32>
          %and3A_2104 = arith.andi %add3A_2101, %and3A_2103 : vector<16xi32>
          %add3A_2105 = vector.broadcast %mul3A_88 : i32 to vector<16xi32>
          %add3A_2106 = arith.addi %and3A_2104, %add3A_2105 : vector<16xi32>
          %gather3A_2107 = tpu.vector_load_idx %arg5[%add3A_2027, %add3A_2106] : memref<128x128xf32, #tpu.memory_space<vmem>>[vector<16xi32>, vector<16xi32>], vector<16xf32>,
          %iota3A_2108 = tpu.iota {dimensions = array<i32: 0>} : vector<16xi32>
          %add3A_2109 = arith.constant 0 : i32
          %add3A_2110 = vector.broadcast %add3A_2109 : i32 to vector<16xi32>
          %add3A_2111 = arith.addi %iota3A_2108, %add3A_2110 : vector<16xi32>
          %and3A_2112 = arith.constant 15 : i32
          %and3A_2113 = vector.broadcast %and3A_2112 : i32 to vector<16xi32>
          %and3A_2114 = arith.andi %add3A_2111, %and3A_2113 : vector<16xi32>
          %shift_right_logical3A_2115 = arith.constant 1 : i32
          %shift_right_logical3A_2116 = vector.broadcast %shift_right_logical3A_2115 : i32 to vector<16xi32>
          %shift_right_logical3A_2117 = arith.shrui %and3A_2114, %shift_right_logical3A_2116 : vector<16xi32>
          %add3A_2118 = vector.broadcast %mul3A_90 : i32 to vector<16xi32>
          %add3A_2119 = arith.addi %shift_right_logical3A_2117, %add3A_2118 : vector<16xi32>
          %iota3A_2120 = tpu.iota {dimensions = array<i32: 0>} : vector<16xi32>
          %add3A_2121 = arith.constant 0 : i32
          %add3A_2122 = vector.broadcast %add3A_2121 : i32 to vector<16xi32>
          %add3A_2123 = arith.addi %iota3A_2120, %add3A_2122 : vector<16xi32>
          %and3A_2124 = arith.constant 15 : i32
          %and3A_2125 = vector.broadcast %and3A_2124 : i32 to vector<16xi32>
          %and3A_2126 = arith.andi %add3A_2123, %and3A_2125 : vector<16xi32>
          %and3A_2127 = arith.constant 1 : i32
          %and3A_2128 = vector.broadcast %and3A_2127 : i32 to vector<16xi32>
          %and3A_2129 = arith.andi %and3A_2126, %and3A_2128 : vector<16xi32>
          %mul3A_2130 = arith.constant 64 : i32
          %mul3A_2131 = vector.broadcast %mul3A_2130 : i32 to vector<16xi32>
          %mul3A_2132 = arith.muli %and3A_2129, %mul3A_2131 : vector<16xi32>
          %iota3A_2133 = tpu.iota {dimensions = array<i32: 0>} : vector<16xi32>
          %add3A_2134 = arith.addi %mul3A_2132, %iota3A_2133 : vector<16xi32>
          %add3A_2135 = arith.constant 48 : i32
          %add3A_2136 = vector.broadcast %add3A_2135 : i32 to vector<16xi32>
          %add3A_2137 = arith.addi %add3A_2134, %add3A_2136 : vector<16xi32>
          tpu.vector_store_idx %arg6[%add3A_2119, %add3A_2137], %gather3A_2037 : memref<64x128xf32, #tpu.memory_space<vmem>>[vector<16xi32>, vector<16xi32>], vector<16xf32>,
          %iota3A_2138 = tpu.iota {dimensions = array<i32: 0>} : vector<16xi32>
          %add3A_2139 = arith.constant 1 : i32
          %add3A_2140 = vector.broadcast %add3A_2139 : i32 to vector<16xi32>
          %add3A_2141 = arith.addi %iota3A_2138, %add3A_2140 : vector<16xi32>
          %and3A_2142 = arith.constant 15 : i32
          %and3A_2143 = vector.broadcast %and3A_2142 : i32 to vector<16xi32>
          %and3A_2144 = arith.andi %add3A_2141, %and3A_2143 : vector<16xi32>
          %shift_right_logical3A_2145 = arith.constant 1 : i32
          %shift_right_logical3A_2146 = vector.broadcast %shift_right_logical3A_2145 : i32 to vector<16xi32>
          %shift_right_logical3A_2147 = arith.shrui %and3A_2144, %shift_right_logical3A_2146 : vector<16xi32>
          %add3A_2148 = vector.broadcast %mul3A_90 : i32 to vector<16xi32>
          %add3A_2149 = arith.addi %shift_right_logical3A_2147, %add3A_2148 : vector<16xi32>
          %iota3A_2150 = tpu.iota {dimensions = array<i32: 0>} : vector<16xi32>
          %add3A_2151 = arith.constant 1 : i32
          %add3A_2152 = vector.broadcast %add3A_2151 : i32 to vector<16xi32>
          %add3A_2153 = arith.addi %iota3A_2150, %add3A_2152 : vector<16xi32>
          %and3A_2154 = arith.constant 15 : i32
          %and3A_2155 = vector.broadcast %and3A_2154 : i32 to vector<16xi32>
          %and3A_2156 = arith.andi %add3A_2153, %and3A_2155 : vector<16xi32>
          %and3A_2157 = arith.constant 1 : i32
          %and3A_2158 = vector.broadcast %and3A_2157 : i32 to vector<16xi32>
          %and3A_2159 = arith.andi %and3A_2156, %and3A_2158 : vector<16xi32>
          %mul3A_2160 = arith.constant 64 : i32
          %mul3A_2161 = vector.broadcast %mul3A_2160 : i32 to vector<16xi32>
          %mul3A_2162 = arith.muli %and3A_2159, %mul3A_2161 : vector<16xi32>
          %iota3A_2163 = tpu.iota {dimensions = array<i32: 0>} : vector<16xi32>
          %add3A_2164 = arith.addi %mul3A_2162, %iota3A_2163 : vector<16xi32>
          %add3A_2165 = arith.constant 48 : i32
          %add3A_2166 = vector.broadcast %add3A_2165 : i32 to vector<16xi32>
          %add3A_2167 = arith.addi %add3A_2164, %add3A_2166 : vector<16xi32>
          tpu.vector_store_idx %arg6[%add3A_2149, %add3A_2167], %gather3A_2047 : memref<64x128xf32, #tpu.memory_space<vmem>>[vector<16xi32>, vector<16xi32>], vector<16xf32>,
          %iota3A_2168 = tpu.iota {dimensions = array<i32: 0>} : vector<16xi32>
          %add3A_2169 = arith.constant 2 : i32
          %add3A_2170 = vector.broadcast %add3A_2169 : i32 to vector<16xi32>
          %add3A_2171 = arith.addi %iota3A_2168, %add3A_2170 : vector<16xi32>
          %and3A_2172 = arith.constant 15 : i32
          %and3A_2173 = vector.broadcast %and3A_2172 : i32 to vector<16xi32>
          %and3A_2174 = arith.andi %add3A_2171, %and3A_2173 : vector<16xi32>
          %shift_right_logical3A_2175 = arith.constant 1 : i32
          %shift_right_logical3A_2176 = vector.broadcast %shift_right_logical3A_2175 : i32 to vector<16xi32>
          %shift_right_logical3A_2177 = arith.shrui %and3A_2174, %shift_right_logical3A_2176 : vector<16xi32>
          %add3A_2178 = vector.broadcast %mul3A_90 : i32 to vector<16xi32>
          %add3A_2179 = arith.addi %shift_right_logical3A_2177, %add3A_2178 : vector<16xi32>
          %iota3A_2180 = tpu.iota {dimensions = array<i32: 0>} : vector<16xi32>
          %add3A_2181 = arith.constant 2 : i32
          %add3A_2182 = vector.broadcast %add3A_2181 : i32 to vector<16xi32>
          %add3A_2183 = arith.addi %iota3A_2180, %add3A_2182 : vector<16xi32>
          %and3A_2184 = arith.constant 15 : i32
          %and3A_2185 = vector.broadcast %and3A_2184 : i32 to vector<16xi32>
          %and3A_2186 = arith.andi %add3A_2183, %and3A_2185 : vector<16xi32>
          %and3A_2187 = arith.constant 1 : i32
          %and3A_2188 = vector.broadcast %and3A_2187 : i32 to vector<16xi32>
          %and3A_2189 = arith.andi %and3A_2186, %and3A_2188 : vector<16xi32>
          %mul3A_2190 = arith.constant 64 : i32
          %mul3A_2191 = vector.broadcast %mul3A_2190 : i32 to vector<16xi32>
          %mul3A_2192 = arith.muli %and3A_2189, %mul3A_2191 : vector<16xi32>
          %iota3A_2193 = tpu.iota {dimensions = array<i32: 0>} : vector<16xi32>
          %add3A_2194 = arith.addi %mul3A_2192, %iota3A_2193 : vector<16xi32>
          %add3A_2195 = arith.constant 48 : i32
          %add3A_2196 = vector.broadcast %add3A_2195 : i32 to vector<16xi32>
          %add3A_2197 = arith.addi %add3A_2194, %add3A_2196 : vector<16xi32>
          tpu.vector_store_idx %arg6[%add3A_2179, %add3A_2197], %gather3A_2057 : memref<64x128xf32, #tpu.memory_space<vmem>>[vector<16xi32>, vector<16xi32>], vector<16xf32>,
          %iota3A_2198 = tpu.iota {dimensions = array<i32: 0>} : vector<16xi32>
          %add3A_2199 = arith.constant 3 : i32
          %add3A_2200 = vector.broadcast %add3A_2199 : i32 to vector<16xi32>
          %add3A_2201 = arith.addi %iota3A_2198, %add3A_2200 : vector<16xi32>
          %and3A_2202 = arith.constant 15 : i32
          %and3A_2203 = vector.broadcast %and3A_2202 : i32 to vector<16xi32>
          %and3A_2204 = arith.andi %add3A_2201, %and3A_2203 : vector<16xi32>
          %shift_right_logical3A_2205 = arith.constant 1 : i32
          %shift_right_logical3A_2206 = vector.broadcast %shift_right_logical3A_2205 : i32 to vector<16xi32>
          %shift_right_logical3A_2207 = arith.shrui %and3A_2204, %shift_right_logical3A_2206 : vector<16xi32>
          %add3A_2208 = vector.broadcast %mul3A_90 : i32 to vector<16xi32>
          %add3A_2209 = arith.addi %shift_right_logical3A_2207, %add3A_2208 : vector<16xi32>
          %iota3A_2210 = tpu.iota {dimensions = array<i32: 0>} : vector<16xi32>
          %add3A_2211 = arith.constant 3 : i32
          %add3A_2212 = vector.broadcast %add3A_2211 : i32 to vector<16xi32>
          %add3A_2213 = arith.addi %iota3A_2210, %add3A_2212 : vector<16xi32>
          %and3A_2214 = arith.constant 15 : i32
          %and3A_2215 = vector.broadcast %and3A_2214 : i32 to vector<16xi32>
          %and3A_2216 = arith.andi %add3A_2213, %and3A_2215 : vector<16xi32>
          %and3A_2217 = arith.constant 1 : i32
          %and3A_2218 = vector.broadcast %and3A_2217 : i32 to vector<16xi32>
          %and3A_2219 = arith.andi %and3A_2216, %and3A_2218 : vector<16xi32>
          %mul3A_2220 = arith.constant 64 : i32
          %mul3A_2221 = vector.broadcast %mul3A_2220 : i32 to vector<16xi32>
          %mul3A_2222 = arith.muli %and3A_2219, %mul3A_2221 : vector<16xi32>
          %iota3A_2223 = tpu.iota {dimensions = array<i32: 0>} : vector<16xi32>
          %add3A_2224 = arith.addi %mul3A_2222, %iota3A_2223 : vector<16xi32>
          %add3A_2225 = arith.constant 48 : i32
          %add3A_2226 = vector.broadcast %add3A_2225 : i32 to vector<16xi32>
          %add3A_2227 = arith.addi %add3A_2224, %add3A_2226 : vector<16xi32>
          tpu.vector_store_idx %arg6[%add3A_2209, %add3A_2227], %gather3A_2067 : memref<64x128xf32, #tpu.memory_space<vmem>>[vector<16xi32>, vector<16xi32>], vector<16xf32>,
          %iota3A_2228 = tpu.iota {dimensions = array<i32: 0>} : vector<16xi32>
          %add3A_2229 = arith.constant 4 : i32
          %add3A_2230 = vector.broadcast %add3A_2229 : i32 to vector<16xi32>
          %add3A_2231 = arith.addi %iota3A_2228, %add3A_2230 : vector<16xi32>
          %and3A_2232 = arith.constant 15 : i32
          %and3A_2233 = vector.broadcast %and3A_2232 : i32 to vector<16xi32>
          %and3A_2234 = arith.andi %add3A_2231, %and3A_2233 : vector<16xi32>
          %shift_right_logical3A_2235 = arith.constant 1 : i32
          %shift_right_logical3A_2236 = vector.broadcast %shift_right_logical3A_2235 : i32 to vector<16xi32>
          %shift_right_logical3A_2237 = arith.shrui %and3A_2234, %shift_right_logical3A_2236 : vector<16xi32>
          %add3A_2238 = vector.broadcast %mul3A_90 : i32 to vector<16xi32>
          %add3A_2239 = arith.addi %shift_right_logical3A_2237, %add3A_2238 : vector<16xi32>
          %iota3A_2240 = tpu.iota {dimensions = array<i32: 0>} : vector<16xi32>
          %add3A_2241 = arith.constant 4 : i32
          %add3A_2242 = vector.broadcast %add3A_2241 : i32 to vector<16xi32>
          %add3A_2243 = arith.addi %iota3A_2240, %add3A_2242 : vector<16xi32>
          %and3A_2244 = arith.constant 15 : i32
          %and3A_2245 = vector.broadcast %and3A_2244 : i32 to vector<16xi32>
          %and3A_2246 = arith.andi %add3A_2243, %and3A_2245 : vector<16xi32>
          %and3A_2247 = arith.constant 1 : i32
          %and3A_2248 = vector.broadcast %and3A_2247 : i32 to vector<16xi32>
          %and3A_2249 = arith.andi %and3A_2246, %and3A_2248 : vector<16xi32>
          %mul3A_2250 = arith.constant 64 : i32
          %mul3A_2251 = vector.broadcast %mul3A_2250 : i32 to vector<16xi32>
          %mul3A_2252 = arith.muli %and3A_2249, %mul3A_2251 : vector<16xi32>
          %iota3A_2253 = tpu.iota {dimensions = array<i32: 0>} : vector<16xi32>
          %add3A_2254 = arith.addi %mul3A_2252, %iota3A_2253 : vector<16xi32>
          %add3A_2255 = arith.constant 48 : i32
          %add3A_2256 = vector.broadcast %add3A_2255 : i32 to vector<16xi32>
          %add3A_2257 = arith.addi %add3A_2254, %add3A_2256 : vector<16xi32>
          tpu.vector_store_idx %arg6[%add3A_2239, %add3A_2257], %gather3A_2077 : memref<64x128xf32, #tpu.memory_space<vmem>>[vector<16xi32>, vector<16xi32>], vector<16xf32>,
          %iota3A_2258 = tpu.iota {dimensions = array<i32: 0>} : vector<16xi32>
          %add3A_2259 = arith.constant 5 : i32
          %add3A_2260 = vector.broadcast %add3A_2259 : i32 to vector<16xi32>
          %add3A_2261 = arith.addi %iota3A_2258, %add3A_2260 : vector<16xi32>
          %and3A_2262 = arith.constant 15 : i32
          %and3A_2263 = vector.broadcast %and3A_2262 : i32 to vector<16xi32>
          %and3A_2264 = arith.andi %add3A_2261, %and3A_2263 : vector<16xi32>
          %shift_right_logical3A_2265 = arith.constant 1 : i32
          %shift_right_logical3A_2266 = vector.broadcast %shift_right_logical3A_2265 : i32 to vector<16xi32>
          %shift_right_logical3A_2267 = arith.shrui %and3A_2264, %shift_right_logical3A_2266 : vector<16xi32>
          %add3A_2268 = vector.broadcast %mul3A_90 : i32 to vector<16xi32>
          %add3A_2269 = arith.addi %shift_right_logical3A_2267, %add3A_2268 : vector<16xi32>
          %iota3A_2270 = tpu.iota {dimensions = array<i32: 0>} : vector<16xi32>
          %add3A_2271 = arith.constant 5 : i32
          %add3A_2272 = vector.broadcast %add3A_2271 : i32 to vector<16xi32>
          %add3A_2273 = arith.addi %iota3A_2270, %add3A_2272 : vector<16xi32>
          %and3A_2274 = arith.constant 15 : i32
          %and3A_2275 = vector.broadcast %and3A_2274 : i32 to vector<16xi32>
          %and3A_2276 = arith.andi %add3A_2273, %and3A_2275 : vector<16xi32>
          %and3A_2277 = arith.constant 1 : i32
          %and3A_2278 = vector.broadcast %and3A_2277 : i32 to vector<16xi32>
          %and3A_2279 = arith.andi %and3A_2276, %and3A_2278 : vector<16xi32>
          %mul3A_2280 = arith.constant 64 : i32
          %mul3A_2281 = vector.broadcast %mul3A_2280 : i32 to vector<16xi32>
          %mul3A_2282 = arith.muli %and3A_2279, %mul3A_2281 : vector<16xi32>
          %iota3A_2283 = tpu.iota {dimensions = array<i32: 0>} : vector<16xi32>
          %add3A_2284 = arith.addi %mul3A_2282, %iota3A_2283 : vector<16xi32>
          %add3A_2285 = arith.constant 48 : i32
          %add3A_2286 = vector.broadcast %add3A_2285 : i32 to vector<16xi32>
          %add3A_2287 = arith.addi %add3A_2284, %add3A_2286 : vector<16xi32>
          tpu.vector_store_idx %arg6[%add3A_2269, %add3A_2287], %gather3A_2087 : memref<64x128xf32, #tpu.memory_space<vmem>>[vector<16xi32>, vector<16xi32>], vector<16xf32>,
          %iota3A_2288 = tpu.iota {dimensions = array<i32: 0>} : vector<16xi32>
          %add3A_2289 = arith.constant 6 : i32
          %add3A_2290 = vector.broadcast %add3A_2289 : i32 to vector<16xi32>
          %add3A_2291 = arith.addi %iota3A_2288, %add3A_2290 : vector<16xi32>
          %and3A_2292 = arith.constant 15 : i32
          %and3A_2293 = vector.broadcast %and3A_2292 : i32 to vector<16xi32>
          %and3A_2294 = arith.andi %add3A_2291, %and3A_2293 : vector<16xi32>
          %shift_right_logical3A_2295 = arith.constant 1 : i32
          %shift_right_logical3A_2296 = vector.broadcast %shift_right_logical3A_2295 : i32 to vector<16xi32>
          %shift_right_logical3A_2297 = arith.shrui %and3A_2294, %shift_right_logical3A_2296 : vector<16xi32>
          %add3A_2298 = vector.broadcast %mul3A_90 : i32 to vector<16xi32>
          %add3A_2299 = arith.addi %shift_right_logical3A_2297, %add3A_2298 : vector<16xi32>
          %iota3A_2300 = tpu.iota {dimensions = array<i32: 0>} : vector<16xi32>
          %add3A_2301 = arith.constant 6 : i32
          %add3A_2302 = vector.broadcast %add3A_2301 : i32 to vector<16xi32>
          %add3A_2303 = arith.addi %iota3A_2300, %add3A_2302 : vector<16xi32>
          %and3A_2304 = arith.constant 15 : i32
          %and3A_2305 = vector.broadcast %and3A_2304 : i32 to vector<16xi32>
          %and3A_2306 = arith.andi %add3A_2303, %and3A_2305 : vector<16xi32>
          %and3A_2307 = arith.constant 1 : i32
          %and3A_2308 = vector.broadcast %and3A_2307 : i32 to vector<16xi32>
          %and3A_2309 = arith.andi %and3A_2306, %and3A_2308 : vector<16xi32>
          %mul3A_2310 = arith.constant 64 : i32
          %mul3A_2311 = vector.broadcast %mul3A_2310 : i32 to vector<16xi32>
          %mul3A_2312 = arith.muli %and3A_2309, %mul3A_2311 : vector<16xi32>
          %iota3A_2313 = tpu.iota {dimensions = array<i32: 0>} : vector<16xi32>
          %add3A_2314 = arith.addi %mul3A_2312, %iota3A_2313 : vector<16xi32>
          %add3A_2315 = arith.constant 48 : i32
          %add3A_2316 = vector.broadcast %add3A_2315 : i32 to vector<16xi32>
          %add3A_2317 = arith.addi %add3A_2314, %add3A_2316 : vector<16xi32>
          tpu.vector_store_idx %arg6[%add3A_2299, %add3A_2317], %gather3A_2097 : memref<64x128xf32, #tpu.memory_space<vmem>>[vector<16xi32>, vector<16xi32>], vector<16xf32>,
          %iota3A_2318 = tpu.iota {dimensions = array<i32: 0>} : vector<16xi32>
          %add3A_2319 = arith.constant 7 : i32
          %add3A_2320 = vector.broadcast %add3A_2319 : i32 to vector<16xi32>
          %add3A_2321 = arith.addi %iota3A_2318, %add3A_2320 : vector<16xi32>
          %and3A_2322 = arith.constant 15 : i32
          %and3A_2323 = vector.broadcast %and3A_2322 : i32 to vector<16xi32>
          %and3A_2324 = arith.andi %add3A_2321, %and3A_2323 : vector<16xi32>
          %shift_right_logical3A_2325 = arith.constant 1 : i32
          %shift_right_logical3A_2326 = vector.broadcast %shift_right_logical3A_2325 : i32 to vector<16xi32>
          %shift_right_logical3A_2327 = arith.shrui %and3A_2324, %shift_right_logical3A_2326 : vector<16xi32>
          %add3A_2328 = vector.broadcast %mul3A_90 : i32 to vector<16xi32>
          %add3A_2329 = arith.addi %shift_right_logical3A_2327, %add3A_2328 : vector<16xi32>
          %iota3A_2330 = tpu.iota {dimensions = array<i32: 0>} : vector<16xi32>
          %add3A_2331 = arith.constant 7 : i32
          %add3A_2332 = vector.broadcast %add3A_2331 : i32 to vector<16xi32>
          %add3A_2333 = arith.addi %iota3A_2330, %add3A_2332 : vector<16xi32>
          %and3A_2334 = arith.constant 15 : i32
          %and3A_2335 = vector.broadcast %and3A_2334 : i32 to vector<16xi32>
          %and3A_2336 = arith.andi %add3A_2333, %and3A_2335 : vector<16xi32>
          %and3A_2337 = arith.constant 1 : i32
          %and3A_2338 = vector.broadcast %and3A_2337 : i32 to vector<16xi32>
          %and3A_2339 = arith.andi %and3A_2336, %and3A_2338 : vector<16xi32>
          %mul3A_2340 = arith.constant 64 : i32
          %mul3A_2341 = vector.broadcast %mul3A_2340 : i32 to vector<16xi32>
          %mul3A_2342 = arith.muli %and3A_2339, %mul3A_2341 : vector<16xi32>
          %iota3A_2343 = tpu.iota {dimensions = array<i32: 0>} : vector<16xi32>
          %add3A_2344 = arith.addi %mul3A_2342, %iota3A_2343 : vector<16xi32>
          %add3A_2345 = arith.constant 48 : i32
          %add3A_2346 = vector.broadcast %add3A_2345 : i32 to vector<16xi32>
          %add3A_2347 = arith.addi %add3A_2344, %add3A_2346 : vector<16xi32>
          tpu.vector_store_idx %arg6[%add3A_2329, %add3A_2347], %gather3A_2107 : memref<64x128xf32, #tpu.memory_space<vmem>>[vector<16xi32>, vector<16xi32>], vector<16xf32>,
          %iota3A_2348 = tpu.iota {dimensions = array<i32: 0>} : vector<16xi32>
          %add3A_2349 = arith.constant 8 : i32
          %add3A_2350 = vector.broadcast %add3A_2349 : i32 to vector<16xi32>
          %add3A_2351 = arith.addi %iota3A_2348, %add3A_2350 : vector<16xi32>
          %and3A_2352 = arith.constant 15 : i32
          %and3A_2353 = vector.broadcast %and3A_2352 : i32 to vector<16xi32>
          %and3A_2354 = arith.andi %add3A_2351, %and3A_2353 : vector<16xi32>
          %add3A_2355 = vector.broadcast %mul3A_88 : i32 to vector<16xi32>
          %add3A_2356 = arith.addi %and3A_2354, %add3A_2355 : vector<16xi32>
          %gather3A_2357 = tpu.vector_load_idx %arg5[%add3A_2027, %add3A_2356] : memref<128x128xf32, #tpu.memory_space<vmem>>[vector<16xi32>, vector<16xi32>], vector<16xf32>,
          %iota3A_2358 = tpu.iota {dimensions = array<i32: 0>} : vector<16xi32>
          %add3A_2359 = arith.constant 9 : i32
          %add3A_2360 = vector.broadcast %add3A_2359 : i32 to vector<16xi32>
          %add3A_2361 = arith.addi %iota3A_2358, %add3A_2360 : vector<16xi32>
          %and3A_2362 = arith.constant 15 : i32
          %and3A_2363 = vector.broadcast %and3A_2362 : i32 to vector<16xi32>
          %and3A_2364 = arith.andi %add3A_2361, %and3A_2363 : vector<16xi32>
          %add3A_2365 = vector.broadcast %mul3A_88 : i32 to vector<16xi32>
          %add3A_2366 = arith.addi %and3A_2364, %add3A_2365 : vector<16xi32>
          %gather3A_2367 = tpu.vector_load_idx %arg5[%add3A_2027, %add3A_2366] : memref<128x128xf32, #tpu.memory_space<vmem>>[vector<16xi32>, vector<16xi32>], vector<16xf32>,
          %iota3A_2368 = tpu.iota {dimensions = array<i32: 0>} : vector<16xi32>
          %add3A_2369 = arith.constant 10 : i32
          %add3A_2370 = vector.broadcast %add3A_2369 : i32 to vector<16xi32>
          %add3A_2371 = arith.addi %iota3A_2368, %add3A_2370 : vector<16xi32>
          %and3A_2372 = arith.constant 15 : i32
          %and3A_2373 = vector.broadcast %and3A_2372 : i32 to vector<16xi32>
          %and3A_2374 = arith.andi %add3A_2371, %and3A_2373 : vector<16xi32>
          %add3A_2375 = vector.broadcast %mul3A_88 : i32 to vector<16xi32>
          %add3A_2376 = arith.addi %and3A_2374, %add3A_2375 : vector<16xi32>
          %gather3A_2377 = tpu.vector_load_idx %arg5[%add3A_2027, %add3A_2376] : memref<128x128xf32, #tpu.memory_space<vmem>>[vector<16xi32>, vector<16xi32>], vector<16xf32>,
          %iota3A_2378 = tpu.iota {dimensions = array<i32: 0>} : vector<16xi32>
          %add3A_2379 = arith.constant 11 : i32
          %add3A_2380 = vector.broadcast %add3A_2379 : i32 to vector<16xi32>
          %add3A_2381 = arith.addi %iota3A_2378, %add3A_2380 : vector<16xi32>
          %and3A_2382 = arith.constant 15 : i32
          %and3A_2383 = vector.broadcast %and3A_2382 : i32 to vector<16xi32>
          %and3A_2384 = arith.andi %add3A_2381, %and3A_2383 : vector<16xi32>
          %add3A_2385 = vector.broadcast %mul3A_88 : i32 to vector<16xi32>
          %add3A_2386 = arith.addi %and3A_2384, %add3A_2385 : vector<16xi32>
          %gather3A_2387 = tpu.vector_load_idx %arg5[%add3A_2027, %add3A_2386] : memref<128x128xf32, #tpu.memory_space<vmem>>[vector<16xi32>, vector<16xi32>], vector<16xf32>,
          %iota3A_2388 = tpu.iota {dimensions = array<i32: 0>} : vector<16xi32>
          %add3A_2389 = arith.constant 12 : i32
          %add3A_2390 = vector.broadcast %add3A_2389 : i32 to vector<16xi32>
          %add3A_2391 = arith.addi %iota3A_2388, %add3A_2390 : vector<16xi32>
          %and3A_2392 = arith.constant 15 : i32
          %and3A_2393 = vector.broadcast %and3A_2392 : i32 to vector<16xi32>
          %and3A_2394 = arith.andi %add3A_2391, %and3A_2393 : vector<16xi32>
          %add3A_2395 = vector.broadcast %mul3A_88 : i32 to vector<16xi32>
          %add3A_2396 = arith.addi %and3A_2394, %add3A_2395 : vector<16xi32>
          %gather3A_2397 = tpu.vector_load_idx %arg5[%add3A_2027, %add3A_2396] : memref<128x128xf32, #tpu.memory_space<vmem>>[vector<16xi32>, vector<16xi32>], vector<16xf32>,
          %iota3A_2398 = tpu.iota {dimensions = array<i32: 0>} : vector<16xi32>
          %add3A_2399 = arith.constant 13 : i32
          %add3A_2400 = vector.broadcast %add3A_2399 : i32 to vector<16xi32>
          %add3A_2401 = arith.addi %iota3A_2398, %add3A_2400 : vector<16xi32>
          %and3A_2402 = arith.constant 15 : i32
          %and3A_2403 = vector.broadcast %and3A_2402 : i32 to vector<16xi32>
          %and3A_2404 = arith.andi %add3A_2401, %and3A_2403 : vector<16xi32>
          %add3A_2405 = vector.broadcast %mul3A_88 : i32 to vector<16xi32>
          %add3A_2406 = arith.addi %and3A_2404, %add3A_2405 : vector<16xi32>
          %gather3A_2407 = tpu.vector_load_idx %arg5[%add3A_2027, %add3A_2406] : memref<128x128xf32, #tpu.memory_space<vmem>>[vector<16xi32>, vector<16xi32>], vector<16xf32>,
          %iota3A_2408 = tpu.iota {dimensions = array<i32: 0>} : vector<16xi32>
          %add3A_2409 = arith.constant 14 : i32
          %add3A_2410 = vector.broadcast %add3A_2409 : i32 to vector<16xi32>
          %add3A_2411 = arith.addi %iota3A_2408, %add3A_2410 : vector<16xi32>
          %and3A_2412 = arith.constant 15 : i32
          %and3A_2413 = vector.broadcast %and3A_2412 : i32 to vector<16xi32>
          %and3A_2414 = arith.andi %add3A_2411, %and3A_2413 : vector<16xi32>
          %add3A_2415 = vector.broadcast %mul3A_88 : i32 to vector<16xi32>
          %add3A_2416 = arith.addi %and3A_2414, %add3A_2415 : vector<16xi32>
          %gather3A_2417 = tpu.vector_load_idx %arg5[%add3A_2027, %add3A_2416] : memref<128x128xf32, #tpu.memory_space<vmem>>[vector<16xi32>, vector<16xi32>], vector<16xf32>,
          %iota3A_2418 = tpu.iota {dimensions = array<i32: 0>} : vector<16xi32>
          %add3A_2419 = arith.constant 15 : i32
          %add3A_2420 = vector.broadcast %add3A_2419 : i32 to vector<16xi32>
          %add3A_2421 = arith.addi %iota3A_2418, %add3A_2420 : vector<16xi32>
          %and3A_2422 = arith.constant 15 : i32
          %and3A_2423 = vector.broadcast %and3A_2422 : i32 to vector<16xi32>
          %and3A_2424 = arith.andi %add3A_2421, %and3A_2423 : vector<16xi32>
          %add3A_2425 = vector.broadcast %mul3A_88 : i32 to vector<16xi32>
          %add3A_2426 = arith.addi %and3A_2424, %add3A_2425 : vector<16xi32>
          %gather3A_2427 = tpu.vector_load_idx %arg5[%add3A_2027, %add3A_2426] : memref<128x128xf32, #tpu.memory_space<vmem>>[vector<16xi32>, vector<16xi32>], vector<16xf32>,
          %iota3A_2428 = tpu.iota {dimensions = array<i32: 0>} : vector<16xi32>
          %add3A_2429 = arith.constant 8 : i32
          %add3A_2430 = vector.broadcast %add3A_2429 : i32 to vector<16xi32>
          %add3A_2431 = arith.addi %iota3A_2428, %add3A_2430 : vector<16xi32>
          %and3A_2432 = arith.constant 15 : i32
          %and3A_2433 = vector.broadcast %and3A_2432 : i32 to vector<16xi32>
          %and3A_2434 = arith.andi %add3A_2431, %and3A_2433 : vector<16xi32>
          %shift_right_logical3A_2435 = arith.constant 1 : i32
          %shift_right_logical3A_2436 = vector.broadcast %shift_right_logical3A_2435 : i32 to vector<16xi32>
          %shift_right_logical3A_2437 = arith.shrui %and3A_2434, %shift_right_logical3A_2436 : vector<16xi32>
          %add3A_2438 = vector.broadcast %mul3A_90 : i32 to vector<16xi32>
          %add3A_2439 = arith.addi %shift_right_logical3A_2437, %add3A_2438 : vector<16xi32>
          %iota3A_2440 = tpu.iota {dimensions = array<i32: 0>} : vector<16xi32>
          %add3A_2441 = arith.constant 8 : i32
          %add3A_2442 = vector.broadcast %add3A_2441 : i32 to vector<16xi32>
          %add3A_2443 = arith.addi %iota3A_2440, %add3A_2442 : vector<16xi32>
          %and3A_2444 = arith.constant 15 : i32
          %and3A_2445 = vector.broadcast %and3A_2444 : i32 to vector<16xi32>
          %and3A_2446 = arith.andi %add3A_2443, %and3A_2445 : vector<16xi32>
          %and3A_2447 = arith.constant 1 : i32
          %and3A_2448 = vector.broadcast %and3A_2447 : i32 to vector<16xi32>
          %and3A_2449 = arith.andi %and3A_2446, %and3A_2448 : vector<16xi32>
          %mul3A_2450 = arith.constant 64 : i32
          %mul3A_2451 = vector.broadcast %mul3A_2450 : i32 to vector<16xi32>
          %mul3A_2452 = arith.muli %and3A_2449, %mul3A_2451 : vector<16xi32>
          %iota3A_2453 = tpu.iota {dimensions = array<i32: 0>} : vector<16xi32>
          %add3A_2454 = arith.addi %mul3A_2452, %iota3A_2453 : vector<16xi32>
          %add3A_2455 = arith.constant 48 : i32
          %add3A_2456 = vector.broadcast %add3A_2455 : i32 to vector<16xi32>
          %add3A_2457 = arith.addi %add3A_2454, %add3A_2456 : vector<16xi32>
          tpu.vector_store_idx %arg6[%add3A_2439, %add3A_2457], %gather3A_2357 : memref<64x128xf32, #tpu.memory_space<vmem>>[vector<16xi32>, vector<16xi32>], vector<16xf32>,
          %iota3A_2458 = tpu.iota {dimensions = array<i32: 0>} : vector<16xi32>
          %add3A_2459 = arith.constant 9 : i32
          %add3A_2460 = vector.broadcast %add3A_2459 : i32 to vector<16xi32>
          %add3A_2461 = arith.addi %iota3A_2458, %add3A_2460 : vector<16xi32>
          %and3A_2462 = arith.constant 15 : i32
          %and3A_2463 = vector.broadcast %and3A_2462 : i32 to vector<16xi32>
          %and3A_2464 = arith.andi %add3A_2461, %and3A_2463 : vector<16xi32>
          %shift_right_logical3A_2465 = arith.constant 1 : i32
          %shift_right_logical3A_2466 = vector.broadcast %shift_right_logical3A_2465 : i32 to vector<16xi32>
          %shift_right_logical3A_2467 = arith.shrui %and3A_2464, %shift_right_logical3A_2466 : vector<16xi32>
          %add3A_2468 = vector.broadcast %mul3A_90 : i32 to vector<16xi32>
          %add3A_2469 = arith.addi %shift_right_logical3A_2467, %add3A_2468 : vector<16xi32>
          %iota3A_2470 = tpu.iota {dimensions = array<i32: 0>} : vector<16xi32>
          %add3A_2471 = arith.constant 9 : i32
          %add3A_2472 = vector.broadcast %add3A_2471 : i32 to vector<16xi32>
          %add3A_2473 = arith.addi %iota3A_2470, %add3A_2472 : vector<16xi32>
          %and3A_2474 = arith.constant 15 : i32
          %and3A_2475 = vector.broadcast %and3A_2474 : i32 to vector<16xi32>
          %and3A_2476 = arith.andi %add3A_2473, %and3A_2475 : vector<16xi32>
          %and3A_2477 = arith.constant 1 : i32
          %and3A_2478 = vector.broadcast %and3A_2477 : i32 to vector<16xi32>
          %and3A_2479 = arith.andi %and3A_2476, %and3A_2478 : vector<16xi32>
          %mul3A_2480 = arith.constant 64 : i32
          %mul3A_2481 = vector.broadcast %mul3A_2480 : i32 to vector<16xi32>
          %mul3A_2482 = arith.muli %and3A_2479, %mul3A_2481 : vector<16xi32>
          %iota3A_2483 = tpu.iota {dimensions = array<i32: 0>} : vector<16xi32>
          %add3A_2484 = arith.addi %mul3A_2482, %iota3A_2483 : vector<16xi32>
          %add3A_2485 = arith.constant 48 : i32
          %add3A_2486 = vector.broadcast %add3A_2485 : i32 to vector<16xi32>
          %add3A_2487 = arith.addi %add3A_2484, %add3A_2486 : vector<16xi32>
          tpu.vector_store_idx %arg6[%add3A_2469, %add3A_2487], %gather3A_2367 : memref<64x128xf32, #tpu.memory_space<vmem>>[vector<16xi32>, vector<16xi32>], vector<16xf32>,
          %iota3A_2488 = tpu.iota {dimensions = array<i32: 0>} : vector<16xi32>
          %add3A_2489 = arith.constant 10 : i32
          %add3A_2490 = vector.broadcast %add3A_2489 : i32 to vector<16xi32>
          %add3A_2491 = arith.addi %iota3A_2488, %add3A_2490 : vector<16xi32>
          %and3A_2492 = arith.constant 15 : i32
          %and3A_2493 = vector.broadcast %and3A_2492 : i32 to vector<16xi32>
          %and3A_2494 = arith.andi %add3A_2491, %and3A_2493 : vector<16xi32>
          %shift_right_logical3A_2495 = arith.constant 1 : i32
          %shift_right_logical3A_2496 = vector.broadcast %shift_right_logical3A_2495 : i32 to vector<16xi32>
          %shift_right_logical3A_2497 = arith.shrui %and3A_2494, %shift_right_logical3A_2496 : vector<16xi32>
          %add3A_2498 = vector.broadcast %mul3A_90 : i32 to vector<16xi32>
          %add3A_2499 = arith.addi %shift_right_logical3A_2497, %add3A_2498 : vector<16xi32>
          %iota3A_2500 = tpu.iota {dimensions = array<i32: 0>} : vector<16xi32>
          %add3A_2501 = arith.constant 10 : i32
          %add3A_2502 = vector.broadcast %add3A_2501 : i32 to vector<16xi32>
          %add3A_2503 = arith.addi %iota3A_2500, %add3A_2502 : vector<16xi32>
          %and3A_2504 = arith.constant 15 : i32
          %and3A_2505 = vector.broadcast %and3A_2504 : i32 to vector<16xi32>
          %and3A_2506 = arith.andi %add3A_2503, %and3A_2505 : vector<16xi32>
          %and3A_2507 = arith.constant 1 : i32
          %and3A_2508 = vector.broadcast %and3A_2507 : i32 to vector<16xi32>
          %and3A_2509 = arith.andi %and3A_2506, %and3A_2508 : vector<16xi32>
          %mul3A_2510 = arith.constant 64 : i32
          %mul3A_2511 = vector.broadcast %mul3A_2510 : i32 to vector<16xi32>
          %mul3A_2512 = arith.muli %and3A_2509, %mul3A_2511 : vector<16xi32>
          %iota3A_2513 = tpu.iota {dimensions = array<i32: 0>} : vector<16xi32>
          %add3A_2514 = arith.addi %mul3A_2512, %iota3A_2513 : vector<16xi32>
          %add3A_2515 = arith.constant 48 : i32
          %add3A_2516 = vector.broadcast %add3A_2515 : i32 to vector<16xi32>
          %add3A_2517 = arith.addi %add3A_2514, %add3A_2516 : vector<16xi32>
          tpu.vector_store_idx %arg6[%add3A_2499, %add3A_2517], %gather3A_2377 : memref<64x128xf32, #tpu.memory_space<vmem>>[vector<16xi32>, vector<16xi32>], vector<16xf32>,
          %iota3A_2518 = tpu.iota {dimensions = array<i32: 0>} : vector<16xi32>
          %add3A_2519 = arith.constant 11 : i32
          %add3A_2520 = vector.broadcast %add3A_2519 : i32 to vector<16xi32>
          %add3A_2521 = arith.addi %iota3A_2518, %add3A_2520 : vector<16xi32>
          %and3A_2522 = arith.constant 15 : i32
          %and3A_2523 = vector.broadcast %and3A_2522 : i32 to vector<16xi32>
          %and3A_2524 = arith.andi %add3A_2521, %and3A_2523 : vector<16xi32>
          %shift_right_logical3A_2525 = arith.constant 1 : i32
          %shift_right_logical3A_2526 = vector.broadcast %shift_right_logical3A_2525 : i32 to vector<16xi32>
          %shift_right_logical3A_2527 = arith.shrui %and3A_2524, %shift_right_logical3A_2526 : vector<16xi32>
          %add3A_2528 = vector.broadcast %mul3A_90 : i32 to vector<16xi32>
          %add3A_2529 = arith.addi %shift_right_logical3A_2527, %add3A_2528 : vector<16xi32>
          %iota3A_2530 = tpu.iota {dimensions = array<i32: 0>} : vector<16xi32>
          %add3A_2531 = arith.constant 11 : i32
          %add3A_2532 = vector.broadcast %add3A_2531 : i32 to vector<16xi32>
          %add3A_2533 = arith.addi %iota3A_2530, %add3A_2532 : vector<16xi32>
          %and3A_2534 = arith.constant 15 : i32
          %and3A_2535 = vector.broadcast %and3A_2534 : i32 to vector<16xi32>
          %and3A_2536 = arith.andi %add3A_2533, %and3A_2535 : vector<16xi32>
          %and3A_2537 = arith.constant 1 : i32
          %and3A_2538 = vector.broadcast %and3A_2537 : i32 to vector<16xi32>
          %and3A_2539 = arith.andi %and3A_2536, %and3A_2538 : vector<16xi32>
          %mul3A_2540 = arith.constant 64 : i32
          %mul3A_2541 = vector.broadcast %mul3A_2540 : i32 to vector<16xi32>
          %mul3A_2542 = arith.muli %and3A_2539, %mul3A_2541 : vector<16xi32>
          %iota3A_2543 = tpu.iota {dimensions = array<i32: 0>} : vector<16xi32>
          %add3A_2544 = arith.addi %mul3A_2542, %iota3A_2543 : vector<16xi32>
          %add3A_2545 = arith.constant 48 : i32
          %add3A_2546 = vector.broadcast %add3A_2545 : i32 to vector<16xi32>
          %add3A_2547 = arith.addi %add3A_2544, %add3A_2546 : vector<16xi32>
          tpu.vector_store_idx %arg6[%add3A_2529, %add3A_2547], %gather3A_2387 : memref<64x128xf32, #tpu.memory_space<vmem>>[vector<16xi32>, vector<16xi32>], vector<16xf32>,
          %iota3A_2548 = tpu.iota {dimensions = array<i32: 0>} : vector<16xi32>
          %add3A_2549 = arith.constant 12 : i32
          %add3A_2550 = vector.broadcast %add3A_2549 : i32 to vector<16xi32>
          %add3A_2551 = arith.addi %iota3A_2548, %add3A_2550 : vector<16xi32>
          %and3A_2552 = arith.constant 15 : i32
          %and3A_2553 = vector.broadcast %and3A_2552 : i32 to vector<16xi32>
          %and3A_2554 = arith.andi %add3A_2551, %and3A_2553 : vector<16xi32>
          %shift_right_logical3A_2555 = arith.constant 1 : i32
          %shift_right_logical3A_2556 = vector.broadcast %shift_right_logical3A_2555 : i32 to vector<16xi32>
          %shift_right_logical3A_2557 = arith.shrui %and3A_2554, %shift_right_logical3A_2556 : vector<16xi32>
          %add3A_2558 = vector.broadcast %mul3A_90 : i32 to vector<16xi32>
          %add3A_2559 = arith.addi %shift_right_logical3A_2557, %add3A_2558 : vector<16xi32>
          %iota3A_2560 = tpu.iota {dimensions = array<i32: 0>} : vector<16xi32>
          %add3A_2561 = arith.constant 12 : i32
          %add3A_2562 = vector.broadcast %add3A_2561 : i32 to vector<16xi32>
          %add3A_2563 = arith.addi %iota3A_2560, %add3A_2562 : vector<16xi32>
          %and3A_2564 = arith.constant 15 : i32
          %and3A_2565 = vector.broadcast %and3A_2564 : i32 to vector<16xi32>
          %and3A_2566 = arith.andi %add3A_2563, %and3A_2565 : vector<16xi32>
          %and3A_2567 = arith.constant 1 : i32
          %and3A_2568 = vector.broadcast %and3A_2567 : i32 to vector<16xi32>
          %and3A_2569 = arith.andi %and3A_2566, %and3A_2568 : vector<16xi32>
          %mul3A_2570 = arith.constant 64 : i32
          %mul3A_2571 = vector.broadcast %mul3A_2570 : i32 to vector<16xi32>
          %mul3A_2572 = arith.muli %and3A_2569, %mul3A_2571 : vector<16xi32>
          %iota3A_2573 = tpu.iota {dimensions = array<i32: 0>} : vector<16xi32>
          %add3A_2574 = arith.addi %mul3A_2572, %iota3A_2573 : vector<16xi32>
          %add3A_2575 = arith.constant 48 : i32
          %add3A_2576 = vector.broadcast %add3A_2575 : i32 to vector<16xi32>
          %add3A_2577 = arith.addi %add3A_2574, %add3A_2576 : vector<16xi32>
          tpu.vector_store_idx %arg6[%add3A_2559, %add3A_2577], %gather3A_2397 : memref<64x128xf32, #tpu.memory_space<vmem>>[vector<16xi32>, vector<16xi32>], vector<16xf32>,
          %iota3A_2578 = tpu.iota {dimensions = array<i32: 0>} : vector<16xi32>
          %add3A_2579 = arith.constant 13 : i32
          %add3A_2580 = vector.broadcast %add3A_2579 : i32 to vector<16xi32>
          %add3A_2581 = arith.addi %iota3A_2578, %add3A_2580 : vector<16xi32>
          %and3A_2582 = arith.constant 15 : i32
          %and3A_2583 = vector.broadcast %and3A_2582 : i32 to vector<16xi32>
          %and3A_2584 = arith.andi %add3A_2581, %and3A_2583 : vector<16xi32>
          %shift_right_logical3A_2585 = arith.constant 1 : i32
          %shift_right_logical3A_2586 = vector.broadcast %shift_right_logical3A_2585 : i32 to vector<16xi32>
          %shift_right_logical3A_2587 = arith.shrui %and3A_2584, %shift_right_logical3A_2586 : vector<16xi32>
          %add3A_2588 = vector.broadcast %mul3A_90 : i32 to vector<16xi32>
          %add3A_2589 = arith.addi %shift_right_logical3A_2587, %add3A_2588 : vector<16xi32>
          %iota3A_2590 = tpu.iota {dimensions = array<i32: 0>} : vector<16xi32>
          %add3A_2591 = arith.constant 13 : i32
          %add3A_2592 = vector.broadcast %add3A_2591 : i32 to vector<16xi32>
          %add3A_2593 = arith.addi %iota3A_2590, %add3A_2592 : vector<16xi32>
          %and3A_2594 = arith.constant 15 : i32
          %and3A_2595 = vector.broadcast %and3A_2594 : i32 to vector<16xi32>
          %and3A_2596 = arith.andi %add3A_2593, %and3A_2595 : vector<16xi32>
          %and3A_2597 = arith.constant 1 : i32
          %and3A_2598 = vector.broadcast %and3A_2597 : i32 to vector<16xi32>
          %and3A_2599 = arith.andi %and3A_2596, %and3A_2598 : vector<16xi32>
          %mul3A_2600 = arith.constant 64 : i32
          %mul3A_2601 = vector.broadcast %mul3A_2600 : i32 to vector<16xi32>
          %mul3A_2602 = arith.muli %and3A_2599, %mul3A_2601 : vector<16xi32>
          %iota3A_2603 = tpu.iota {dimensions = array<i32: 0>} : vector<16xi32>
          %add3A_2604 = arith.addi %mul3A_2602, %iota3A_2603 : vector<16xi32>
          %add3A_2605 = arith.constant 48 : i32
          %add3A_2606 = vector.broadcast %add3A_2605 : i32 to vector<16xi32>
          %add3A_2607 = arith.addi %add3A_2604, %add3A_2606 : vector<16xi32>
          tpu.vector_store_idx %arg6[%add3A_2589, %add3A_2607], %gather3A_2407 : memref<64x128xf32, #tpu.memory_space<vmem>>[vector<16xi32>, vector<16xi32>], vector<16xf32>,
          %iota3A_2608 = tpu.iota {dimensions = array<i32: 0>} : vector<16xi32>
          %add3A_2609 = arith.constant 14 : i32
          %add3A_2610 = vector.broadcast %add3A_2609 : i32 to vector<16xi32>
          %add3A_2611 = arith.addi %iota3A_2608, %add3A_2610 : vector<16xi32>
          %and3A_2612 = arith.constant 15 : i32
          %and3A_2613 = vector.broadcast %and3A_2612 : i32 to vector<16xi32>
          %and3A_2614 = arith.andi %add3A_2611, %and3A_2613 : vector<16xi32>
          %shift_right_logical3A_2615 = arith.constant 1 : i32
          %shift_right_logical3A_2616 = vector.broadcast %shift_right_logical3A_2615 : i32 to vector<16xi32>
          %shift_right_logical3A_2617 = arith.shrui %and3A_2614, %shift_right_logical3A_2616 : vector<16xi32>
          %add3A_2618 = vector.broadcast %mul3A_90 : i32 to vector<16xi32>
          %add3A_2619 = arith.addi %shift_right_logical3A_2617, %add3A_2618 : vector<16xi32>
          %iota3A_2620 = tpu.iota {dimensions = array<i32: 0>} : vector<16xi32>
          %add3A_2621 = arith.constant 14 : i32
          %add3A_2622 = vector.broadcast %add3A_2621 : i32 to vector<16xi32>
          %add3A_2623 = arith.addi %iota3A_2620, %add3A_2622 : vector<16xi32>
          %and3A_2624 = arith.constant 15 : i32
          %and3A_2625 = vector.broadcast %and3A_2624 : i32 to vector<16xi32>
          %and3A_2626 = arith.andi %add3A_2623, %and3A_2625 : vector<16xi32>
          %and3A_2627 = arith.constant 1 : i32
          %and3A_2628 = vector.broadcast %and3A_2627 : i32 to vector<16xi32>
          %and3A_2629 = arith.andi %and3A_2626, %and3A_2628 : vector<16xi32>
          %mul3A_2630 = arith.constant 64 : i32
          %mul3A_2631 = vector.broadcast %mul3A_2630 : i32 to vector<16xi32>
          %mul3A_2632 = arith.muli %and3A_2629, %mul3A_2631 : vector<16xi32>
          %iota3A_2633 = tpu.iota {dimensions = array<i32: 0>} : vector<16xi32>
          %add3A_2634 = arith.addi %mul3A_2632, %iota3A_2633 : vector<16xi32>
          %add3A_2635 = arith.constant 48 : i32
          %add3A_2636 = vector.broadcast %add3A_2635 : i32 to vector<16xi32>
          %add3A_2637 = arith.addi %add3A_2634, %add3A_2636 : vector<16xi32>
          tpu.vector_store_idx %arg6[%add3A_2619, %add3A_2637], %gather3A_2417 : memref<64x128xf32, #tpu.memory_space<vmem>>[vector<16xi32>, vector<16xi32>], vector<16xf32>,
          %iota3A_2638 = tpu.iota {dimensions = array<i32: 0>} : vector<16xi32>
          %add3A_2639 = arith.constant 15 : i32
          %add3A_2640 = vector.broadcast %add3A_2639 : i32 to vector<16xi32>
          %add3A_2641 = arith.addi %iota3A_2638, %add3A_2640 : vector<16xi32>
          %and3A_2642 = arith.constant 15 : i32
          %and3A_2643 = vector.broadcast %and3A_2642 : i32 to vector<16xi32>
          %and3A_2644 = arith.andi %add3A_2641, %and3A_2643 : vector<16xi32>
          %shift_right_logical3A_2645 = arith.constant 1 : i32
          %shift_right_logical3A_2646 = vector.broadcast %shift_right_logical3A_2645 : i32 to vector<16xi32>
          %shift_right_logical3A_2647 = arith.shrui %and3A_2644, %shift_right_logical3A_2646 : vector<16xi32>
          %add3A_2648 = vector.broadcast %mul3A_90 : i32 to vector<16xi32>
          %add3A_2649 = arith.addi %shift_right_logical3A_2647, %add3A_2648 : vector<16xi32>
          %iota3A_2650 = tpu.iota {dimensions = array<i32: 0>} : vector<16xi32>
          %add3A_2651 = arith.constant 15 : i32
          %add3A_2652 = vector.broadcast %add3A_2651 : i32 to vector<16xi32>
          %add3A_2653 = arith.addi %iota3A_2650, %add3A_2652 : vector<16xi32>
          %and3A_2654 = arith.constant 15 : i32
          %and3A_2655 = vector.broadcast %and3A_2654 : i32 to vector<16xi32>
          %and3A_2656 = arith.andi %add3A_2653, %and3A_2655 : vector<16xi32>
          %and3A_2657 = arith.constant 1 : i32
          %and3A_2658 = vector.broadcast %and3A_2657 : i32 to vector<16xi32>
          %and3A_2659 = arith.andi %and3A_2656, %and3A_2658 : vector<16xi32>
          %mul3A_2660 = arith.constant 64 : i32
          %mul3A_2661 = vector.broadcast %mul3A_2660 : i32 to vector<16xi32>
          %mul3A_2662 = arith.muli %and3A_2659, %mul3A_2661 : vector<16xi32>
          %iota3A_2663 = tpu.iota {dimensions = array<i32: 0>} : vector<16xi32>
          %add3A_2664 = arith.addi %mul3A_2662, %iota3A_2663 : vector<16xi32>
          %add3A_2665 = arith.constant 48 : i32
          %add3A_2666 = vector.broadcast %add3A_2665 : i32 to vector<16xi32>
          %add3A_2667 = arith.addi %add3A_2664, %add3A_2666 : vector<16xi32>
          tpu.vector_store_idx %arg6[%add3A_2649, %add3A_2667], %gather3A_2427 : memref<64x128xf32, #tpu.memory_space<vmem>>[vector<16xi32>, vector<16xi32>], vector<16xf32>,
        }
        %scan3A_75 = arith.constant 8 : i32
        %mul3A_76 = arith.constant 64 : i32
        %mul3A_77 = arith.muli %add3A_30, %mul3A_76 : i32
        %dma_start3A_78 = arith.constant 0 : i32
        %dma_start3A_79 = tpu.memref_slice %arg4[%mul3A_77, %dma_start3A_78] : memref<50000x128xf32, #tpu.memory_space<hbm>> -> memref<64x128xf32, #tpu.memory_space<hbm>>
        %dma_start3A_80 = arith.constant 0 : i32
        %dma_start3A_81 = tpu.memref_slice %arg4[%mul3A_77, %dma_start3A_80] : memref<50000x128xf32, #tpu.memory_space<hbm>> -> memref<64x128xf32, #tpu.memory_space<hbm>>
        tpu.enqueue_dma source(%arg6 : memref<64x128xf32, #tpu.memory_space<vmem>>) target(%dma_start3A_81 : memref<64x128xf32, #tpu.memory_space<hbm>>) target_semaphore(%arg9 : memref<!tpu.dma_semaphore, #tpu.memory_space<semaphore_mem>>)
      } else {
      }
    }
    %scan3A_17 = arith.constant 25 : i32
    %dma_wait3A = arith.constant 0 : i32
    %dma_wait3A_18 = arith.constant 0 : i32
    %dma_wait3A_19 = tpu.memref_slice %arg4[%dma_wait3A, %dma_wait3A_18] : memref<50000x128xf32, #tpu.memory_space<hbm>> -> memref<64x128xf32, #tpu.memory_space<hbm>>
    %dma_wait3A_20 = arith.constant 0 : i32
    %dma_wait3A_21 = arith.constant 0 : i32
    %dma_wait3A_22 = tpu.memref_slice %arg4[%dma_wait3A_20, %dma_wait3A_21] : memref<50000x128xf32, #tpu.memory_space<hbm>> -> memref<64x128xf32, #tpu.memory_space<hbm>>
    tpu.wait_dma2 semaphore(%arg9 : memref<!tpu.dma_semaphore, #tpu.memory_space<semaphore_mem>>) src(%arg6 : memref<64x128xf32, #tpu.memory_space<vmem>>) dst(%dma_wait3A_22 : memref<64x128xf32, #tpu.memory_space<hbm>>)
    return
  }
}

</mosaic_0001>

<sc_bundles>
// kernel: kernel.4.cloned.1.call-start
scs
__scs_entry_jumppad:
0x0: {  	(pc) =	sbr.rel $0x88, $3  }
0x1: {  	(tag) =	ssettag $0x0;
	lr =	simm.s32 $0x1  }
0x2: {  	[smem:$0x3F9F] =	sst lr;
	_ =	strace $0xD0000000  }
0x3: {  	_ = 	snop  }
0x4: {  	_ = 	snop  }
0x5: {  	_ = 	snop  }
0x6: {  	_ = 	snop  }
0x7: {  	_ = 	snop  }
__scs_overlays_trampoline_lowered:
0x8: {  	[smem:$0x3FAE] =	sst s0  }
0x9: {  	[smem:$0x3FAF] =	sst s1  }
0xa: {  	[smem:$0x3FB0] =	sst s2  }
0xb: {  	[smem:$0x3FB1] =	sst s3  }
0xc: {  	[smem:$0x3FB2] =	sst s4  }
0xd: {  	[smem:$0x3FB3] =	sst s5  }
0xe: {  	[smem:$0x3FB4] =	sst s6  }
0xf: {  	[smem:$0x3FB5] =	sst s7  }
0x10: {  	[smem:$0x3FB6] =	sst s8  }
0x11: {  	[smem:$0x3FB7] =	sst s9;
	s0 =	simm.s32 @!p0 $0x0  }
0x12: {  	s1 =	sld [smem:$0x3F9D];
	s0 =	simm.s32 @p0 $0x1  }
0x13: {  	[smem:$0x3FB8] =	sst s0;
	s0 =	simm.s32 @!p1 $0x0  }
0x14: {  	s2 =	sld [smem:$0x3F9C];
	s0 =	simm.s32 @p1 $0x1  }
0x15: {  	[smem:$0x3FB9] =	sst s0;
	s0 =	simm.s32 @!p2 $0x0  }
0x16: {  	s3 =	sld [smem:$0x3FDB];
	s0 =	simm.s32 @p2 $0x1  }
0x17: {  	s4 =	simm.s32 $0x1BF5;
	[smem:$0x3FBB] =	sst s0  }
0x18: {  	s0 =	sld [smem:$0x3F9E];
	_ =	swait.ge [sflag:s4], $0x0  }
0x19: {  	s7 =	sld [smem:$0x3F9F]  }
0x1a: {  	s8 =	sadd.s32 $0xFFFFE003, lr  }
0x1b: {  	s9 =	sadd.s32 $0xFFFFFEF7, lr;
	s5 =	simm.s32 $0xFFFFFFFF;
	p2 =	slt.u32 s8, $0xFFFFF086  }
0x1c: {  	p1 =	slt.u32 s9, $0xF7A;
	s5 =	simm.s32 @!p2 $0x0  }
0x1d: {  	s5 =	simm.s32 @p1 $0x1;
	p0 =	seq.s32 s7, s2  }
0x1e: {  	s7 =	smul.u32 @!p0 $0xF7A, s2;
	p2 =	seq.s32 @!p0 s5, $0x0  }
0x1f: {  	s9 =	smul.u32 $0xF7A, s1;
	s8 =	simm.s32 @!p0 $0x1BF5;
	p2 =	por !p2, p0  }
0x20: {  	[sflag:s8] =	ssyncset.s32 @!p0 $0xFFFFF086;
	s6 =	sadd.s32 @!p0 s3, s7;
	s7 =	simm.s32 @!p0 $0x108  }
0x21: {  	s3 =	sadd.s32 s3, s9;
	s6 =	sadd.s32 @!p0 $0x88, s6;
	s7 =	simm.s32 @p2 $0x1082  }
0x22: {  	[simem:s7], [sflag:s8] =	dma.local @!p0 [hbm:s6], $0xF7A  }
0x23: {  	s9 =	sor.u32 $0xD0000000, s2;
	s6 =	simm.s32 $0x108;
	_ =	swait.ge @!p0 [sflag:s8], $0x0  }
0x24: {  	s3 =	sadd.s32 $0x88, s3;
	s6 =	simm.s32 @!p1 $0x1082;
	[sflag:s4] =	ssyncset.s32 $0xFFFFF086  }
0x25: {  	[simem:s6], [sflag:s4] =	dma.local [hbm:s3], $0xF7A  }
0x26: {  	[smem:$0x3F9F] =	sst s1;
	(tag) =	ssettag s2;
	_ =	strace s9  }
0x27: {  	s1 =	sld [smem:$0x3FAF]  }
0x28: {  	s2 =	sld [smem:$0x3FB0]  }
0x29: {  	s4 =	sld [smem:$0x3FB2]  }
0x2a: {  	p0 =	seq.s32 s5, $0x0;
	s5 =	sld [smem:$0x3FB3]  }
0x2b: {  	s6 =	sld [smem:$0x3FB4]  }
0x2c: {  	s7 =	sld [smem:$0x3FB5]  }
0x2d: {  	s3 =	simm.s32 $0x108;
	s8 =	sld [smem:$0x3FB6]  }
0x2e: {  	s3 =	simm.s32 @!p0 $0x1082;
	s9 =	sld [smem:$0x3FB7]  }
0x2f: {  	lr =	sadd.s32 s0, s3;
	s0 =	sld [smem:$0x3FAE]  }
0x30: {  	s3 =	sld [smem:$0x3FB1]  }
0x31: {  	[smem:$0x3FBA] =	sst s10  }
0x32: {  	s10 =	sld [smem:$0x3FB8];
	_ =	sdelay $0x3  }
0x33: {  	p0 =	seq.s32 s10, $0x1;
	s10 =	sld [smem:$0x3FBA];
	_ =	sdelay $0x3  }
0x34: {  	[smem:$0x3FBA] =	sst s10  }
0x35: {  	s10 =	sld [smem:$0x3FB9];
	_ =	sdelay $0x3  }
0x36: {  	p1 =	seq.s32 s10, $0x1;
	s10 =	sld [smem:$0x3FBA];
	_ =	sdelay $0x3  }
0x37: {  	[smem:$0x3FBA] =	sst s10  }
0x38: {  	s10 =	sld [smem:$0x3FBB]  }
0x39: {  	_ = 	snop;
	(pc) =	sbr.ind lr, $3  }
0x3a: {  	_ = 	snop  }
0x3b: {  	_ = 	snop  }
0x3c: {  	p2 =	seq.s32 s10, $0x1;
	s10 =	sld [smem:$0x3FBA]  }
0x3d: {  	_ =	shalt  }
0x3e: {  	_ =	shalt  }
0x3f: {  	_ =	shalt  }
0x40: {  	_ =	shalt  }
0x41: {  	_ =	shalt  }
0x42: {  	_ =	shalt  }
0x43: {  	_ =	shalt  }
0x44: {  	_ =	shalt  }
0x45: {  	_ =	shalt  }
0x46: {  	_ =	shalt  }
0x47: {  	_ =	shalt  }
0x48: {  	_ =	shalt  }
0x49: {  	_ =	shalt  }
0x4a: {  	_ =	shalt  }
0x4b: {  	_ =	shalt  }
0x4c: {  	_ =	shalt  }
0x4d: {  	_ =	shalt  }
0x4e: {  	_ =	shalt  }
0x4f: {  	_ =	shalt  }
0x50: {  	_ =	shalt  }
0x51: {  	_ =	shalt  }
0x52: {  	_ =	shalt  }
0x53: {  	_ =	shalt  }
0x54: {  	_ =	shalt  }
0x55: {  	_ =	shalt  }
0x56: {  	_ =	shalt  }
0x57: {  	_ =	shalt  }
0x58: {  	_ =	shalt  }
0x59: {  	_ =	shalt  }
0x5a: {  	_ =	shalt  }
0x5b: {  	_ =	shalt  }
0x5c: {  	_ =	shalt  }
0x5d: {  	_ =	shalt  }
0x5e: {  	_ =	shalt  }
0x5f: {  	_ =	shalt  }
0x60: {  	_ =	shalt  }
0x61: {  	_ =	shalt  }
0x62: {  	_ =	shalt  }
0x63: {  	_ =	shalt  }
0x64: {  	_ =	shalt  }
0x65: {  	_ =	shalt  }
0x66: {  	_ =	shalt  }
0x67: {  	_ =	shalt  }
0x68: {  	_ =	shalt  }
0x69: {  	_ =	shalt  }
0x6a: {  	_ =	shalt  }
0x6b: {  	_ =	shalt  }
0x6c: {  	_ =	shalt  }
0x6d: {  	_ =	shalt  }
0x6e: {  	_ =	shalt  }
0x6f: {  	_ =	shalt  }
0x70: {  	_ =	shalt  }
0x71: {  	_ =	shalt  }
0x72: {  	_ =	shalt  }
0x73: {  	_ =	shalt  }
0x74: {  	_ =	shalt  }
0x75: {  	_ =	shalt  }
0x76: {  	_ =	shalt  }
0x77: {  	_ =	shalt  }
0x78: {  	_ =	shalt  }
0x79: {  	_ =	shalt  }
0x7a: {  	_ =	shalt  }
0x7b: {  	_ =	shalt  }
0x7c: {  	_ =	shalt  }
0x7d: {  	_ =	shalt  }
0x7e: {  	_ =	shalt  }
0x7f: {  	_ =	shalt  }
0x80: {  	_ =	shalt  }
0x81: {  	_ =	shalt  }
0x82: {  	_ =	shalt  }
0x83: {  	_ =	shalt  }
0x84: {  	_ =	shalt  }
0x85: {  	_ =	shalt  }
0x86: {  	_ =	shalt  }
0x87: {  	_ =	shalt  }
.Lfunc_end0:
.L_simem_size_0:
called_computation_lowered:
.L_overlay_start_0:
0x88: {  	s2 =	sld [smem:$0x3FD9]  }
0x89: {  	s3 =	sld [smem:$0x3FFE];
	_ =	sdelay $0x1  }
0x8a: {  	s1 =	srdreg.scid  }
0x8b: {  	s0 =	sand.u32 $0x1, s1  }
0x8c: {  	s17 =	sshll.u32 s0, $0xA;
	s2 =	sadd.s32 s3, s2  }
0x8d: {  	s2 =	sadd.s32 s2, s17  }
0x8e: {  	[smem:$0x3FC6] =	sst s2  }
0x8f: {  	_ = 	snop  }
0x90: {  	s2 =	sld [smem:$0x3FC8]  }
0x91: {  	s18 =	sld [smem:$0x3FD0];
	(tm) =	ssettm $0x1  }
0x92: {  	s4 =	sld [smem:$0x3FFB];
	_ =	sdelay $0x3  }
0x93: {  	_ =	strace s4  }
0x94: {  	s4 =	sld [smem:$0x3FFC];
	_ =	sdelay $0x3  }
0x95: {  	_ =	strace s4  }
0x96: {  	s4 =	sld [smem:$0x3FFD];
	_ =	sdelay $0x3  }
0x97: {  	_ =	strace s4  }
0x98: {  	_ =	strace $0x8FFFFFFF  }
0x99: {  	s19 =	sld [smem:$0x3FDB];
	_ =	sdelay $0x1  }
0x9a: {  	s5 =	simm.s32 $_scs_section_size  }
0x9b: {  	s6 =	simm.s32 $_size__tile_overlayer_lowered;
	s7 =	simm.s32 $_tile_overlayer_lowered  }
0x9c: {  	s22 =	simm.s32 $0x1BFF;
	s21 =	sshll.u32 s7, $0x1;
	s4 =	sadd.s32 s5, s19  }
0x9d: {  	s8 =	simm.s32 $0x0;
	s20 =	sshll.u32 s6, $0x1;
	s6 =	sadd.s32 s21, s4  }
0x9e: {  	[timem:s8], [sflag:s22] =	dma.local [hbm:s6], s20  }
0x9f: {  	_ =	swait.ge [sflag:s22], s20  }
0xa0: {  	s5 =	ssub.s32 $0x0, s20;
	[sflag:s22] =	ssyncset.done $0x0  }
0xa1: {  	[sflag:s22] =	ssyncadd.s32 s5;
	_ =	sdelay $0x1  }
0xa2: {  	s23 =	simm.s32 $0x1B8B  }
0xa3: {  	_ =	swait.ge [sflag:s23], $0x1  }
0xa4: {  	[sflag:s23] =	ssyncset.done $0x0  }
0xa5: {  	s25 =	simm.s32 $0x1B8E;
	s24 =	sld [smem:$0x3FFE];
	[sflag:s23] =	ssyncadd.s32 $0xFFFFFFFF  }
0xa6: {  	s26 =	simm.s32 $execute0_lowered;
	[smem:$0x3FD2] =	sst s25  }
0xa7: {  	s6 =	sshll.u32 s26, $0x1;
	_ =	strace $0x80000046;
	[dreg:$0x1] =	wrdreg $0xFFFFFFFF  }
0xa8: {  	s28 =	simm.s32 $_size_execute0_lowered;
	s4 =	sadd.s32 s4, s6;
	[dreg:$0x0] =	wrdreg $0x0  }
0xa9: {  	s6 =	sshll.u32 s28, $0x1;
	[dreg:$0x2] =	wrdreg s4  }
0xaa: {  	[dreg:$0x3] =	wrdreg s6  }
0xab: {  	[dreg:$0x4] =	wrdreg $0xC0  }
0xac: {  	_ =	task [dreg:s8], $0x5FFFF  }
0xad: {  	[dreg:$0x1] =	wrdreg $0xFFFFFFFF  }
0xae: {  	[dreg:$0x0] =	wrdreg $0x60  }
0xaf: {  	[dreg:$0x2] =	wrdreg s2  }
0xb0: {  	[dreg:$0x3] =	wrdreg s18  }
0xb1: {  	[dreg:$0x4] =	wrdreg s24  }
0xb2: {  	[dreg:$0x5] =	wrdreg $0x9  }
0xb3: {  	_ =	task.clear_ibuf [dreg:s8], $0x6FFFF;
	_ =	strace $0x90000046  }
0xb4: {  	s29 =	simm.s32 $0x9;
	_ =	strace $0x80000048  }
0xb5: {  	_ =	swait.ge [sflag:s29], $0x1  }
0xb6: {  	[sflag:s29] =	ssyncadd.s32 $0xFFFFFFFF  }
0xb7: {  	_ =	strace $0x90000048  }
0xb8: {  	_ =	sfence  }
0xb9: {  	s30 =	sld [smem:$0x0];
	_ =	sdelay $0x2  }
0xba: {  	s31 =	sshll.u32 s1, $0xD;
	s1 =	sshrl.u32 s1, $0x2  }
0xbb: {  	s3 =	sand.u32 $0x4000, s31;
	s1 =	sadd.s32 s1, s30  }
0xbc: {  	s0 =	sor.u32 s3, s0;
	s1 =	sshll.u32 s1, $0x11  }
0xbd: {  	s0 =	sor.u32 s1, s0  }
0xbe: {  	s0 =	sadd.s32 $0x8F2B, s0  }
0xbf: {  	[sflag:s0] =	ssyncadd.remote.s32 $0x1  }
0xc0: {  	_ =	sfence.sel $0xFFFF  }
0xc1: {  	[dreg:$0x0] =	wrdreg $0xFFFFFFFF;
	(pc) =	sbr.abs _section_cstart, $3  }
0xc2: {  	[dreg:$0x1] =	wrdreg $0xFFFFFFFF  }
0xc3: {  	_ =	task.clear_ibuf [dreg:s8], $0x2FFFF;
	_ =	strace $0x9FFFFFFF  }
0xc4: {  	(tm) =	ssettm $0x7FFFFFFF  }
0xc5: {  	_ =	shalt  }
tec
execute0_lowered:
.L_overlay_start_1:
0x0: {  	(tag) =	ssettag $0x1  }
0x1: {  	v0 =	vimm.s32 $0xFEDCBA9  }
0x2: {  	v34 =	vlaneseq.u32;
	v1 =	vimm.s32 $0x87654321;
	v2 =	vimm.s32 $0x10FEDCBA  }
0x3: {  	v55 =	vimm.s32 $0x98765432;
	v4 =	vimm.s32 $0x210FEDCB;
	v6 =	vimm.s32 $0xA9876543  }
0x4: {  	v7 =	vimm.s32 $0x3210FEDC;
	v38 =	vimm.s32 $0xBA987654;
	v11 =	vimm.s32 $0x43210FED  }
0x5: {  	v12 =	vimm.s32 $0xCBA98765;
	v13 =	vimm.s32 $0x6543210F;
	vm7 =	vcmask $0xB04  }
0x6: {  	vm6 =	vcmask $0x130C;
	vm3 =	vcmask $0x1B14;
	vm2 =	vcmask $0x231C  }
0x7: {  	vm0 =	vcmask $0x2B24;
	vm5 =	vcmask $0x700;
	vm8 =	vcmask $0xF08  }
0x8: {  	vm1 =	vcmask $0x332C;
	vm10 =	vcmask $0x1710;
	vm9 =	vcmask $0x1F18  }
0x9: {  	vm4 =	vcmask $0x2720;
	v19 =	vimm.s32 $0x180;
	v27 =	vimm.s32 $0x0  }
0xa: {  	v30 =	vimm.s32 $0x4F0E4D0C;
	v31 =	vimm.s32 $0x43024100;
	v32 =	vimm.s32 $0x47064504  }
0xb: {  	vm12 =	vcmask $0x1F10;
	v39 =	vimm.s32 $0x7460544;
	vm13 =	vcmask $0x3B34  }
0xc: {  	vm14 =	vcmask $0x2F28;
	vm15 =	vcmask $0x3730;
	v44 =	vimm.s32 $0x5B1A5918  }
0xd: {  	v49 =	vimm.s32 $0x5F1E5D1C;
	v52 =	vimm.s32 $0x53125110;
	v0 =	vunpack.c.l.s4.s8 v0  }
0xe: {  	v1 =	vunpack.c.l.s4.s8 v1;
	v3 =	vunpack.c.l.s4.s8 v2;
	v5 =	vunpack.c.l.s4.s8 v55  }
0xf: {  	v4 =	vunpack.c.l.s4.s8 v4;
	v6 =	vunpack.c.l.s4.s8 v6;
	v37 =	vunpack.c.l.s4.s8 v7  }
0x10: {  	v8 =	vmul.u32 $0x80, v34;
	v7 =	vunpack.c.l.s4.s8 v38;
	v15 =	vunpack.c.l.s4.s8 v13  }
0x11: {  	v13 =	vimm.s32 $0xEDCBA987;
	v20 =	vsel vm5, $0x200, v19;
	v28 =	vsel vm5, $0x80, v27  }
0x12: {  	v30 =	vunpack.c.0.s8.s32 v30;
	v31 =	vunpack.c.0.s8.s32 v31;
	v41 =	vsel vm7, $0x80, v27  }
0x13: {  	v32 =	vunpack.c.0.s8.s32 v32;
	v16 =	vunpack.c.l.s4.s8 v13;
	v2 =	vsel vm6, $0x100, v41  }
0x14: {  	v0 =	vunpack.c.0.s8.s32 v0;
	v56 =	vunpack.c.0.s8.s32 v1;
	v57 =	vunpack.c.0.s8.s32 v3  }
0x15: {  	v58 =	vunpack.c.0.s8.s32 v5;
	v4 =	vunpack.c.0.s8.s32 v4;
	v59 =	vunpack.c.0.s8.s32 v6  }
0x16: {  	v6 =	vunpack.c.0.s8.s32 v37;
	v7 =	vunpack.c.0.s8.s32 v7;
	v24 =	vunpack.c.0.s8.s32 v15  }
0x17: {  	[tilespmem:$0x1FE70] =	vst v8;
	v5 =	vunpack.c.0.s8.s32 v44;
	v2 =	vsel vm3, $0x180, v2;
	v8 =	vcombine.low v56, v0  }
0x18: {  	v25 =	vunpack.c.0.s8.s32 v16;
	v9 =	vcombine.low v58, v57;
	v10 =	vcombine.low v59, v4  }
0x19: {  	v2 =	vsel vm2, $0x200, v2;
	v0 =	vcombine.low v0, v56;
	v1 =	vcombine.low v57, v58  }
0x1a: {  	v42 =	vcombine.low v4, v59;
	v43 =	vcombine.low v6, v7;
	v56 =	vimm.s32 $0x63226120  }
0x1b: {  	v57 =	vimm.s32 $0x73327130;
	v2 =	vsel vm0, $0x280, v2;
	v15 =	vcombine.low v25, v24  }
0x1c: {  	v2 =	vsel vm1, $0x300, v2;
	v45 =	vand.u32 $0xF, v8;
	v8 =	vunpack.c.l.s4.s8 v11  }
0x1d: {  	v11 =	vunpack.c.l.s4.s8 v12;
	v46 =	vand.u32 $0xF, v9;
	v47 =	vand.u32 $0xF, v10  }
0x1e: {  	v9 =	vcombine.low v7, v6;
	v12 =	vimm.s32 $0xDCBA9876;
	v6 =	vunpack.c.0.s8.s32 v49  }
0x1f: {  	v59 =	vand.u32 $0xF, v43;
	v12 =	vunpack.c.l.s4.s8 v12;
	v38 =	vand.u32 $0xF, v15  }
0x20: {  	v15 =	vimm.s32 $0x280;
	v8 =	vunpack.c.0.s8.s32 v8;
	v10 =	vunpack.c.0.s8.s32 v11  }
0x21: {  	v11 =	vimm.s32 $0x543210FE;
	v48 =	vand.u32 $0xF, v9;
	v16 =	vsel vm5, $0x300, v15  }
0x22: {  	v15 =	vsel vm7, $0x300, v15;
	v5 =	vsel vm12, v6, v5;
	v6 =	vunpack.c.0.s8.s32 v52  }
0x23: {  	v11 =	vunpack.c.l.s4.s8 v11;
	v14 =	vunpack.c.0.s8.s32 v12;
	v15 =	vsel vm6, $0x380, v15  }
0x24: {  	v9 =	vcombine.low v10, v8;
	v15 =	vsel vm3, $0x0, v15;
	v51 =	vcombine.low v8, v10  }
0x25: {  	v10 =	vcombine.low v24, v25;
	v24 =	vimm.s32 $0x1F5E1D5C;
	v25 =	vimm.s32 $0x13521150  }
0x26: {  	v13 =	vunpack.c.0.s8.s32 v11;
	v11 =	vimm.s32 $0x380;
	v15 =	vsel vm2, $0x80, v15  }
0x27: {  	v25 =	vunpack.c.0.s8.s32 v25;
	v11 =	vsel vm7, $0x0, v11;
	v50 =	vand.u32 $0xF, v9  }
0x28: {  	v60 =	vand.u32 $0xF, v51;
	v63 =	vand.u32 $0xF, v10;
	v12 =	vcombine.low v14, v13  }
0x29: {  	v11 =	vsel vm6, $0x80, v11;
	v8 =	vcombine.low v13, v14;
	v13 =	vimm.s32 $0x57165514  }
0x2a: {  	v14 =	vimm.s32 $0x1B5A1958;
	v9 =	vsel vm3, $0x100, v11;
	v11 =	vimm.s32 $0x300  }
0x2b: {  	v37 =	vand.u32 $0xF, v12;
	v9 =	vsel vm2, $0x180, v9;
	v12 =	vsel vm5, $0x380, v11  }
0x2c: {  	v13 =	vunpack.c.0.s8.s32 v13;
	v9 =	vsel vm0, $0x200, v9;
	v12 =	vsel vm8, $0x0, v12  }
0x2d: {  	v12 =	vsel vm10, $0x80, v12;
	v17 =	vsel vm1, $0x280, v9;
	v9 =	vsel vm8, $0x380, v16  }
0x2e: {  	v16 =	vimm.s32 $0x200;
	v12 =	vsel vm9, $0x100, v12;
	v9 =	vsel vm10, $0x0, v9  }
0x2f: {  	v18 =	vsel vm4, $0x180, v12;
	v9 =	vsel vm9, $0x80, v9;
	v12 =	vsel vm5, $0x280, v16  }
0x30: {  	v14 =	vunpack.c.0.s8.s32 v14;
	v21 =	vsel vm4, $0x100, v9;
	v9 =	vsel vm8, $0x300, v12  }
0x31: {  	v12 =	vsel vm8, $0x280, v20;
	v20 =	vimm.s32 $0x100;
	v9 =	vsel vm10, $0x380, v9  }
0x32: {  	v40 =	vsel vm7, $0x380, v11;
	v22 =	vsel vm5, $0x180, v20;
	v9 =	vsel vm9, $0x0, v9  }
0x33: {  	v12 =	vsel vm10, $0x300, v12;
	v23 =	vsel vm4, $0x80, v9;
	v9 =	vsel vm8, $0x200, v22  }
0x34: {  	v12 =	vsel vm9, $0x380, v12;
	v22 =	vimm.s32 $0x80;
	v9 =	vsel vm10, $0x280, v9  }
0x35: {  	v26 =	vsel vm4, $0x0, v12;
	v12 =	vsel vm5, $0x100, v22;
	v9 =	vsel vm9, $0x300, v9  }
0x36: {  	v62 =	vand.u32 $0xF, v8;
	v29 =	vsel vm4, $0x380, v9;
	v9 =	vsel vm8, $0x180, v12  }
0x37: {  	v12 =	vsel vm8, $0x100, v28;
	v28 =	vimm.s32 $0x4B0A4908;
	v9 =	vsel vm10, $0x200, v9  }
0x38: {  	v6 =	vsel vm12, v13, v6;
	v28 =	vunpack.c.0.s8.s32 v28;
	v9 =	vsel vm9, $0x280, v9  }
0x39: {  	v35 =	vsel vm13, $0x300, v17;
	v16 =	vsel vm7, $0x280, v16;
	v33 =	vsel vm4, $0x300, v9  }
0x3a: {  	v9 =	vsel vm12, v30, v28;
	v28 =	vsel vm12, v32, v31;
	v30 =	vimm.s32 $0xB4A0948  }
0x3b: {  	v9 =	vcombine.low v28, v9;
	v28 =	vunpack.c.0.s8.s32 v30;
	v30 =	vimm.s32 $0xF4E0D4C  }
0x3c: {  	v18 =	vsel vm14, $0x200, v18;
	v31 =	vimm.s32 $0x3420140;
	v30 =	vunpack.c.0.s8.s32 v30  }
0x3d: {  	v20 =	vsel vm7, $0x180, v20;
	v32 =	vunpack.c.0.s8.s32 v39;
	v31 =	vunpack.c.0.s8.s32 v31  }
0x3e: {  	v20 =	vsel vm6, $0x200, v20;
	v17 =	vsel vm12, v30, v28;
	v28 =	vimm.s32 $0xFEDCBA98  }
0x3f: {  	v30 =	vsel vm12, v32, v31;
	v31 =	vimm.s32 $0x76543210;
	v28 =	vunpack.c.l.s4.s8 v28  }
0x40: {  	v11 =	vcombine.low v30, v17;
	v17 =	vunpack.c.l.s4.s8 v31;
	v30 =	vsel vm6, $0x0, v40  }
0x41: {  	v22 =	vsel vm7, $0x100, v22;
	v30 =	vsel vm3, $0x80, v30;
	v28 =	vunpack.c.0.s8.s32 v28  }
0x42: {  	v12 =	vsel vm10, $0x180, v12;
	v17 =	vunpack.c.0.s8.s32 v17;
	v30 =	vsel vm2, $0x100, v30  }
0x43: {  	v12 =	vsel vm9, $0x200, v12;
	v30 =	vsel vm0, $0x180, v30;
	v28 =	vand.u32 $0xF, v28  }
0x44: {  	v32 =	vsel vm15, $0x280, v18;
	v61 =	vcombine.low v28, v17;
	v17 =	vsel vm1, $0x200, v30  }
0x45: {  	v18 =	vsel vm0, $0x100, v15;
	v36 =	vsel vm13, $0x280, v17;
	v17 =	vsel vm14, $0x180, v21  }
0x46: {  	v15 =	vsel vm15, $0x200, v17;
	v17 =	vsel vm1, $0x180, v18;
	v18 =	vsel vm6, $0x300, v16  }
0x47: {  	v12 =	vsel vm4, $0x280, v12;
	v16 =	vsel vm13, $0x200, v17;
	v17 =	vsel vm3, $0x380, v18  }
0x48: {  	v18 =	vsel vm7, $0x200, v19;
	v19 =	vsel vm14, $0x100, v23;
	v21 =	vsel vm2, $0x0, v17  }
0x49: {  	s8 =	rddreg [dreg:$0x0];
	v18 =	vsel vm6, $0x280, v18;
	v17 =	vsel vm15, $0x180, v19;
	v19 =	vsel vm0, $0x80, v21  }
0x4a: {  	s0 =	rddreg [dreg:$0x1];
	v12 =	vsel vm14, $0x300, v12;
	v18 =	vsel vm3, $0x300, v18;
	v19 =	vsel vm1, $0x100, v19  }
0x4b: {  	s6 =	rddreg [dreg:$0x2];
	s3 =	simm.s32 $0x0;
	v12 =	vsel vm15, $0x380, v12;
	v21 =	vsel vm2, $0x380, v18;
	v18 =	vsel vm13, $0x180, v19  }
0x4c: {  	[smem:$0x7FF] =	sst s3;
	v19 =	vsel vm0, $0x0, v21;
	v21 =	vsel vm14, $0x80, v26;
	v26 =	vsel vm3, $0x280, v20  }
0x4d: {  	s1 =	rddreg [dreg:$0x3];
	_ =	strace $0x80000047;
	[tilespmem:$0x1FE80] =	vst v45;
	v23 =	vsel vm1, $0x80, v19;
	v19 =	vsel vm15, $0x100, v21;
	v21 =	vsel vm2, $0x300, v26  }
0x4e: {  	[tilespmem:$0x1FF20] =	vst v46;
	v20 =	vsel vm13, $0x100, v23;
	v23 =	vsel vm14, $0x0, v29;
	v26 =	vsel vm0, $0x380, v21  }
0x4f: {  	[tilespmem:$0x1FF30] =	vst v47;
	v21 =	vsel vm15, $0x80, v23;
	v23 =	vsel vm1, $0x0, v26;
	v26 =	vsel vm6, $0x180, v22  }
0x50: {  	[tilespmem:$0x1FF50] =	vst v59;
	v31 =	vshrl.u32 v34, $0x1;
	v29 =	vimm.s32 $0x6F2E6D2C;
	v26 =	vsel vm3, $0x200, v26  }
0x51: {  	[tilespmem:$0x1FF40] =	vst v48;
	v28 =	vsel vm2, $0x280, v26;
	v26 =	vunpack.c.0.s8.s32 v24;
	v24 =	vimm.s32 $0x17561554  }
0x52: {  	[tilespmem:$0x1FF60] =	vst v63;
	v29 =	vunpack.c.0.s8.s32 v29;
	v27 =	vunpack.c.0.s8.s32 v24;
	v24 =	vimm.s32 $0x6B2A6928  }
0x53: {  	[tilespmem:$0x1FF70] =	vst v60;
	v22 =	vsel vm13, $0x80, v23;
	v13 =	vunpack.c.0.s8.s32 v24;
	v24 =	vcombine.low v6, v5  }
0x54: {  	[tilespmem:$0x1FF80] =	vst v62;
	v53 =	vsel vm12, v26, v14;
	v6 =	vunpack.c.0.s8.s32 v56;
	v14 =	vimm.s32 $0x2B6A2968  }
0x55: {  	[tilespmem:$0x1FF90] =	vst v35;
	v26 =	vimm.s32 $0x2F6E2D6C;
	v55 =	vsel vm12, v29, v13;
	v13 =	vimm.s32 $0x67266524  }
0x56: {  	[tilespmem:$0x1FEF0] =	vst v12;
	v14 =	vunpack.c.0.s8.s32 v14;
	v26 =	vunpack.c.0.s8.s32 v26;
	v13 =	vunpack.c.0.s8.s32 v13  }
0x57: {  	[tilespmem:$0x1FFA0] =	vst v32;
	v54 =	vsel vm12, v27, v25;
	v27 =	vimm.s32 $0x23622160;
	v29 =	vimm.s32 $0x27662564  }
0x58: {  	[tilespmem:$0x1FFB0] =	vst v36;
	v14 =	vsel vm12, v26, v14;
	v26 =	vimm.s32 $0x7B3A7938;
	v6 =	vsel vm12, v13, v6  }
0x59: {  	[tilespmem:$0x1FFC0] =	vst v15;
	v13 =	vunpack.c.0.s8.s32 v27;
	v27 =	vunpack.c.0.s8.s32 v29;
	v29 =	vimm.s32 $0x7F3E7D3C  }
0x5a: {  	[tilespmem:$0x1FFD0] =	vst v16;
	v23 =	vsel vm14, $0x380, v33;
	v30 =	vunpack.c.0.s8.s32 v26;
	v29 =	vunpack.c.0.s8.s32 v29  }
0x5b: {  	[tilespmem:$0x1FFE0] =	vst v17;
	v28 =	vsel vm0, $0x300, v28;
	v5 =	vunpack.c.0.s8.s32 v57;
	v13 =	vsel vm12, v27, v13  }
0x5c: {  	[tilespmem:$0x1FFF0] =	vst v18;
	v27 =	vcombine.low v13, v14;
	v58 =	vsel vm12, v29, v30;
	v13 =	vimm.s32 $0x77367534  }
0x5d: {  	s4 =	srdreg.scid;
	[tilespmem:$0x1FE90] =	vst v19;
	v14 =	vimm.s32 $0x3B7A3978;
	v29 =	vimm.s32 $0x3F7E3D7C;
	v13 =	vunpack.c.0.s8.s32 v13  }
0x5e: {  	s2 =	stileid.u32;
	s11 =	simm.s32 $0xC3800;
	s12 =	simm.s32 $0x1;
	[tilespmem:$0x1FEA0] =	vst v20;
	v28 =	vsel vm1, $0x380, v28;
	v14 =	vunpack.c.0.s8.s32 v14;
	v29 =	vunpack.c.0.s8.s32 v29  }
0x5f: {  	s13 =	simm.s32 $0x4000;
	s14 =	simm.s32 $0x2;
	s15 =	simm.s32 $0x0;
	[tilespmem:$0x1FEB0] =	vst v21;
	v23 =	vsel vm15, $0x0, v23;
	v28 =	vsel vm13, $0x0, v28;
	v5 =	vsel vm12, v13, v5  }
.Ltmp0:
0x60: {  	s4 =	sand.u32 $0x1, s4;
	s5 =	sshll.u32 s2, $0x1;
	[tilespmem:$0x1FEC0] =	vst v22;
	v13 =	vsel vm12, v29, v14;
	v14 =	vimm.s32 $0x33723170;
	v29 =	vimm.s32 $0x37763574;
	(pc) =	sbr.rel .LBB2_1-.Ltmp0, $4  }
0x61: {  	s7 =	ssub.s32 $0x2, s4;
	s4 =	sor.u32 s4, s5;
	s5 =	sadd.s32 $0x800, s6;
	[tilespmem:$0x1FED0] =	vst v23;
	v30 =	vmul.u32 $0x80, v31;
	v14 =	vunpack.c.0.s8.s32 v14;
	v29 =	vunpack.c.0.s8.s32 v29  }
0x62: {  	s6 =	sadd.s32 $0xC3C00, s6;
	s9 =	sshrl.u32 s7, $0x1;
	s10 =	sshll.u32 s4, $0x7;
	v34 =	vand.u32 $0xF, v42;
	v33 =	vand.u32 $0xF, v1;
	v25 =	vcombine.low v54, v53;
	[tilespmem:$0x1FEE0] =	vst v28  }
0x63: {  	p0 =	sne.s32 s4, $0x1F;
	s9 =	ssub.s32 s7, s9;
	s7 =	sadd.s32 s8, s10;
	v26 =	vcombine.low v6, v55;
	[tilespmem:$0x1FF10] =	vst v30;
	v14 =	vsel vm12, v29, v14;
	v29 =	vsel vm13, $0x380, v2  }
0x64: {  	s8 =	sadd.s32 $0x1000, s8;
	s10 =	simm.s32 $0x400;
	s9 =	smax.u32 s9, $0x1;
	v31 =	vand.u32 $0xF, v0;
	v39 =	vcombine.low v5, v58;
	v40 =	vcombine.low v14, v13;
	[tilespmem:$0x1FF00] =	vst v29  }
.LBB2_7:
0x65: {  	s15 =	sadd.s32 $0x1, s15  }
0x66: {  	p1 =	sne.s32 s15, s9  }
.Ltmp1:
0x67: {  	_ = 	snop;
	(pc) =	sbr.rel @!p1 .LBB2_8-.Ltmp1, $4  }
0x68: {  	_ = 	snop  }
0x69: {  	_ =	swait.ge [sflag:s14], $0x2000  }
0x6a: {  	[sflag:s14] =	ssyncset.done $0x0  }
0x6b: {  	[sflag:s14] =	ssyncadd.s32 $0xFFFFE000  }
.LBB2_1:
0x6c: {  	s16 =	simm.s32 @!p0 $0x0;
	s17 =	simm.s32 @!p0 $0x6000;
	s18 =	simm.s32 @!p0 $0x3  }
0x6d: {  	[tilespmem:s17], [sflag:$0x3] =	stream.linear.gather @!p0 [hbm4b:s0+s16], $0x800, $0x38;
	[tilespmem:$0x6800] =	vst v63  }
0x6e: {  	_ =	swait.ge @!p0 [sflag:s18], $0x800  }
0x6f: {  	[sflag:s18] =	ssyncset.done @!p0 $0x0  }
0x70: {  	[sflag:s18] =	ssyncadd.s32 @!p0 $0xFFFFF800  }
0x71: {  	[hbm4b:s6+s16] =	stream.linear.scatter @!p0 [tilespmem:s17], [sflag:$0x3], $0x800, $0x38;
	[tilespmem:$0x6800] =	vst v63  }
.Ltmp2:
0x72: {  	_ = 	snop;
	(pc) =	sbr.rel .LBB2_2-.Ltmp2, $4  }
0x73: {  	_ =	swait.ge @!p0 [sflag:s18], $0x800  }
0x74: {  	[sflag:s18] =	ssyncset.done @!p0 $0x0  }
0x75: {  	s16 =	simm.s32 $0x0;
	[sflag:s18] =	ssyncadd.s32 @!p0 $0xFFFFF800  }
0x76: {  	[tilespmem:s3], [sflag:$0x1] =	stream.strided.gather [hbm4b:s7+s10], $0x2000, s11, s10, $0x38;
	[tilespmem:$0x6800] =	vst v63  }
.LBB2_6:
0x77: {  	s16 =	sadd.s32 $0x1, s16  }
0x78: {  	p1 =	sne.s32 s16, $0x19  }
.Ltmp3:
0x79: {  	_ = 	snop;
	(pc) =	sbr.rel @!p1 .LBB2_7-.Ltmp3, $1  }
0x7a: {  	_ =	sdelay $0x3  }
.LBB2_2:
0x7b: {  	s17 =	sshll.u32 s16, $0x5  }
0x7c: {  	s17 =	sor.u32 s4, s17  }
0x7d: {  	p1 =	sgt.u32 s17, $0x30C  }
.Ltmp4:
0x7e: {  	_ = 	snop;
	(pc) =	sbr.rel @p1 .LBB2_6-.Ltmp4, $1  }
0x7f: {  	_ =	sdelay $0x3  }
0x80: {  	p1 =	sgt.u32 s17, $0x2EC  }
0x81: {  	s18 =	sshll.u32 s16, $0x6;
	_ =	swait.ge [sflag:s12], $0x2000;
	s19 =	sxor.u32 @!p1 $0xFFFFFFFF, s16  }
0x82: {  	s18 =	sand.u32 $0x40, s18;
	[sflag:s12] =	ssyncset.done $0x0;
	s20 =	sshll.u32 @!p1 s17, $0x7  }
0x83: {  	s21 =	simm.s32 @!p1 $0x400;
	s22 =	simm.s32 @!p1 $0xC3800;
	s19 =	sshll.u32 @!p1 s19, $0xD  }
0x84: {  	v3 =	vld [tilespmem:$0x1FE70];
	[sflag:s12] =	ssyncadd.s32 $0xFFFFE000;
	s20 =	sadd.s32 @!p1 s20, s8;
	s19 =	sand.u32 @!p1 $0x2000, s19  }
0x85: {  	[tilespmem:s19], [sflag:$0x1] =	stream.strided.gather @!p1 [hbm4b:s20+s21], $0x2000, s22, s21, $0x38;
	[tilespmem:$0x6800] =	vst v63  }
0x86: {  	v0 =	vmov s18;
	s31 =	sor.u32 $0x20, s18;
	p1 =	seq.s32 s16, $0x0  }
0x87: {  	s30 =	sor.u32 $0x10, s18;
	s18 =	sor.u32 $0x30, s18;
	v0 =	vshll.u32 v0, $0x7;
	v1 =	vmov s31;
	s19 =	simm.s32 @!p1 $0x2  }
0x88: {  	v63 =	vmov s30;
	v2 =	vmov s18;
	v1 =	vshll.u32 v1, $0x7;
	_ =	swait.ge @!p1 [sflag:s19], $0x2000  }
0x89: {  	v2 =	vshll.u32 v2, $0x7;
	v41 =	vor.u32 v3, v0;
	v0 =	vshll.u32 v63, $0x7;
	[sflag:s19] =	ssyncset.done @!p1 $0x0  }
0x8a: {  	s18 =	simm.s32 $0x0;
	v43 =	vor.u32 v3, v1;
	v44 =	vor.u32 v3, v2;
	v42 =	vor.u32 v3, v0;
	[sflag:s19] =	ssyncadd.s32 @!p1 $0xFFFFE000;
	s19 =	simm.s32 $0x0  }
.LBB2_4:
0x8b: {  	v1 =	vld [tilespmem:$0x1FE80]  }
0x8c: {  	v2 =	vld [tilespmem:$0x1FF20]  }
0x8d: {  	v3 =	vld [tilespmem:$0x1FF30];
	v36 =	vmov v50;
	v50 =	vor.u32 s19, v50  }
0x8e: {  	v0 =	vlaneseq.u32;
	v4 =	vld [tilespmem:$0x1FF40];
	v51 =	vor.u32 s19, v37;
	v5 =	vor.u32 v41, v50  }
0x8f: {  	v45 =	vor.u32 s19, v0;
	v7 =	vor.u32 v41, v51  }
0x90: {  	v0 =	vor.u32 v41, v45;
	v46 =	vor.u32 s19, v1  }
0x91: {  	v47 =	vor.u32 s19, v2;
	v1 =	vor.u32 v41, v46  }
0x92: {  	v6 =	vmov s18;
	v35 =	vld [tilespmem:$0x1FF50];
	v48 =	vor.u32 s19, v3;
	v2 =	vor.u32 v41, v47  }
0x93: {  	v14 =	vshll.u32 v6, $0x7;
	v49 =	vor.u32 s19, v4;
	v3 =	vor.u32 v41, v48;
	v5 =	vld.idx.msk [tilespmem:v5+s3+$0x0], $0xffff  }
0x94: {  	v52 =	vor.u32 s19, v38;
	v53 =	vor.u32 v30, v14;
	v4 =	vor.u32 v41, v49;
	v7 =	vld.idx.msk [tilespmem:v7+s3+$0x0], $0xffff  }
0x95: {  	v32 =	vor.u32 v41, v52;
	v54 =	vor.u32 v29, v14;
	v8 =	vor.u32 v9, v53;
	v0 =	vld.idx.msk [tilespmem:v0+s3+$0x0], $0xffff  }
0x96: {  	v55 =	vor.u32 v12, v14;
	v10 =	vor.u32 v11, v54;
	v1 =	vld.idx.msk [tilespmem:v1+s3+$0x0], $0xffff  }
0x97: {  	v56 =	vor.u32 v28, v14;
	v12 =	vor.u32 v9, v55;
	v2 =	vld.idx.msk [tilespmem:v2+s3+$0x0], $0xffff  }
0x98: {  	v57 =	vor.u32 v23, v14;
	v13 =	vor.u32 v11, v56;
	v3 =	vld.idx.msk [tilespmem:v3+s3+$0x0], $0xffff  }
0x99: {  	v58 =	vor.u32 v22, v14;
	v63 =	vor.u32 v9, v57;
	v4 =	vld.idx.msk [tilespmem:v4+s3+$0x0], $0xffff  }
0x9a: {  	v6 =	vld.idx.msk [tilespmem:v32+s3+$0x0], $0xffff;
	[tilespmem:v8+s13+$0x0] =	vst.idx.msk $0xffff, v0;
	v0 =	vor.u32 v11, v58  }
0x9b: {  	[tilespmem:v10+s13+$0x0] =	vst.idx.msk $0xffff, v1  }
0x9c: {  	[tilespmem:v12+s13+$0x0] =	vst.idx.msk $0xffff, v2  }
0x9d: {  	v59 =	vor.u32 v21, v14;
	[tilespmem:v13+s13+$0x0] =	vst.idx.msk $0xffff, v3  }
0x9e: {  	v60 =	vor.u32 v20, v14;
	v8 =	vor.u32 v9, v59;
	[tilespmem:v63+s13+$0x0] =	vst.idx.msk $0xffff, v4  }
0x9f: {  	v2 =	vor.u32 v11, v60;
	[tilespmem:v0+s13+$0x0] =	vst.idx.msk $0xffff, v5;
	v0 =	vor.u32 s19, v35;
	v35 =	vld [tilespmem:$0x1FF70]  }
0xa0: {  	v32 =	vmov v61;
	v61 =	vor.u32 s19, v61  }
0xa1: {  	v62 =	vor.u32 s19, v31;
	v3 =	vor.u32 v41, v61  }
0xa2: {  	v4 =	vor.u32 v41, v62;
	v63 =	vor.u32 s19, v33  }
0xa3: {  	v5 =	vor.u32 v41, v63;
	[tilespmem:v8+s13+$0x0] =	vst.idx.msk $0xffff, v7  }
0xa4: {  	v1 =	vor.u32 s19, v34;
	[tilespmem:v2+s13+$0x0] =	vst.idx.msk $0xffff, v6;
	v2 =	vor.u32 s19, v35;
	v35 =	vld [tilespmem:$0x1FF60]  }
0xa5: {  	v7 =	vor.u32 v41, v1;
	v6 =	vld [tilespmem:$0x1FF80]  }
0xa6: {  	v8 =	vor.u32 v41, v0;
	v13 =	vld.idx.msk [tilespmem:v3+s3+$0x0], $0xffff  }
0xa7: {  	v15 =	vld.idx.msk [tilespmem:v4+s3+$0x0], $0xffff  }
0xa8: {  	v16 =	vld.idx.msk [tilespmem:v5+s3+$0x0], $0xffff;
	v10 =	vor.u32 v41, v2  }
0xa9: {  	v4 =	vor.u32 s19, v35;
	v35 =	vld [tilespmem:$0x1FFF0]  }
0xaa: {  	v18 =	vld.idx.msk [tilespmem:v7+s3+$0x0], $0xffff;
	v3 =	vor.u32 s19, v6  }
0xab: {  	v20 =	vld.idx.msk [tilespmem:v8+s3+$0x0], $0xffff;
	v12 =	vor.u32 v41, v3  }
0xac: {  	v8 =	vld [tilespmem:$0x1FFD0]  }
0xad: {  	v5 =	vor.u32 v19, v14;
	v17 =	vor.u32 v41, v4;
	v22 =	vld.idx.msk [tilespmem:v10+s3+$0x0], $0xffff  }
0xae: {  	v19 =	vor.u32 v9, v5;
	v10 =	vld [tilespmem:$0x1FFC0];
	v6 =	vor.u32 v35, v14  }
0xaf: {  	v35 =	vld [tilespmem:$0x1FFE0];
	v21 =	vor.u32 v11, v6  }
0xb0: {  	v28 =	vld.idx.msk [tilespmem:v12+s3+$0x0], $0xffff  }
0xb1: {  	v12 =	vld [tilespmem:$0x1FFB0]  }
0xb2: {  	v17 =	vld.idx.msk [tilespmem:v17+s3+$0x0], $0xffff  }
0xb3: {  	[tilespmem:v19+s13+$0x0] =	vst.idx.msk $0xffff, v13;
	v13 =	vld [tilespmem:$0x1FFA0]  }
0xb4: {  	v7 =	vor.u32 v35, v14;
	[tilespmem:v21+s13+$0x0] =	vst.idx.msk $0xffff, v15;
	v21 =	vld [tilespmem:$0x1FF90]  }
0xb5: {  	v8 =	vor.u32 v8, v14;
	v23 =	vor.u32 v9, v7  }
0xb6: {  	v29 =	vor.u32 v11, v8;
	v10 =	vor.u32 v10, v14  }
0xb7: {  	v30 =	vor.u32 v9, v10;
	v12 =	vor.u32 v12, v14  }
0xb8: {  	v19 =	vor.u32 v11, v12;
	v13 =	vor.u32 v13, v14  }
0xb9: {  	v15 =	vor.u32 v9, v13;
	v14 =	vor.u32 v21, v14  }
0xba: {  	[tilespmem:v23+s13+$0x0] =	vst.idx.msk $0xffff, v16;
	v16 =	vor.u32 v11, v14  }
0xbb: {  	[tilespmem:v29+s13+$0x0] =	vst.idx.msk $0xffff, v18;
	v18 =	vor.u32 v42, v45  }
0xbc: {  	[tilespmem:v30+s13+$0x0] =	vst.idx.msk $0xffff, v20;
	v20 =	vor.u32 v42, v46  }
0xbd: {  	v21 =	vor.u32 v42, v51;
	[tilespmem:v19+s13+$0x0] =	vst.idx.msk $0xffff, v22  }
0xbe: {  	v19 =	vor.u32 v42, v47;
	[tilespmem:v15+s13+$0x0] =	vst.idx.msk $0xffff, v28  }
0xbf: {  	v22 =	vor.u32 v42, v52;
	[tilespmem:v16+s13+$0x0] =	vst.idx.msk $0xffff, v17  }
0xc0: {  	v15 =	vor.u32 v42, v48;
	v17 =	vld.idx.msk [tilespmem:v18+s3+$0x0], $0xffff  }
0xc1: {  	v16 =	vor.u32 v42, v49;
	v20 =	vld.idx.msk [tilespmem:v20+s3+$0x0], $0xffff  }
0xc2: {  	v23 =	vor.u32 v24, v53;
	v18 =	vor.u32 v42, v50;
	v21 =	vld.idx.msk [tilespmem:v21+s3+$0x0], $0xffff  }
0xc3: {  	v28 =	vor.u32 v25, v54;
	v19 =	vld.idx.msk [tilespmem:v19+s3+$0x0], $0xffff  }
0xc4: {  	v29 =	vor.u32 v24, v55;
	v22 =	vld.idx.msk [tilespmem:v22+s3+$0x0], $0xffff  }
0xc5: {  	v30 =	vor.u32 v25, v56;
	v15 =	vld.idx.msk [tilespmem:v15+s3+$0x0], $0xffff  }
0xc6: {  	v35 =	vmovc v34;
	v34 =	vmov v33;
	v33 =	vmov v31;
	v31 =	vor.u32 v24, v57;
	v16 =	vld.idx.msk [tilespmem:v16+s3+$0x0], $0xffff  }
0xc7: {  	v18 =	vld.idx.msk [tilespmem:v18+s3+$0x0], $0xffff;
	[tilespmem:v23+s13+$0x0] =	vst.idx.msk $0xffff, v17;
	v17 =	vor.u32 v25, v58  }
0xc8: {  	[tilespmem:v28+s13+$0x0] =	vst.idx.msk $0xffff, v20;
	v20 =	vor.u32 v24, v59  }
0xc9: {  	[tilespmem:v29+s13+$0x0] =	vst.idx.msk $0xffff, v19;
	v19 =	vor.u32 v25, v60  }
0xca: {  	[tilespmem:v30+s13+$0x0] =	vst.idx.msk $0xffff, v15;
	v15 =	vor.u32 v42, v61  }
0xcb: {  	[tilespmem:v31+s13+$0x0] =	vst.idx.msk $0xffff, v16;
	v16 =	vor.u32 v42, v62  }
0xcc: {  	[tilespmem:v17+s13+$0x0] =	vst.idx.msk $0xffff, v18;
	v17 =	vor.u32 v42, v63  }
0xcd: {  	v18 =	vor.u32 v42, v1;
	[tilespmem:v20+s13+$0x0] =	vst.idx.msk $0xffff, v21  }
0xce: {  	v20 =	vor.u32 v42, v2;
	[tilespmem:v19+s13+$0x0] =	vst.idx.msk $0xffff, v22  }
0xcf: {  	v21 =	vor.u32 v42, v3;
	v15 =	vld.idx.msk [tilespmem:v15+s3+$0x0], $0xffff  }
0xd0: {  	v19 =	vor.u32 v42, v0;
	v16 =	vld.idx.msk [tilespmem:v16+s3+$0x0], $0xffff  }
0xd1: {  	v23 =	vor.u32 v24, v5;
	v22 =	vor.u32 v42, v4;
	v17 =	vld.idx.msk [tilespmem:v17+s3+$0x0], $0xffff  }
0xd2: {  	v28 =	vor.u32 v25, v6;
	v18 =	vld.idx.msk [tilespmem:v18+s3+$0x0], $0xffff  }
0xd3: {  	v29 =	vor.u32 v24, v7;
	v20 =	vld.idx.msk [tilespmem:v20+s3+$0x0], $0xffff  }
0xd4: {  	v30 =	vor.u32 v25, v8;
	v21 =	vld.idx.msk [tilespmem:v21+s3+$0x0], $0xffff  }
0xd5: {  	v31 =	vor.u32 v24, v10;
	v19 =	vld.idx.msk [tilespmem:v19+s3+$0x0], $0xffff  }
0xd6: {  	v22 =	vld.idx.msk [tilespmem:v22+s3+$0x0], $0xffff;
	[tilespmem:v23+s13+$0x0] =	vst.idx.msk $0xffff, v15;
	v15 =	vor.u32 v25, v12  }
0xd7: {  	[tilespmem:v28+s13+$0x0] =	vst.idx.msk $0xffff, v16;
	v16 =	vor.u32 v24, v13  }
0xd8: {  	[tilespmem:v29+s13+$0x0] =	vst.idx.msk $0xffff, v17;
	v17 =	vor.u32 v25, v14  }
0xd9: {  	[tilespmem:v30+s13+$0x0] =	vst.idx.msk $0xffff, v18;
	v18 =	vor.u32 v43, v45  }
0xda: {  	[tilespmem:v31+s13+$0x0] =	vst.idx.msk $0xffff, v19;
	v19 =	vor.u32 v43, v46  }
0xdb: {  	[tilespmem:v15+s13+$0x0] =	vst.idx.msk $0xffff, v20;
	v15 =	vor.u32 v43, v47  }
0xdc: {  	v20 =	vor.u32 v43, v50;
	[tilespmem:v16+s13+$0x0] =	vst.idx.msk $0xffff, v21  }
0xdd: {  	v16 =	vor.u32 v43, v48;
	[tilespmem:v17+s13+$0x0] =	vst.idx.msk $0xffff, v22  }
0xde: {  	v21 =	vor.u32 v43, v51;
	v18 =	vld.idx.msk [tilespmem:v18+s3+$0x0], $0xffff  }
0xdf: {  	v17 =	vor.u32 v43, v49;
	v19 =	vld.idx.msk [tilespmem:v19+s3+$0x0], $0xffff  }
0xe0: {  	v23 =	vor.u32 v26, v53;
	v22 =	vor.u32 v43, v52;
	v15 =	vld.idx.msk [tilespmem:v15+s3+$0x0], $0xffff  }
0xe1: {  	v28 =	vor.u32 v27, v54;
	v20 =	vld.idx.msk [tilespmem:v20+s3+$0x0], $0xffff  }
0xe2: {  	v29 =	vor.u32 v26, v55;
	v16 =	vld.idx.msk [tilespmem:v16+s3+$0x0], $0xffff  }
0xe3: {  	v30 =	vor.u32 v27, v56;
	v21 =	vld.idx.msk [tilespmem:v21+s3+$0x0], $0xffff  }
0xe4: {  	v31 =	vor.u32 v26, v57;
	v17 =	vld.idx.msk [tilespmem:v17+s3+$0x0], $0xffff  }
0xe5: {  	v22 =	vld.idx.msk [tilespmem:v22+s3+$0x0], $0xffff;
	[tilespmem:v23+s13+$0x0] =	vst.idx.msk $0xffff, v18;
	v18 =	vor.u32 v27, v58  }
0xe6: {  	[tilespmem:v28+s13+$0x0] =	vst.idx.msk $0xffff, v19;
	v19 =	vor.u32 v26, v59  }
0xe7: {  	[tilespmem:v29+s13+$0x0] =	vst.idx.msk $0xffff, v15;
	v15 =	vor.u32 v27, v60  }
0xe8: {  	[tilespmem:v30+s13+$0x0] =	vst.idx.msk $0xffff, v16;
	v16 =	vor.u32 v43, v61  }
0xe9: {  	[tilespmem:v31+s13+$0x0] =	vst.idx.msk $0xffff, v17;
	v17 =	vor.u32 v43, v62  }
0xea: {  	[tilespmem:v18+s13+$0x0] =	vst.idx.msk $0xffff, v20;
	v18 =	vor.u32 v43, v63  }
0xeb: {  	v20 =	vor.u32 v43, v2;
	[tilespmem:v19+s13+$0x0] =	vst.idx.msk $0xffff, v21  }
0xec: {  	v19 =	vor.u32 v43, v1;
	[tilespmem:v15+s13+$0x0] =	vst.idx.msk $0xffff, v22  }
0xed: {  	v21 =	vor.u32 v43, v3;
	v16 =	vld.idx.msk [tilespmem:v16+s3+$0x0], $0xffff  }
0xee: {  	v15 =	vor.u32 v43, v0;
	v17 =	vld.idx.msk [tilespmem:v17+s3+$0x0], $0xffff  }
0xef: {  	v23 =	vor.u32 v26, v5;
	v22 =	vor.u32 v43, v4;
	v18 =	vld.idx.msk [tilespmem:v18+s3+$0x0], $0xffff  }
0xf0: {  	v28 =	vor.u32 v27, v6;
	v20 =	vld.idx.msk [tilespmem:v20+s3+$0x0], $0xffff  }
0xf1: {  	v29 =	vor.u32 v26, v7;
	v19 =	vld.idx.msk [tilespmem:v19+s3+$0x0], $0xffff  }
0xf2: {  	v30 =	vor.u32 v27, v8;
	v21 =	vld.idx.msk [tilespmem:v21+s3+$0x0], $0xffff  }
0xf3: {  	v31 =	vor.u32 v26, v10;
	v15 =	vld.idx.msk [tilespmem:v15+s3+$0x0], $0xffff  }
0xf4: {  	v22 =	vld.idx.msk [tilespmem:v22+s3+$0x0], $0xffff;
	[tilespmem:v23+s13+$0x0] =	vst.idx.msk $0xffff, v16;
	v16 =	vor.u32 v27, v12  }
0xf5: {  	[tilespmem:v28+s13+$0x0] =	vst.idx.msk $0xffff, v17;
	v17 =	vor.u32 v26, v13  }
0xf6: {  	[tilespmem:v29+s13+$0x0] =	vst.idx.msk $0xffff, v18;
	v18 =	vor.u32 v27, v14  }
0xf7: {  	[tilespmem:v30+s13+$0x0] =	vst.idx.msk $0xffff, v19;
	v19 =	vor.u32 v44, v45  }
0xf8: {  	[tilespmem:v31+s13+$0x0] =	vst.idx.msk $0xffff, v15;
	v15 =	vor.u32 v44, v46  }
0xf9: {  	[tilespmem:v16+s13+$0x0] =	vst.idx.msk $0xffff, v20;
	v16 =	vor.u32 v44, v47  }
0xfa: {  	v20 =	vor.u32 v44, v50;
	[tilespmem:v17+s13+$0x0] =	vst.idx.msk $0xffff, v21  }
0xfb: {  	v17 =	vor.u32 v44, v48;
	[tilespmem:v18+s13+$0x0] =	vst.idx.msk $0xffff, v22  }
0xfc: {  	v21 =	vor.u32 v44, v51;
	v19 =	vld.idx.msk [tilespmem:v19+s3+$0x0], $0xffff  }
0xfd: {  	v18 =	vor.u32 v44, v49;
	v15 =	vld.idx.msk [tilespmem:v15+s3+$0x0], $0xffff  }
0xfe: {  	v23 =	vor.u32 v39, v53;
	v22 =	vor.u32 v44, v52;
	v16 =	vld.idx.msk [tilespmem:v16+s3+$0x0], $0xffff  }
0xff: {  	v28 =	vor.u32 v40, v54;
	v20 =	vld.idx.msk [tilespmem:v20+s3+$0x0], $0xffff  }
0x100: {  	v29 =	vor.u32 v39, v55;
	v17 =	vld.idx.msk [tilespmem:v17+s3+$0x0], $0xffff  }
0x101: {  	v30 =	vor.u32 v40, v56;
	v21 =	vld.idx.msk [tilespmem:v21+s3+$0x0], $0xffff  }
0x102: {  	v31 =	vor.u32 v39, v57;
	v18 =	vld.idx.msk [tilespmem:v18+s3+$0x0], $0xffff  }
0x103: {  	v22 =	vld.idx.msk [tilespmem:v22+s3+$0x0], $0xffff;
	[tilespmem:v23+s13+$0x0] =	vst.idx.msk $0xffff, v19;
	v19 =	vor.u32 v40, v58  }
0x104: {  	[tilespmem:v28+s13+$0x0] =	vst.idx.msk $0xffff, v15;
	v15 =	vor.u32 v39, v59  }
0x105: {  	[tilespmem:v29+s13+$0x0] =	vst.idx.msk $0xffff, v16;
	v16 =	vor.u32 v40, v60  }
0x106: {  	[tilespmem:v30+s13+$0x0] =	vst.idx.msk $0xffff, v17;
	v17 =	vor.u32 v44, v61  }
0x107: {  	v1 =	vor.u32 v44, v1;
	[tilespmem:v31+s13+$0x0] =	vst.idx.msk $0xffff, v18  }
0x108: {  	v0 =	vor.u32 v44, v0;
	[tilespmem:v19+s13+$0x0] =	vst.idx.msk $0xffff, v20  }
0x109: {  	v23 =	vld [tilespmem:$0x1FED0];
	v18 =	vor.u32 v44, v62;
	[tilespmem:v15+s13+$0x0] =	vst.idx.msk $0xffff, v21  }
0x10a: {  	v28 =	vld [tilespmem:$0x1FEE0];
	v19 =	vor.u32 v44, v63;
	[tilespmem:v16+s13+$0x0] =	vst.idx.msk $0xffff, v22  }
0x10b: {  	v2 =	vor.u32 v44, v2;
	v15 =	vld.idx.msk [tilespmem:v17+s3+$0x0], $0xffff  }
0x10c: {  	v3 =	vor.u32 v44, v3;
	v1 =	vld.idx.msk [tilespmem:v1+s3+$0x0], $0xffff  }
0x10d: {  	v5 =	vor.u32 v39, v5;
	v4 =	vor.u32 v44, v4;
	v0 =	vld.idx.msk [tilespmem:v0+s3+$0x0], $0xffff  }
0x10e: {  	v6 =	vor.u32 v40, v6;
	v16 =	vld.idx.msk [tilespmem:v18+s3+$0x0], $0xffff  }
0x10f: {  	v7 =	vor.u32 v39, v7;
	v17 =	vld.idx.msk [tilespmem:v19+s3+$0x0], $0xffff  }
0x110: {  	v8 =	vor.u32 v40, v8;
	v2 =	vld.idx.msk [tilespmem:v2+s3+$0x0], $0xffff  }
0x111: {  	v10 =	vor.u32 v39, v10;
	v3 =	vld.idx.msk [tilespmem:v3+s3+$0x0], $0xffff  }
0x112: {  	v60 =	vor.u32 v40, v12;
	v4 =	vld.idx.msk [tilespmem:v4+s3+$0x0], $0xffff;
	[tilespmem:v5+s13+$0x0] =	vst.idx.msk $0xffff, v15  }
0x113: {  	v29 =	vld [tilespmem:$0x1FF00];
	v62 =	vor.u32 v39, v13;
	[tilespmem:v6+s13+$0x0] =	vst.idx.msk $0xffff, v16  }
0x114: {  	p1 =	sne.s32 s19, $0x70;
	v12 =	vld [tilespmem:$0x1FEF0];
	v63 =	vor.u32 v40, v14;
	[tilespmem:v7+s13+$0x0] =	vst.idx.msk $0xffff, v17  }
.Ltmp5:
0x115: {  	v30 =	vld [tilespmem:$0x1FF10];
	[tilespmem:v8+s13+$0x0] =	vst.idx.msk $0xffff, v1;
	(pc) =	sbr.rel @p1 .LBB2_4-.Ltmp5, $4  }
0x116: {  	v20 =	vld [tilespmem:$0x1FEA0];
	[tilespmem:v10+s13+$0x0] =	vst.idx.msk $0xffff, v0  }
0x117: {  	v21 =	vld [tilespmem:$0x1FEB0];
	[tilespmem:v60+s13+$0x0] =	vst.idx.msk $0xffff, v2  }
0x118: {  	v22 =	vld [tilespmem:$0x1FEC0];
	[tilespmem:v62+s13+$0x0] =	vst.idx.msk $0xffff, v3  }
0x119: {  	s18 =	sadd.s32 $0x8, s18;
	s19 =	sadd.s32 $0x10, s19;
	v50 =	vmovc v36;
	v61 =	vmovc v32;
	v31 =	vmov v33;
	v33 =	vmov v34;
	v34 =	vmov v35;
	v19 =	vld [tilespmem:$0x1FE90];
	[tilespmem:v63+s13+$0x0] =	vst.idx.msk $0xffff, v4  }
.Ltmp6:
0x11a: {  	(pc) =	sbr.rel .LBB2_6-.Ltmp6, $4  }
0x11b: {  	_ = 	snop  }
0x11c: {  	s17 =	sshll.u32 s17, $0xA  }
0x11d: {  	s17 =	sadd.s32 s5, s17  }
0x11e: {  	[hbm4b:s17+s3] =	stream.linear.scatter [tilespmem:s13], [sflag:$0x2], $0x2000, $0x38;
	[tilespmem:$0x6800] =	vst v63  }
.LBB2_8:
0x11f: {  	_ =	sfence.sel $0x180000  }
0x120: {  	[bflag:$0x0] =	sbarrier.arrive $0xFFFF  }
0x121: {  	p0 =	sne.s32 s2, $0x0;
	_ =	strace $0x90000047  }
0x122: {  	s0 =	sadd.s32 @!p0 $0x100000, s1;
	[bflag:$0x2] =	sbarrier.arrive $0xFFFF  }
0x123: {  	[sflag:s0] =	ssyncadd.tile.s32 @!p0 $0x1;
	_ =	shalt  }
.Lfunc_end2:
_tile_overlayer_lowered:
.L_overlay_start_2:
0x124: {  	(tag) =	ssettag $0x2  }
0x125: {  	s0 =	rddreg [dreg:$0x0];
	s2 =	stileid.u32  }
0x126: {  	s1 =	rddreg [dreg:$0x1];
	p0 =	sne.s32 s2, $0x0  }
0x127: {  	s3 =	rddreg [dreg:$0x2];
	[bflag:$0x3] =	sbarrier.arrive $0xFFFF;
	s2 =	simm.s32 @!p0 $0x1C03  }
0x128: {  	[timem:s3], [sflag:s2] =	dma.local @!p0 [hbm:s0], s1  }
0x129: {  	s0 =	simm.s32 @!p0 $0x3  }
0x12a: {  	_ =	swait.ge @!p0 [sflag:s0], s1  }
0x12b: {  	s1 =	ssub.s32 @!p0 $0x0, s1;
	[sflag:s0] =	ssyncset.done @!p0 $0x0  }
0x12c: {  	[sflag:s0] =	ssyncadd.s32 @!p0 s1  }
0x12d: {  	[bflag:$0x3] =	sbarrier.arrive $0xFFFF  }
0x12e: {  	_ =	shalt  }

// kernel: kernel.7.cloned.1.call-start
scs
__scs_entry_jumppad:
0x0: {  	(pc) =	sbr.rel $0x88, $3  }
0x1: {  	(tag) =	ssettag $0x0;
	lr =	simm.s32 $0x1  }
0x2: {  	[smem:$0x3F9F] =	sst lr;
	_ =	strace $0xD0000000  }
0x3: {  	_ = 	snop  }
0x4: {  	_ = 	snop  }
0x5: {  	_ = 	snop  }
0x6: {  	_ = 	snop  }
0x7: {  	_ = 	snop  }
__scs_overlays_trampoline_lowered:
0x8: {  	[smem:$0x3FAE] =	sst s0  }
0x9: {  	[smem:$0x3FAF] =	sst s1  }
0xa: {  	[smem:$0x3FB0] =	sst s2  }
0xb: {  	[smem:$0x3FB1] =	sst s3  }
0xc: {  	[smem:$0x3FB2] =	sst s4  }
0xd: {  	[smem:$0x3FB3] =	sst s5  }
0xe: {  	[smem:$0x3FB4] =	sst s6  }
0xf: {  	[smem:$0x3FB5] =	sst s7  }
0x10: {  	[smem:$0x3FB6] =	sst s8  }
0x11: {  	[smem:$0x3FB7] =	sst s9;
	s0 =	simm.s32 @!p0 $0x0  }
0x12: {  	s1 =	sld [smem:$0x3F9D];
	s0 =	simm.s32 @p0 $0x1  }
0x13: {  	[smem:$0x3FB8] =	sst s0;
	s0 =	simm.s32 @!p1 $0x0  }
0x14: {  	s2 =	sld [smem:$0x3F9C];
	s0 =	simm.s32 @p1 $0x1  }
0x15: {  	[smem:$0x3FB9] =	sst s0;
	s0 =	simm.s32 @!p2 $0x0  }
0x16: {  	s3 =	sld [smem:$0x3FDB];
	s0 =	simm.s32 @p2 $0x1  }
0x17: {  	s4 =	simm.s32 $0x1BF5;
	[smem:$0x3FBB] =	sst s0  }
0x18: {  	s0 =	sld [smem:$0x3F9E];
	_ =	swait.ge [sflag:s4], $0x0  }
0x19: {  	s7 =	sld [smem:$0x3F9F]  }
0x1a: {  	s8 =	sadd.s32 $0xFFFFE003, lr  }
0x1b: {  	s9 =	sadd.s32 $0xFFFFFEF7, lr;
	s5 =	simm.s32 $0xFFFFFFFF;
	p2 =	slt.u32 s8, $0xFFFFF086  }
0x1c: {  	p1 =	slt.u32 s9, $0xF7A;
	s5 =	simm.s32 @!p2 $0x0  }
0x1d: {  	s5 =	simm.s32 @p1 $0x1;
	p0 =	seq.s32 s7, s2  }
0x1e: {  	s7 =	smul.u32 @!p0 $0xF7A, s2;
	p2 =	seq.s32 @!p0 s5, $0x0  }
0x1f: {  	s9 =	smul.u32 $0xF7A, s1;
	s8 =	simm.s32 @!p0 $0x1BF5;
	p2 =	por !p2, p0  }
0x20: {  	[sflag:s8] =	ssyncset.s32 @!p0 $0xFFFFF086;
	s6 =	sadd.s32 @!p0 s3, s7;
	s7 =	simm.s32 @!p0 $0x108  }
0x21: {  	s3 =	sadd.s32 s3, s9;
	s6 =	sadd.s32 @!p0 $0x88, s6;
	s7 =	simm.s32 @p2 $0x1082  }
0x22: {  	[simem:s7], [sflag:s8] =	dma.local @!p0 [hbm:s6], $0xF7A  }
0x23: {  	s9 =	sor.u32 $0xD0000000, s2;
	s6 =	simm.s32 $0x108;
	_ =	swait.ge @!p0 [sflag:s8], $0x0  }
0x24: {  	s3 =	sadd.s32 $0x88, s3;
	s6 =	simm.s32 @!p1 $0x1082;
	[sflag:s4] =	ssyncset.s32 $0xFFFFF086  }
0x25: {  	[simem:s6], [sflag:s4] =	dma.local [hbm:s3], $0xF7A  }
0x26: {  	[smem:$0x3F9F] =	sst s1;
	(tag) =	ssettag s2;
	_ =	strace s9  }
0x27: {  	s1 =	sld [smem:$0x3FAF]  }
0x28: {  	s2 =	sld [smem:$0x3FB0]  }
0x29: {  	s4 =	sld [smem:$0x3FB2]  }
0x2a: {  	p0 =	seq.s32 s5, $0x0;
	s5 =	sld [smem:$0x3FB3]  }
0x2b: {  	s6 =	sld [smem:$0x3FB4]  }
0x2c: {  	s7 =	sld [smem:$0x3FB5]  }
0x2d: {  	s3 =	simm.s32 $0x108;
	s8 =	sld [smem:$0x3FB6]  }
0x2e: {  	s3 =	simm.s32 @!p0 $0x1082;
	s9 =	sld [smem:$0x3FB7]  }
0x2f: {  	lr =	sadd.s32 s0, s3;
	s0 =	sld [smem:$0x3FAE]  }
0x30: {  	s3 =	sld [smem:$0x3FB1]  }
0x31: {  	[smem:$0x3FBA] =	sst s10  }
0x32: {  	s10 =	sld [smem:$0x3FB8];
	_ =	sdelay $0x3  }
0x33: {  	p0 =	seq.s32 s10, $0x1;
	s10 =	sld [smem:$0x3FBA];
	_ =	sdelay $0x3  }
0x34: {  	[smem:$0x3FBA] =	sst s10  }
0x35: {  	s10 =	sld [smem:$0x3FB9];
	_ =	sdelay $0x3  }
0x36: {  	p1 =	seq.s32 s10, $0x1;
	s10 =	sld [smem:$0x3FBA];
	_ =	sdelay $0x3  }
0x37: {  	[smem:$0x3FBA] =	sst s10  }
0x38: {  	s10 =	sld [smem:$0x3FBB]  }
0x39: {  	_ = 	snop;
	(pc) =	sbr.ind lr, $3  }
0x3a: {  	_ = 	snop  }
0x3b: {  	_ = 	snop  }
0x3c: {  	p2 =	seq.s32 s10, $0x1;
	s10 =	sld [smem:$0x3FBA]  }
0x3d: {  	_ =	shalt  }
0x3e: {  	_ =	shalt  }
0x3f: {  	_ =	shalt  }
0x40: {  	_ =	shalt  }
0x41: {  	_ =	shalt  }
0x42: {  	_ =	shalt  }
0x43: {  	_ =	shalt  }
0x44: {  	_ =	shalt  }
0x45: {  	_ =	shalt  }
0x46: {  	_ =	shalt  }
0x47: {  	_ =	shalt  }
0x48: {  	_ =	shalt  }
0x49: {  	_ =	shalt  }
0x4a: {  	_ =	shalt  }
0x4b: {  	_ =	shalt  }
0x4c: {  	_ =	shalt  }
0x4d: {  	_ =	shalt  }
0x4e: {  	_ =	shalt  }
0x4f: {  	_ =	shalt  }
0x50: {  	_ =	shalt  }
0x51: {  	_ =	shalt  }
0x52: {  	_ =	shalt  }
0x53: {  	_ =	shalt  }
0x54: {  	_ =	shalt  }
0x55: {  	_ =	shalt  }
0x56: {  	_ =	shalt  }
0x57: {  	_ =	shalt  }
0x58: {  	_ =	shalt  }
0x59: {  	_ =	shalt  }
0x5a: {  	_ =	shalt  }
0x5b: {  	_ =	shalt  }
0x5c: {  	_ =	shalt  }
0x5d: {  	_ =	shalt  }
0x5e: {  	_ =	shalt  }
0x5f: {  	_ =	shalt  }
0x60: {  	_ =	shalt  }
0x61: {  	_ =	shalt  }
0x62: {  	_ =	shalt  }
0x63: {  	_ =	shalt  }
0x64: {  	_ =	shalt  }
0x65: {  	_ =	shalt  }
0x66: {  	_ =	shalt  }
0x67: {  	_ =	shalt  }
0x68: {  	_ =	shalt  }
0x69: {  	_ =	shalt  }
0x6a: {  	_ =	shalt  }
0x6b: {  	_ =	shalt  }
0x6c: {  	_ =	shalt  }
0x6d: {  	_ =	shalt  }
0x6e: {  	_ =	shalt  }
0x6f: {  	_ =	shalt  }
0x70: {  	_ =	shalt  }
0x71: {  	_ =	shalt  }
0x72: {  	_ =	shalt  }
0x73: {  	_ =	shalt  }
0x74: {  	_ =	shalt  }
0x75: {  	_ =	shalt  }
0x76: {  	_ =	shalt  }
0x77: {  	_ =	shalt  }
0x78: {  	_ =	shalt  }
0x79: {  	_ =	shalt  }
0x7a: {  	_ =	shalt  }
0x7b: {  	_ =	shalt  }
0x7c: {  	_ =	shalt  }
0x7d: {  	_ =	shalt  }
0x7e: {  	_ =	shalt  }
0x7f: {  	_ =	shalt  }
0x80: {  	_ =	shalt  }
0x81: {  	_ =	shalt  }
0x82: {  	_ =	shalt  }
0x83: {  	_ =	shalt  }
0x84: {  	_ =	shalt  }
0x85: {  	_ =	shalt  }
0x86: {  	_ =	shalt  }
0x87: {  	_ =	shalt  }
.Lfunc_end0:
.L_simem_size_0:
called_computation.1_lowered:
.L_overlay_start_0:
0x88: {  	s2 =	sld [smem:$0x3FD9]  }
0x89: {  	s3 =	sld [smem:$0x3FFE];
	_ =	sdelay $0x1  }
0x8a: {  	s1 =	srdreg.scid  }
0x8b: {  	s0 =	sand.u32 $0x1, s1  }
0x8c: {  	s17 =	sshll.u32 s0, $0xA;
	s2 =	sadd.s32 s3, s2  }
0x8d: {  	s2 =	sadd.s32 s2, s17  }
0x8e: {  	[smem:$0x3FC6] =	sst s2  }
0x8f: {  	_ = 	snop  }
0x90: {  	s2 =	sld [smem:$0x3FC9]  }
0x91: {  	s18 =	sld [smem:$0x3FD0];
	(tm) =	ssettm $0x1  }
0x92: {  	s4 =	sld [smem:$0x3FFB];
	_ =	sdelay $0x3  }
0x93: {  	_ =	strace s4  }
0x94: {  	s4 =	sld [smem:$0x3FFC];
	_ =	sdelay $0x3  }
0x95: {  	_ =	strace s4  }
0x96: {  	s4 =	sld [smem:$0x3FFD];
	_ =	sdelay $0x3  }
0x97: {  	_ =	strace s4  }
0x98: {  	_ =	strace $0x8FFFFFFF  }
0x99: {  	s19 =	sld [smem:$0x3FDB];
	_ =	sdelay $0x1  }
0x9a: {  	s5 =	simm.s32 $_scs_section_size  }
0x9b: {  	s6 =	simm.s32 $_size__tile_overlayer_lowered;
	s7 =	simm.s32 $_tile_overlayer_lowered  }
0x9c: {  	s22 =	simm.s32 $0x1BFF;
	s21 =	sshll.u32 s7, $0x1;
	s4 =	sadd.s32 s5, s19  }
0x9d: {  	s8 =	simm.s32 $0x0;
	s20 =	sshll.u32 s6, $0x1;
	s6 =	sadd.s32 s21, s4  }
0x9e: {  	[timem:s8], [sflag:s22] =	dma.local [hbm:s6], s20  }
0x9f: {  	_ =	swait.ge [sflag:s22], s20  }
0xa0: {  	s5 =	ssub.s32 $0x0, s20;
	[sflag:s22] =	ssyncset.done $0x0  }
0xa1: {  	[sflag:s22] =	ssyncadd.s32 s5;
	_ =	sdelay $0x1  }
0xa2: {  	s23 =	simm.s32 $0x1B8B  }
0xa3: {  	_ =	swait.ge [sflag:s23], $0x1  }
0xa4: {  	[sflag:s23] =	ssyncset.done $0x0  }
0xa5: {  	s25 =	simm.s32 $0x1B8E;
	s24 =	sld [smem:$0x3FFE];
	[sflag:s23] =	ssyncadd.s32 $0xFFFFFFFF  }
0xa6: {  	s26 =	simm.s32 $execute0_lowered;
	[smem:$0x3FD2] =	sst s25  }
0xa7: {  	s6 =	sshll.u32 s26, $0x1;
	_ =	strace $0x80000049;
	[dreg:$0x1] =	wrdreg $0xFFFFFFFF  }
0xa8: {  	s28 =	simm.s32 $_size_execute0_lowered;
	s4 =	sadd.s32 s4, s6;
	[dreg:$0x0] =	wrdreg $0x0  }
0xa9: {  	s6 =	sshll.u32 s28, $0x1;
	[dreg:$0x2] =	wrdreg s4  }
0xaa: {  	[dreg:$0x3] =	wrdreg s6  }
0xab: {  	[dreg:$0x4] =	wrdreg $0xC0  }
0xac: {  	_ =	task [dreg:s8], $0x5FFFF  }
0xad: {  	[dreg:$0x1] =	wrdreg $0xFFFFFFFF  }
0xae: {  	[dreg:$0x0] =	wrdreg $0x60  }
0xaf: {  	[dreg:$0x2] =	wrdreg s2  }
0xb0: {  	[dreg:$0x3] =	wrdreg s24  }
0xb1: {  	[dreg:$0x4] =	wrdreg s18  }
0xb2: {  	[dreg:$0x5] =	wrdreg $0x9  }
0xb3: {  	_ =	task.clear_ibuf [dreg:s8], $0x6FFFF;
	_ =	strace $0x90000049  }
0xb4: {  	s29 =	simm.s32 $0x9;
	_ =	strace $0x8000004B  }
0xb5: {  	_ =	swait.ge [sflag:s29], $0x1  }
0xb6: {  	[sflag:s29] =	ssyncadd.s32 $0xFFFFFFFF  }
0xb7: {  	_ =	strace $0x9000004B  }
0xb8: {  	_ =	sfence  }
0xb9: {  	s30 =	sld [smem:$0x0];
	_ =	sdelay $0x2  }
0xba: {  	s31 =	sshll.u32 s1, $0xD;
	s1 =	sshrl.u32 s1, $0x2  }
0xbb: {  	s3 =	sand.u32 $0x4000, s31;
	s1 =	sadd.s32 s1, s30  }
0xbc: {  	s0 =	sor.u32 s3, s0;
	s1 =	sshll.u32 s1, $0x11  }
0xbd: {  	s0 =	sor.u32 s1, s0  }
0xbe: {  	s0 =	sadd.s32 $0x8F2B, s0  }
0xbf: {  	[sflag:s0] =	ssyncadd.remote.s32 $0x1  }
0xc0: {  	_ =	sfence.sel $0xFFFF  }
0xc1: {  	[dreg:$0x0] =	wrdreg $0xFFFFFFFF;
	(pc) =	sbr.abs _section_cstart, $3  }
0xc2: {  	[dreg:$0x1] =	wrdreg $0xFFFFFFFF  }
0xc3: {  	_ =	task.clear_ibuf [dreg:s8], $0x2FFFF;
	_ =	strace $0x9FFFFFFF  }
0xc4: {  	(tm) =	ssettm $0x7FFFFFFF  }
0xc5: {  	_ =	shalt  }
tec
execute0_lowered:
.L_overlay_start_1:
0x0: {  	(tag) =	ssettag $0x1  }
0x1: {  	v0 =	vimm.s32 $0xFEDCBA9;
	v1 =	vimm.s32 $0x87654321  }
0x2: {  	v2 =	vimm.s32 $0x10FEDCBA;
	v3 =	vimm.s32 $0x98765432;
	v6 =	vimm.s32 $0x210FEDCB  }
0x3: {  	v7 =	vimm.s32 $0xA9876543;
	v8 =	vimm.s32 $0x43210FED;
	v12 =	vimm.s32 $0x543210FE  }
0x4: {  	v13 =	vimm.s32 $0x6543210F;
	v14 =	vimm.s32 $0xEDCBA987;
	vm12 =	vcmask $0x300  }
0x5: {  	v41 =	vimm.s32 $0x1380;
	vm13 =	vcmask $0x704;
	vm14 =	vcmask $0xB08  }
0x6: {  	vm9 =	vcmask $0xF0C;
	vm10 =	vcmask $0x1310;
	vm11 =	vcmask $0x1714  }
0x7: {  	vm6 =	vcmask $0x1B18;
	vm7 =	vcmask $0x1F1C;
	vm8 =	vcmask $0x2320  }
0x8: {  	vm3 =	vcmask $0x2724;
	vm4 =	vcmask $0x2B28;
	vm5 =	vcmask $0x2F2C  }
0x9: {  	vm0 =	vcmask $0x3330;
	vm1 =	vcmask $0x3734;
	v42 =	vimm.s32 $0x80  }
0xa: {  	vm2 =	vcmask $0x3B38;
	v43 =	vimm.s32 $0x100;
	v44 =	vimm.s32 $0x180  }
0xb: {  	v45 =	vimm.s32 $0x200;
	v46 =	vimm.s32 $0x280;
	v47 =	vimm.s32 $0x300  }
0xc: {  	v48 =	vimm.s32 $0xFEDCBA98;
	v17 =	vimm.s32 $0x76543210;
	v49 =	vimm.s32 $0x380  }
0xd: {  	v50 =	vimm.s32 $0x5380;
	v51 =	vimm.s32 $0x4000;
	v18 =	vimm.s32 $0x4080  }
0xe: {  	v19 =	vimm.s32 $0x4100;
	v20 =	vimm.s32 $0x4180;
	v21 =	vimm.s32 $0x4200  }
0xf: {  	v22 =	vimm.s32 $0x4280;
	v23 =	vimm.s32 $0x4300;
	v24 =	vimm.s32 $0x4380  }
0x10: {  	v25 =	vimm.s32 $0x5000;
	v26 =	vimm.s32 $0x5080;
	v27 =	vimm.s32 $0x5100  }
0x11: {  	v28 =	vimm.s32 $0x5180;
	v29 =	vimm.s32 $0x5200;
	v30 =	vimm.s32 $0x5280  }
0x12: {  	v31 =	vimm.s32 $0x5300;
	v32 =	vimm.s32 $0x7380;
	v33 =	vimm.s32 $0x6000  }
0x13: {  	v34 =	vimm.s32 $0x6080;
	v35 =	vimm.s32 $0x6100;
	v36 =	vimm.s32 $0x6180  }
0x14: {  	v37 =	vimm.s32 $0x6200;
	v38 =	vimm.s32 $0x6280;
	v39 =	vimm.s32 $0x6300  }
0x15: {  	v40 =	vimm.s32 $0x6380;
	v52 =	vimm.s32 $0x14131211;
	v53 =	vimm.s32 $0x18171615  }
0x16: {  	v54 =	vimm.s32 $0x1D1C1B1A;
	v0 =	vunpack.c.l.s4.s8 v0;
	v1 =	vunpack.c.l.s4.s8 v1  }
0x17: {  	v4 =	vunpack.c.l.s4.s8 v2;
	v5 =	vunpack.c.l.s4.s8 v3;
	v6 =	vunpack.c.l.s4.s8 v6  }
0x18: {  	v7 =	vunpack.c.l.s4.s8 v7;
	v9 =	vunpack.c.l.s4.s8 v8;
	v8 =	vimm.s32 $0xCBA98765  }
0x19: {  	v13 =	vunpack.c.l.s4.s8 v13;
	v14 =	vunpack.c.l.s4.s8 v14;
	v17 =	vunpack.c.l.s4.s8 v17  }
0x1a: {  	v18 =	vsel vm12, $0x4100, v18;
	v19 =	vsel vm12, $0x4180, v19;
	v20 =	vsel vm12, $0x4200, v20  }
0x1b: {  	v21 =	vsel vm12, $0x4280, v21;
	v22 =	vsel vm12, $0x4300, v22;
	v23 =	vsel vm12, $0x4380, v23  }
0x1c: {  	v24 =	vsel vm12, $0x5000, v24;
	v25 =	vsel vm12, $0x5080, v25;
	v26 =	vsel vm12, $0x5100, v26  }
0x1d: {  	v27 =	vsel vm12, $0x5180, v27;
	v28 =	vsel vm12, $0x5200, v28;
	v29 =	vsel vm12, $0x5280, v29  }
0x1e: {  	v30 =	vsel vm12, $0x5300, v30;
	v31 =	vsel vm12, $0x5380, v31;
	v32 =	vsel vm12, $0x6000, v32  }
0x1f: {  	v33 =	vsel vm12, $0x6080, v33;
	v34 =	vsel vm12, $0x6100, v34;
	v35 =	vsel vm12, $0x6180, v35  }
0x20: {  	v36 =	vsel vm12, $0x6200, v36;
	v37 =	vsel vm12, $0x6280, v37;
	v38 =	vsel vm12, $0x6300, v38  }
0x21: {  	v39 =	vsel vm12, $0x6380, v39;
	v40 =	vsel vm12, $0x7000, v40;
	v62 =	vunpack.c.0.s8.s32 v52  }
0x22: {  	v57 =	vunpack.c.0.s8.s32 v53;
	v58 =	vunpack.c.0.s8.s32 v54;
	v54 =	vimm.s32 $0x19181716  }
0x23: {  	v10 =	vunpack.c.l.s4.s8 v8;
	v18 =	vsel vm13, $0x4180, v18;
	v19 =	vsel vm13, $0x4200, v19  }
0x24: {  	v20 =	vsel vm13, $0x4280, v20;
	v21 =	vsel vm13, $0x4300, v21;
	v22 =	vsel vm13, $0x4380, v22  }
0x25: {  	v23 =	vsel vm13, $0x5000, v23;
	v24 =	vsel vm13, $0x5080, v24;
	v25 =	vsel vm13, $0x5100, v25  }
0x26: {  	v26 =	vsel vm13, $0x5180, v26;
	v27 =	vsel vm13, $0x5200, v27;
	v28 =	vsel vm13, $0x5280, v28  }
0x27: {  	v29 =	vsel vm13, $0x5300, v29;
	v30 =	vsel vm13, $0x5380, v30;
	v31 =	vsel vm13, $0x4000, v31  }
0x28: {  	v32 =	vsel vm13, $0x6080, v32;
	v33 =	vsel vm13, $0x6100, v33;
	v34 =	vsel vm13, $0x6180, v34  }
0x29: {  	v35 =	vsel vm13, $0x6200, v35;
	v36 =	vsel vm13, $0x6280, v36;
	v37 =	vsel vm13, $0x6300, v37  }
0x2a: {  	v38 =	vsel vm13, $0x6380, v38;
	v39 =	vsel vm13, $0x7000, v39;
	v40 =	vsel vm13, $0x7080, v40  }
0x2b: {  	v2 =	vunpack.c.0.s8.s32 v0;
	v3 =	vunpack.c.0.s8.s32 v1;
	v0 =	vunpack.c.0.s8.s32 v4  }
0x2c: {  	v1 =	vunpack.c.0.s8.s32 v5;
	v18 =	vsel vm14, $0x4200, v18;
	v19 =	vsel vm14, $0x4280, v19  }
0x2d: {  	v20 =	vsel vm14, $0x4300, v20;
	v21 =	vsel vm14, $0x4380, v21;
	v22 =	vsel vm14, $0x5000, v22  }
0x2e: {  	v23 =	vsel vm14, $0x5080, v23;
	v24 =	vsel vm14, $0x5100, v24;
	v25 =	vsel vm14, $0x5180, v25  }
0x2f: {  	v26 =	vsel vm14, $0x5200, v26;
	v27 =	vsel vm14, $0x5280, v27;
	v28 =	vsel vm14, $0x5300, v28  }
0x30: {  	v29 =	vsel vm14, $0x5380, v29;
	v30 =	vsel vm14, $0x4000, v30;
	v31 =	vsel vm14, $0x4080, v31  }
0x31: {  	v32 =	vsel vm14, $0x6100, v32;
	v33 =	vsel vm14, $0x6180, v33;
	v34 =	vsel vm14, $0x6200, v34  }
0x32: {  	v35 =	vsel vm14, $0x6280, v35;
	v36 =	vsel vm14, $0x6300, v36;
	v37 =	vsel vm14, $0x6380, v37  }
0x33: {  	v38 =	vsel vm14, $0x7000, v38;
	v39 =	vsel vm14, $0x7080, v39;
	v40 =	vsel vm14, $0x7100, v40  }
0x34: {  	v18 =	vsel vm9, $0x4280, v18;
	v19 =	vsel vm9, $0x4300, v19;
	v20 =	vsel vm9, $0x4380, v20  }
0x35: {  	v21 =	vsel vm9, $0x5000, v21;
	v22 =	vsel vm9, $0x5080, v22;
	v23 =	vsel vm9, $0x5100, v23  }
0x36: {  	v24 =	vsel vm9, $0x5180, v24;
	v25 =	vsel vm9, $0x5200, v25;
	v26 =	vsel vm9, $0x5280, v26  }
0x37: {  	v27 =	vsel vm9, $0x5300, v27;
	v28 =	vsel vm9, $0x5380, v28;
	v29 =	vsel vm9, $0x4000, v29  }
0x38: {  	v30 =	vsel vm9, $0x4080, v30;
	v31 =	vsel vm9, $0x4100, v31;
	v32 =	vsel vm9, $0x6180, v32  }
0x39: {  	v33 =	vsel vm9, $0x6200, v33;
	v34 =	vsel vm9, $0x6280, v34;
	v35 =	vsel vm9, $0x6300, v35  }
0x3a: {  	v36 =	vsel vm9, $0x6380, v36;
	v37 =	vsel vm9, $0x7000, v37;
	v38 =	vsel vm9, $0x7080, v38  }
0x3b: {  	v39 =	vsel vm9, $0x7100, v39;
	v40 =	vsel vm9, $0x7180, v40;
	v4 =	vcombine.low v3, v2  }
0x3c: {  	v5 =	vcombine.low v1, v0;
	v2 =	vcombine.low v2, v3;
	v3 =	vsel vm12, $0x1000, v49  }
0x3d: {  	v0 =	vcombine.low v0, v1;
	v18 =	vsel vm10, $0x4300, v18;
	v19 =	vsel vm10, $0x4380, v19  }
0x3e: {  	v20 =	vsel vm10, $0x5000, v20;
	v21 =	vsel vm10, $0x5080, v21;
	v22 =	vsel vm10, $0x5100, v22  }
0x3f: {  	v23 =	vsel vm10, $0x5180, v23;
	v24 =	vsel vm10, $0x5200, v24;
	v25 =	vsel vm10, $0x5280, v25  }
0x40: {  	v26 =	vsel vm10, $0x5300, v26;
	v27 =	vsel vm10, $0x5380, v27;
	v28 =	vsel vm10, $0x4000, v28  }
0x41: {  	v29 =	vsel vm10, $0x4080, v29;
	v30 =	vsel vm10, $0x4100, v30;
	v31 =	vsel vm10, $0x4180, v31  }
0x42: {  	v32 =	vsel vm10, $0x6200, v32;
	v33 =	vsel vm10, $0x6280, v33;
	v34 =	vsel vm10, $0x6300, v34  }
0x43: {  	v35 =	vsel vm10, $0x6380, v35;
	v36 =	vsel vm10, $0x7000, v36;
	v37 =	vsel vm10, $0x7080, v37  }
0x44: {  	v38 =	vsel vm10, $0x7100, v38;
	v39 =	vsel vm10, $0x7180, v39;
	v40 =	vsel vm10, $0x7200, v40  }
0x45: {  	v3 =	vsel vm13, $0x1080, v3;
	v18 =	vsel vm11, $0x4380, v18;
	v19 =	vsel vm11, $0x5000, v19  }
0x46: {  	v20 =	vsel vm11, $0x5080, v20;
	v21 =	vsel vm11, $0x5100, v21;
	v22 =	vsel vm11, $0x5180, v22  }
0x47: {  	v23 =	vsel vm11, $0x5200, v23;
	v24 =	vsel vm11, $0x5280, v24;
	v25 =	vsel vm11, $0x5300, v25  }
0x48: {  	v26 =	vsel vm11, $0x5380, v26;
	v27 =	vsel vm11, $0x4000, v27;
	v28 =	vsel vm11, $0x4080, v28  }
0x49: {  	v29 =	vsel vm11, $0x4100, v29;
	v30 =	vsel vm11, $0x4180, v30;
	v31 =	vsel vm11, $0x4200, v31  }
0x4a: {  	v32 =	vsel vm11, $0x6280, v32;
	v33 =	vsel vm11, $0x6300, v33;
	v34 =	vsel vm11, $0x6380, v34  }
0x4b: {  	v35 =	vsel vm11, $0x7000, v35;
	v36 =	vsel vm11, $0x7080, v36;
	v37 =	vsel vm11, $0x7100, v37  }
0x4c: {  	v38 =	vsel vm11, $0x7180, v38;
	v39 =	vsel vm11, $0x7200, v39;
	v40 =	vsel vm11, $0x7280, v40  }
0x4d: {  	v4 =	vand.u32 $0xF, v4;
	v2 =	vand.u32 $0xF, v2;
	v0 =	vand.u32 $0xF, v0  }
0x4e: {  	v18 =	vsel vm6, $0x5000, v18;
	v19 =	vsel vm6, $0x5080, v19;
	v20 =	vsel vm6, $0x5100, v20  }
0x4f: {  	v21 =	vsel vm6, $0x5180, v21;
	v22 =	vsel vm6, $0x5200, v22;
	v23 =	vsel vm6, $0x5280, v23  }
0x50: {  	v24 =	vsel vm6, $0x5300, v24;
	v25 =	vsel vm6, $0x5380, v25;
	v26 =	vsel vm6, $0x4000, v26  }
0x51: {  	v27 =	vsel vm6, $0x4080, v27;
	v28 =	vsel vm6, $0x4100, v28;
	v29 =	vsel vm6, $0x4180, v29  }
0x52: {  	v30 =	vsel vm6, $0x4200, v30;
	v31 =	vsel vm6, $0x4280, v31;
	v32 =	vsel vm6, $0x6300, v32  }
0x53: {  	v33 =	vsel vm6, $0x6380, v33;
	v34 =	vsel vm6, $0x7000, v34;
	v35 =	vsel vm6, $0x7080, v35  }
0x54: {  	v36 =	vsel vm6, $0x7100, v36;
	v37 =	vsel vm6, $0x7180, v37;
	v38 =	vsel vm6, $0x7200, v38  }
0x55: {  	v39 =	vsel vm6, $0x7280, v39;
	v40 =	vsel vm6, $0x7300, v40;
	[tilespmem:$0x1F960] =	vst v4;
	v4 =	vand.u32 $0xF, v5  }
0x56: {  	v5 =	vunpack.c.0.s8.s32 v7;
	v7 =	vimm.s32 $0xBA987654;
	[tilespmem:$0x1FA60] =	vst v2;
	v2 =	vsel vm14, $0x1100, v3  }
0x57: {  	v18 =	vsel vm7, $0x5080, v18;
	v19 =	vsel vm7, $0x5100, v19;
	v20 =	vsel vm7, $0x5180, v20  }
0x58: {  	v21 =	vsel vm7, $0x5200, v21;
	v22 =	vsel vm7, $0x5280, v22;
	v23 =	vsel vm7, $0x5300, v23  }
0x59: {  	v24 =	vsel vm7, $0x5380, v24;
	v25 =	vsel vm7, $0x4000, v25;
	v26 =	vsel vm7, $0x4080, v26  }
0x5a: {  	v27 =	vsel vm7, $0x4100, v27;
	v28 =	vsel vm7, $0x4180, v28;
	v29 =	vsel vm7, $0x4200, v29  }
0x5b: {  	v30 =	vsel vm7, $0x4280, v30;
	v31 =	vsel vm7, $0x4300, v31;
	v32 =	vsel vm7, $0x6380, v32  }
0x5c: {  	v33 =	vsel vm7, $0x7000, v33;
	v34 =	vsel vm7, $0x7080, v34;
	v35 =	vsel vm7, $0x7100, v35  }
0x5d: {  	v36 =	vsel vm7, $0x7180, v36;
	v37 =	vsel vm7, $0x7200, v37;
	v38 =	vsel vm7, $0x7280, v38  }
0x5e: {  	v39 =	vsel vm7, $0x7300, v39;
	v40 =	vsel vm7, $0x7380, v40;
	[tilespmem:$0x1F970] =	vst v4;
	v4 =	vunpack.c.0.s8.s32 v6  }
0x5f: {  	v6 =	vimm.s32 $0x3210FEDC;
	v7 =	vunpack.c.l.s4.s8 v7;
	v1 =	vsel vm9, $0x1180, v2  }
0x60: {  	v18 =	vsel vm8, $0x5100, v18;
	v19 =	vsel vm8, $0x5180, v19;
	v20 =	vsel vm8, $0x5200, v20  }
0x61: {  	v21 =	vsel vm8, $0x5280, v21;
	v22 =	vsel vm8, $0x5300, v22;
	v23 =	vsel vm8, $0x5380, v23  }
0x62: {  	v24 =	vsel vm8, $0x4000, v24;
	v25 =	vsel vm8, $0x4080, v25;
	v26 =	vsel vm8, $0x4100, v26  }
0x63: {  	v27 =	vsel vm8, $0x4180, v27;
	v28 =	vsel vm8, $0x4200, v28;
	v29 =	vsel vm8, $0x4280, v29  }
0x64: {  	v30 =	vsel vm8, $0x4300, v30;
	v31 =	vsel vm8, $0x4380, v31;
	v32 =	vsel vm8, $0x7000, v32  }
0x65: {  	v33 =	vsel vm8, $0x7080, v33;
	v34 =	vsel vm8, $0x7100, v34;
	v35 =	vsel vm8, $0x7180, v35  }
0x66: {  	v36 =	vsel vm8, $0x7200, v36;
	v37 =	vsel vm8, $0x7280, v37;
	v38 =	vsel vm8, $0x7300, v38  }
0x67: {  	v6 =	vunpack.c.l.s4.s8 v6;
	v1 =	vsel vm10, $0x1200, v1;
	v18 =	vsel vm3, $0x5180, v18  }
0x68: {  	v19 =	vsel vm3, $0x5200, v19;
	v20 =	vsel vm3, $0x5280, v20;
	v21 =	vsel vm3, $0x5300, v21  }
0x69: {  	v22 =	vsel vm3, $0x5380, v22;
	v23 =	vsel vm3, $0x4000, v23;
	v24 =	vsel vm3, $0x4080, v24  }
0x6a: {  	v25 =	vsel vm3, $0x4100, v25;
	v26 =	vsel vm3, $0x4180, v26;
	v27 =	vsel vm3, $0x4200, v27  }
0x6b: {  	v28 =	vsel vm3, $0x4280, v28;
	v29 =	vsel vm3, $0x4300, v29;
	v30 =	vsel vm3, $0x4380, v30  }
0x6c: {  	v31 =	vsel vm3, $0x5000, v31;
	v32 =	vsel vm3, $0x7080, v32;
	v33 =	vsel vm3, $0x7100, v33  }
0x6d: {  	v34 =	vsel vm3, $0x7180, v34;
	v35 =	vsel vm3, $0x7200, v35;
	v36 =	vsel vm3, $0x7280, v36  }
0x6e: {  	v37 =	vsel vm3, $0x7300, v37;
	v38 =	vsel vm3, $0x7380, v38;
	v11 =	vcombine.low v5, v4  }
0x6f: {  	v8 =	vunpack.c.0.s8.s32 v7;
	v7 =	vunpack.c.0.s8.s32 v9;
	v9 =	vunpack.c.0.s8.s32 v10  }
0x70: {  	[tilespmem:$0x1FA70] =	vst v0;
	v10 =	vunpack.c.l.s4.s8 v12;
	v12 =	vimm.s32 $0xDCBA9876;
	v0 =	vsel vm11, $0x1280, v1  }
0x71: {  	v18 =	vsel vm4, $0x5200, v18;
	v19 =	vsel vm4, $0x5280, v19;
	v20 =	vsel vm4, $0x5300, v20  }
0x72: {  	v21 =	vsel vm4, $0x5380, v21;
	v22 =	vsel vm4, $0x4000, v22;
	v23 =	vsel vm4, $0x4080, v23  }
0x73: {  	v24 =	vsel vm4, $0x4100, v24;
	v25 =	vsel vm4, $0x4180, v25;
	v26 =	vsel vm4, $0x4200, v26  }
0x74: {  	v27 =	vsel vm4, $0x4280, v27;
	v28 =	vsel vm4, $0x4300, v28;
	v29 =	vsel vm4, $0x4380, v29  }
0x75: {  	v30 =	vsel vm4, $0x5000, v30;
	v31 =	vsel vm4, $0x5080, v31;
	v32 =	vsel vm4, $0x7100, v32  }
0x76: {  	v33 =	vsel vm4, $0x7180, v33;
	v34 =	vsel vm4, $0x7200, v34;
	v35 =	vsel vm4, $0x7280, v35  }
0x77: {  	v36 =	vsel vm4, $0x7300, v36;
	v37 =	vsel vm4, $0x7380, v37;
	v38 =	vsel vm4, $0x6000, v38  }
0x78: {  	v6 =	vunpack.c.0.s8.s32 v6;
	v12 =	vunpack.c.l.s4.s8 v12;
	v0 =	vsel vm6, $0x1300, v0  }
0x79: {  	v18 =	vsel vm5, $0x5280, v18;
	v19 =	vsel vm5, $0x5300, v19;
	v20 =	vsel vm5, $0x5380, v20  }
0x7a: {  	v21 =	vsel vm5, $0x4000, v21;
	v22 =	vsel vm5, $0x4080, v22;
	v23 =	vsel vm5, $0x4100, v23  }
0x7b: {  	v24 =	vsel vm5, $0x4180, v24;
	v25 =	vsel vm5, $0x4200, v25;
	v26 =	vsel vm5, $0x4280, v26  }
0x7c: {  	v27 =	vsel vm5, $0x4300, v27;
	v28 =	vsel vm5, $0x4380, v28;
	v29 =	vsel vm5, $0x5000, v29  }
0x7d: {  	v30 =	vsel vm5, $0x5080, v30;
	v31 =	vsel vm5, $0x5100, v31;
	v32 =	vsel vm5, $0x7180, v32  }
0x7e: {  	v33 =	vsel vm5, $0x7200, v33;
	v34 =	vsel vm5, $0x7280, v34;
	v35 =	vsel vm5, $0x7300, v35  }
0x7f: {  	v16 =	vcombine.low v9, v7;
	v10 =	vunpack.c.0.s8.s32 v10;
	v15 =	vcombine.low v8, v6  }
0x80: {  	v11 =	vand.u32 $0xF, v11;
	v0 =	vsel vm7, $0x1380, v0;
	v12 =	vunpack.c.0.s8.s32 v12  }
0x81: {  	[tilespmem:$0x1F980] =	vst v11;
	v11 =	vunpack.c.0.s8.s32 v13;
	v13 =	vunpack.c.0.s8.s32 v14;
	v14 =	vand.u32 $0xF, v15  }
0x82: {  	v36 =	vsel vm5, $0x7380, v36;
	v0 =	vsel vm8, $0x0, v0;
	[tilespmem:$0x1F990] =	vst v14;
	v14 =	vand.u32 $0xF, v16  }
0x83: {  	v37 =	vsel vm5, $0x6000, v37;
	v0 =	vsel vm3, $0x80, v0;
	[tilespmem:$0x1F9A0] =	vst v14;
	v14 =	vcombine.low v12, v10  }
0x84: {  	v38 =	vsel vm5, $0x6080, v38;
	v15 =	vcombine.low v13, v11;
	v0 =	vsel vm4, $0x100, v0  }
0x85: {  	v16 =	vsel vm12, $0x100, v42;
	v0 =	vsel vm5, $0x180, v0;
	v14 =	vand.u32 $0xF, v14  }
0x86: {  	v42 =	vimm.s32 $0x7080;
	v15 =	vand.u32 $0xF, v15;
	[tilespmem:$0x1F9B0] =	vst v14;
	v14 =	vsel vm12, $0x0, v41  }
0x87: {  	v0 =	vsel vm0, $0x200, v0;
	v42 =	vsel vm12, $0x7100, v42;
	v14 =	vsel vm13, $0x80, v14  }
0x88: {  	[tilespmem:$0x1F9C0] =	vst v15;
	v15 =	vimm.s32 $0x0;
	v0 =	vsel vm1, $0x280, v0;
	v14 =	vsel vm14, $0x100, v14  }
0x89: {  	v42 =	vsel vm13, $0x7180, v42;
	v15 =	vsel vm12, $0x80, v15;
	v14 =	vsel vm9, $0x180, v14  }
0x8a: {  	v0 =	vsel vm2, $0x300, v0;
	v15 =	vsel vm13, $0x100, v15;
	v14 =	vsel vm10, $0x200, v14  }
0x8b: {  	v42 =	vsel vm14, $0x7200, v42;
	v15 =	vsel vm14, $0x180, v15;
	v14 =	vsel vm11, $0x280, v14  }
0x8c: {  	v41 =	vimm.s32 $0x7000;
	v15 =	vsel vm9, $0x200, v15;
	v14 =	vsel vm6, $0x300, v14  }
0x8d: {  	v42 =	vsel vm9, $0x7280, v42;
	v15 =	vsel vm10, $0x280, v15;
	v14 =	vsel vm7, $0x380, v14  }
0x8e: {  	v41 =	vsel vm12, $0x7080, v41;
	v15 =	vsel vm11, $0x300, v15;
	v14 =	vsel vm8, $0x1000, v14  }
0x8f: {  	v41 =	vsel vm13, $0x7100, v41;
	v15 =	vsel vm6, $0x380, v15;
	v14 =	vsel vm3, $0x1080, v14  }
0x90: {  	v41 =	vsel vm14, $0x7180, v41;
	v15 =	vsel vm7, $0x1000, v15;
	v14 =	vsel vm4, $0x1100, v14  }
0x91: {  	v41 =	vsel vm9, $0x7200, v41;
	v15 =	vsel vm8, $0x1080, v15;
	v14 =	vsel vm5, $0x1180, v14  }
0x92: {  	v41 =	vsel vm10, $0x7280, v41;
	v15 =	vsel vm3, $0x1100, v15;
	v14 =	vsel vm0, $0x1200, v14  }
0x93: {  	v41 =	vsel vm11, $0x7300, v41;
	v15 =	vsel vm4, $0x1180, v15;
	v14 =	vsel vm1, $0x1280, v14  }
0x94: {  	v41 =	vsel vm6, $0x7380, v41;
	v15 =	vsel vm5, $0x1200, v15;
	v14 =	vsel vm2, $0x1300, v14  }
0x95: {  	v42 =	vsel vm10, $0x7300, v42;
	v41 =	vsel vm7, $0x6000, v41;
	[tilespmem:$0x1F9D0] =	vst v14;
	v14 =	vsel vm0, $0x1280, v15  }
0x96: {  	v15 =	vsel vm13, $0x180, v16;
	v16 =	vsel vm12, $0x200, v44;
	v44 =	vimm.s32 $0x7180  }
0x97: {  	v14 =	vsel vm1, $0x1300, v14;
	v15 =	vsel vm14, $0x200, v15;
	v16 =	vsel vm13, $0x280, v16  }
0x98: {  	v44 =	vsel vm12, $0x7200, v44;
	v14 =	vsel vm2, $0x1380, v14;
	v16 =	vsel vm14, $0x300, v16  }
0x99: {  	v44 =	vsel vm13, $0x7280, v44;
	[tilespmem:$0x1F9E0] =	vst v14;
	v14 =	vsel vm9, $0x280, v15;
	v15 =	vsel vm12, $0x180, v43  }
0x9a: {  	v16 =	vsel vm9, $0x380, v16;
	v43 =	vimm.s32 $0x7100;
	v14 =	vsel vm10, $0x300, v14  }
0x9b: {  	v44 =	vsel vm14, $0x7300, v44;
	v15 =	vsel vm13, $0x200, v15;
	v14 =	vsel vm11, $0x380, v14  }
0x9c: {  	v16 =	vsel vm10, $0x1000, v16;
	v15 =	vsel vm14, $0x280, v15;
	v14 =	vsel vm6, $0x1000, v14  }
0x9d: {  	v43 =	vsel vm12, $0x7180, v43;
	v15 =	vsel vm9, $0x300, v15;
	v14 =	vsel vm7, $0x1080, v14  }
0x9e: {  	v44 =	vsel vm9, $0x7380, v44;
	v15 =	vsel vm10, $0x380, v15;
	v14 =	vsel vm8, $0x1100, v14  }
0x9f: {  	v16 =	vsel vm11, $0x1080, v16;
	v15 =	vsel vm11, $0x1000, v15;
	v14 =	vsel vm3, $0x1180, v14  }
0xa0: {  	v43 =	vsel vm13, $0x7200, v43;
	v15 =	vsel vm6, $0x1080, v15;
	v14 =	vsel vm4, $0x1200, v14  }
0xa1: {  	v44 =	vsel vm10, $0x6000, v44;
	v15 =	vsel vm7, $0x1100, v15;
	v14 =	vsel vm5, $0x1280, v14  }
0xa2: {  	v16 =	vsel vm6, $0x1100, v16;
	v15 =	vsel vm8, $0x1180, v15;
	v14 =	vsel vm0, $0x1300, v14  }
0xa3: {  	v43 =	vsel vm14, $0x7280, v43;
	v15 =	vsel vm3, $0x1200, v15;
	v14 =	vsel vm1, $0x1380, v14  }
0xa4: {  	v16 =	vsel vm7, $0x1180, v16;
	v15 =	vsel vm4, $0x1280, v15;
	v14 =	vsel vm2, $0x0, v14  }
0xa5: {  	v43 =	vsel vm9, $0x7300, v43;
	v16 =	vsel vm8, $0x1200, v16;
	[tilespmem:$0x1F9F0] =	vst v14;
	v14 =	vsel vm5, $0x1300, v15  }
0xa6: {  	v15 =	vsel vm3, $0x1280, v16;
	v16 =	vsel vm12, $0x280, v45;
	v14 =	vsel vm0, $0x1380, v14  }
0xa7: {  	v45 =	vimm.s32 $0x7200;
	v15 =	vsel vm4, $0x1300, v15;
	v14 =	vsel vm1, $0x0, v14  }
0xa8: {  	v45 =	vsel vm12, $0x7280, v45;
	v15 =	vsel vm5, $0x1380, v15;
	v14 =	vsel vm2, $0x80, v14  }
0xa9: {  	v43 =	vsel vm10, $0x7380, v43;
	v45 =	vsel vm13, $0x7300, v45;
	[tilespmem:$0x1FA00] =	vst v14;
	v14 =	vsel vm0, $0x0, v15  }
0xaa: {  	v15 =	vsel vm13, $0x300, v16;
	v16 =	vsel vm12, $0x380, v47;
	v47 =	vimm.s32 $0x7300  }
0xab: {  	v14 =	vsel vm1, $0x80, v14;
	v15 =	vsel vm14, $0x380, v15;
	v16 =	vsel vm13, $0x1000, v16  }
0xac: {  	v47 =	vsel vm12, $0x7380, v47;
	v14 =	vsel vm2, $0x100, v14;
	v16 =	vsel vm14, $0x1080, v16  }
0xad: {  	v47 =	vsel vm13, $0x6000, v47;
	[tilespmem:$0x1FA10] =	vst v14;
	v14 =	vsel vm9, $0x1000, v15;
	v15 =	vsel vm12, $0x300, v46  }
0xae: {  	v16 =	vsel vm9, $0x1100, v16;
	v46 =	vimm.s32 $0x7280;
	v14 =	vsel vm10, $0x1080, v14  }
0xaf: {  	v15 =	vsel vm13, $0x380, v15;
	v16 =	vsel vm10, $0x1180, v16;
	v46 =	vsel vm12, $0x7300, v46  }
0xb0: {  	v14 =	vsel vm11, $0x1100, v14;
	v15 =	vsel vm14, $0x1000, v15;
	v16 =	vsel vm11, $0x1200, v16  }
0xb1: {  	v46 =	vsel vm13, $0x7380, v46;
	v14 =	vsel vm6, $0x1180, v14;
	v15 =	vsel vm9, $0x1080, v15  }
0xb2: {  	v16 =	vsel vm6, $0x1280, v16;
	v49 =	vsel vm14, $0x6000, v46;
	v46 =	vsel vm11, $0x6000, v43  }
0xb3: {  	v14 =	vsel vm7, $0x1200, v14;
	v15 =	vsel vm10, $0x1100, v15;
	v16 =	vsel vm7, $0x1300, v16  }
0xb4: {  	v61 =	vsel vm9, $0x6080, v49;
	v49 =	vimm.s32 $0x11101F1E;
	v14 =	vsel vm8, $0x1280, v14  }
0xb5: {  	v15 =	vsel vm11, $0x1180, v15;
	v16 =	vsel vm8, $0x1380, v16;
	v43 =	vsel vm10, $0x6100, v61  }
0xb6: {  	v59 =	vunpack.c.0.s8.s32 v49;
	v49 =	vsel vm6, $0x6080, v46;
	v46 =	vimm.s32 $0x1211101F  }
0xb7: {  	v14 =	vsel vm3, $0x1300, v14;
	v15 =	vsel vm6, $0x1200, v15;
	v52 =	vsel vm11, $0x6180, v43  }
0xb8: {  	v43 =	vsel vm8, $0x6000, v40;
	v40 =	vsel vm7, $0x6100, v49;
	v14 =	vsel vm4, $0x1380, v14  }
0xb9: {  	v15 =	vsel vm7, $0x1280, v15;
	v49 =	vsel vm8, $0x6180, v40;
	v52 =	vsel vm6, $0x6200, v52  }
0xba: {  	v43 =	vsel vm3, $0x6080, v43;
	v14 =	vsel vm5, $0x0, v14;
	v15 =	vsel vm8, $0x1300, v15  }
0xbb: {  	v40 =	vsel vm7, $0x6280, v52;
	v43 =	vsel vm4, $0x6100, v43;
	v49 =	vsel vm3, $0x6200, v49  }
0xbc: {  	v14 =	vsel vm0, $0x80, v14;
	v15 =	vsel vm3, $0x1380, v15;
	v52 =	vsel vm8, $0x6300, v40  }
0xbd: {  	v40 =	vunpack.c.0.s8.s32 v46;
	v46 =	vsel vm5, $0x6180, v43;
	v14 =	vsel vm1, $0x100, v14  }
0xbe: {  	v43 =	vsel vm4, $0x6280, v49;
	v15 =	vsel vm4, $0x0, v15;
	v14 =	vsel vm2, $0x180, v14  }
0xbf: {  	v61 =	vunpack.c.0.s8.s32 v54;
	v49 =	vsel vm5, $0x6300, v43;
	[tilespmem:$0x1FA20] =	vst v14;
	v14 =	vsel vm5, $0x80, v15  }
0xc0: {  	v15 =	vsel vm3, $0x0, v16;
	v16 =	vunpack.c.l.s4.s8 v48;
	v48 =	vsel vm14, $0x7380, v45  }
0xc1: {  	v45 =	vsel vm11, $0x7380, v42;
	v14 =	vsel vm0, $0x100, v14;
	v15 =	vsel vm4, $0x80, v15  }
0xc2: {  	v60 =	vsel vm9, $0x6000, v48;
	v15 =	vsel vm5, $0x100, v15;
	v14 =	vsel vm1, $0x180, v14  }
0xc3: {  	v42 =	vsel vm10, $0x6080, v60;
	v15 =	vsel vm0, $0x180, v15;
	v14 =	vsel vm2, $0x200, v14  }
0xc4: {  	[tilespmem:$0x1FA30] =	vst v14;
	v14 =	vsel vm1, $0x200, v15;
	v15 =	vunpack.c.0.s8.s32 v16;
	v16 =	vsel vm12, $0x4000, v50  }
0xc5: {  	v50 =	vsel vm14, $0x6080, v47;
	v47 =	vsel vm11, $0x6080, v44;
	v14 =	vsel vm2, $0x280, v14  }
0xc6: {  	v16 =	vsel vm13, $0x4080, v16;
	v48 =	vsel vm9, $0x6100, v50;
	v50 =	vimm.s32 $0x15141312  }
0xc7: {  	[tilespmem:$0x1FA40] =	vst v14;
	v14 =	vunpack.c.0.s8.s32 v17;
	v15 =	vand.u32 $0xF, v15;
	v17 =	vsel vm12, $0x4080, v51  }
0xc8: {  	v16 =	vsel vm14, $0x4100, v16;
	v44 =	vsel vm10, $0x6180, v48;
	v17 =	vsel vm13, $0x4100, v17  }
0xc9: {  	v16 =	vsel vm9, $0x4180, v16;
	v14 =	vcombine.low v15, v14;
	v15 =	vimm.s32 $0x3300  }
0xca: {  	v17 =	vsel vm14, $0x4180, v17;
	v16 =	vsel vm10, $0x4200, v16;
	v15 =	vsel vm12, $0x3380, v15  }
0xcb: {  	v17 =	vsel vm9, $0x4200, v17;
	v16 =	vsel vm11, $0x4280, v16;
	[tilespmem:$0x1FA50] =	vst v14;
	v14 =	vimm.s32 $0x1000  }
0xcc: {  	v15 =	vsel vm13, $0x2000, v15;
	v17 =	vsel vm10, $0x4280, v17;
	v16 =	vsel vm6, $0x4300, v16  }
0xcd: {  	v3 =	vsel vm12, $0x1080, v14;
	v14 =	vimm.s32 $0x3280;
	v15 =	vsel vm14, $0x2080, v15  }
0xce: {  	v17 =	vsel vm11, $0x4300, v17;
	v16 =	vsel vm7, $0x4380, v16;
	v2 =	vsel vm13, $0x1100, v3  }
0xcf: {  	v3 =	vcombine.low v4, v5;
	v4 =	vimm.s32 $0x2180;
	v5 =	vimm.s32 $0x2200  }
0xd0: {  	v14 =	vsel vm12, $0x3300, v14;
	v15 =	vsel vm9, $0x2100, v15;
	v17 =	vsel vm6, $0x4380, v17  }
0xd1: {  	v16 =	vsel vm8, $0x5000, v16;
	v2 =	vsel vm14, $0x1180, v2;
	v4 =	vsel vm12, $0x2200, v4  }
0xd2: {  	v5 =	vsel vm12, $0x2280, v5;
	v14 =	vsel vm13, $0x3380, v14;
	v15 =	vsel vm10, $0x2180, v15  }
0xd3: {  	v17 =	vsel vm7, $0x5000, v17;
	v16 =	vsel vm3, $0x5080, v16;
	v1 =	vsel vm9, $0x1200, v2  }
0xd4: {  	v2 =	vand.u32 $0xF, v3;
	v3 =	vcombine.low v7, v9;
	v4 =	vsel vm13, $0x2280, v4  }
0xd5: {  	v5 =	vsel vm13, $0x2300, v5;
	v7 =	vimm.s32 $0x2300;
	v9 =	vimm.s32 $0x3000  }
0xd6: {  	v14 =	vsel vm14, $0x2000, v14;
	v15 =	vsel vm11, $0x2200, v15;
	v17 =	vsel vm8, $0x5080, v17  }
0xd7: {  	v16 =	vsel vm4, $0x5100, v16;
	[tilespmem:$0x1FA80] =	vst v2;
	v1 =	vsel vm10, $0x1280, v1;
	v2 =	vcombine.low v6, v8  }
0xd8: {  	v4 =	vsel vm14, $0x2300, v4;
	v5 =	vsel vm14, $0x2380, v5;
	v6 =	vimm.s32 $0x2280  }
0xd9: {  	v8 =	vimm.s32 $0x2380;
	v7 =	vsel vm12, $0x2380, v7;
	v9 =	vsel vm12, $0x3080, v9  }
0xda: {  	v14 =	vsel vm9, $0x2080, v14;
	v15 =	vsel vm6, $0x2280, v15;
	v1 =	vsel vm11, $0x1300, v1  }
0xdb: {  	v6 =	vsel vm12, $0x2300, v6;
	v8 =	vsel vm12, $0x3000, v8;
	v7 =	vsel vm13, $0x3000, v7  }
0xdc: {  	v9 =	vsel vm13, $0x3100, v9;
	v4 =	vsel vm9, $0x2380, v4;
	v5 =	vsel vm9, $0x3000, v5  }
0xdd: {  	v14 =	vsel vm10, $0x2100, v14;
	v15 =	vsel vm7, $0x2300, v15;
	v1 =	vsel vm6, $0x1380, v1  }
0xde: {  	v2 =	vand.u32 $0xF, v2;
	v6 =	vsel vm13, $0x2380, v6;
	v8 =	vsel vm13, $0x3080, v8  }
0xdf: {  	v7 =	vsel vm14, $0x3080, v7;
	v9 =	vsel vm14, $0x3180, v9;
	v4 =	vsel vm10, $0x3000, v4  }
0xe0: {  	v5 =	vsel vm10, $0x3080, v5;
	v14 =	vsel vm11, $0x2180, v14;
	v15 =	vsel vm8, $0x2380, v15  }
0xe1: {  	[tilespmem:$0x1FA90] =	vst v2;
	v1 =	vsel vm7, $0x0, v1;
	v2 =	vand.u32 $0xF, v3;
	v3 =	vcombine.low v11, v13  }
0xe2: {  	v6 =	vsel vm14, $0x3000, v6;
	v8 =	vsel vm14, $0x3100, v8;
	v11 =	vimm.s32 $0x3100  }
0xe3: {  	v13 =	vimm.s32 $0x3200;
	v4 =	vsel vm11, $0x3080, v4;
	v5 =	vsel vm11, $0x3100, v5  }
0xe4: {  	v7 =	vsel vm9, $0x3100, v7;
	v9 =	vsel vm9, $0x3200, v9;
	v14 =	vsel vm6, $0x2200, v14  }
0xe5: {  	v15 =	vsel vm3, $0x3000, v15;
	[tilespmem:$0x1FAA0] =	vst v2;
	v1 =	vsel vm8, $0x80, v1;
	v2 =	vcombine.low v10, v12  }
0xe6: {  	v10 =	vimm.s32 $0x3080;
	v11 =	vsel vm12, $0x3180, v11;
	v12 =	vimm.s32 $0x3180  }
0xe7: {  	v13 =	vsel vm12, $0x3280, v13;
	v6 =	vsel vm9, $0x3080, v6;
	v8 =	vsel vm9, $0x3180, v8  }
0xe8: {  	v7 =	vsel vm10, $0x3180, v7;
	v9 =	vsel vm10, $0x3280, v9;
	v4 =	vsel vm6, $0x3100, v4  }
0xe9: {  	v5 =	vsel vm6, $0x3180, v5;
	v14 =	vsel vm7, $0x2280, v14;
	v1 =	vsel vm3, $0x100, v1  }
0xea: {  	v10 =	vsel vm12, $0x3100, v10;
	v11 =	vsel vm13, $0x3200, v11;
	v12 =	vsel vm12, $0x3200, v12  }
0xeb: {  	v13 =	vsel vm13, $0x3300, v13;
	v6 =	vsel vm10, $0x3100, v6;
	v8 =	vsel vm10, $0x3200, v8  }
0xec: {  	v7 =	vsel vm11, $0x3200, v7;
	v9 =	vsel vm11, $0x3300, v9;
	v4 =	vsel vm7, $0x3180, v4  }
0xed: {  	v5 =	vsel vm7, $0x3200, v5;
	v14 =	vsel vm8, $0x2300, v14;
	v1 =	vsel vm4, $0x180, v1  }
0xee: {  	v2 =	vand.u32 $0xF, v2;
	v10 =	vsel vm13, $0x3180, v10;
	v11 =	vsel vm14, $0x3280, v11  }
0xef: {  	v12 =	vsel vm13, $0x3280, v12;
	v13 =	vsel vm14, $0x3380, v13;
	v6 =	vsel vm11, $0x3180, v6  }
0xf0: {  	v8 =	vsel vm11, $0x3280, v8;
	v4 =	vsel vm8, $0x3200, v4;
	v5 =	vsel vm8, $0x3280, v5  }
0xf1: {  	v7 =	vsel vm6, $0x3280, v7;
	v9 =	vsel vm6, $0x3380, v9;
	v14 =	vsel vm3, $0x2380, v14  }
0xf2: {  	[tilespmem:$0x1FAB0] =	vst v2;
	v1 =	vsel vm5, $0x200, v1;
	v2 =	vand.u32 $0xF, v3;
	v3 =	vimm.s32 $0x2100  }
0xf3: {  	v10 =	vsel vm14, $0x3200, v10;
	v12 =	vsel vm14, $0x3300, v12;
	v11 =	vsel vm9, $0x3300, v11  }
0xf4: {  	v13 =	vsel vm9, $0x2000, v13;
	v6 =	vsel vm6, $0x3200, v6;
	v8 =	vsel vm6, $0x3300, v8  }
0xf5: {  	v7 =	vsel vm7, $0x3300, v7;
	v9 =	vsel vm7, $0x2000, v9;
	v4 =	vsel vm3, $0x3280, v4  }
0xf6: {  	[tilespmem:$0x1FAD0] =	vst v0;
	v5 =	vsel vm3, $0x3300, v5;
	v0 =	vsel vm0, $0x280, v1;
	v1 =	vimm.s32 $0x1080  }
0xf7: {  	[tilespmem:$0x1FAC0] =	vst v2;
	v2 =	vimm.s32 $0x1100;
	v3 =	vsel vm12, $0x2180, v3;
	v10 =	vsel vm9, $0x3280, v10  }
0xf8: {  	v11 =	vsel vm10, $0x3380, v11;
	v12 =	vsel vm9, $0x3380, v12;
	v13 =	vsel vm10, $0x2080, v13  }
0xf9: {  	v6 =	vsel vm7, $0x3280, v6;
	v8 =	vsel vm7, $0x3380, v8;
	v7 =	vsel vm8, $0x3380, v7  }
0xfa: {  	v9 =	vsel vm8, $0x2080, v9;
	v4 =	vsel vm4, $0x3300, v4;
	v5 =	vsel vm4, $0x3380, v5  }
0xfb: {  	v0 =	vsel vm1, $0x300, v0;
	v3 =	vsel vm13, $0x2200, v3;
	v10 =	vsel vm10, $0x3300, v10  }
0xfc: {  	v11 =	vsel vm11, $0x2000, v11;
	v12 =	vsel vm10, $0x2000, v12;
	v13 =	vsel vm11, $0x2100, v13  }
0xfd: {  	v6 =	vsel vm8, $0x3300, v6;
	v8 =	vsel vm8, $0x2000, v8;
	v4 =	vsel vm5, $0x3380, v4  }
0xfe: {  	v5 =	vsel vm5, $0x2000, v5;
	v7 =	vsel vm3, $0x2000, v7;
	v9 =	vsel vm3, $0x2100, v9  }
0xff: {  	v0 =	vsel vm2, $0x380, v0;
	v3 =	vsel vm14, $0x2280, v3;
	v10 =	vsel vm11, $0x3380, v10  }
0x100: {  	v12 =	vsel vm11, $0x2080, v12;
	v11 =	vsel vm6, $0x2080, v11;
	v13 =	vsel vm6, $0x2180, v13  }
0x101: {  	v6 =	vsel vm3, $0x3380, v6;
	v8 =	vsel vm3, $0x2080, v8;
	[tilespmem:$0x1FAE0] =	vst v0;
	v0 =	vsel vm12, $0x1100, v1  }
0x102: {  	v7 =	vsel vm4, $0x2080, v7;
	v1 =	vsel vm12, $0x1180, v2;
	v0 =	vsel vm13, $0x1180, v0  }
0x103: {  	v9 =	vsel vm4, $0x2180, v9;
	v1 =	vsel vm13, $0x1200, v1;
	v0 =	vsel vm14, $0x1200, v0  }
0x104: {  	v2 =	vimm.s32 $0x1180;
	v1 =	vsel vm14, $0x1280, v1;
	v0 =	vsel vm9, $0x1280, v0  }
0x105: {  	v2 =	vsel vm12, $0x1200, v2;
	v1 =	vsel vm9, $0x1300, v1;
	v0 =	vsel vm10, $0x1300, v0  }
0x106: {  	v2 =	vsel vm13, $0x1280, v2;
	v1 =	vsel vm10, $0x1380, v1;
	v0 =	vsel vm11, $0x1380, v0  }
0x107: {  	v2 =	vsel vm14, $0x1300, v2;
	v1 =	vsel vm11, $0x0, v1;
	v0 =	vsel vm6, $0x0, v0  }
0x108: {  	v2 =	vsel vm9, $0x1380, v2;
	v1 =	vsel vm6, $0x80, v1;
	v0 =	vsel vm7, $0x80, v0  }
0x109: {  	v2 =	vsel vm10, $0x0, v2;
	v1 =	vsel vm7, $0x100, v1;
	v0 =	vsel vm8, $0x100, v0  }
0x10a: {  	v2 =	vsel vm11, $0x80, v2;
	v1 =	vsel vm8, $0x180, v1;
	v0 =	vsel vm3, $0x180, v0  }
0x10b: {  	v2 =	vsel vm6, $0x100, v2;
	v1 =	vsel vm3, $0x200, v1;
	v0 =	vsel vm4, $0x200, v0  }
0x10c: {  	v2 =	vsel vm7, $0x180, v2;
	v1 =	vsel vm4, $0x280, v1;
	v0 =	vsel vm5, $0x280, v0  }
0x10d: {  	v2 =	vsel vm8, $0x200, v2;
	v1 =	vsel vm5, $0x300, v1;
	v0 =	vsel vm0, $0x300, v0  }
0x10e: {  	v2 =	vsel vm3, $0x280, v2;
	v1 =	vsel vm0, $0x380, v1;
	v0 =	vsel vm1, $0x380, v0  }
0x10f: {  	v2 =	vsel vm4, $0x300, v2;
	v1 =	vsel vm1, $0x1000, v1;
	v0 =	vsel vm2, $0x1000, v0  }
0x110: {  	v3 =	vsel vm9, $0x2300, v3;
	v2 =	vsel vm5, $0x380, v2;
	[tilespmem:$0x1FAF0] =	vst v0;
	v0 =	vsel vm2, $0x1080, v1  }
0x111: {  	v10 =	vsel vm6, $0x2000, v10;
	v11 =	vsel vm7, $0x2100, v11;
	[tilespmem:$0x1FB00] =	vst v0;
	v0 =	vsel vm0, $0x1000, v2  }
0x112: {  	v12 =	vsel vm6, $0x2100, v12;
	v13 =	vsel vm7, $0x2200, v13;
	v0 =	vsel vm1, $0x1080, v0  }
0x113: {  	v6 =	vsel vm4, $0x2000, v6;
	v1 =	vimm.s32 $0x1200;
	v0 =	vsel vm2, $0x1100, v0  }
0x114: {  	v8 =	vsel vm4, $0x2100, v8;
	v2 =	vimm.s32 $0x1280;
	[tilespmem:$0x1FB10] =	vst v0;
	v0 =	vsel vm12, $0x1280, v1  }
0x115: {  	v3 =	vsel vm10, $0x2380, v3;
	v1 =	vsel vm12, $0x1300, v2;
	v0 =	vsel vm13, $0x1300, v0  }
0x116: {  	v3 =	vsel vm11, $0x3000, v3;
	v1 =	vsel vm13, $0x1380, v1;
	v0 =	vsel vm14, $0x1380, v0  }
0x117: {  	v2 =	vimm.s32 $0x1300;
	v1 =	vsel vm14, $0x0, v1;
	v0 =	vsel vm9, $0x0, v0  }
0x118: {  	v2 =	vsel vm12, $0x1380, v2;
	v1 =	vsel vm9, $0x80, v1;
	v0 =	vsel vm10, $0x80, v0  }
0x119: {  	v2 =	vsel vm13, $0x0, v2;
	v1 =	vsel vm10, $0x100, v1;
	v0 =	vsel vm11, $0x100, v0  }
0x11a: {  	v2 =	vsel vm14, $0x80, v2;
	v1 =	vsel vm11, $0x180, v1;
	v0 =	vsel vm6, $0x180, v0  }
0x11b: {  	v2 =	vsel vm9, $0x100, v2;
	v1 =	vsel vm6, $0x200, v1;
	v0 =	vsel vm7, $0x200, v0  }
0x11c: {  	v2 =	vsel vm10, $0x180, v2;
	v1 =	vsel vm7, $0x280, v1;
	v0 =	vsel vm8, $0x280, v0  }
0x11d: {  	v2 =	vsel vm11, $0x200, v2;
	v1 =	vsel vm8, $0x300, v1;
	v0 =	vsel vm3, $0x300, v0  }
0x11e: {  	v2 =	vsel vm6, $0x280, v2;
	v1 =	vsel vm3, $0x380, v1;
	v0 =	vsel vm4, $0x380, v0  }
0x11f: {  	v2 =	vsel vm7, $0x300, v2;
	v1 =	vsel vm4, $0x1000, v1;
	v0 =	vsel vm5, $0x1000, v0  }
0x120: {  	v2 =	vsel vm8, $0x380, v2;
	v1 =	vsel vm5, $0x1080, v1;
	v0 =	vsel vm0, $0x1080, v0  }
0x121: {  	v2 =	vsel vm3, $0x1000, v2;
	v1 =	vsel vm0, $0x1100, v1;
	v0 =	vsel vm1, $0x1100, v0  }
0x122: {  	v2 =	vsel vm4, $0x1080, v2;
	v1 =	vsel vm1, $0x1180, v1;
	v0 =	vsel vm2, $0x1180, v0  }
0x123: {  	v3 =	vsel vm6, $0x3080, v3;
	v2 =	vsel vm5, $0x1100, v2;
	[tilespmem:$0x1FB20] =	vst v0;
	v0 =	vsel vm2, $0x1200, v1  }
0x124: {  	v7 =	vsel vm5, $0x2100, v7;
	v3 =	vsel vm7, $0x3100, v3;
	[tilespmem:$0x1FB30] =	vst v0;
	v0 =	vsel vm0, $0x1180, v2  }
0x125: {  	v9 =	vsel vm5, $0x2200, v9;
	v3 =	vsel vm8, $0x3180, v3;
	v0 =	vsel vm1, $0x1200, v0  }
0x126: {  	v3 =	vsel vm3, $0x3200, v3;
	v1 =	vimm.s32 $0x1C1B1A19;
	v0 =	vsel vm2, $0x1280, v0  }
0x127: {  	v2 =	vimm.s32 $0x101F1E1D;
	v63 =	vunpack.c.0.s8.s32 v1;
	[tilespmem:$0x1FB40] =	vst v0;
	v0 =	vimm.s32 $0x3380  }
0x128: {  	v1 =	vimm.s32 $0x2000;
	v55 =	vunpack.c.0.s8.s32 v2;
	v0 =	vsel vm12, $0x2000, v0  }
0x129: {  	v2 =	vimm.s32 $0x2080;
	v1 =	vsel vm12, $0x2080, v1;
	v0 =	vsel vm13, $0x2080, v0  }
0x12a: {  	v2 =	vsel vm12, $0x2100, v2;
	v1 =	vsel vm13, $0x2100, v1;
	v0 =	vsel vm14, $0x2100, v0  }
0x12b: {  	v2 =	vsel vm13, $0x2180, v2;
	v1 =	vsel vm14, $0x2180, v1;
	v0 =	vsel vm9, $0x2180, v0  }
0x12c: {  	v2 =	vsel vm14, $0x2200, v2;
	v1 =	vsel vm9, $0x2200, v1;
	v0 =	vsel vm10, $0x2200, v0  }
0x12d: {  	v2 =	vsel vm9, $0x2280, v2;
	v1 =	vsel vm10, $0x2280, v1;
	v0 =	vsel vm11, $0x2280, v0  }
0x12e: {  	v2 =	vsel vm10, $0x2300, v2;
	v1 =	vsel vm11, $0x2300, v1;
	v0 =	vsel vm6, $0x2300, v0  }
0x12f: {  	v2 =	vsel vm11, $0x2380, v2;
	v1 =	vsel vm6, $0x2380, v1;
	v0 =	vsel vm7, $0x2380, v0  }
0x130: {  	v2 =	vsel vm6, $0x3000, v2;
	v1 =	vsel vm7, $0x3000, v1;
	v0 =	vsel vm8, $0x3000, v0  }
0x131: {  	v2 =	vsel vm7, $0x3080, v2;
	v1 =	vsel vm8, $0x3080, v1;
	v0 =	vsel vm3, $0x3080, v0  }
0x132: {  	v2 =	vsel vm8, $0x3100, v2;
	v1 =	vsel vm3, $0x3100, v1;
	v0 =	vsel vm4, $0x3100, v0  }
0x133: {  	v2 =	vsel vm3, $0x3180, v2;
	v1 =	vsel vm4, $0x3180, v1;
	v0 =	vsel vm5, $0x3180, v0  }
0x134: {  	v2 =	vsel vm4, $0x3200, v2;
	v1 =	vsel vm5, $0x3200, v1;
	v0 =	vsel vm0, $0x3200, v0  }
0x135: {  	v2 =	vsel vm5, $0x3280, v2;
	v1 =	vsel vm0, $0x3280, v1;
	v0 =	vsel vm1, $0x3280, v0  }
0x136: {  	v2 =	vsel vm0, $0x3300, v2;
	v1 =	vsel vm1, $0x3300, v1;
	v0 =	vsel vm2, $0x3300, v0  }
0x137: {  	v3 =	vsel vm4, $0x3280, v3;
	v2 =	vsel vm1, $0x3380, v2;
	[tilespmem:$0x1FB50] =	vst v0;
	v0 =	vsel vm2, $0x3380, v1  }
0x138: {  	v10 =	vsel vm7, $0x2080, v10;
	v3 =	vsel vm5, $0x3300, v3;
	[tilespmem:$0x1FB60] =	vst v0;
	v0 =	vsel vm2, $0x2000, v2  }
0x139: {  	v11 =	vsel vm8, $0x2180, v11;
	v12 =	vsel vm7, $0x2180, v12;
	[tilespmem:$0x1FB70] =	vst v0;
	v0 =	vsel vm0, $0x3380, v3  }
0x13a: {  	v13 =	vsel vm8, $0x2280, v13;
	v1 =	vsel vm0, $0x2000, v4;
	v0 =	vsel vm1, $0x2000, v0  }
0x13b: {  	v2 =	vsel vm0, $0x2080, v5;
	v1 =	vsel vm1, $0x2080, v1;
	v0 =	vsel vm2, $0x2080, v0  }
0x13c: {  	v6 =	vsel vm5, $0x2080, v6;
	v2 =	vsel vm1, $0x2100, v2;
	[tilespmem:$0x1FB80] =	vst v0;
	v0 =	vsel vm2, $0x2100, v1  }
0x13d: {  	v8 =	vsel vm5, $0x2180, v8;
	v10 =	vsel vm8, $0x2100, v10;
	[tilespmem:$0x1FB90] =	vst v0;
	v0 =	vsel vm2, $0x2180, v2  }
0x13e: {  	v12 =	vsel vm8, $0x2200, v12;
	v11 =	vsel vm3, $0x2200, v11;
	[tilespmem:$0x1FBA0] =	vst v0;
	v0 =	vsel vm0, $0x2100, v6  }
0x13f: {  	v13 =	vsel vm3, $0x2300, v13;
	v1 =	vsel vm0, $0x2180, v7;
	v0 =	vsel vm1, $0x2180, v0  }
0x140: {  	v2 =	vsel vm0, $0x2200, v8;
	v1 =	vsel vm1, $0x2200, v1;
	v0 =	vsel vm2, $0x2200, v0  }
0x141: {  	v10 =	vsel vm3, $0x2180, v10;
	v2 =	vsel vm1, $0x2280, v2;
	[tilespmem:$0x1FBB0] =	vst v0;
	v0 =	vsel vm2, $0x2280, v1  }
0x142: {  	v11 =	vsel vm4, $0x2280, v11;
	v10 =	vsel vm4, $0x2200, v10;
	[tilespmem:$0x1FBC0] =	vst v0;
	v0 =	vsel vm2, $0x2300, v2  }
0x143: {  	v12 =	vsel vm3, $0x2280, v12;
	v10 =	vsel vm5, $0x2280, v10;
	[tilespmem:$0x1FBD0] =	vst v0;
	v0 =	vsel vm0, $0x2280, v9  }
0x144: {  	v11 =	vsel vm5, $0x2300, v11;
	v1 =	vsel vm0, $0x2300, v10;
	v0 =	vsel vm1, $0x2300, v0  }
0x145: {  	v2 =	vsel vm0, $0x2380, v11;
	v1 =	vsel vm1, $0x2380, v1;
	v0 =	vsel vm2, $0x2380, v0  }
0x146: {  	v12 =	vsel vm4, $0x2300, v12;
	v2 =	vsel vm1, $0x3000, v2;
	[tilespmem:$0x1FBE0] =	vst v0;
	v0 =	vsel vm2, $0x3000, v1  }
0x147: {  	v13 =	vsel vm4, $0x2380, v13;
	v12 =	vsel vm5, $0x2380, v12;
	[tilespmem:$0x1FBF0] =	vst v0;
	v0 =	vsel vm2, $0x3080, v2  }
0x148: {  	v14 =	vsel vm4, $0x3000, v14;
	v13 =	vsel vm5, $0x3000, v13;
	[tilespmem:$0x1FC00] =	vst v0;
	v0 =	vsel vm0, $0x3000, v12  }
0x149: {  	v14 =	vsel vm5, $0x3080, v14;
	v1 =	vsel vm0, $0x3080, v13;
	v0 =	vsel vm1, $0x3080, v0  }
0x14a: {  	v2 =	vsel vm0, $0x3100, v14;
	v1 =	vsel vm1, $0x3100, v1;
	v0 =	vsel vm2, $0x3100, v0  }
0x14b: {  	v15 =	vsel vm4, $0x3080, v15;
	v2 =	vsel vm1, $0x3180, v2;
	[tilespmem:$0x1FC10] =	vst v0;
	v0 =	vsel vm2, $0x3180, v1  }
0x14c: {  	v17 =	vsel vm3, $0x5100, v17;
	v15 =	vsel vm5, $0x3100, v15;
	[tilespmem:$0x1FC20] =	vst v0;
	v0 =	vsel vm2, $0x3200, v2  }
0x14d: {  	v16 =	vsel vm5, $0x5180, v16;
	v17 =	vsel vm4, $0x5180, v17;
	[tilespmem:$0x1FC30] =	vst v0;
	v0 =	vsel vm0, $0x3180, v15  }
0x14e: {  	v17 =	vsel vm5, $0x5200, v17;
	v1 =	vsel vm0, $0x5200, v16;
	v0 =	vsel vm1, $0x3200, v0  }
0x14f: {  	v2 =	vsel vm0, $0x5280, v17;
	v1 =	vsel vm1, $0x5280, v1;
	v0 =	vsel vm2, $0x3280, v0  }
0x150: {  	v51 =	vsel vm11, $0x6100, v42;
	v2 =	vsel vm1, $0x5300, v2;
	[tilespmem:$0x1FC40] =	vst v0;
	v0 =	vsel vm2, $0x5300, v1  }
0x151: {  	v60 =	vunpack.c.0.s8.s32 v50;
	v42 =	vsel vm8, $0x7380, v39;
	[tilespmem:$0x1FC50] =	vst v0;
	v0 =	vsel vm2, $0x5380, v2  }
0x152: {  	v48 =	vsel vm6, $0x6000, v45;
	v50 =	vsel vm6, $0x6100, v47;
	[tilespmem:$0x1FC60] =	vst v0;
	v0 =	vsel vm0, $0x5300, v18  }
0x153: {  	v45 =	vimm.s32 $0x1E1D1C1B;
	v1 =	vsel vm0, $0x5380, v19;
	v0 =	vsel vm1, $0x5380, v0  }
0x154: {  	v2 =	vsel vm0, $0x4000, v20;
	v1 =	vsel vm1, $0x4000, v1;
	v0 =	vsel vm2, $0x4000, v0  }
0x155: {  	v47 =	vimm.s32 $0x16151413;
	v2 =	vsel vm1, $0x4080, v2;
	[tilespmem:$0x1FC70] =	vst v0;
	v0 =	vsel vm2, $0x4080, v1  }
0x156: {  	v53 =	vsel vm11, $0x6200, v44;
	v44 =	vsel vm8, $0x6080, v41;
	[tilespmem:$0x1FC80] =	vst v0;
	v0 =	vsel vm2, $0x4100, v2  }
0x157: {  	v39 =	vsel vm7, $0x6080, v48;
	v41 =	vsel vm7, $0x6180, v50;
	[tilespmem:$0x1FC90] =	vst v0;
	v0 =	vsel vm0, $0x4080, v21  }
0x158: {  	v51 =	vsel vm6, $0x6180, v51;
	v1 =	vsel vm0, $0x4100, v22;
	v0 =	vsel vm1, $0x4100, v0  }
0x159: {  	v2 =	vsel vm0, $0x4180, v23;
	v1 =	vsel vm1, $0x4180, v1;
	v0 =	vsel vm2, $0x4180, v0  }
0x15a: {  	v42 =	vsel vm3, $0x6000, v42;
	v2 =	vsel vm1, $0x4200, v2;
	[tilespmem:$0x1FCA0] =	vst v0;
	v0 =	vsel vm2, $0x4200, v1  }
0x15b: {  	v48 =	vsel vm8, $0x6100, v39;
	v50 =	vsel vm8, $0x6200, v41;
	[tilespmem:$0x1FCB0] =	vst v0;
	v0 =	vsel vm2, $0x4280, v2  }
0x15c: {  	v54 =	vsel vm6, $0x6280, v53;
	v39 =	vsel vm7, $0x6200, v51;
	[tilespmem:$0x1FCC0] =	vst v0;
	v0 =	vsel vm0, $0x4200, v24  }
0x15d: {  	v44 =	vsel vm3, $0x6100, v44;
	v1 =	vsel vm0, $0x4280, v25;
	v0 =	vsel vm1, $0x4280, v0  }
0x15e: {  	v2 =	vsel vm0, $0x4300, v26;
	v1 =	vsel vm1, $0x4300, v1;
	v0 =	vsel vm2, $0x4300, v0  }
0x15f: {  	v42 =	vsel vm4, $0x6080, v42;
	v2 =	vsel vm1, $0x4380, v2;
	[tilespmem:$0x1FCD0] =	vst v0;
	v0 =	vsel vm2, $0x4380, v1  }
0x160: {  	v51 =	vsel vm3, $0x6380, v52;
	v41 =	vsel vm7, $0x6300, v54;
	[tilespmem:$0x1FCE0] =	vst v0;
	v0 =	vsel vm2, $0x5000, v2  }
0x161: {  	v56 =	vsel vm8, $0x6280, v39;
	v39 =	vunpack.c.0.s8.s32 v45;
	[tilespmem:$0x1FCF0] =	vst v0;
	v0 =	vsel vm0, $0x4380, v27  }
0x162: {  	v44 =	vsel vm4, $0x6180, v44;
	v1 =	vsel vm0, $0x5000, v28;
	v0 =	vsel vm1, $0x5000, v0  }
0x163: {  	v2 =	vsel vm0, $0x5080, v29;
	v1 =	vsel vm1, $0x5080, v1;
	v0 =	vsel vm2, $0x5080, v0  }
0x164: {  	v45 =	vsel vm5, $0x6100, v42;
	v2 =	vsel vm1, $0x5100, v2;
	[tilespmem:$0x1FD00] =	vst v0;
	v0 =	vsel vm2, $0x5100, v1  }
0x165: {  	v48 =	vsel vm3, $0x6180, v48;
	v54 =	vsel vm3, $0x6280, v50;
	[tilespmem:$0x1FD10] =	vst v0;
	v0 =	vsel vm2, $0x5180, v2  }
0x166: {  	v43 =	vsel vm4, $0x7000, v51;
	v53 =	vsel vm8, $0x6380, v41;
	[tilespmem:$0x1FD20] =	vst v0;
	v0 =	vsel vm0, $0x5100, v30  }
0x167: {  	v41 =	vunpack.c.0.s8.s32 v47;
	v1 =	vsel vm0, $0x5180, v31;
	v0 =	vsel vm1, $0x5180, v0  }
0x168: {  	v2 =	vsel vm0, $0x7200, v32;
	v1 =	vsel vm1, $0x5200, v1;
	v0 =	vsel vm2, $0x5200, v0  }
0x169: {  	v47 =	vsel vm5, $0x6200, v44;
	v2 =	vsel vm1, $0x7280, v2;
	[tilespmem:$0x1FD30] =	vst v0;
	v0 =	vsel vm2, $0x5280, v1  }
0x16a: {  	v42 =	vsel vm4, $0x6200, v48;
	v44 =	vsel vm4, $0x6300, v54;
	[tilespmem:$0x1FD40] =	vst v0;
	v0 =	vsel vm2, $0x7300, v2  }
0x16b: {  	v56 =	vsel vm3, $0x6300, v56;
	v48 =	vsel vm5, $0x6280, v42;
	[tilespmem:$0x1FD50] =	vst v0;
	v0 =	vsel vm0, $0x7280, v33  }
0x16c: {  	v50 =	vsel vm5, $0x6380, v44;
	v1 =	vsel vm0, $0x7300, v34;
	v0 =	vsel vm1, $0x7300, v0  }
0x16d: {  	v2 =	vsel vm0, $0x7380, v35;
	v1 =	vsel vm1, $0x7380, v1;
	v0 =	vsel vm2, $0x7380, v0  }
0x16e: {  	v52 =	vsel vm3, $0x7000, v53;
	v2 =	vsel vm1, $0x6000, v2;
	[tilespmem:$0x1FD60] =	vst v0;
	v0 =	vsel vm2, $0x6000, v1  }
0x16f: {  	v42 =	vsel vm4, $0x6380, v56;
	v44 =	vsel vm4, $0x7080, v52;
	[tilespmem:$0x1FD70] =	vst v0;
	v0 =	vsel vm2, $0x6080, v2  }
0x170: {  	v51 =	vsel vm5, $0x7000, v42;
	v52 =	vsel vm5, $0x7080, v43;
	[tilespmem:$0x1FD80] =	vst v0;
	v0 =	vsel vm0, $0x6000, v36  }
0x171: {  	v56 =	vsel vm5, $0x7100, v44;
	v1 =	vsel vm0, $0x6080, v37;
	v0 =	vsel vm1, $0x6080, v0  }
0x172: {  	v2 =	vsel vm0, $0x6100, v38;
	v1 =	vsel vm1, $0x6100, v1;
	v0 =	vsel vm2, $0x6100, v0  }
0x173: {  	v2 =	vsel vm1, $0x6180, v2;
	[tilespmem:$0x1FD90] =	vst v0;
	v0 =	vsel vm2, $0x6180, v1;
	v1 =	vsel vm0, $0x6200, v46  }
0x174: {  	[tilespmem:$0x1FDA0] =	vst v0;
	v0 =	vsel vm2, $0x6200, v2;
	v2 =	vsel vm0, $0x6280, v47;
	v1 =	vsel vm1, $0x6280, v1  }
0x175: {  	[tilespmem:$0x1FDB0] =	vst v0;
	v0 =	vsel vm0, $0x6180, v45;
	v2 =	vsel vm1, $0x6300, v2;
	v20 =	vsel vm2, $0x6300, v1  }
0x176: {  	v1 =	vsel vm0, $0x6380, v49;
	v0 =	vsel vm1, $0x6200, v0;
	v21 =	vsel vm2, $0x6380, v2  }
0x177: {  	v2 =	vsel vm0, $0x7000, v50;
	v1 =	vsel vm1, $0x7000, v1;
	v46 =	vsel vm2, $0x6280, v0  }
0x178: {  	v0 =	vsel vm0, $0x6300, v48;
	v2 =	vsel vm1, $0x7080, v2;
	v23 =	vsel vm2, $0x7080, v1  }
0x179: {  	v1 =	vsel vm0, $0x7100, v52;
	v0 =	vsel vm1, $0x6380, v0;
	v22 =	vsel vm2, $0x7100, v2  }
0x17a: {  	v2 =	vsel vm0, $0x7180, v56;
	v1 =	vsel vm1, $0x7180, v1;
	v4 =	vsel vm2, $0x7000, v0  }
0x17b: {  	v0 =	vsel vm0, $0x7080, v51;
	v2 =	vsel vm1, $0x7200, v2;
	v37 =	vsel vm2, $0x7200, v1  }
0x17c: {  	v1 =	vimm.s32 $0x1B1A1918;
	v0 =	vsel vm1, $0x7100, v0;
	v38 =	vsel vm2, $0x7280, v2  }
0x17d: {  	v2 =	vimm.s32 $0x2C2B2A29;
	v36 =	vsel vm2, $0x7180, v0;
	v0 =	vimm.s32 $0x17161514  }
0x17e: {  	v7 =	vmovc v55;
	v47 =	vunpack.c.0.s8.s32 v1;
	v55 =	vunpack.c.0.s8.s32 v0;
	v0 =	vimm.s32 $0x202F2E2D  }
0x17f: {  	v1 =	vimm.s32 $0x24232221;
	v49 =	vunpack.c.0.s8.s32 v0;
	v0 =	vimm.s32 $0x2D2C2B2A  }
0x180: {  	v10 =	vmovc v58;
	v48 =	vunpack.c.0.s8.s32 v2;
	v58 =	vunpack.c.0.s8.s32 v0;
	v0 =	vimm.s32 $0x29282726  }
0x181: {  	v11 =	vmovc v59;
	v59 =	vunpack.c.0.s8.s32 v1;
	v1 =	vimm.s32 $0x21202F2E;
	v0 =	vunpack.c.0.s8.s32 v0  }
0x182: {  	v8 =	vmovc v62;
	v2 =	vimm.s32 $0x28272625;
	v62 =	vunpack.c.0.s8.s32 v1;
	v1 =	vimm.s32 $0x2E2D2C2B  }
0x183: {  	v12 =	vmovc v60;
	v60 =	vunpack.c.0.s8.s32 v2;
	v2 =	vimm.s32 $0x25242322;
	[tilespmem:$0x1FDC0] =	vst v0;
	v0 =	vunpack.c.0.s8.s32 v1  }
0x184: {  	v6 =	vmov v63;
	v63 =	vunpack.c.0.s8.s32 v2;
	v2 =	vimm.s32 $0x2221202F  }
0x185: {  	[tilespmem:$0x1FDD0] =	vst v0;
	v0 =	vunpack.c.0.s8.s32 v2;
	_ =	sdelay $0x1  }
0x186: {  	[tilespmem:$0x1FDE0] =	vst v0;
	v0 =	vimm.s32 $0x26252423  }
0x187: {  	v0 =	vunpack.c.0.s8.s32 v0  }
0x188: {  	v1 =	vimm.s32 $0x2A292827  }
0x189: {  	[tilespmem:$0x1FDF0] =	vst v0;
	v0 =	vunpack.c.0.s8.s32 v1  }
0x18a: {  	v2 =	vimm.s32 $0x2F2E2D2C  }
0x18b: {  	[tilespmem:$0x1FE00] =	vst v0;
	v0 =	vunpack.c.0.s8.s32 v2;
	_ =	sdelay $0x1  }
0x18c: {  	[tilespmem:$0x1FE10] =	vst v0;
	v0 =	vimm.s32 $0x23222120  }
0x18d: {  	v0 =	vunpack.c.0.s8.s32 v0  }
0x18e: {  	v1 =	vimm.s32 $0x27262524  }
0x18f: {  	[tilespmem:$0x1FE20] =	vst v0;
	v0 =	vunpack.c.0.s8.s32 v1  }
0x190: {  	v2 =	vimm.s32 $0x2B2A2928  }
0x191: {  	[tilespmem:$0x1FE30] =	vst v0;
	v0 =	vunpack.c.0.s8.s32 v2;
	_ =	sdelay $0x1  }
0x192: {  	[tilespmem:$0x1FE40] =	vst v0;
	v0 =	vimm.s32 $0x3C3B3A39  }
0x193: {  	v0 =	vunpack.c.0.s8.s32 v0  }
0x194: {  	v1 =	vimm.s32 $0x303F3E3D  }
0x195: {  	[tilespmem:$0x1FE50] =	vst v0;
	v0 =	vunpack.c.0.s8.s32 v1  }
0x196: {  	v2 =	vimm.s32 $0x34333231  }
0x197: {  	[tilespmem:$0x1FE60] =	vst v0;
	v0 =	vunpack.c.0.s8.s32 v2;
	_ =	sdelay $0x1  }
0x198: {  	[tilespmem:$0x1FE70] =	vst v0;
	v0 =	vimm.s32 $0x38373635  }
0x199: {  	v0 =	vunpack.c.0.s8.s32 v0  }
0x19a: {  	v1 =	vimm.s32 $0x3D3C3B3A  }
0x19b: {  	[tilespmem:$0x1FE80] =	vst v0;
	v0 =	vunpack.c.0.s8.s32 v1  }
0x19c: {  	s4 =	rddreg [dreg:$0x0];
	v2 =	vimm.s32 $0x31303F3E  }
0x19d: {  	s3 =	rddreg [dreg:$0x1];
	[tilespmem:$0x1FE90] =	vst v0;
	v0 =	vunpack.c.0.s8.s32 v2  }
0x19e: {  	s5 =	rddreg [dreg:$0x2];
	s0 =	simm.s32 $0x0  }
0x19f: {  	[smem:$0x7FF] =	sst s0;
	[tilespmem:$0x1FEA0] =	vst v0;
	v0 =	vimm.s32 $0x35343332  }
0x1a0: {  	s1 =	rddreg [dreg:$0x3];
	_ =	strace $0x8000004A;
	v0 =	vunpack.c.0.s8.s32 v0;
	[tilespmem:$0x1FF40] =	vst v38  }
0x1a1: {  	v1 =	vimm.s32 $0x39383736;
	[tilespmem:$0x1FF50] =	vst v37  }
0x1a2: {  	[tilespmem:$0x1FEB0] =	vst v0;
	v0 =	vunpack.c.0.s8.s32 v1  }
0x1a3: {  	v2 =	vimm.s32 $0x3E3D3C3B;
	[tilespmem:$0x1FF60] =	vst v4  }
0x1a4: {  	[tilespmem:$0x1FEC0] =	vst v0;
	v0 =	vunpack.c.0.s8.s32 v2  }
0x1a5: {  	[tilespmem:$0x1FF70] =	vst v22  }
0x1a6: {  	[tilespmem:$0x1FED0] =	vst v0;
	v0 =	vimm.s32 $0x3231303F  }
0x1a7: {  	[tilespmem:$0x1FF80] =	vst v7;
	v0 =	vunpack.c.0.s8.s32 v0  }
0x1a8: {  	[tilespmem:$0x1FF90] =	vst v20;
	v1 =	vimm.s32 $0x36353433  }
0x1a9: {  	[tilespmem:$0x1FEE0] =	vst v0;
	v0 =	vunpack.c.0.s8.s32 v1  }
0x1aa: {  	[tilespmem:$0x1FFA0] =	vst v6;
	v2 =	vimm.s32 $0x3A393837  }
0x1ab: {  	v9 =	vmov v57;
	[tilespmem:$0x1FEF0] =	vst v0;
	v0 =	vunpack.c.0.s8.s32 v2  }
0x1ac: {  	s10 =	simm.s32 $0x400;
	[tilespmem:$0x1FFB0] =	vst v9;
	v1 =	vimm.s32 $0x3F3E3D3C  }
0x1ad: {  	s12 =	simm.s32 $0x4400;
	s13 =	simm.s32 $0x1000;
	v54 =	vimm.s32 $0x13121110;
	[tilespmem:$0x1FF00] =	vst v0;
	v0 =	vunpack.c.0.s8.s32 v1  }
0x1ae: {  	s6 =	srdreg.scid;
	s14 =	simm.s32 $0x20000;
	v53 =	vimm.s32 $0x1F1E1D1C;
	v54 =	vunpack.c.0.s8.s32 v54;
	[tilespmem:$0x1FFC0] =	vst v21;
	v2 =	vimm.s32 $0x33323130  }
0x1af: {  	s2 =	stileid.u32;
	s11 =	simm.s32 $0x1;
	s6 =	sand.u32 $0x1, s6;
	v42 =	vimm.s32 $0x1A191817;
	v5 =	vimm.s32 $0x3B3A3938;
	[tilespmem:$0x1FF10] =	vst v0;
	v0 =	vunpack.c.0.s8.s32 v2  }
0x1b0: {  	s8 =	sshll.u32 s2, $0xA;
	s7 =	ssub.s32 $0x2, s6;
	s6 =	sshll.u32 s6, $0x9;
	v3 =	vimm.s32 $0x37363534;
	v57 =	vunpack.c.0.s8.s32 v5;
	vm0 =	vcmask $0x1F10;
	[tilespmem:$0x1FFD0] =	vst v36  }
0x1b1: {  	s15 =	simm.s32 $0x0;
	s9 =	sshrl.u32 s7, $0x1;
	s6 =	sor.u32 s6, s8;
	v5 =	vsel vm0, v11, v10;
	v30 =	vsel vm0, v61, v12;
	[tilespmem:$0x1FF20] =	vst v0;
	v0 =	vunpack.c.0.s8.s32 v3  }
0x1b2: {  	s3 =	sadd.s32 $0x800, s3;
	s7 =	ssub.s32 s7, s9;
	s8 =	sshrl.u32 s6, $0x3;
	v43 =	vunpack.c.0.s8.s32 v53;
	v42 =	vunpack.c.0.s8.s32 v42;
	v33 =	vcombine.low v30, v5;
	[tilespmem:$0x1FFE0] =	vst v8  }
0x1b3: {  	s5 =	sadd.s32 s5, s6;
	s9 =	simm.s32 $0x200;
	s4 =	sadd.s32 s4, s8;
	v2 =	vsel vm0, v7, v6;
	v3 =	vsel vm0, v9, v8;
	[tilespmem:$0x1FF30] =	vst v0;
	v0 =	vlaneseq.u32  }
0x1b4: {  	s6 =	smax.u32 s7, $0x1;
	s7 =	simm.s32 $0x2;
	s8 =	simm.s32 $0x40;
	v13 =	vmovc v61;
	[tilespmem:$0x1FFF0] =	vst v23;
	v32 =	vcombine.low v3, v2;
	v1 =	vmul.u32 $0x80, v0;
	v31 =	vor.u32 $0x10, v0  }
.LBB2_1:
0x1b5: {  	[tilespmem:s0], [sflag:$0x2] =	stream.linear.gather [hbm4b:s4+s0], $0x200, $0x38;
	[tilespmem:$0xC400] =	vst v63  }
0x1b6: {  	_ =	swait.ge [sflag:s7], $0x200  }
0x1b7: {  	[sflag:s7] =	ssyncset.done $0x0  }
0x1b8: {  	[sflag:s7] =	ssyncadd.s32 $0xFFFFFE00  }
0x1b9: {  	v14 =	vld [tilespmem:$0x0]  }
0x1ba: {  	v15 =	vld [tilespmem:$0x10]  }
0x1bb: {  	v19 =	vld [tilespmem:$0x20]  }
0x1bc: {  	v25 =	vld [tilespmem:$0x30]  }
0x1bd: {  	v26 =	vld [tilespmem:$0x40]  }
0x1be: {  	v18 =	vld [tilespmem:$0x50];
	v14 =	vshrl.u32 v14, $0x1  }
0x1bf: {  	[tilespmem:$0x200] =	vst v14;
	v14 =	vshrl.u32 v15, $0x1;
	v15 =	vld [tilespmem:$0x60]  }
0x1c0: {  	v52 =	vld [tilespmem:$0x70];
	[tilespmem:$0x210] =	vst v14;
	v14 =	vshrl.u32 v19, $0x1  }
0x1c1: {  	v53 =	vld [tilespmem:$0x80];
	[tilespmem:$0x220] =	vst v14;
	v14 =	vshrl.u32 v25, $0x1  }
0x1c2: {  	v56 =	vld [tilespmem:$0x90];
	[tilespmem:$0x230] =	vst v14;
	v14 =	vshrl.u32 v26, $0x1  }
0x1c3: {  	v61 =	vld [tilespmem:$0xA0];
	[tilespmem:$0x240] =	vst v14;
	v14 =	vshrl.u32 v18, $0x1  }
0x1c4: {  	[tilespmem:$0x250] =	vst v14;
	v14 =	vshrl.u32 v15, $0x1;
	v15 =	vld [tilespmem:$0xB0]  }
0x1c5: {  	v21 =	vld [tilespmem:$0xC0];
	[tilespmem:$0x260] =	vst v14;
	v14 =	vshrl.u32 v52, $0x1  }
0x1c6: {  	v22 =	vld [tilespmem:$0xD0];
	[tilespmem:$0x270] =	vst v14;
	v14 =	vshrl.u32 v53, $0x1  }
0x1c7: {  	v23 =	vld [tilespmem:$0xE0];
	[tilespmem:$0x280] =	vst v14;
	v14 =	vshrl.u32 v56, $0x1  }
0x1c8: {  	v34 =	vld [tilespmem:$0xF0];
	[tilespmem:$0x290] =	vst v14;
	v14 =	vshrl.u32 v61, $0x1  }
0x1c9: {  	[tilespmem:$0x2A0] =	vst v14;
	v14 =	vshrl.u32 v15, $0x1;
	v15 =	vld [tilespmem:$0x100]  }
0x1ca: {  	v35 =	vld [tilespmem:$0x110];
	[tilespmem:$0x2B0] =	vst v14;
	v14 =	vshrl.u32 v21, $0x1  }
0x1cb: {  	v36 =	vld [tilespmem:$0x120];
	[tilespmem:$0x2C0] =	vst v14;
	v14 =	vshrl.u32 v22, $0x1  }
0x1cc: {  	v37 =	vld [tilespmem:$0x130];
	[tilespmem:$0x2D0] =	vst v14;
	v14 =	vshrl.u32 v23, $0x1  }
0x1cd: {  	v38 =	vld [tilespmem:$0x140];
	[tilespmem:$0x2E0] =	vst v14;
	v14 =	vshrl.u32 v34, $0x1  }
0x1ce: {  	[tilespmem:$0x2F0] =	vst v14;
	v14 =	vshrl.u32 v15, $0x1;
	v15 =	vld [tilespmem:$0x150]  }
0x1cf: {  	v44 =	vld [tilespmem:$0x160];
	[tilespmem:$0x300] =	vst v14;
	v14 =	vshrl.u32 v35, $0x1  }
0x1d0: {  	v45 =	vld [tilespmem:$0x170];
	[tilespmem:$0x310] =	vst v14;
	v14 =	vshrl.u32 v36, $0x1  }
0x1d1: {  	v50 =	vld [tilespmem:$0x180];
	[tilespmem:$0x320] =	vst v14;
	v14 =	vshrl.u32 v37, $0x1  }
0x1d2: {  	v51 =	vld [tilespmem:$0x190];
	[tilespmem:$0x330] =	vst v14;
	v14 =	vshrl.u32 v38, $0x1  }
0x1d3: {  	[tilespmem:$0x340] =	vst v14;
	v14 =	vshrl.u32 v15, $0x1;
	v15 =	vld [tilespmem:$0x1A0]  }
0x1d4: {  	v52 =	vld [tilespmem:$0x1B0];
	[tilespmem:$0x350] =	vst v14;
	v14 =	vshrl.u32 v44, $0x1  }
0x1d5: {  	v53 =	vld [tilespmem:$0x1C0];
	[tilespmem:$0x360] =	vst v14;
	v14 =	vshrl.u32 v45, $0x1  }
0x1d6: {  	v56 =	vld [tilespmem:$0x1D0];
	[tilespmem:$0x370] =	vst v14;
	v14 =	vshrl.u32 v50, $0x1  }
0x1d7: {  	v61 =	vld [tilespmem:$0x1E0];
	[tilespmem:$0x380] =	vst v14;
	v14 =	vshrl.u32 v51, $0x1  }
0x1d8: {  	[tilespmem:$0x390] =	vst v14;
	v14 =	vshrl.u32 v15, $0x1;
	v15 =	vld [tilespmem:$0x1F0]  }
0x1d9: {  	[tilespmem:$0x3A0] =	vst v14;
	v14 =	vshrl.u32 v52, $0x1  }
0x1da: {  	[tilespmem:$0x3B0] =	vst v14;
	v14 =	vshrl.u32 v53, $0x1  }
0x1db: {  	[tilespmem:$0x3C0] =	vst v14;
	v14 =	vshrl.u32 v56, $0x1  }
0x1dc: {  	[tilespmem:$0x3D0] =	vst v14;
	v14 =	vshrl.u32 v61, $0x1  }
0x1dd: {  	p0 =	por $0x0, $0x0;
	[tilespmem:$0x3E0] =	vst v14;
	v14 =	vshrl.u32 v15, $0x1  }
0x1de: {  	s16 =	simm.s32 $0x0;
	s17 =	simm.s32 $0x0;
	s18 =	simm.s32 $0x0;
	[tilespmem:$0x3F0] =	vst v14  }
0x1df: {  	[tilespmem:s10], [sflag:$0x1] =	stream.indirect.gather [hbm4b:s3+s8], $0x80, s9, s8, $0xb8;
	[tilespmem:$0xC400] =	vst v63  }
.LBB2_3:
0x1e0: {  	s19 =	smov.u32 s18;
	s20 =	simm.s32 $0x1;
	_ =	swait.ge [sflag:s11], $0x2000  }
0x1e1: {  	s18 =	sadd.s32 $0x1, s18;
	p1 =	seq.s32 s19, $0x7;
	[sflag:s11] =	ssyncset.done $0x0  }
0x1e2: {  	s20 =	simm.s32 @!p0 $0x0;
	s19 =	sshll.u32 @!p1 s18, $0xD;
	s21 =	sshll.u32 @!p1 s18, $0x6  }
0x1e3: {  	[sflag:s11] =	ssyncadd.s32 $0xFFFFE000;
	s19 =	sand.u32 @!p1 $0x2000, s19;
	s21 =	sand.u32 @!p1 $0x3FFFFFC0, s21  }
0x1e4: {  	s22 =	simm.s32 @!p1 $0x40;
	s19 =	sor.u32 @!p1 $0x400, s19;
	s21 =	sadd.s32 @!p1 $0x200, s21  }
0x1e5: {  	[tilespmem:s19], [sflag:$0x1] =	stream.indirect.gather @!p1 [hbm4b:s3+s22], $0x80, s21, s22, $0xb8;
	[tilespmem:$0xC400] =	vst v63  }
0x1e6: {  	s19 =	sshll.u32 s20, $0x6;
	s20 =	simm.s32 $0x0;
	s21 =	smov.u32 s16  }
.LBB2_4:
0x1e7: {  	v14 =	vld [tilespmem:s21+$0x0];
	_ =	sdelay $0x2  }
0x1e8: {  	s22 =	sadd.s32 s20, s19;
	v4 =	vld [tilespmem:$0x1F960]  }
0x1e9: {  	v15 =	vmov s22  }
0x1ea: {  	v15 =	vshll.u32 v15, $0x7;
	v14 =	vshll.u32 v14, $0x6  }
0x1eb: {  	v15 =	vor.u32 v1, v15;
	v14 =	vand.u32 $0x40, v14  }
0x1ec: {  	v14 =	vor.u32 v15, v14  }
0x1ed: {  	v16 =	vor.u32 v4, v14;
	v4 =	vld [tilespmem:$0x1F970];
	_ =	sdelay $0x4  }
0x1ee: {  	v17 =	vor.u32 v4, v14;
	v4 =	vld [tilespmem:$0x1F980];
	_ =	sdelay $0x4  }
0x1ef: {  	v18 =	vor.u32 v4, v14;
	v4 =	vld [tilespmem:$0x1F990];
	_ =	sdelay $0x4  }
0x1f0: {  	v20 =	vor.u32 v4, v14;
	v4 =	vld [tilespmem:$0x1F9A0];
	_ =	sdelay $0x4  }
0x1f1: {  	v23 =	vor.u32 v4, v14;
	v4 =	vld [tilespmem:$0x1F9B0];
	_ =	sdelay $0x4  }
0x1f2: {  	v56 =	vor.u32 v4, v14;
	v4 =	vld [tilespmem:$0x1F9C0];
	_ =	sdelay $0x1  }
0x1f3: {  	v15 =	vor.u32 v0, v14;
	_ =	sdelay $0x2  }
0x1f4: {  	s31 =	sadd.s32 s20, s17;
	v24 =	vor.u32 v4, v14;
	v4 =	vld [tilespmem:$0x1F9D0]  }
0x1f5: {  	v19 =	vmov s31  }
0x1f6: {  	v21 =	vor.u32 s31, v0;
	v22 =	vld.idx.msk [tilespmem:v15+s10+$0x0], $0xffff;
	v15 =	vshll.u32 v19, $0x3  }
0x1f7: {  	v21 =	vand.u32 $0x7F, v21;
	v15 =	vand.u32 $0xC00, v15  }
0x1f8: {  	v15 =	vor.u32 v15, v21  }
0x1f9: {  	v21 =	vor.u32 v4, v15;
	v4 =	vld [tilespmem:$0x1F9E0];
	_ =	sdelay $0x4  }
0x1fa: {  	v25 =	vor.u32 v4, v15;
	v4 =	vld [tilespmem:$0x1F9F0];
	_ =	sdelay $0x4  }
0x1fb: {  	v26 =	vor.u32 v4, v15;
	v4 =	vld [tilespmem:$0x1FA00];
	_ =	sdelay $0x4  }
0x1fc: {  	v27 =	vor.u32 v4, v15;
	v4 =	vld [tilespmem:$0x1FA10];
	_ =	sdelay $0x4  }
0x1fd: {  	v28 =	vor.u32 v4, v15;
	v4 =	vld [tilespmem:$0x1FA20];
	_ =	sdelay $0x1  }
0x1fe: {  	v16 =	vld.idx.msk [tilespmem:v16+s10+$0x0], $0xffff  }
0x1ff: {  	v17 =	vld.idx.msk [tilespmem:v17+s10+$0x0], $0xffff  }
0x200: {  	v18 =	vld.idx.msk [tilespmem:v18+s10+$0x0], $0xffff  }
0x201: {  	v61 =	vor.u32 v4, v15;
	v4 =	vld [tilespmem:$0x1FA30]  }
0x202: {  	v20 =	vld.idx.msk [tilespmem:v20+s10+$0x0], $0xffff  }
0x203: {  	v23 =	vld.idx.msk [tilespmem:v23+s10+$0x0], $0xffff  }
0x204: {  	v19 =	vld.idx.msk [tilespmem:v56+s10+$0x0], $0xffff  }
0x205: {  	v24 =	vld.idx.msk [tilespmem:v24+s10+$0x0], $0xffff;
	[tilespmem:v21+s12+$0x0] =	vst.idx.msk $0xffff, v22  }
0x206: {  	[tilespmem:v25+s12+$0x0] =	vst.idx.msk $0xffff, v16;
	v25 =	vor.u32 v4, v15;
	v4 =	vld [tilespmem:$0x1FA40];
	_ =	sdelay $0x4  }
0x207: {  	v34 =	vor.u32 v4, v15;
	v4 =	vld [tilespmem:$0x1FA50];
	_ =	sdelay $0x4  }
0x208: {  	v35 =	vor.u32 v4, v14;
	v4 =	vld [tilespmem:$0x1FA60];
	_ =	sdelay $0x4  }
0x209: {  	v36 =	vor.u32 v4, v14;
	v4 =	vld [tilespmem:$0x1FA70];
	_ =	sdelay $0x4  }
0x20a: {  	v37 =	vor.u32 v4, v14;
	v4 =	vld [tilespmem:$0x1FA80];
	_ =	sdelay $0x4  }
0x20b: {  	v38 =	vor.u32 v4, v14;
	v4 =	vld [tilespmem:$0x1FA90];
	_ =	sdelay $0x4  }
0x20c: {  	v44 =	vor.u32 v4, v14;
	v4 =	vld [tilespmem:$0x1FAA0];
	_ =	sdelay $0x4  }
0x20d: {  	v45 =	vor.u32 v4, v14;
	v4 =	vld [tilespmem:$0x1FAB0];
	_ =	sdelay $0x4  }
0x20e: {  	v50 =	vor.u32 v4, v14;
	v4 =	vld [tilespmem:$0x1FAC0];
	_ =	sdelay $0x4  }
0x20f: {  	v51 =	vor.u32 v4, v14;
	v4 =	vld [tilespmem:$0x1FAD0];
	_ =	sdelay $0x4  }
0x210: {  	v52 =	vor.u32 v4, v15;
	v4 =	vld [tilespmem:$0x1FAE0];
	_ =	sdelay $0x4  }
0x211: {  	v53 =	vor.u32 v4, v15;
	v4 =	vld [tilespmem:$0x1FAF0];
	_ =	sdelay $0x4  }
0x212: {  	v56 =	vor.u32 v4, v15;
	v4 =	vld [tilespmem:$0x1FB00];
	_ =	sdelay $0x1  }
0x213: {  	[tilespmem:v26+s12+$0x0] =	vst.idx.msk $0xffff, v17  }
0x214: {  	[tilespmem:v27+s12+$0x0] =	vst.idx.msk $0xffff, v18  }
0x215: {  	[tilespmem:v28+s12+$0x0] =	vst.idx.msk $0xffff, v20  }
0x216: {  	[tilespmem:v61+s12+$0x0] =	vst.idx.msk $0xffff, v23;
	v61 =	vor.u32 v4, v15;
	v4 =	vld [tilespmem:$0x1FB10];
	_ =	sdelay $0x4  }
0x217: {  	v28 =	vor.u32 v4, v15;
	v4 =	vld [tilespmem:$0x1FB20];
	_ =	sdelay $0x3  }
0x218: {  	[tilespmem:v25+s12+$0x0] =	vst.idx.msk $0xffff, v19  }
0x219: {  	[tilespmem:v34+s12+$0x0] =	vst.idx.msk $0xffff, v24;
	v34 =	vor.u32 v4, v15;
	v4 =	vld [tilespmem:$0x1FB30];
	_ =	sdelay $0x1  }
0x21a: {  	v18 =	vld.idx.msk [tilespmem:v35+s10+$0x0], $0xffff  }
0x21b: {  	v20 =	vld.idx.msk [tilespmem:v36+s10+$0x0], $0xffff  }
0x21c: {  	v21 =	vld.idx.msk [tilespmem:v37+s10+$0x0], $0xffff  }
0x21d: {  	v35 =	vor.u32 v4, v15;
	v4 =	vld [tilespmem:$0x1FB40]  }
0x21e: {  	v16 =	vld.idx.msk [tilespmem:v38+s10+$0x0], $0xffff  }
0x21f: {  	v17 =	vld.idx.msk [tilespmem:v44+s10+$0x0], $0xffff  }
0x220: {  	v19 =	vld.idx.msk [tilespmem:v45+s10+$0x0], $0xffff  }
0x221: {  	v22 =	vld.idx.msk [tilespmem:v50+s10+$0x0], $0xffff  }
0x222: {  	v36 =	vor.u32 v4, v15;
	v4 =	vld [tilespmem:$0x1FB50]  }
0x223: {  	v23 =	vld.idx.msk [tilespmem:v51+s10+$0x0], $0xffff;
	[tilespmem:v52+s12+$0x0] =	vst.idx.msk $0xffff, v18  }
0x224: {  	[tilespmem:v53+s12+$0x0] =	vst.idx.msk $0xffff, v20  }
0x225: {  	[tilespmem:v56+s12+$0x0] =	vst.idx.msk $0xffff, v21  }
0x226: {  	[tilespmem:v61+s12+$0x0] =	vst.idx.msk $0xffff, v16  }
0x227: {  	v51 =	vmov v11;
	[tilespmem:v28+s12+$0x0] =	vst.idx.msk $0xffff, v17;
	v28 =	vsel vm0, v12, v11;
	v11 =	vor.u32 v4, v15;
	v4 =	vld [tilespmem:$0x1FB60];
	_ =	sdelay $0x2  }
0x228: {  	[tilespmem:v34+s12+$0x0] =	vst.idx.msk $0xffff, v19  }
0x229: {  	v18 =	vsel vm0, v42, v41;
	[tilespmem:v35+s12+$0x0] =	vst.idx.msk $0xffff, v22  }
0x22a: {  	v17 =	vsel vm0, v40, v39;
	[tilespmem:v36+s12+$0x0] =	vst.idx.msk $0xffff, v23;
	v36 =	vmov v12;
	v12 =	vor.u32 v4, v15;
	v4 =	vld [tilespmem:$0x1FB70]  }
0x22b: {  	v38 =	vor.u32 v31, v14;
	v37 =	vcombine.low v18, v17  }
0x22c: {  	v26 =	vsel vm0, v6, v9;
	v6 =	vsel vm0, v10, v13;
	v45 =	vor.u32 v32, v14  }
0x22d: {  	v50 =	vor.u32 v33, v14;
	v20 =	vsel vm0, v54, v43;
	v21 =	vsel vm0, v47, v55  }
0x22e: {  	v25 =	vsel vm0, v8, v7;
	v44 =	vcombine.low v21, v20;
	v19 =	vor.u32 v37, v14  }
0x22f: {  	v9 =	vsel vm0, v39, v42;
	v56 =	vcombine.low v26, v25;
	v37 =	vmovc v13;
	v13 =	vor.u32 v4, v15;
	v4 =	vld [tilespmem:$0x1FB80]  }
0x230: {  	v8 =	vsel vm0, v41, v40;
	v7 =	vcombine.low v6, v28;
	v22 =	vor.u32 v44, v14;
	v16 =	vld.idx.msk [tilespmem:v38+s10+$0x0], $0xffff  }
0x231: {  	v52 =	vmov v10;
	v10 =	vcombine.low v9, v8;
	v27 =	vor.u32 v56, v14;
	v23 =	vld.idx.msk [tilespmem:v45+s10+$0x0], $0xffff  }
0x232: {  	v7 =	vor.u32 v7, v14;
	v24 =	vld.idx.msk [tilespmem:v50+s10+$0x0], $0xffff  }
0x233: {  	v10 =	vor.u32 v10, v14;
	v19 =	vld.idx.msk [tilespmem:v19+s10+$0x0], $0xffff  }
0x234: {  	v61 =	vor.u32 v4, v15;
	v4 =	vld [tilespmem:$0x1FB90]  }
0x235: {  	v22 =	vld.idx.msk [tilespmem:v22+s10+$0x0], $0xffff  }
0x236: {  	v27 =	vld.idx.msk [tilespmem:v27+s10+$0x0], $0xffff  }
0x237: {  	v7 =	vld.idx.msk [tilespmem:v7+s10+$0x0], $0xffff  }
0x238: {  	v10 =	vld.idx.msk [tilespmem:v10+s10+$0x0], $0xffff  }
0x239: {  	[tilespmem:v11+s12+$0x0] =	vst.idx.msk $0xffff, v16;
	v11 =	vor.u32 v4, v15;
	v4 =	vld [tilespmem:$0x1FBA0];
	_ =	sdelay $0x4  }
0x23a: {  	v16 =	vor.u32 v4, v15;
	v4 =	vld [tilespmem:$0x1FBB0];
	_ =	sdelay $0x4  }
0x23b: {  	[tilespmem:v12+s12+$0x0] =	vst.idx.msk $0xffff, v23;
	v12 =	vor.u32 v4, v15;
	v4 =	vld [tilespmem:$0x1FBC0];
	_ =	sdelay $0x4  }
0x23c: {  	[tilespmem:v13+s12+$0x0] =	vst.idx.msk $0xffff, v24;
	v13 =	vor.u32 v4, v15;
	v4 =	vld [tilespmem:$0x1FBD0];
	_ =	sdelay $0x1  }
0x23d: {  	[tilespmem:v61+s12+$0x0] =	vst.idx.msk $0xffff, v19  }
0x23e: {  	[tilespmem:v11+s12+$0x0] =	vst.idx.msk $0xffff, v22  }
0x23f: {  	[tilespmem:v16+s12+$0x0] =	vst.idx.msk $0xffff, v27  }
0x240: {  	[tilespmem:v12+s12+$0x0] =	vst.idx.msk $0xffff, v7;
	v12 =	vcombine.low v25, v26;
	v25 =	vor.u32 v4, v15;
	v4 =	vld [tilespmem:$0x1FBE0];
	_ =	sdelay $0x4  }
0x241: {  	v26 =	vor.u32 v4, v15;
	v4 =	vld [tilespmem:$0x1FBF0];
	_ =	sdelay $0x2  }
0x242: {  	v34 =	vsel vm0, v55, v54;
	v35 =	vsel vm0, v43, v47  }
0x243: {  	v44 =	vcombine.low v35, v34  }
0x244: {  	v53 =	vcombine.low v2, v3;
	v27 =	vor.u32 v4, v15;
	v4 =	vld [tilespmem:$0x1FC00]  }
0x245: {  	v56 =	vor.u32 v44, v14;
	v61 =	vcombine.low v5, v30  }
0x246: {  	v17 =	vcombine.low v17, v18;
	v11 =	vor.u32 v53, v14  }
0x247: {  	v23 =	vor.u32 v61, v14  }
0x248: {  	v6 =	vcombine.low v28, v6;
	v7 =	vor.u32 v17, v14  }
0x249: {  	v8 =	vcombine.low v8, v9;
	[tilespmem:v13+s12+$0x0] =	vst.idx.msk $0xffff, v10;
	v34 =	vor.u32 v4, v15;
	v4 =	vld [tilespmem:$0x1FC10]  }
0x24a: {  	v6 =	vor.u32 v6, v14;
	v13 =	vld.idx.msk [tilespmem:v56+s10+$0x0], $0xffff  }
0x24b: {  	v8 =	vor.u32 v8, v14;
	v24 =	vcombine.low v20, v21;
	v9 =	vld.idx.msk [tilespmem:v11+s10+$0x0], $0xffff  }
0x24c: {  	v12 =	vor.u32 v12, v14;
	v11 =	vld.idx.msk [tilespmem:v23+s10+$0x0], $0xffff  }
0x24d: {  	v10 =	vor.u32 v24, v14;
	v7 =	vld.idx.msk [tilespmem:v7+s10+$0x0], $0xffff  }
0x24e: {  	v35 =	vor.u32 v4, v15;
	v4 =	vld [tilespmem:$0x1FC20]  }
0x24f: {  	v6 =	vld.idx.msk [tilespmem:v6+s10+$0x0], $0xffff  }
0x250: {  	v8 =	vld.idx.msk [tilespmem:v8+s10+$0x0], $0xffff  }
0x251: {  	v12 =	vld.idx.msk [tilespmem:v12+s10+$0x0], $0xffff  }
0x252: {  	v10 =	vld.idx.msk [tilespmem:v10+s10+$0x0], $0xffff  }
0x253: {  	[tilespmem:v25+s12+$0x0] =	vst.idx.msk $0xffff, v13;
	v13 =	vor.u32 v4, v15;
	v4 =	vld [tilespmem:$0x1FC30];
	_ =	sdelay $0x4  }
0x254: {  	v29 =	vld [tilespmem:$0x1FE10];
	[tilespmem:v26+s12+$0x0] =	vst.idx.msk $0xffff, v9;
	v9 =	vor.u32 v4, v15  }
0x255: {  	v28 =	vld [tilespmem:$0x1FDF0];
	[tilespmem:v27+s12+$0x0] =	vst.idx.msk $0xffff, v11  }
0x256: {  	v44 =	vld [tilespmem:$0x1FE20];
	[tilespmem:v34+s12+$0x0] =	vst.idx.msk $0xffff, v7  }
0x257: {  	v45 =	vmov v40;
	v40 =	vld [tilespmem:$0x1FDE0];
	[tilespmem:v35+s12+$0x0] =	vst.idx.msk $0xffff, v10  }
0x258: {  	[tilespmem:v13+s12+$0x0] =	vst.idx.msk $0xffff, v12;
	v4 =	vld [tilespmem:$0x1FC40]  }
0x259: {  	[tilespmem:v9+s12+$0x0] =	vst.idx.msk $0xffff, v6;
	v6 =	vor.u32 $0x20, v0;
	v0 =	vld [tilespmem:$0x1FDC0]  }
0x25a: {  	v53 =	vld [tilespmem:$0x1FE40]  }
0x25b: {  	v56 =	vld [tilespmem:$0x1FE30]  }
0x25c: {  	v19 =	vsel vm0, v59, v49;
	v22 =	vsel vm0, v48, v60;
	v34 =	vld [tilespmem:$0x1FE00]  }
0x25d: {  	v61 =	vcombine.low v22, v19;
	v7 =	vor.u32 v4, v15;
	v4 =	vld [tilespmem:$0x1FDD0]  }
0x25e: {  	v20 =	vsel vm0, v44, v29;
	v13 =	vsel vm0, v0, v63;
	v25 =	vsel vm0, v58, v0;
	v0 =	vld [tilespmem:$0x1FC50]  }
0x25f: {  	v29 =	vsel vm0, v29, v53;
	v24 =	vsel vm0, v63, v62;
	v23 =	vor.u32 v61, v14  }
0x260: {  	v21 =	vsel vm0, v53, v56;
	v44 =	vsel vm0, v56, v44;
	v27 =	vsel vm0, v28, v40  }
0x261: {  	v10 =	vsel vm0, v60, v59;
	v18 =	vsel vm0, v34, v28;
	v6 =	vor.u32 v6, v14  }
0x262: {  	v9 =	vsel vm0, v49, v48;
	v17 =	vsel vm0, v40, v4;
	v28 =	vsel vm0, v4, v34;
	v4 =	vld [tilespmem:$0x1FC70]  }
0x263: {  	v29 =	vcombine.low v29, v44;
	v11 =	vcombine.low v10, v9;
	v40 =	vor.u32 v0, v15;
	v0 =	vld [tilespmem:$0x1FC60]  }
0x264: {  	v38 =	vmov v39;
	v53 =	vld [tilespmem:$0x1FD10];
	v12 =	vsel vm0, v62, v58;
	[tilespmem:v7+s12+$0x0] =	vst.idx.msk $0xffff, v8;
	v7 =	vcombine.low v21, v20  }
0x265: {  	v50 =	vmovc v41;
	v44 =	vld [tilespmem:$0x1FD00];
	v8 =	vor.u32 v11, v14;
	v39 =	vcombine.low v13, v12;
	v41 =	vcombine.low v18, v17  }
0x266: {  	v35 =	vcombine.low v25, v24;
	v6 =	vld.idx.msk [tilespmem:v6+s10+$0x0], $0xffff;
	v7 =	vor.u32 v7, v14  }
0x267: {  	v61 =	vcombine.low v28, v27;
	v23 =	vld.idx.msk [tilespmem:v23+s10+$0x0], $0xffff;
	v11 =	vor.u32 v39, v14;
	v16 =	vor.u32 v41, v14  }
0x268: {  	v41 =	vor.u32 v0, v15;
	v0 =	vmovc v60;
	v60 =	vmovc v47;
	v47 =	vmov v42;
	v42 =	vor.u32 v4, v15;
	v4 =	vld [tilespmem:$0x1FC80]  }
0x269: {  	v12 =	vcombine.low v12, v13;
	v13 =	vcombine.low v27, v28;
	v27 =	vld [tilespmem:$0x1FEA0]  }
0x26a: {  	v26 =	vor.u32 v35, v14;
	v8 =	vld.idx.msk [tilespmem:v8+s10+$0x0], $0xffff  }
0x26b: {  	v39 =	vor.u32 v61, v14;
	v7 =	vld.idx.msk [tilespmem:v7+s10+$0x0], $0xffff  }
0x26c: {  	v11 =	vld.idx.msk [tilespmem:v11+s10+$0x0], $0xffff  }
0x26d: {  	v61 =	vmov v48;
	v48 =	vmov v43;
	v43 =	vor.u32 v4, v15;
	v4 =	vld [tilespmem:$0x1FC90]  }
0x26e: {  	v16 =	vld.idx.msk [tilespmem:v16+s10+$0x0], $0xffff  }
0x26f: {  	v26 =	vld.idx.msk [tilespmem:v26+s10+$0x0], $0xffff  }
0x270: {  	v39 =	vld.idx.msk [tilespmem:v39+s10+$0x0], $0xffff;
	[tilespmem:v40+s12+$0x0] =	vst.idx.msk $0xffff, v6  }
0x271: {  	[tilespmem:v41+s12+$0x0] =	vst.idx.msk $0xffff, v8;
	v8 =	vld [tilespmem:$0x1FCB0]  }
0x272: {  	v6 =	vor.u32 v4, v15;
	v4 =	vld [tilespmem:$0x1FCA0]  }
0x273: {  	v41 =	vld [tilespmem:$0x1FCD0]  }
0x274: {  	[tilespmem:v42+s12+$0x0] =	vst.idx.msk $0xffff, v11;
	v11 =	vld [tilespmem:$0x1FCC0]  }
0x275: {  	[tilespmem:v43+s12+$0x0] =	vst.idx.msk $0xffff, v16;
	v43 =	vld [tilespmem:$0x1FCF0]  }
0x276: {  	v28 =	vld [tilespmem:$0x1FEB0]  }
0x277: {  	v40 =	vld [tilespmem:$0x1FEF0];
	v34 =	vor.u32 v4, v15  }
0x278: {  	v9 =	vcombine.low v9, v10;
	v10 =	vor.u32 v29, v14;
	v42 =	vld [tilespmem:$0x1FCE0];
	v8 =	vor.u32 v8, v15  }
0x279: {  	v16 =	vor.u32 v41, v15;
	v41 =	vld [tilespmem:$0x1FF00];
	v11 =	vor.u32 v11, v15;
	[tilespmem:v6+s12+$0x0] =	vst.idx.msk $0xffff, v7  }
0x27a: {  	v6 =	vor.u32 v9, v14;
	v7 =	vcombine.low v17, v18;
	v18 =	vor.u32 v43, v15;
	v43 =	vld [tilespmem:$0x1FF20]  }
0x27b: {  	v9 =	vor.u32 v12, v14;
	v12 =	vcombine.low v20, v21;
	v20 =	vor.u32 v53, v15;
	v53 =	vld [tilespmem:$0x1FF30]  }
0x27c: {  	v13 =	vor.u32 v13, v14;
	[tilespmem:v34+s12+$0x0] =	vst.idx.msk $0xffff, v23;
	v23 =	vld [tilespmem:$0x1FE60]  }
0x27d: {  	v7 =	vor.u32 v7, v14;
	[tilespmem:v8+s12+$0x0] =	vst.idx.msk $0xffff, v26;
	v8 =	vcombine.low v19, v22;
	v22 =	vld [tilespmem:$0x1FE50]  }
0x27e: {  	[tilespmem:v11+s12+$0x0] =	vst.idx.msk $0xffff, v39;
	v11 =	vor.u32 v12, v14;
	v12 =	vcombine.low v24, v25;
	v24 =	vld [tilespmem:$0x1FE70]  }
0x27f: {  	v10 =	vld.idx.msk [tilespmem:v10+s10+$0x0], $0xffff  }
0x280: {  	v8 =	vor.u32 v8, v14;
	v6 =	vld.idx.msk [tilespmem:v6+s10+$0x0], $0xffff  }
0x281: {  	v9 =	vld.idx.msk [tilespmem:v9+s10+$0x0], $0xffff;
	v12 =	vor.u32 v12, v14  }
0x282: {  	v7 =	vld.idx.msk [tilespmem:v7+s10+$0x0], $0xffff  }
0x283: {  	v17 =	vor.u32 v42, v15;
	v13 =	vld.idx.msk [tilespmem:v13+s10+$0x0], $0xffff  }
0x284: {  	v11 =	vld.idx.msk [tilespmem:v11+s10+$0x0], $0xffff  }
0x285: {  	v8 =	vld.idx.msk [tilespmem:v8+s10+$0x0], $0xffff  }
0x286: {  	v12 =	vld.idx.msk [tilespmem:v12+s10+$0x0], $0xffff  }
0x287: {  	v19 =	vor.u32 v44, v15;
	[tilespmem:v16+s12+$0x0] =	vst.idx.msk $0xffff, v10;
	v10 =	vld [tilespmem:$0x1FD20]  }
0x288: {  	[tilespmem:v17+s12+$0x0] =	vst.idx.msk $0xffff, v6;
	v6 =	vld [tilespmem:$0x1FD30]  }
0x289: {  	v25 =	vld [tilespmem:$0x1FE80]  }
0x28a: {  	v26 =	vld [tilespmem:$0x1FE90]  }
0x28b: {  	v44 =	vld [tilespmem:$0x1FF10];
	[tilespmem:v18+s12+$0x0] =	vst.idx.msk $0xffff, v9  }
0x28c: {  	[tilespmem:v19+s12+$0x0] =	vst.idx.msk $0xffff, v7;
	v7 =	vld [tilespmem:$0x1FD40];
	v10 =	vor.u32 v10, v15  }
0x28d: {  	v6 =	vor.u32 v6, v15  }
0x28e: {  	v29 =	vld [tilespmem:$0x1FEC0];
	v21 =	vsel vm0, v57, v53;
	v9 =	vsel vm0, v25, v24  }
0x28f: {  	v18 =	vsel vm0, v41, v40;
	v19 =	vsel vm0, v24, v23;
	v24 =	vsel vm0, v28, v27  }
0x290: {  	v39 =	vld [tilespmem:$0x1FEE0];
	[tilespmem:v20+s12+$0x0] =	vst.idx.msk $0xffff, v11;
	v11 =	vsel vm0, v27, v26;
	v20 =	vsel vm0, v43, v44  }
0x291: {  	v35 =	vlaneseq.u32;
	v7 =	vor.u32 v7, v15;
	[tilespmem:v10+s12+$0x0] =	vst.idx.msk $0xffff, v8;
	v8 =	vsel vm0, v23, v22  }
0x292: {  	v22 =	vsel vm0, v22, v25;
	[tilespmem:v6+s12+$0x0] =	vst.idx.msk $0xffff, v12;
	v6 =	vor.u32 $0x30, v35;
	v10 =	vcombine.low v9, v8;
	v35 =	vld [tilespmem:$0x1FED0]  }
0x293: {  	v25 =	vsel vm0, v26, v29;
	v23 =	vcombine.low v22, v19;
	v6 =	vor.u32 v6, v14  }
0x294: {  	v12 =	vsel vm0, v29, v28;
	v26 =	vcombine.low v25, v24;
	v10 =	vor.u32 v10, v14  }
0x295: {  	v42 =	vld [tilespmem:$0x1FD50];
	v27 =	vsel vm0, v40, v39;
	v16 =	vcombine.low v12, v11;
	v23 =	vor.u32 v23, v14  }
0x296: {  	v40 =	vld [tilespmem:$0x1FD60];
	[tilespmem:v7+s12+$0x0] =	vst.idx.msk $0xffff, v13;
	v7 =	vcombine.low v21, v20;
	v26 =	vor.u32 v26, v14  }
0x297: {  	v13 =	vor.u32 v16, v14;
	v17 =	vsel vm0, v39, v35;
	v28 =	vsel vm0, v35, v41;
	v41 =	vld [tilespmem:$0x1FD70]  }
0x298: {  	v56 =	vcombine.low v18, v17;
	v6 =	vld.idx.msk [tilespmem:v6+s10+$0x0], $0xffff  }
0x299: {  	v7 =	vor.u32 v7, v14;
	v29 =	vcombine.low v28, v27;
	v10 =	vld.idx.msk [tilespmem:v10+s10+$0x0], $0xffff  }
0x29a: {  	v23 =	vld.idx.msk [tilespmem:v23+s10+$0x0], $0xffff;
	v34 =	vor.u32 v56, v14  }
0x29b: {  	v26 =	vld.idx.msk [tilespmem:v26+s10+$0x0], $0xffff;
	v29 =	vor.u32 v29, v14  }
0x29c: {  	v13 =	vld.idx.msk [tilespmem:v13+s10+$0x0], $0xffff;
	v56 =	vor.u32 v42, v15  }
0x29d: {  	v42 =	vld [tilespmem:$0x1FD80]  }
0x29e: {  	v7 =	vld.idx.msk [tilespmem:v7+s10+$0x0], $0xffff  }
0x29f: {  	v16 =	vld.idx.msk [tilespmem:v34+s10+$0x0], $0xffff  }
0x2a0: {  	v40 =	vor.u32 v40, v15;
	v29 =	vld.idx.msk [tilespmem:v29+s10+$0x0], $0xffff  }
0x2a1: {  	[tilespmem:v56+s12+$0x0] =	vst.idx.msk $0xffff, v6;
	v6 =	vld [tilespmem:$0x1FD90]  }
0x2a2: {  	v56 =	vld [tilespmem:$0x1FDA0]  }
0x2a3: {  	v4 =	vld [tilespmem:$0x1FDB0];
	v43 =	vsel vm0, v53, v43  }
0x2a4: {  	v41 =	vor.u32 v41, v15  }
0x2a5: {  	v44 =	vsel vm0, v44, v57;
	v42 =	vor.u32 v42, v15;
	[tilespmem:v40+s12+$0x0] =	vst.idx.msk $0xffff, v10  }
0x2a6: {  	v10 =	vcombine.low v44, v43;
	v43 =	vmovc v48;
	v48 =	vmov v61;
	v61 =	vld [tilespmem:$0x1FFF0];
	v6 =	vor.u32 v6, v15  }
0x2a7: {  	v35 =	vor.u32 v56, v15  }
0x2a8: {  	v8 =	vcombine.low v8, v9;
	v11 =	vcombine.low v11, v12;
	v39 =	vmovc v38;
	v38 =	vld [tilespmem:$0x1FF70];
	v56 =	vor.u32 v4, v15  }
0x2a9: {  	v9 =	vor.u32 v46, v15;
	v12 =	vcombine.low v19, v22;
	v34 =	vld [tilespmem:$0x1FF90];
	[tilespmem:v41+s12+$0x0] =	vst.idx.msk $0xffff, v13  }
0x2aa: {  	v11 =	vor.u32 v11, v14;
	v10 =	vor.u32 v10, v14;
	[tilespmem:v42+s12+$0x0] =	vst.idx.msk $0xffff, v16;
	v4 =	vld [tilespmem:$0x1FF60]  }
0x2ab: {  	v12 =	vor.u32 v12, v14;
	v41 =	vmov v50;
	v50 =	vor.u32 v61, v15;
	v61 =	vld [tilespmem:$0x1FF40];
	[tilespmem:v6+s12+$0x0] =	vst.idx.msk $0xffff, v7  }
0x2ac: {  	v13 =	vcombine.low v27, v28;
	v6 =	vcombine.low v17, v18;
	v17 =	vld [tilespmem:$0x1FFC0];
	[tilespmem:v35+s12+$0x0] =	vst.idx.msk $0xffff, v23  }
0x2ad: {  	v7 =	vor.u32 v8, v14;
	v35 =	vld [tilespmem:$0x1FFD0];
	[tilespmem:v56+s12+$0x0] =	vst.idx.msk $0xffff, v26  }
0x2ae: {  	v13 =	vor.u32 v13, v14;
	v8 =	vcombine.low v20, v21;
	v56 =	vld [tilespmem:$0x1FF50];
	[tilespmem:v9+s12+$0x0] =	vst.idx.msk $0xffff, v29  }
0x2af: {  	v6 =	vor.u32 v6, v14;
	v9 =	vcombine.low v24, v25;
	v10 =	vld.idx.msk [tilespmem:v10+s10+$0x0], $0xffff  }
0x2b0: {  	v8 =	vor.u32 v8, v14;
	v11 =	vld.idx.msk [tilespmem:v11+s10+$0x0], $0xffff  }
0x2b1: {  	v12 =	vld.idx.msk [tilespmem:v12+s10+$0x0], $0xffff;
	v9 =	vor.u32 v9, v14;
	v14 =	vor.u32 v34, v15  }
0x2b2: {  	v7 =	vld.idx.msk [tilespmem:v7+s10+$0x0], $0xffff;
	v44 =	vor.u32 v17, v15  }
0x2b3: {  	v40 =	vmov v45;
	v45 =	vor.u32 v4, v15;
	v13 =	vld.idx.msk [tilespmem:v13+s10+$0x0], $0xffff  }
0x2b4: {  	v6 =	vld.idx.msk [tilespmem:v6+s10+$0x0], $0xffff  }
0x2b5: {  	v53 =	vor.u32 v38, v15;
	v8 =	vld.idx.msk [tilespmem:v8+s10+$0x0], $0xffff  }
0x2b6: {  	v9 =	vld.idx.msk [tilespmem:v9+s10+$0x0], $0xffff;
	[tilespmem:v14+s12+$0x0] =	vst.idx.msk $0xffff, v10;
	v10 =	vor.u32 v35, v15  }
0x2b7: {  	[tilespmem:v44+s12+$0x0] =	vst.idx.msk $0xffff, v7;
	v7 =	vor.u32 v56, v15  }
0x2b8: {  	p1 =	seq.s32 s20, $0x30;
	[tilespmem:v45+s12+$0x0] =	vst.idx.msk $0xffff, v11;
	v11 =	vor.u32 v61, v15  }
.Ltmp0:
0x2b9: {  	[tilespmem:v50+s12+$0x0] =	vst.idx.msk $0xffff, v6;
	(pc) =	sbr.rel @!p1 .LBB2_4-.Ltmp0, $4  }
0x2ba: {  	v6 =	vld [tilespmem:$0x1FFA0];
	[tilespmem:v53+s12+$0x0] =	vst.idx.msk $0xffff, v8  }
0x2bb: {  	v8 =	vld [tilespmem:$0x1FFE0];
	[tilespmem:v10+s12+$0x0] =	vst.idx.msk $0xffff, v12  }
0x2bc: {  	v42 =	vmov v47;
	v47 =	vmov v60;
	v60 =	vmov v0;
	[tilespmem:v7+s12+$0x0] =	vst.idx.msk $0xffff, v9;
	v9 =	vld [tilespmem:$0x1FFB0]  }
0x2bd: {  	s21 =	sadd.s32 $0x10, s21;
	s20 =	sadd.s32 $0x10, s20;
	v0 =	vlaneseq.u32;
	v12 =	vmovc v36;
	v10 =	vmovc v52;
	v7 =	vld [tilespmem:$0x1FF80];
	[tilespmem:v11+s12+$0x0] =	vst.idx.msk $0xffff, v13;
	v13 =	vmov v37;
	v11 =	vmov v51  }
0x2be: {  	p1 =	seq.s32 s18, $0x8  }
.Ltmp1:
0x2bf: {  	_ = 	snop;
	(pc) =	sbr.rel @!p1 .LBB2_3-.Ltmp1, $2  }
0x2c0: {  	_ =	sdelay $0x2  }
0x2c1: {  	p0 =	por !p0, !p0;
	s17 =	sadd.s32 $0x40, s17;
	s16 =	sadd.s32 $0x40, s16  }
0x2c2: {  	s15 =	sadd.s32 $0x1, s15  }
0x2c3: {  	p0 =	sne.s32 s15, s6  }
.Ltmp2:
0x2c4: {  	_ = 	snop;
	(pc) =	sbr.rel @p0 .LBB2_1-.Ltmp2, $4  }
0x2c5: {  	[hbm4b:s5+s13] =	stream.strided.scatter [tilespmem:s12], [sflag:$0x2], $0x8000, s14, s13, $0x38;
	[tilespmem:$0xC400] =	vst v63  }
0x2c6: {  	_ =	swait.ge [sflag:s7], $0x8000  }
0x2c7: {  	[sflag:s7] =	ssyncset.done $0x0  }
0x2c8: {  	[sflag:s7] =	ssyncadd.s32 $0xFFFF8000  }
0x2c9: {  	_ =	sfence.sel $0x180000  }
0x2ca: {  	[bflag:$0x0] =	sbarrier.arrive $0xFFFF  }
0x2cb: {  	p0 =	sne.s32 s2, $0x0;
	_ =	strace $0x9000004A  }
0x2cc: {  	s0 =	sadd.s32 @!p0 $0x100000, s1;
	[bflag:$0x2] =	sbarrier.arrive $0xFFFF  }
0x2cd: {  	[sflag:s0] =	ssyncadd.tile.s32 @!p0 $0x1;
	_ =	shalt  }
.Lfunc_end2:
_tile_overlayer_lowered:
.L_overlay_start_2:
0x2ce: {  	(tag) =	ssettag $0x2  }
0x2cf: {  	s0 =	rddreg [dreg:$0x0];
	s2 =	stileid.u32  }
0x2d0: {  	s1 =	rddreg [dreg:$0x1];
	p0 =	sne.s32 s2, $0x0  }
0x2d1: {  	s3 =	rddreg [dreg:$0x2];
	[bflag:$0x3] =	sbarrier.arrive $0xFFFF;
	s2 =	simm.s32 @!p0 $0x1C02  }
0x2d2: {  	[timem:s3], [sflag:s2] =	dma.local @!p0 [hbm:s0], s1  }
0x2d3: {  	s0 =	simm.s32 @!p0 $0x2  }
0x2d4: {  	_ =	swait.ge @!p0 [sflag:s0], s1  }
0x2d5: {  	s1 =	ssub.s32 @!p0 $0x0, s1;
	[sflag:s0] =	ssyncset.done @!p0 $0x0  }
0x2d6: {  	[sflag:s0] =	ssyncadd.s32 @!p0 s1  }
0x2d7: {  	[bflag:$0x3] =	sbarrier.arrive $0xFFFF  }
0x2d8: {  	_ =	shalt  }

</sc_bundles>
